<compile_context>
chip_gen: v7x
topology: tpu7x:2x2x1
jax: 0.10.2.dev20260603
libtpu: 0.0.44.dev20260713+nightly
codegen_flags: <defaults>
</compile_context>

<pallas_src>
import functools
import numpy as np
import jax
import jax.numpy as jnp
from jax import lax
from jax.experimental import pallas as pl
from jax.experimental.pallas import tpu as pltpu
from jax.experimental.pallas import tpu_sc as plsc

_N_LEVELS = 16
_T = 2 ** 19
_BASE_RES = 16
_SCALE = 1.4472692012786865
_N_HASH = 4
_MASK = _T - 1
_P1 = -1640531535
_P2 = 805459861

_RES = [int(np.floor(_BASE_RES * _SCALE ** l)) for l in range(_N_LEVELS)]
_N_DENSE = sum(1 for r in _RES if (r + 1) ** 3 <= _T)

_B = 131072
_NC, _NS = 2, 16
_NW = _NC * _NS
_BW = _B // _NW
_CH = 512
_NSUB = _BW // _CH
_NG = _CH // 16
_NIDX = _CH * 8
_IDX_ROWS = _NIDX // 128


def _sc_body(tbl_hbm, x_hbm, code_hbm, resf_hbm, stridef_hbm, out_hbm,
             x_st, code_st, idx0, idx1, rows0, rows1, wc0, wc1,
             out_cv, lvl_stage, resf_s, stride_s, sem0, sem1):
    wid = lax.axis_index("s") * _NC + lax.axis_index("c")
    iota = lax.iota(jnp.int32, 16)
    iota3 = iota * 3
    iota4 = iota * 4

    pltpu.sync_copy(resf_hbm, lvl_stage)
    rv = lvl_stage[pl.ds(0, 16)]
    pltpu.sync_copy(stridef_hbm, lvl_stage)
    sv = lvl_stage[pl.ds(0, 16)]
    for l in range(_N_LEVELS):
        resf_s[l] = rv[l]
        stride_s[l] = sv[l]

    idx_bufs = (idx0, idx1)
    rows_bufs = (rows0, rows1)
    wc_bufs = (wc0, wc1)
    sems = (sem0, sem1)

    def pass1(l, par):
        idx_buf = idx_bufs[par]
        wc_v = wc_bufs[par]
        resf = resf_s[l]
        stridef = stride_s[l]
        stride = stridef.astype(jnp.int32)
        s2 = stride * stride
        lbase = l * _T
        is_dense = l < _N_DENSE

        def p1(g, carry):
            f0i = iota3 + g * 48
            f1i = iota3 + (g * 48 + 1)
            f2i = iota3 + (g * 48 + 2)
            x0 = plsc.load_gather(x_st, [f0i >> 7, f0i & 127])
            x1 = plsc.load_gather(x_st, [f1i >> 7, f1i & 127])
            x2 = plsc.load_gather(x_st, [f2i >> 7, f2i & 127])
            p0 = (x0 * resf).astype(jnp.int32)
            p1i = (x1 * resf).astype(jnp.int32)
            p2 = (x2 * resf).astype(jnp.int32)
            w0 = x0 * resf - p0.astype(jnp.float32)
            w1 = x1 * resf - p1i.astype(jnp.float32)
            w2 = x2 * resf - p2.astype(jnp.float32)
            m0 = 1.0 - w0
            m1 = 1.0 - w1
            m2 = 1.0 - w2
            a0 = p0
            b0 = p0 + 1
            a1 = p1i * _P1
            b1 = a1 + _P1
            a2 = p2 * _P2
            b2 = a2 + _P2
            dbase = p0 + p1i * stride + p2 * s2 + lbase
            col = (g & 7) * 16
            row0 = g >> 3
            for c in range(8):
                o0, o1, o2 = c & 1, (c >> 1) & 1, (c >> 2) & 1
                h = (b0 if o0 else a0) ^ (b1 if o1 else a1) ^ (b2 if o2 else a2)
                idx_h = (h & _MASK) + lbase
                idx_d = dbase + (o0 + stride * o1 + s2 * o2)
                idx = jnp.where(is_dense, idx_d, idx_h)
                wc = ((w0 if o0 else m0) * (w1 if o1 else m1)) * (w2 if o2 else m2)
                idx_buf[4 * c + row0, pl.ds(col, 16)] = idx
                wc_v[pl.ds(c * _CH + g * 16, 16)] = wc
            return carry
        lax.fori_loop(0, _NG, p1, 0)

    def fire(par):
        idx_buf = idx_bufs[par]
        rows_v = rows_bufs[par]
        sem = sems[par]

        def f(k, carry):
            pltpu.make_async_copy(
                tbl_hbm.at[idx_buf.at[k]],
                rows_v.at[pl.ds(k * 128, 128)], sem).start()
            return carry
        lax.fori_loop(0, _IDX_ROWS, f, 0)

    def drain(par):
        idx_buf = idx_bufs[par]
        rows_v = rows_bufs[par]
        sem = sems[par]

        def f(k, carry):
            pltpu.make_async_copy(
                tbl_hbm.at[idx_buf.at[k]],
                rows_v.at[pl.ds(k * 128, 128)], sem).wait()
            return carry
        lax.fori_loop(0, _IDX_ROWS, f, 0)

    def pass2(l, par):
        rows_v = rows_bufs[par]
        wc_v = wc_bufs[par]

        def p2(g, carry):
            g0i = iota4 + g * 64
            g1i = iota4 + (g * 64 + 1)
            g2i = iota4 + (g * 64 + 2)
            g3i = iota4 + (g * 64 + 3)
            cc0 = plsc.load_gather(code_st, [g0i >> 7, g0i & 127])
            cc1 = plsc.load_gather(code_st, [g1i >> 7, g1i & 127])
            cc2 = plsc.load_gather(code_st, [g2i >> 7, g2i & 127])
            cc3 = plsc.load_gather(code_st, [g3i >> 7, g3i & 127])
            f0 = jnp.zeros((16,), jnp.float32)
            f1 = jnp.zeros((16,), jnp.float32)
            for c in range(8):
                wc = wc_v[pl.ds(c * _CH + g * 16, 16)]
                coef = (wc * cc0, wc * cc1, wc * cc2, wc * cc3)
                d0 = c * _CH + g * 16 + iota
                for j in range(8):
                    d2 = jnp.full((16,), j, jnp.int32)
                    v = plsc.load_gather(rows_v, [d0, d2])
                    if j & 1:
                        f1 = f1 + coef[j >> 1] * v
                    else:
                        f0 = f0 + coef[j >> 1] * v
            rowv = g * 16 + iota
            plsc.store_scatter(
                out_cv, [rowv, jnp.full((16,), 2 * l, jnp.int32)], f0)
            plsc.store_scatter(
                out_cv, [rowv, jnp.full((16,), 2 * l + 1, jnp.int32)], f1)
            return carry
        lax.fori_loop(0, _NG, p2, 0)

    def sub_chunk(s, carry):
        base = wid * _BW + s * _CH
        pltpu.sync_copy(x_hbm.at[pl.ds(wid * 96 + s * 12, 12), :], x_st)
        pltpu.sync_copy(code_hbm.at[pl.ds(wid * 128 + s * 16, 16), :], code_st)

        pass1(0, 0)
        fire(0)

        def pair(i, c):
            l = 2 * i
            pass1(l + 1, 1)
            fire(1)
            drain(0)
            pass2(l, 0)

            @pl.when(l + 2 < _N_LEVELS)
            def _():
                pass1(l + 2, 0)
                fire(0)
            drain(1)
            pass2(l + 1, 1)
            return c
        lax.fori_loop(0, _N_LEVELS // 2, pair, 0)

        pltpu.sync_copy(out_cv, out_hbm.at[pl.ds(base, _CH), :])
        return carry

    lax.fori_loop(0, _NSUB, sub_chunk, 0)


_TPB = 4096
_TPW = _T // _NW
_TPBLKS = _TPW // _TPB


_TPN = _N_LEVELS * _TPBLKS


def _tp_body(t4_hbm, tbl8_hbm, st0, st1, ov0, ov1, si0, si1, so0, so1):
    wid = lax.axis_index("s") * _NC + lax.axis_index("c")
    iota = lax.iota(jnp.int32, 16)
    i_half = iota >> 1
    i_par = iota & 1
    sts = (st0, st1)
    ovs = (ov0, ov1)
    sis = (si0, si1)
    sos = (so0, so1)

    def fire_in(i, slot):
        l = i >> 2
        r64 = (wid * _TPW + (i & 3) * _TPB) // 64
        for h in range(_N_HASH):
            pltpu.make_async_copy(
                t4_hbm.at[h, l, pl.ds(r64, _TPB // 64), :],
                sts[slot].at[h], sis[slot]).start()

    def wait_in(i, slot):
        l = i >> 2
        r64 = (wid * _TPW + (i & 3) * _TPB) // 64
        for h in range(_N_HASH):
            pltpu.make_async_copy(
                t4_hbm.at[h, l, pl.ds(r64, _TPB // 64), :],
                sts[slot].at[h], sis[slot]).wait()

    def out_copy(i, slot):
        l = i >> 2
        r0 = wid * _TPW + (i & 3) * _TPB
        return pltpu.make_async_copy(
            ovs[slot], tbl8_hbm.at[pl.ds(l * _T + r0, _TPB), :], sos[slot])

    def compute(i, slot):
        st = sts[slot]
        ov = ovs[slot]

        def q_loop(q, c3):
            dr = i_half + q * 8
            for h in range(_N_HASH):
                v = st[h, q >> 3, pl.ds((q & 7) * 16, 16)]
                plsc.store_scatter(ov, [dr, i_par + 2 * h], v)
            return c3
        lax.fori_loop(0, _TPB // 8, q_loop, 0)

    fire_in(0, 0)

    def step(j, carry):
        i = 2 * j
        fire_in(i + 1, 1)
        wait_in(i, 0)

        @pl.when(i >= 2)
        def _():
            out_copy(i - 2, 0).wait()
        compute(i, 0)
        out_copy(i, 0).start()

        @pl.when(i + 2 < _TPN)
        def _():
            fire_in(i + 2, 0)
        wait_in(i + 1, 1)

        @pl.when(i >= 1)
        def _():
            out_copy(i - 1, 1).wait()
        compute(i + 1, 1)
        out_copy(i + 1, 1).start()
        return carry
    lax.fori_loop(0, _TPN // 2, step, 0)
    out_copy(_TPN - 2, 0).wait()
    out_copy(_TPN - 1, 1).wait()


_tp_call = functools.partial(
    pl.kernel,
    mesh=plsc.VectorSubcoreMesh(core_axis_name="c", subcore_axis_name="s"),
    compiler_params=pltpu.CompilerParams(
        needs_layout_passes=False, use_tc_tiling_on_sc=False),
    out_type=jax.ShapeDtypeStruct((_N_LEVELS * _T, _N_HASH * 2), jnp.float32),
    scratch_types=[
        pltpu.VMEM((_N_HASH, _TPB // 64, 128), jnp.float32),
        pltpu.VMEM((_N_HASH, _TPB // 64, 128), jnp.float32),
        pltpu.VMEM((_TPB, _N_HASH * 2), jnp.float32),
        pltpu.VMEM((_TPB, _N_HASH * 2), jnp.float32),
        pltpu.SemaphoreType.DMA,
        pltpu.SemaphoreType.DMA,
        pltpu.SemaphoreType.DMA,
        pltpu.SemaphoreType.DMA,
    ],
)(_tp_body)


_sc_call = functools.partial(
    pl.kernel,
    mesh=plsc.VectorSubcoreMesh(core_axis_name="c", subcore_axis_name="s"),
    compiler_params=pltpu.CompilerParams(
        needs_layout_passes=False, use_tc_tiling_on_sc=False),
    out_type=jax.ShapeDtypeStruct((_B, 2 * _N_LEVELS), jnp.float32),
    scratch_types=[
        pltpu.VMEM((12, 128), jnp.float32),
        pltpu.VMEM((16, 128), jnp.float32),
        pltpu.VMEM((_IDX_ROWS, 128), jnp.int32),
        pltpu.VMEM((_IDX_ROWS, 128), jnp.int32),
        pltpu.VMEM((_NIDX, 8), jnp.float32),
        pltpu.VMEM((_NIDX, 8), jnp.float32),
        pltpu.VMEM((_NIDX,), jnp.float32),
        pltpu.VMEM((_NIDX,), jnp.float32),
        pltpu.VMEM((_CH, 2 * _N_LEVELS), jnp.float32),
        pltpu.VMEM((_N_LEVELS,), jnp.float32),
        pltpu.SMEM((_N_LEVELS,), jnp.float32),
        pltpu.SMEM((_N_LEVELS,), jnp.float32),
        pltpu.SemaphoreType.DMA,
        pltpu.SemaphoreType.DMA,
    ],
)(_sc_body)


def kernel(in_tensor, conditioning_code, tables):
    tbl8 = _tp_call(tables.reshape(_N_HASH, _N_LEVELS, _T // 64, 128))
    resf = jnp.asarray([float(r) for r in _RES], jnp.float32)
    stridef = jnp.asarray([float(r + 1) for r in _RES], jnp.float32)
    return _sc_call(tbl8, in_tensor.reshape(_B * 3 // 128, 128),
                    conditioning_code.reshape(_B * 4 // 128, 128),
                    resf, stridef)

# --- scband reference (transcript-rebuilt; emitter-appended) ---
"""Pipeline reference for scband-hash-encoding-ensemble-10058813407469 (READ-ONLY COPY).

The authoritative reference and input builder live on the scoring server;
editing this copy changes nothing except your own understanding.
"""

import jax, jax.numpy as jnp
import numpy as np

N_LEVELS = 16
F_PER_LEVEL = 2
LOG2_T = 19
T = 2 ** LOG2_T
BASE_RES = 16
PER_LEVEL_SCALE = 1.4472692012786865
N_HASH = 4
DIM = 3
B = 131072
PRIMES = (1, 2654435761, 805459861)


def _level_resolutions():
    return [int(np.floor(BASE_RES * PER_LEVEL_SCALE ** l)) for l in range(N_LEVELS)]


def _encode_one(x, table):
    # x: [B, 3] in [0, 1); table: [N_LEVELS, T, F] -> [B, N_LEVELS * F]
    res_list = _level_resolutions()
    outs = []
    for l, res in enumerate(res_list):
        pos = x * res
        pos0f = jnp.floor(pos)
        w = pos - pos0f
        pos0 = pos0f.astype(jnp.uint32)
        dense = (res + 1) ** DIM <= T
        feats = jnp.zeros((x.shape[0], F_PER_LEVEL), dtype=table.dtype)
        for corner in range(2 ** DIM):
            offs = jnp.array([(corner >> d) & 1 for d in range(DIM)], dtype=jnp.uint32)
            c = pos0 + offs[None, :]
            if dense:
                stride = res + 1
                idx = (c[:, 0] + stride * (c[:, 1] + stride * c[:, 2])).astype(jnp.int32)
            else:
                h = c[:, 0] * jnp.uint32(PRIMES[0])
                h = jnp.bitwise_xor(h, c[:, 1] * jnp.uint32(PRIMES[1]))
                h = jnp.bitwise_xor(h, c[:, 2] * jnp.uint32(PRIMES[2]))
                idx = (h % jnp.uint32(T)).astype(jnp.int32)
            wc = jnp.ones((x.shape[0],), x.dtype)
            for d in range(DIM):
                wd = w[:, d] if ((corner >> d) & 1) else (1.0 - w[:, d])
                wc = wc * wd
            feats = feats + wc[:, None] * jnp.take(table[l], idx, axis=0)
        outs.append(feats)
    return jnp.concatenate(outs, axis=-1)


def setup_inputs(seed: int = 0) -> dict:
    key = jax.random.key(seed)
    k1, k2, k3 = jax.random.split(key, 3)
    in_tensor = jax.random.uniform(k1, (B, DIM), dtype=jnp.float32)
    conditioning_code = jax.random.uniform(k2, (B, N_HASH), dtype=jnp.float32)
    # tcnn-style init: uniform in [-1e-4, 1e-4]
    tables = (jax.random.uniform(k3, (N_HASH, N_LEVELS, T, F_PER_LEVEL), dtype=jnp.float32) * 2.0 - 1.0) * 1e-4
    return {"in_tensor": in_tensor, "conditioning_code": conditioning_code, "tables": tables}


def reference(in_tensor, conditioning_code, tables):
    # per-encoding hash grid lookup, then 'blend' mixing via bmm
    embeddings = jnp.stack([_encode_one(in_tensor, tables[i]) for i in range(N_HASH)], axis=-1)  # [B, L*F, H]
    blended = jnp.einsum('beh,bh->be', embeddings, conditioning_code)  # bmm(emb, code.unsqueeze(2)).squeeze(2)
    return blended

if __name__ == "__main__":
    import jax
    _d = setup_inputs()
    print(jax.jit(kernel)(*tuple(_d.values())))

</pallas_src>

<mosaic_0001>
#map = affine_map<(d0, d1) -> (0, 0)>
#map1 = affine_map<(d0, d1) -> (0)>
module attributes {stable_mosaic.version = 14 : i64} {
  func.func @_sc_body(%arg0: i32, %arg1: i32, %arg2: memref<8388608x8xf32, #tpu.memory_space<hbm>>, %arg3: memref<3072x128xf32, #tpu.memory_space<hbm>>, %arg4: memref<4096x128xf32, #tpu.memory_space<hbm>>, %arg5: memref<16xf32, #tpu.memory_space<hbm>>, %arg6: memref<16xf32, #tpu.memory_space<hbm>>, %arg7: memref<131072x32xf32, #tpu.memory_space<hbm>>, %arg8: memref<12x128xf32, #tpu.memory_space<vmem>>, %arg9: memref<16x128xf32, #tpu.memory_space<vmem>>, %arg10: memref<32x128xi32, #tpu.memory_space<vmem>>, %arg11: memref<32x128xi32, #tpu.memory_space<vmem>>, %arg12: memref<4096x8xf32, #tpu.memory_space<vmem>>, %arg13: memref<4096x8xf32, #tpu.memory_space<vmem>>, %arg14: memref<4096xf32, #tpu.memory_space<vmem>>, %arg15: memref<4096xf32, #tpu.memory_space<vmem>>, %arg16: memref<512x32xf32, #tpu.memory_space<vmem>>, %arg17: memref<16xf32, #tpu.memory_space<vmem>>, %arg18: memref<16xf32, #tpu.memory_space<smem>>, %arg19: memref<16xf32, #tpu.memory_space<smem>>, %arg20: memref<!tpu.dma_semaphore, #tpu.memory_space<semaphore_mem>>, %arg21: memref<!tpu.dma_semaphore, #tpu.memory_space<semaphore_mem>>) attributes {dimension_semantics = [#tpu.dimension_semantics<core_parallel>, #tpu.dimension_semantics<subcore_parallel>], iteration_bounds = array<i64: 2, 16>, scalar_prefetch = 0 : i64, scratch_operands = 14 : i64, tpu.core_type = #tpu.core_type<sc_vector_subcore>, window_params = [{transform_indices = #map}, {transform_indices = #map}, {transform_indices = #map}, {transform_indices = #map1}, {transform_indices = #map1}, {transform_indices = #map}]} {
    %mul3A = arith.constant 2 : i32
    %mul3A_0 = arith.muli %arg1, %mul3A : i32
    %add3A = arith.addi %mul3A_0, %arg0 : i32
    %iota3A = tpu.iota {dimensions = array<i32: 0>} : vector<16xi32>
    %mul3A_1 = arith.constant 3 : i32
    %mul3A_2 = vector.broadcast %mul3A_1 : i32 to vector<16xi32>
    %mul3A_3 = arith.muli %iota3A, %mul3A_2 : vector<16xi32>
    %mul3A_4 = arith.constant 4 : i32
    %mul3A_5 = vector.broadcast %mul3A_4 : i32 to vector<16xi32>
    %mul3A_6 = arith.muli %iota3A, %mul3A_5 : vector<16xi32>
    "tpu.region"() ({
      %run_scoped3A = tpu.sem_alloc : memref<!tpu.dma_semaphore, #tpu.memory_space<semaphore_mem>>
      tpu.enqueue_dma source(%arg5 : memref<16xf32, #tpu.memory_space<hbm>>) target(%arg17 : memref<16xf32, #tpu.memory_space<vmem>>) target_semaphore(%run_scoped3A : memref<!tpu.dma_semaphore, #tpu.memory_space<semaphore_mem>>)
      tpu.wait_dma2 semaphore(%run_scoped3A : memref<!tpu.dma_semaphore, #tpu.memory_space<semaphore_mem>>) src(%arg5 : memref<16xf32, #tpu.memory_space<hbm>>) dst(%arg17 : memref<16xf32, #tpu.memory_space<vmem>>)
      tpu.yield
    }) : () -> ()
    %get3A = arith.constant 0 : index
    %get3A_7 = tpu.vector_load %arg17[%get3A] {strides = array<i32>} : memref<16xf32, #tpu.memory_space<vmem>>, vector<16xf32>,
    "tpu.region"() ({
      %run_scoped3A = tpu.sem_alloc : memref<!tpu.dma_semaphore, #tpu.memory_space<semaphore_mem>>
      tpu.enqueue_dma source(%arg6 : memref<16xf32, #tpu.memory_space<hbm>>) target(%arg17 : memref<16xf32, #tpu.memory_space<vmem>>) target_semaphore(%run_scoped3A : memref<!tpu.dma_semaphore, #tpu.memory_space<semaphore_mem>>)
      tpu.wait_dma2 semaphore(%run_scoped3A : memref<!tpu.dma_semaphore, #tpu.memory_space<semaphore_mem>>) src(%arg6 : memref<16xf32, #tpu.memory_space<hbm>>) dst(%arg17 : memref<16xf32, #tpu.memory_space<vmem>>)
      tpu.yield
    }) : () -> ()
    %get3A_8 = arith.constant 0 : index
    %get3A_9 = tpu.vector_load %arg17[%get3A_8] {strides = array<i32>} : memref<16xf32, #tpu.memory_space<vmem>>, vector<16xf32>,
    %slice3A = vector.extract_strided_slice %get3A_7 {offsets = [0], sizes = [1], strides = [1]} : vector<16xf32> to vector<1xf32>
    %squeeze3A = vector.extract %slice3A[0] : f32 from vector<1xf32>
    %swap3A = arith.constant 0 : i32
    %swap3A_10 = arith.index_cast %swap3A : i32 to index
    %swap3A_11 = memref.load %arg18[%swap3A_10] : memref<16xf32, #tpu.memory_space<smem>>
    memref.store %squeeze3A, %arg18[%swap3A_10] : memref<16xf32, #tpu.memory_space<smem>>
    %slice3A_12 = vector.extract_strided_slice %get3A_9 {offsets = [0], sizes = [1], strides = [1]} : vector<16xf32> to vector<1xf32>
    %squeeze3A_13 = vector.extract %slice3A_12[0] : f32 from vector<1xf32>
    %swap3A_14 = arith.constant 0 : i32
    %swap3A_15 = arith.index_cast %swap3A_14 : i32 to index
    %swap3A_16 = memref.load %arg19[%swap3A_15] : memref<16xf32, #tpu.memory_space<smem>>
    memref.store %squeeze3A_13, %arg19[%swap3A_15] : memref<16xf32, #tpu.memory_space<smem>>
    %slice3A_17 = vector.extract_strided_slice %get3A_7 {offsets = [1], sizes = [1], strides = [1]} : vector<16xf32> to vector<1xf32>
    %squeeze3A_18 = vector.extract %slice3A_17[0] : f32 from vector<1xf32>
    %swap3A_19 = arith.constant 1 : i32
    %swap3A_20 = arith.index_cast %swap3A_19 : i32 to index
    %swap3A_21 = memref.load %arg18[%swap3A_20] : memref<16xf32, #tpu.memory_space<smem>>
    memref.store %squeeze3A_18, %arg18[%swap3A_20] : memref<16xf32, #tpu.memory_space<smem>>
    %slice3A_22 = vector.extract_strided_slice %get3A_9 {offsets = [1], sizes = [1], strides = [1]} : vector<16xf32> to vector<1xf32>
    %squeeze3A_23 = vector.extract %slice3A_22[0] : f32 from vector<1xf32>
    %swap3A_24 = arith.constant 1 : i32
    %swap3A_25 = arith.index_cast %swap3A_24 : i32 to index
    %swap3A_26 = memref.load %arg19[%swap3A_25] : memref<16xf32, #tpu.memory_space<smem>>
    memref.store %squeeze3A_23, %arg19[%swap3A_25] : memref<16xf32, #tpu.memory_space<smem>>
    %slice3A_27 = vector.extract_strided_slice %get3A_7 {offsets = [2], sizes = [1], strides = [1]} : vector<16xf32> to vector<1xf32>
    %squeeze3A_28 = vector.extract %slice3A_27[0] : f32 from vector<1xf32>
    %swap3A_29 = arith.constant 2 : i32
    %swap3A_30 = arith.index_cast %swap3A_29 : i32 to index
    %swap3A_31 = memref.load %arg18[%swap3A_30] : memref<16xf32, #tpu.memory_space<smem>>
    memref.store %squeeze3A_28, %arg18[%swap3A_30] : memref<16xf32, #tpu.memory_space<smem>>
    %slice3A_32 = vector.extract_strided_slice %get3A_9 {offsets = [2], sizes = [1], strides = [1]} : vector<16xf32> to vector<1xf32>
    %squeeze3A_33 = vector.extract %slice3A_32[0] : f32 from vector<1xf32>
    %swap3A_34 = arith.constant 2 : i32
    %swap3A_35 = arith.index_cast %swap3A_34 : i32 to index
    %swap3A_36 = memref.load %arg19[%swap3A_35] : memref<16xf32, #tpu.memory_space<smem>>
    memref.store %squeeze3A_33, %arg19[%swap3A_35] : memref<16xf32, #tpu.memory_space<smem>>
    %slice3A_37 = vector.extract_strided_slice %get3A_7 {offsets = [3], sizes = [1], strides = [1]} : vector<16xf32> to vector<1xf32>
    %squeeze3A_38 = vector.extract %slice3A_37[0] : f32 from vector<1xf32>
    %swap3A_39 = arith.constant 3 : i32
    %swap3A_40 = arith.index_cast %swap3A_39 : i32 to index
    %swap3A_41 = memref.load %arg18[%swap3A_40] : memref<16xf32, #tpu.memory_space<smem>>
    memref.store %squeeze3A_38, %arg18[%swap3A_40] : memref<16xf32, #tpu.memory_space<smem>>
    %slice3A_42 = vector.extract_strided_slice %get3A_9 {offsets = [3], sizes = [1], strides = [1]} : vector<16xf32> to vector<1xf32>
    %squeeze3A_43 = vector.extract %slice3A_42[0] : f32 from vector<1xf32>
    %swap3A_44 = arith.constant 3 : i32
    %swap3A_45 = arith.index_cast %swap3A_44 : i32 to index
    %swap3A_46 = memref.load %arg19[%swap3A_45] : memref<16xf32, #tpu.memory_space<smem>>
    memref.store %squeeze3A_43, %arg19[%swap3A_45] : memref<16xf32, #tpu.memory_space<smem>>
    %slice3A_47 = vector.extract_strided_slice %get3A_7 {offsets = [4], sizes = [1], strides = [1]} : vector<16xf32> to vector<1xf32>
    %squeeze3A_48 = vector.extract %slice3A_47[0] : f32 from vector<1xf32>
    %swap3A_49 = arith.constant 4 : i32
    %swap3A_50 = arith.index_cast %swap3A_49 : i32 to index
    %swap3A_51 = memref.load %arg18[%swap3A_50] : memref<16xf32, #tpu.memory_space<smem>>
    memref.store %squeeze3A_48, %arg18[%swap3A_50] : memref<16xf32, #tpu.memory_space<smem>>
    %slice3A_52 = vector.extract_strided_slice %get3A_9 {offsets = [4], sizes = [1], strides = [1]} : vector<16xf32> to vector<1xf32>
    %squeeze3A_53 = vector.extract %slice3A_52[0] : f32 from vector<1xf32>
    %swap3A_54 = arith.constant 4 : i32
    %swap3A_55 = arith.index_cast %swap3A_54 : i32 to index
    %swap3A_56 = memref.load %arg19[%swap3A_55] : memref<16xf32, #tpu.memory_space<smem>>
    memref.store %squeeze3A_53, %arg19[%swap3A_55] : memref<16xf32, #tpu.memory_space<smem>>
    %slice3A_57 = vector.extract_strided_slice %get3A_7 {offsets = [5], sizes = [1], strides = [1]} : vector<16xf32> to vector<1xf32>
    %squeeze3A_58 = vector.extract %slice3A_57[0] : f32 from vector<1xf32>
    %swap3A_59 = arith.constant 5 : i32
    %swap3A_60 = arith.index_cast %swap3A_59 : i32 to index
    %swap3A_61 = memref.load %arg18[%swap3A_60] : memref<16xf32, #tpu.memory_space<smem>>
    memref.store %squeeze3A_58, %arg18[%swap3A_60] : memref<16xf32, #tpu.memory_space<smem>>
    %slice3A_62 = vector.extract_strided_slice %get3A_9 {offsets = [5], sizes = [1], strides = [1]} : vector<16xf32> to vector<1xf32>
    %squeeze3A_63 = vector.extract %slice3A_62[0] : f32 from vector<1xf32>
    %swap3A_64 = arith.constant 5 : i32
    %swap3A_65 = arith.index_cast %swap3A_64 : i32 to index
    %swap3A_66 = memref.load %arg19[%swap3A_65] : memref<16xf32, #tpu.memory_space<smem>>
    memref.store %squeeze3A_63, %arg19[%swap3A_65] : memref<16xf32, #tpu.memory_space<smem>>
    %slice3A_67 = vector.extract_strided_slice %get3A_7 {offsets = [6], sizes = [1], strides = [1]} : vector<16xf32> to vector<1xf32>
    %squeeze3A_68 = vector.extract %slice3A_67[0] : f32 from vector<1xf32>
    %swap3A_69 = arith.constant 6 : i32
    %swap3A_70 = arith.index_cast %swap3A_69 : i32 to index
    %swap3A_71 = memref.load %arg18[%swap3A_70] : memref<16xf32, #tpu.memory_space<smem>>
    memref.store %squeeze3A_68, %arg18[%swap3A_70] : memref<16xf32, #tpu.memory_space<smem>>
    %slice3A_72 = vector.extract_strided_slice %get3A_9 {offsets = [6], sizes = [1], strides = [1]} : vector<16xf32> to vector<1xf32>
    %squeeze3A_73 = vector.extract %slice3A_72[0] : f32 from vector<1xf32>
    %swap3A_74 = arith.constant 6 : i32
    %swap3A_75 = arith.index_cast %swap3A_74 : i32 to index
    %swap3A_76 = memref.load %arg19[%swap3A_75] : memref<16xf32, #tpu.memory_space<smem>>
    memref.store %squeeze3A_73, %arg19[%swap3A_75] : memref<16xf32, #tpu.memory_space<smem>>
    %slice3A_77 = vector.extract_strided_slice %get3A_7 {offsets = [7], sizes = [1], strides = [1]} : vector<16xf32> to vector<1xf32>
    %squeeze3A_78 = vector.extract %slice3A_77[0] : f32 from vector<1xf32>
    %swap3A_79 = arith.constant 7 : i32
    %swap3A_80 = arith.index_cast %swap3A_79 : i32 to index
    %swap3A_81 = memref.load %arg18[%swap3A_80] : memref<16xf32, #tpu.memory_space<smem>>
    memref.store %squeeze3A_78, %arg18[%swap3A_80] : memref<16xf32, #tpu.memory_space<smem>>
    %slice3A_82 = vector.extract_strided_slice %get3A_9 {offsets = [7], sizes = [1], strides = [1]} : vector<16xf32> to vector<1xf32>
    %squeeze3A_83 = vector.extract %slice3A_82[0] : f32 from vector<1xf32>
    %swap3A_84 = arith.constant 7 : i32
    %swap3A_85 = arith.index_cast %swap3A_84 : i32 to index
    %swap3A_86 = memref.load %arg19[%swap3A_85] : memref<16xf32, #tpu.memory_space<smem>>
    memref.store %squeeze3A_83, %arg19[%swap3A_85] : memref<16xf32, #tpu.memory_space<smem>>
    %slice3A_87 = vector.extract_strided_slice %get3A_7 {offsets = [8], sizes = [1], strides = [1]} : vector<16xf32> to vector<1xf32>
    %squeeze3A_88 = vector.extract %slice3A_87[0] : f32 from vector<1xf32>
    %swap3A_89 = arith.constant 8 : i32
    %swap3A_90 = arith.index_cast %swap3A_89 : i32 to index
    %swap3A_91 = memref.load %arg18[%swap3A_90] : memref<16xf32, #tpu.memory_space<smem>>
    memref.store %squeeze3A_88, %arg18[%swap3A_90] : memref<16xf32, #tpu.memory_space<smem>>
    %slice3A_92 = vector.extract_strided_slice %get3A_9 {offsets = [8], sizes = [1], strides = [1]} : vector<16xf32> to vector<1xf32>
    %squeeze3A_93 = vector.extract %slice3A_92[0] : f32 from vector<1xf32>
    %swap3A_94 = arith.constant 8 : i32
    %swap3A_95 = arith.index_cast %swap3A_94 : i32 to index
    %swap3A_96 = memref.load %arg19[%swap3A_95] : memref<16xf32, #tpu.memory_space<smem>>
    memref.store %squeeze3A_93, %arg19[%swap3A_95] : memref<16xf32, #tpu.memory_space<smem>>
    %slice3A_97 = vector.extract_strided_slice %get3A_7 {offsets = [9], sizes = [1], strides = [1]} : vector<16xf32> to vector<1xf32>
    %squeeze3A_98 = vector.extract %slice3A_97[0] : f32 from vector<1xf32>
    %swap3A_99 = arith.constant 9 : i32
    %swap3A_100 = arith.index_cast %swap3A_99 : i32 to index
    %swap3A_101 = memref.load %arg18[%swap3A_100] : memref<16xf32, #tpu.memory_space<smem>>
    memref.store %squeeze3A_98, %arg18[%swap3A_100] : memref<16xf32, #tpu.memory_space<smem>>
    %slice3A_102 = vector.extract_strided_slice %get3A_9 {offsets = [9], sizes = [1], strides = [1]} : vector<16xf32> to vector<1xf32>
    %squeeze3A_103 = vector.extract %slice3A_102[0] : f32 from vector<1xf32>
    %swap3A_104 = arith.constant 9 : i32
    %swap3A_105 = arith.index_cast %swap3A_104 : i32 to index
    %swap3A_106 = memref.load %arg19[%swap3A_105] : memref<16xf32, #tpu.memory_space<smem>>
    memref.store %squeeze3A_103, %arg19[%swap3A_105] : memref<16xf32, #tpu.memory_space<smem>>
    %slice3A_107 = vector.extract_strided_slice %get3A_7 {offsets = [10], sizes = [1], strides = [1]} : vector<16xf32> to vector<1xf32>
    %squeeze3A_108 = vector.extract %slice3A_107[0] : f32 from vector<1xf32>
    %swap3A_109 = arith.constant 10 : i32
    %swap3A_110 = arith.index_cast %swap3A_109 : i32 to index
    %swap3A_111 = memref.load %arg18[%swap3A_110] : memref<16xf32, #tpu.memory_space<smem>>
    memref.store %squeeze3A_108, %arg18[%swap3A_110] : memref<16xf32, #tpu.memory_space<smem>>
    %slice3A_112 = vector.extract_strided_slice %get3A_9 {offsets = [10], sizes = [1], strides = [1]} : vector<16xf32> to vector<1xf32>
    %squeeze3A_113 = vector.extract %slice3A_112[0] : f32 from vector<1xf32>
    %swap3A_114 = arith.constant 10 : i32
    %swap3A_115 = arith.index_cast %swap3A_114 : i32 to index
    %swap3A_116 = memref.load %arg19[%swap3A_115] : memref<16xf32, #tpu.memory_space<smem>>
    memref.store %squeeze3A_113, %arg19[%swap3A_115] : memref<16xf32, #tpu.memory_space<smem>>
    %slice3A_117 = vector.extract_strided_slice %get3A_7 {offsets = [11], sizes = [1], strides = [1]} : vector<16xf32> to vector<1xf32>
    %squeeze3A_118 = vector.extract %slice3A_117[0] : f32 from vector<1xf32>
    %swap3A_119 = arith.constant 11 : i32
    %swap3A_120 = arith.index_cast %swap3A_119 : i32 to index
    %swap3A_121 = memref.load %arg18[%swap3A_120] : memref<16xf32, #tpu.memory_space<smem>>
    memref.store %squeeze3A_118, %arg18[%swap3A_120] : memref<16xf32, #tpu.memory_space<smem>>
    %slice3A_122 = vector.extract_strided_slice %get3A_9 {offsets = [11], sizes = [1], strides = [1]} : vector<16xf32> to vector<1xf32>
    %squeeze3A_123 = vector.extract %slice3A_122[0] : f32 from vector<1xf32>
    %swap3A_124 = arith.constant 11 : i32
    %swap3A_125 = arith.index_cast %swap3A_124 : i32 to index
    %swap3A_126 = memref.load %arg19[%swap3A_125] : memref<16xf32, #tpu.memory_space<smem>>
    memref.store %squeeze3A_123, %arg19[%swap3A_125] : memref<16xf32, #tpu.memory_space<smem>>
    %slice3A_127 = vector.extract_strided_slice %get3A_7 {offsets = [12], sizes = [1], strides = [1]} : vector<16xf32> to vector<1xf32>
    %squeeze3A_128 = vector.extract %slice3A_127[0] : f32 from vector<1xf32>
    %swap3A_129 = arith.constant 12 : i32
    %swap3A_130 = arith.index_cast %swap3A_129 : i32 to index
    %swap3A_131 = memref.load %arg18[%swap3A_130] : memref<16xf32, #tpu.memory_space<smem>>
    memref.store %squeeze3A_128, %arg18[%swap3A_130] : memref<16xf32, #tpu.memory_space<smem>>
    %slice3A_132 = vector.extract_strided_slice %get3A_9 {offsets = [12], sizes = [1], strides = [1]} : vector<16xf32> to vector<1xf32>
    %squeeze3A_133 = vector.extract %slice3A_132[0] : f32 from vector<1xf32>
    %swap3A_134 = arith.constant 12 : i32
    %swap3A_135 = arith.index_cast %swap3A_134 : i32 to index
    %swap3A_136 = memref.load %arg19[%swap3A_135] : memref<16xf32, #tpu.memory_space<smem>>
    memref.store %squeeze3A_133, %arg19[%swap3A_135] : memref<16xf32, #tpu.memory_space<smem>>
    %slice3A_137 = vector.extract_strided_slice %get3A_7 {offsets = [13], sizes = [1], strides = [1]} : vector<16xf32> to vector<1xf32>
    %squeeze3A_138 = vector.extract %slice3A_137[0] : f32 from vector<1xf32>
    %swap3A_139 = arith.constant 13 : i32
    %swap3A_140 = arith.index_cast %swap3A_139 : i32 to index
    %swap3A_141 = memref.load %arg18[%swap3A_140] : memref<16xf32, #tpu.memory_space<smem>>
    memref.store %squeeze3A_138, %arg18[%swap3A_140] : memref<16xf32, #tpu.memory_space<smem>>
    %slice3A_142 = vector.extract_strided_slice %get3A_9 {offsets = [13], sizes = [1], strides = [1]} : vector<16xf32> to vector<1xf32>
    %squeeze3A_143 = vector.extract %slice3A_142[0] : f32 from vector<1xf32>
    %swap3A_144 = arith.constant 13 : i32
    %swap3A_145 = arith.index_cast %swap3A_144 : i32 to index
    %swap3A_146 = memref.load %arg19[%swap3A_145] : memref<16xf32, #tpu.memory_space<smem>>
    memref.store %squeeze3A_143, %arg19[%swap3A_145] : memref<16xf32, #tpu.memory_space<smem>>
    %slice3A_147 = vector.extract_strided_slice %get3A_7 {offsets = [14], sizes = [1], strides = [1]} : vector<16xf32> to vector<1xf32>
    %squeeze3A_148 = vector.extract %slice3A_147[0] : f32 from vector<1xf32>
    %swap3A_149 = arith.constant 14 : i32
    %swap3A_150 = arith.index_cast %swap3A_149 : i32 to index
    %swap3A_151 = memref.load %arg18[%swap3A_150] : memref<16xf32, #tpu.memory_space<smem>>
    memref.store %squeeze3A_148, %arg18[%swap3A_150] : memref<16xf32, #tpu.memory_space<smem>>
    %slice3A_152 = vector.extract_strided_slice %get3A_9 {offsets = [14], sizes = [1], strides = [1]} : vector<16xf32> to vector<1xf32>
    %squeeze3A_153 = vector.extract %slice3A_152[0] : f32 from vector<1xf32>
    %swap3A_154 = arith.constant 14 : i32
    %swap3A_155 = arith.index_cast %swap3A_154 : i32 to index
    %swap3A_156 = memref.load %arg19[%swap3A_155] : memref<16xf32, #tpu.memory_space<smem>>
    memref.store %squeeze3A_153, %arg19[%swap3A_155] : memref<16xf32, #tpu.memory_space<smem>>
    %slice3A_157 = vector.extract_strided_slice %get3A_7 {offsets = [15], sizes = [1], strides = [1]} : vector<16xf32> to vector<1xf32>
    %squeeze3A_158 = vector.extract %slice3A_157[0] : f32 from vector<1xf32>
    %swap3A_159 = arith.constant 15 : i32
    %swap3A_160 = arith.index_cast %swap3A_159 : i32 to index
    %swap3A_161 = memref.load %arg18[%swap3A_160] : memref<16xf32, #tpu.memory_space<smem>>
    memref.store %squeeze3A_158, %arg18[%swap3A_160] : memref<16xf32, #tpu.memory_space<smem>>
    %slice3A_162 = vector.extract_strided_slice %get3A_9 {offsets = [15], sizes = [1], strides = [1]} : vector<16xf32> to vector<1xf32>
    %squeeze3A_163 = vector.extract %slice3A_162[0] : f32 from vector<1xf32>
    %swap3A_164 = arith.constant 15 : i32
    %swap3A_165 = arith.index_cast %swap3A_164 : i32 to index
    %swap3A_166 = memref.load %arg19[%swap3A_165] : memref<16xf32, #tpu.memory_space<smem>>
    memref.store %squeeze3A_163, %arg19[%swap3A_165] : memref<16xf32, #tpu.memory_space<smem>>
    %scan3A = arith.constant 0 : i32
    %scan3A_167 = arith.constant 0 : i32
    %scan3A_168 = arith.constant 8 : i32
    %scan3A_169 = arith.addi %scan3A_167, %scan3A_168 : i32
    %scan3A_170 = arith.constant 1 : i32
    scf.for %scan3A_172 = %scan3A_167 to %scan3A_169 step %scan3A_170  : i32 {
      %mul3A_173 = arith.constant 4096 : i32
      %mul3A_174 = arith.muli %add3A, %mul3A_173 : i32
      %mul3A_175 = arith.constant 512 : i32
      %mul3A_176 = arith.muli %scan3A_172, %mul3A_175 : i32
      %add3A_177 = arith.addi %mul3A_174, %mul3A_176 : i32
      %mul3A_178 = arith.constant 96 : i32
      %mul3A_179 = arith.muli %add3A, %mul3A_178 : i32
      %mul3A_180 = arith.constant 12 : i32
      %mul3A_181 = arith.muli %scan3A_172, %mul3A_180 : i32
      %add3A_182 = arith.addi %mul3A_179, %mul3A_181 : i32
      "tpu.region"() ({
        %run_scoped3A = tpu.sem_alloc : memref<!tpu.dma_semaphore, #tpu.memory_space<semaphore_mem>>
        %dma_start3A = arith.constant 0 : i32
        %dma_start3A_213 = tpu.memref_slice %arg3[%add3A_182, %dma_start3A] : memref<3072x128xf32, #tpu.memory_space<hbm>> -> memref<12x128xf32, #tpu.memory_space<hbm>>
        %dma_start3A_214 = arith.constant 0 : i32
        %dma_start3A_215 = tpu.memref_slice %arg3[%add3A_182, %dma_start3A_214] : memref<3072x128xf32, #tpu.memory_space<hbm>> -> memref<12x128xf32, #tpu.memory_space<hbm>>
        tpu.enqueue_dma source(%dma_start3A_215 : memref<12x128xf32, #tpu.memory_space<hbm>>) target(%arg8 : memref<12x128xf32, #tpu.memory_space<vmem>>) target_semaphore(%run_scoped3A : memref<!tpu.dma_semaphore, #tpu.memory_space<semaphore_mem>>)
        %dma_wait3A = arith.constant 0 : i32
        %dma_wait3A_216 = tpu.memref_slice %arg3[%add3A_182, %dma_wait3A] : memref<3072x128xf32, #tpu.memory_space<hbm>> -> memref<12x128xf32, #tpu.memory_space<hbm>>
        %dma_wait3A_217 = arith.constant 0 : i32
        %dma_wait3A_218 = tpu.memref_slice %arg3[%add3A_182, %dma_wait3A_217] : memref<3072x128xf32, #tpu.memory_space<hbm>> -> memref<12x128xf32, #tpu.memory_space<hbm>>
        tpu.wait_dma2 semaphore(%run_scoped3A : memref<!tpu.dma_semaphore, #tpu.memory_space<semaphore_mem>>) src(%dma_wait3A_218 : memref<12x128xf32, #tpu.memory_space<hbm>>) dst(%arg8 : memref<12x128xf32, #tpu.memory_space<vmem>>)
        tpu.yield
      }) : () -> ()
      %mul3A_183 = arith.constant 128 : i32
      %mul3A_184 = arith.muli %add3A, %mul3A_183 : i32
      %mul3A_185 = arith.constant 16 : i32
      %mul3A_186 = arith.muli %scan3A_172, %mul3A_185 : i32
      %add3A_187 = arith.addi %mul3A_184, %mul3A_186 : i32
      "tpu.region"() ({
        %run_scoped3A = tpu.sem_alloc : memref<!tpu.dma_semaphore, #tpu.memory_space<semaphore_mem>>
        %dma_start3A = arith.constant 0 : i32
        %dma_start3A_213 = tpu.memref_slice %arg4[%add3A_187, %dma_start3A] : memref<4096x128xf32, #tpu.memory_space<hbm>> -> memref<16x128xf32, #tpu.memory_space<hbm>>
        %dma_start3A_214 = arith.constant 0 : i32
        %dma_start3A_215 = tpu.memref_slice %arg4[%add3A_187, %dma_start3A_214] : memref<4096x128xf32, #tpu.memory_space<hbm>> -> memref<16x128xf32, #tpu.memory_space<hbm>>
        tpu.enqueue_dma source(%dma_start3A_215 : memref<16x128xf32, #tpu.memory_space<hbm>>) target(%arg9 : memref<16x128xf32, #tpu.memory_space<vmem>>) target_semaphore(%run_scoped3A : memref<!tpu.dma_semaphore, #tpu.memory_space<semaphore_mem>>)
        %dma_wait3A = arith.constant 0 : i32
        %dma_wait3A_216 = tpu.memref_slice %arg4[%add3A_187, %dma_wait3A] : memref<4096x128xf32, #tpu.memory_space<hbm>> -> memref<16x128xf32, #tpu.memory_space<hbm>>
        %dma_wait3A_217 = arith.constant 0 : i32
        %dma_wait3A_218 = tpu.memref_slice %arg4[%add3A_187, %dma_wait3A_217] : memref<4096x128xf32, #tpu.memory_space<hbm>> -> memref<16x128xf32, #tpu.memory_space<hbm>>
        tpu.wait_dma2 semaphore(%run_scoped3A : memref<!tpu.dma_semaphore, #tpu.memory_space<semaphore_mem>>) src(%dma_wait3A_218 : memref<16x128xf32, #tpu.memory_space<hbm>>) dst(%arg9 : memref<16x128xf32, #tpu.memory_space<vmem>>)
        tpu.yield
      }) : () -> ()
      %get3A_188 = arith.constant 0 : i32
      %get3A_189 = arith.index_cast %get3A_188 : i32 to index
      %get3A_190 = memref.load %arg18[%get3A_189] : memref<16xf32, #tpu.memory_space<smem>>
      %get3A_191 = arith.constant 0 : i32
      %get3A_192 = arith.index_cast %get3A_191 : i32 to index
      %get3A_193 = memref.load %arg19[%get3A_192] : memref<16xf32, #tpu.memory_space<smem>>
      %convert_element_type3A = arith.fptosi %get3A_193 : f32 to i32
      %mul3A_194 = arith.muli %convert_element_type3A, %convert_element_type3A : i32
      %scan3A_195 = arith.constant 0 : i32
      %scan3A_196 = arith.constant 0 : i32
      %scan3A_197 = arith.constant 32 : i32
      %scan3A_198 = arith.addi %scan3A_196, %scan3A_197 : i32
      %scan3A_199 = arith.constant 1 : i32
      scf.for %scan3A_213 = %scan3A_196 to %scan3A_198 step %scan3A_199  : i32 {
        %mul3A_214 = arith.constant 48 : i32
        %mul3A_215 = arith.muli %scan3A_213, %mul3A_214 : i32
        %add3A_216 = vector.broadcast %mul3A_215 : i32 to vector<16xi32>
        %add3A_217 = arith.addi %mul3A_3, %add3A_216 : vector<16xi32>
        %mul3A_218 = arith.constant 48 : i32
        %mul3A_219 = arith.muli %scan3A_213, %mul3A_218 : i32
        %add3A_220 = arith.constant 1 : i32
        %add3A_221 = arith.addi %mul3A_219, %add3A_220 : i32
        %add3A_222 = vector.broadcast %add3A_221 : i32 to vector<16xi32>
        %add3A_223 = arith.addi %mul3A_3, %add3A_222 : vector<16xi32>
        %mul3A_224 = arith.constant 48 : i32
        %mul3A_225 = arith.muli %scan3A_213, %mul3A_224 : i32
        %add3A_226 = arith.constant 2 : i32
        %add3A_227 = arith.addi %mul3A_225, %add3A_226 : i32
        %add3A_228 = vector.broadcast %add3A_227 : i32 to vector<16xi32>
        %add3A_229 = arith.addi %mul3A_3, %add3A_228 : vector<16xi32>
        %shift_right_arithmetic3A = arith.constant 7 : i32
        %shift_right_arithmetic3A_230 = vector.broadcast %shift_right_arithmetic3A : i32 to vector<16xi32>
        %shift_right_arithmetic3A_231 = arith.shrsi %add3A_217, %shift_right_arithmetic3A_230 : vector<16xi32>
        %and3A = arith.constant 127 : i32
        %and3A_232 = vector.broadcast %and3A : i32 to vector<16xi32>
        %and3A_233 = arith.andi %add3A_217, %and3A_232 : vector<16xi32>
        %gather3A = tpu.vector_load_idx %arg8[%shift_right_arithmetic3A_231, %and3A_233] : memref<12x128xf32, #tpu.memory_space<vmem>>[vector<16xi32>, vector<16xi32>], vector<16xf32>,
        %shift_right_arithmetic3A_234 = arith.constant 7 : i32
        %shift_right_arithmetic3A_235 = vector.broadcast %shift_right_arithmetic3A_234 : i32 to vector<16xi32>
        %shift_right_arithmetic3A_236 = arith.shrsi %add3A_223, %shift_right_arithmetic3A_235 : vector<16xi32>
        %and3A_237 = arith.constant 127 : i32
        %and3A_238 = vector.broadcast %and3A_237 : i32 to vector<16xi32>
        %and3A_239 = arith.andi %add3A_223, %and3A_238 : vector<16xi32>
        %gather3A_240 = tpu.vector_load_idx %arg8[%shift_right_arithmetic3A_236, %and3A_239] : memref<12x128xf32, #tpu.memory_space<vmem>>[vector<16xi32>, vector<16xi32>], vector<16xf32>,
        %shift_right_arithmetic3A_241 = arith.constant 7 : i32
        %shift_right_arithmetic3A_242 = vector.broadcast %shift_right_arithmetic3A_241 : i32 to vector<16xi32>
        %shift_right_arithmetic3A_243 = arith.shrsi %add3A_229, %shift_right_arithmetic3A_242 : vector<16xi32>
        %and3A_244 = arith.constant 127 : i32
        %and3A_245 = vector.broadcast %and3A_244 : i32 to vector<16xi32>
        %and3A_246 = arith.andi %add3A_229, %and3A_245 : vector<16xi32>
        %gather3A_247 = tpu.vector_load_idx %arg8[%shift_right_arithmetic3A_243, %and3A_246] : memref<12x128xf32, #tpu.memory_space<vmem>>[vector<16xi32>, vector<16xi32>], vector<16xf32>,
        %mul3A_248 = vector.broadcast %get3A_190 : f32 to vector<16xf32>
        %mul3A_249 = arith.mulf %gather3A, %mul3A_248 : vector<16xf32>
        %convert_element_type3A_250 = arith.fptosi %mul3A_249 : vector<16xf32> to vector<16xi32>
        %mul3A_251 = vector.broadcast %get3A_190 : f32 to vector<16xf32>
        %mul3A_252 = arith.mulf %gather3A_240, %mul3A_251 : vector<16xf32>
        %convert_element_type3A_253 = arith.fptosi %mul3A_252 : vector<16xf32> to vector<16xi32>
        %mul3A_254 = vector.broadcast %get3A_190 : f32 to vector<16xf32>
        %mul3A_255 = arith.mulf %gather3A_247, %mul3A_254 : vector<16xf32>
        %convert_element_type3A_256 = arith.fptosi %mul3A_255 : vector<16xf32> to vector<16xi32>
        %mul3A_257 = vector.broadcast %get3A_190 : f32 to vector<16xf32>
        %mul3A_258 = arith.mulf %gather3A, %mul3A_257 : vector<16xf32>
        %convert_element_type3A_259 = arith.sitofp %convert_element_type3A_250 : vector<16xi32> to vector<16xf32>
        %sub3A = arith.subf %mul3A_258, %convert_element_type3A_259 : vector<16xf32>
        %mul3A_260 = vector.broadcast %get3A_190 : f32 to vector<16xf32>
        %mul3A_261 = arith.mulf %gather3A_240, %mul3A_260 : vector<16xf32>
        %convert_element_type3A_262 = arith.sitofp %convert_element_type3A_253 : vector<16xi32> to vector<16xf32>
        %sub3A_263 = arith.subf %mul3A_261, %convert_element_type3A_262 : vector<16xf32>
        %mul3A_264 = vector.broadcast %get3A_190 : f32 to vector<16xf32>
        %mul3A_265 = arith.mulf %gather3A_247, %mul3A_264 : vector<16xf32>
        %convert_element_type3A_266 = arith.sitofp %convert_element_type3A_256 : vector<16xi32> to vector<16xf32>
        %sub3A_267 = arith.subf %mul3A_265, %convert_element_type3A_266 : vector<16xf32>
        %sub3A_268 = arith.constant 1.000000e+00 : f32
        %sub3A_269 = vector.broadcast %sub3A_268 : f32 to vector<16xf32>
        %sub3A_270 = arith.subf %sub3A_269, %sub3A : vector<16xf32>
        %sub3A_271 = arith.constant 1.000000e+00 : f32
        %sub3A_272 = vector.broadcast %sub3A_271 : f32 to vector<16xf32>
        %sub3A_273 = arith.subf %sub3A_272, %sub3A_263 : vector<16xf32>
        %sub3A_274 = arith.constant 1.000000e+00 : f32
        %sub3A_275 = vector.broadcast %sub3A_274 : f32 to vector<16xf32>
        %sub3A_276 = arith.subf %sub3A_275, %sub3A_267 : vector<16xf32>
        %add3A_277 = arith.constant 1 : i32
        %add3A_278 = vector.broadcast %add3A_277 : i32 to vector<16xi32>
        %add3A_279 = arith.addi %convert_element_type3A_250, %add3A_278 : vector<16xi32>
        %mul3A_280 = arith.constant -1640531535 : i32
        %mul3A_281 = vector.broadcast %mul3A_280 : i32 to vector<16xi32>
        %mul3A_282 = arith.muli %convert_element_type3A_253, %mul3A_281 : vector<16xi32>
        %add3A_283 = arith.constant -1640531535 : i32
        %add3A_284 = vector.broadcast %add3A_283 : i32 to vector<16xi32>
        %add3A_285 = arith.addi %mul3A_282, %add3A_284 : vector<16xi32>
        %mul3A_286 = arith.constant 805459861 : i32
        %mul3A_287 = vector.broadcast %mul3A_286 : i32 to vector<16xi32>
        %mul3A_288 = arith.muli %convert_element_type3A_256, %mul3A_287 : vector<16xi32>
        %add3A_289 = arith.constant 805459861 : i32
        %add3A_290 = vector.broadcast %add3A_289 : i32 to vector<16xi32>
        %add3A_291 = arith.addi %mul3A_288, %add3A_290 : vector<16xi32>
        %mul3A_292 = vector.broadcast %convert_element_type3A : i32 to vector<16xi32>
        %mul3A_293 = arith.muli %convert_element_type3A_253, %mul3A_292 : vector<16xi32>
        %add3A_294 = arith.addi %convert_element_type3A_250, %mul3A_293 : vector<16xi32>
        %mul3A_295 = vector.broadcast %mul3A_194 : i32 to vector<16xi32>
        %mul3A_296 = arith.muli %convert_element_type3A_256, %mul3A_295 : vector<16xi32>
        %add3A_297 = arith.addi %add3A_294, %mul3A_296 : vector<16xi32>
        %add3A_298 = arith.constant 0 : i32
        %add3A_299 = vector.broadcast %add3A_298 : i32 to vector<16xi32>
        %add3A_300 = arith.addi %add3A_297, %add3A_299 : vector<16xi32>
        %and3A_301 = arith.constant 7 : i32
        %and3A_302 = arith.andi %scan3A_213, %and3A_301 : i32
        %mul3A_303 = arith.constant 16 : i32
        %mul3A_304 = arith.muli %and3A_302, %mul3A_303 : i32
        %shift_right_arithmetic3A_305 = arith.constant 3 : i32
        %shift_right_arithmetic3A_306 = arith.shrsi %scan3A_213, %shift_right_arithmetic3A_305 : i32
        %xor3A = arith.xori %convert_element_type3A_250, %mul3A_282 : vector<16xi32>
        %xor3A_307 = arith.xori %xor3A, %mul3A_288 : vector<16xi32>
        %and3A_308 = arith.constant 524287 : i32
        %and3A_309 = vector.broadcast %and3A_308 : i32 to vector<16xi32>
        %and3A_310 = arith.andi %xor3A_307, %and3A_309 : vector<16xi32>
        %add3A_311 = arith.constant 0 : i32
        %add3A_312 = vector.broadcast %add3A_311 : i32 to vector<16xi32>
        %add3A_313 = arith.addi %and3A_310, %add3A_312 : vector<16xi32>
        %mul3A_314 = arith.constant 0 : i32
        %mul3A_315 = arith.muli %convert_element_type3A, %mul3A_314 : i32
        %add3A_316 = arith.constant 0 : i32
        %add3A_317 = arith.addi %add3A_316, %mul3A_315 : i32
        %mul3A_318 = arith.constant 0 : i32
        %mul3A_319 = arith.muli %mul3A_194, %mul3A_318 : i32
        %add3A_320 = arith.addi %add3A_317, %mul3A_319 : i32
        %add3A_321 = vector.broadcast %add3A_320 : i32 to vector<16xi32>
        %add3A_322 = arith.addi %add3A_300, %add3A_321 : vector<16xi32>
        %jit3A = arith.constant true
        %select_n3A = arith.select %jit3A, %add3A_322, %add3A_313 : vector<16xi32>
        %mul3A_323 = arith.mulf %sub3A_270, %sub3A_273 : vector<16xf32>
        %mul3A_324 = arith.mulf %mul3A_323, %sub3A_276 : vector<16xf32>
        %add3A_325 = arith.constant 0 : i32
        %add3A_326 = arith.addi %add3A_325, %shift_right_arithmetic3A_306 : i32
        %swap3A_327 = arith.index_cast %add3A_326 : i32 to index
        %swap3A_328 = arith.index_cast %mul3A_304 : i32 to index
        %swap3A_329 = tpu.vector_load %arg10[%swap3A_327, %swap3A_328] {strides = array<i32>} : memref<32x128xi32, #tpu.memory_space<vmem>>, vector<16xi32>,
        tpu.vector_store %arg10[%swap3A_327, %swap3A_328], %select_n3A {strides = array<i32>} : memref<32x128xi32, #tpu.memory_space<vmem>>, vector<16xi32>,
        %mul3A_330 = arith.constant 16 : i32
        %mul3A_331 = arith.muli %scan3A_213, %mul3A_330 : i32
        %add3A_332 = arith.constant 0 : i32
        %add3A_333 = arith.addi %add3A_332, %mul3A_331 : i32
        %swap3A_334 = arith.index_cast %add3A_333 : i32 to index
        %swap3A_335 = tpu.vector_load %arg14[%swap3A_334] {strides = array<i32>} : memref<4096xf32, #tpu.memory_space<vmem>>, vector<16xf32>,
        tpu.vector_store %arg14[%swap3A_334], %mul3A_324 {strides = array<i32>} : memref<4096xf32, #tpu.memory_space<vmem>>, vector<16xf32>,
        %xor3A_336 = arith.xori %add3A_279, %mul3A_282 : vector<16xi32>
        %xor3A_337 = arith.xori %xor3A_336, %mul3A_288 : vector<16xi32>
        %and3A_338 = arith.constant 524287 : i32
        %and3A_339 = vector.broadcast %and3A_338 : i32 to vector<16xi32>
        %and3A_340 = arith.andi %xor3A_337, %and3A_339 : vector<16xi32>
        %add3A_341 = arith.constant 0 : i32
        %add3A_342 = vector.broadcast %add3A_341 : i32 to vector<16xi32>
        %add3A_343 = arith.addi %and3A_340, %add3A_342 : vector<16xi32>
        %mul3A_344 = arith.constant 0 : i32
        %mul3A_345 = arith.muli %convert_element_type3A, %mul3A_344 : i32
        %add3A_346 = arith.constant 1 : i32
        %add3A_347 = arith.addi %add3A_346, %mul3A_345 : i32
        %mul3A_348 = arith.constant 0 : i32
        %mul3A_349 = arith.muli %mul3A_194, %mul3A_348 : i32
        %add3A_350 = arith.addi %add3A_347, %mul3A_349 : i32
        %add3A_351 = vector.broadcast %add3A_350 : i32 to vector<16xi32>
        %add3A_352 = arith.addi %add3A_300, %add3A_351 : vector<16xi32>
        %jit3A_353 = arith.constant true
        %select_n3A_354 = arith.select %jit3A_353, %add3A_352, %add3A_343 : vector<16xi32>
        %mul3A_355 = arith.mulf %sub3A, %sub3A_273 : vector<16xf32>
        %mul3A_356 = arith.mulf %mul3A_355, %sub3A_276 : vector<16xf32>
        %add3A_357 = arith.constant 4 : i32
        %add3A_358 = arith.addi %add3A_357, %shift_right_arithmetic3A_306 : i32
        %swap3A_359 = arith.index_cast %add3A_358 : i32 to index
        %swap3A_360 = arith.index_cast %mul3A_304 : i32 to index
        %swap3A_361 = tpu.vector_load %arg10[%swap3A_359, %swap3A_360] {strides = array<i32>} : memref<32x128xi32, #tpu.memory_space<vmem>>, vector<16xi32>,
        tpu.vector_store %arg10[%swap3A_359, %swap3A_360], %select_n3A_354 {strides = array<i32>} : memref<32x128xi32, #tpu.memory_space<vmem>>, vector<16xi32>,
        %mul3A_362 = arith.constant 16 : i32
        %mul3A_363 = arith.muli %scan3A_213, %mul3A_362 : i32
        %add3A_364 = arith.constant 512 : i32
        %add3A_365 = arith.addi %add3A_364, %mul3A_363 : i32
        %swap3A_366 = arith.index_cast %add3A_365 : i32 to index
        %swap3A_367 = tpu.vector_load %arg14[%swap3A_366] {strides = array<i32>} : memref<4096xf32, #tpu.memory_space<vmem>>, vector<16xf32>,
        tpu.vector_store %arg14[%swap3A_366], %mul3A_356 {strides = array<i32>} : memref<4096xf32, #tpu.memory_space<vmem>>, vector<16xf32>,
        %xor3A_368 = arith.xori %convert_element_type3A_250, %add3A_285 : vector<16xi32>
        %xor3A_369 = arith.xori %xor3A_368, %mul3A_288 : vector<16xi32>
        %and3A_370 = arith.constant 524287 : i32
        %and3A_371 = vector.broadcast %and3A_370 : i32 to vector<16xi32>
        %and3A_372 = arith.andi %xor3A_369, %and3A_371 : vector<16xi32>
        %add3A_373 = arith.constant 0 : i32
        %add3A_374 = vector.broadcast %add3A_373 : i32 to vector<16xi32>
        %add3A_375 = arith.addi %and3A_372, %add3A_374 : vector<16xi32>
        %mul3A_376 = arith.constant 1 : i32
        %mul3A_377 = arith.muli %convert_element_type3A, %mul3A_376 : i32
        %add3A_378 = arith.constant 0 : i32
        %add3A_379 = arith.addi %add3A_378, %mul3A_377 : i32
        %mul3A_380 = arith.constant 0 : i32
        %mul3A_381 = arith.muli %mul3A_194, %mul3A_380 : i32
        %add3A_382 = arith.addi %add3A_379, %mul3A_381 : i32
        %add3A_383 = vector.broadcast %add3A_382 : i32 to vector<16xi32>
        %add3A_384 = arith.addi %add3A_300, %add3A_383 : vector<16xi32>
        %jit3A_385 = arith.constant true
        %select_n3A_386 = arith.select %jit3A_385, %add3A_384, %add3A_375 : vector<16xi32>
        %mul3A_387 = arith.mulf %sub3A_270, %sub3A_263 : vector<16xf32>
        %mul3A_388 = arith.mulf %mul3A_387, %sub3A_276 : vector<16xf32>
        %add3A_389 = arith.constant 8 : i32
        %add3A_390 = arith.addi %add3A_389, %shift_right_arithmetic3A_306 : i32
        %swap3A_391 = arith.index_cast %add3A_390 : i32 to index
        %swap3A_392 = arith.index_cast %mul3A_304 : i32 to index
        %swap3A_393 = tpu.vector_load %arg10[%swap3A_391, %swap3A_392] {strides = array<i32>} : memref<32x128xi32, #tpu.memory_space<vmem>>, vector<16xi32>,
        tpu.vector_store %arg10[%swap3A_391, %swap3A_392], %select_n3A_386 {strides = array<i32>} : memref<32x128xi32, #tpu.memory_space<vmem>>, vector<16xi32>,
        %mul3A_394 = arith.constant 16 : i32
        %mul3A_395 = arith.muli %scan3A_213, %mul3A_394 : i32
        %add3A_396 = arith.constant 1024 : i32
        %add3A_397 = arith.addi %add3A_396, %mul3A_395 : i32
        %swap3A_398 = arith.index_cast %add3A_397 : i32 to index
        %swap3A_399 = tpu.vector_load %arg14[%swap3A_398] {strides = array<i32>} : memref<4096xf32, #tpu.memory_space<vmem>>, vector<16xf32>,
        tpu.vector_store %arg14[%swap3A_398], %mul3A_388 {strides = array<i32>} : memref<4096xf32, #tpu.memory_space<vmem>>, vector<16xf32>,
        %xor3A_400 = arith.xori %add3A_279, %add3A_285 : vector<16xi32>
        %xor3A_401 = arith.xori %xor3A_400, %mul3A_288 : vector<16xi32>
        %and3A_402 = arith.constant 524287 : i32
        %and3A_403 = vector.broadcast %and3A_402 : i32 to vector<16xi32>
        %and3A_404 = arith.andi %xor3A_401, %and3A_403 : vector<16xi32>
        %add3A_405 = arith.constant 0 : i32
        %add3A_406 = vector.broadcast %add3A_405 : i32 to vector<16xi32>
        %add3A_407 = arith.addi %and3A_404, %add3A_406 : vector<16xi32>
        %mul3A_408 = arith.constant 1 : i32
        %mul3A_409 = arith.muli %convert_element_type3A, %mul3A_408 : i32
        %add3A_410 = arith.constant 1 : i32
        %add3A_411 = arith.addi %add3A_410, %mul3A_409 : i32
        %mul3A_412 = arith.constant 0 : i32
        %mul3A_413 = arith.muli %mul3A_194, %mul3A_412 : i32
        %add3A_414 = arith.addi %add3A_411, %mul3A_413 : i32
        %add3A_415 = vector.broadcast %add3A_414 : i32 to vector<16xi32>
        %add3A_416 = arith.addi %add3A_300, %add3A_415 : vector<16xi32>
        %jit3A_417 = arith.constant true
        %select_n3A_418 = arith.select %jit3A_417, %add3A_416, %add3A_407 : vector<16xi32>
        %mul3A_419 = arith.mulf %sub3A, %sub3A_263 : vector<16xf32>
        %mul3A_420 = arith.mulf %mul3A_419, %sub3A_276 : vector<16xf32>
        %add3A_421 = arith.constant 12 : i32
        %add3A_422 = arith.addi %add3A_421, %shift_right_arithmetic3A_306 : i32
        %swap3A_423 = arith.index_cast %add3A_422 : i32 to index
        %swap3A_424 = arith.index_cast %mul3A_304 : i32 to index
        %swap3A_425 = tpu.vector_load %arg10[%swap3A_423, %swap3A_424] {strides = array<i32>} : memref<32x128xi32, #tpu.memory_space<vmem>>, vector<16xi32>,
        tpu.vector_store %arg10[%swap3A_423, %swap3A_424], %select_n3A_418 {strides = array<i32>} : memref<32x128xi32, #tpu.memory_space<vmem>>, vector<16xi32>,
        %mul3A_426 = arith.constant 16 : i32
        %mul3A_427 = arith.muli %scan3A_213, %mul3A_426 : i32
        %add3A_428 = arith.constant 1536 : i32
        %add3A_429 = arith.addi %add3A_428, %mul3A_427 : i32
        %swap3A_430 = arith.index_cast %add3A_429 : i32 to index
        %swap3A_431 = tpu.vector_load %arg14[%swap3A_430] {strides = array<i32>} : memref<4096xf32, #tpu.memory_space<vmem>>, vector<16xf32>,
        tpu.vector_store %arg14[%swap3A_430], %mul3A_420 {strides = array<i32>} : memref<4096xf32, #tpu.memory_space<vmem>>, vector<16xf32>,
        %xor3A_432 = arith.xori %convert_element_type3A_250, %mul3A_282 : vector<16xi32>
        %xor3A_433 = arith.xori %xor3A_432, %add3A_291 : vector<16xi32>
        %and3A_434 = arith.constant 524287 : i32
        %and3A_435 = vector.broadcast %and3A_434 : i32 to vector<16xi32>
        %and3A_436 = arith.andi %xor3A_433, %and3A_435 : vector<16xi32>
        %add3A_437 = arith.constant 0 : i32
        %add3A_438 = vector.broadcast %add3A_437 : i32 to vector<16xi32>
        %add3A_439 = arith.addi %and3A_436, %add3A_438 : vector<16xi32>
        %mul3A_440 = arith.constant 0 : i32
        %mul3A_441 = arith.muli %convert_element_type3A, %mul3A_440 : i32
        %add3A_442 = arith.constant 0 : i32
        %add3A_443 = arith.addi %add3A_442, %mul3A_441 : i32
        %mul3A_444 = arith.constant 1 : i32
        %mul3A_445 = arith.muli %mul3A_194, %mul3A_444 : i32
        %add3A_446 = arith.addi %add3A_443, %mul3A_445 : i32
        %add3A_447 = vector.broadcast %add3A_446 : i32 to vector<16xi32>
        %add3A_448 = arith.addi %add3A_300, %add3A_447 : vector<16xi32>
        %jit3A_449 = arith.constant true
        %select_n3A_450 = arith.select %jit3A_449, %add3A_448, %add3A_439 : vector<16xi32>
        %mul3A_451 = arith.mulf %sub3A_270, %sub3A_273 : vector<16xf32>
        %mul3A_452 = arith.mulf %mul3A_451, %sub3A_267 : vector<16xf32>
        %add3A_453 = arith.constant 16 : i32
        %add3A_454 = arith.addi %add3A_453, %shift_right_arithmetic3A_306 : i32
        %swap3A_455 = arith.index_cast %add3A_454 : i32 to index
        %swap3A_456 = arith.index_cast %mul3A_304 : i32 to index
        %swap3A_457 = tpu.vector_load %arg10[%swap3A_455, %swap3A_456] {strides = array<i32>} : memref<32x128xi32, #tpu.memory_space<vmem>>, vector<16xi32>,
        tpu.vector_store %arg10[%swap3A_455, %swap3A_456], %select_n3A_450 {strides = array<i32>} : memref<32x128xi32, #tpu.memory_space<vmem>>, vector<16xi32>,
        %mul3A_458 = arith.constant 16 : i32
        %mul3A_459 = arith.muli %scan3A_213, %mul3A_458 : i32
        %add3A_460 = arith.constant 2048 : i32
        %add3A_461 = arith.addi %add3A_460, %mul3A_459 : i32
        %swap3A_462 = arith.index_cast %add3A_461 : i32 to index
        %swap3A_463 = tpu.vector_load %arg14[%swap3A_462] {strides = array<i32>} : memref<4096xf32, #tpu.memory_space<vmem>>, vector<16xf32>,
        tpu.vector_store %arg14[%swap3A_462], %mul3A_452 {strides = array<i32>} : memref<4096xf32, #tpu.memory_space<vmem>>, vector<16xf32>,
        %xor3A_464 = arith.xori %add3A_279, %mul3A_282 : vector<16xi32>
        %xor3A_465 = arith.xori %xor3A_464, %add3A_291 : vector<16xi32>
        %and3A_466 = arith.constant 524287 : i32
        %and3A_467 = vector.broadcast %and3A_466 : i32 to vector<16xi32>
        %and3A_468 = arith.andi %xor3A_465, %and3A_467 : vector<16xi32>
        %add3A_469 = arith.constant 0 : i32
        %add3A_470 = vector.broadcast %add3A_469 : i32 to vector<16xi32>
        %add3A_471 = arith.addi %and3A_468, %add3A_470 : vector<16xi32>
        %mul3A_472 = arith.constant 0 : i32
        %mul3A_473 = arith.muli %convert_element_type3A, %mul3A_472 : i32
        %add3A_474 = arith.constant 1 : i32
        %add3A_475 = arith.addi %add3A_474, %mul3A_473 : i32
        %mul3A_476 = arith.constant 1 : i32
        %mul3A_477 = arith.muli %mul3A_194, %mul3A_476 : i32
        %add3A_478 = arith.addi %add3A_475, %mul3A_477 : i32
        %add3A_479 = vector.broadcast %add3A_478 : i32 to vector<16xi32>
        %add3A_480 = arith.addi %add3A_300, %add3A_479 : vector<16xi32>
        %jit3A_481 = arith.constant true
        %select_n3A_482 = arith.select %jit3A_481, %add3A_480, %add3A_471 : vector<16xi32>
        %mul3A_483 = arith.mulf %sub3A, %sub3A_273 : vector<16xf32>
        %mul3A_484 = arith.mulf %mul3A_483, %sub3A_267 : vector<16xf32>
        %add3A_485 = arith.constant 20 : i32
        %add3A_486 = arith.addi %add3A_485, %shift_right_arithmetic3A_306 : i32
        %swap3A_487 = arith.index_cast %add3A_486 : i32 to index
        %swap3A_488 = arith.index_cast %mul3A_304 : i32 to index
        %swap3A_489 = tpu.vector_load %arg10[%swap3A_487, %swap3A_488] {strides = array<i32>} : memref<32x128xi32, #tpu.memory_space<vmem>>, vector<16xi32>,
        tpu.vector_store %arg10[%swap3A_487, %swap3A_488], %select_n3A_482 {strides = array<i32>} : memref<32x128xi32, #tpu.memory_space<vmem>>, vector<16xi32>,
        %mul3A_490 = arith.constant 16 : i32
        %mul3A_491 = arith.muli %scan3A_213, %mul3A_490 : i32
        %add3A_492 = arith.constant 2560 : i32
        %add3A_493 = arith.addi %add3A_492, %mul3A_491 : i32
        %swap3A_494 = arith.index_cast %add3A_493 : i32 to index
        %swap3A_495 = tpu.vector_load %arg14[%swap3A_494] {strides = array<i32>} : memref<4096xf32, #tpu.memory_space<vmem>>, vector<16xf32>,
        tpu.vector_store %arg14[%swap3A_494], %mul3A_484 {strides = array<i32>} : memref<4096xf32, #tpu.memory_space<vmem>>, vector<16xf32>,
        %xor3A_496 = arith.xori %convert_element_type3A_250, %add3A_285 : vector<16xi32>
        %xor3A_497 = arith.xori %xor3A_496, %add3A_291 : vector<16xi32>
        %and3A_498 = arith.constant 524287 : i32
        %and3A_499 = vector.broadcast %and3A_498 : i32 to vector<16xi32>
        %and3A_500 = arith.andi %xor3A_497, %and3A_499 : vector<16xi32>
        %add3A_501 = arith.constant 0 : i32
        %add3A_502 = vector.broadcast %add3A_501 : i32 to vector<16xi32>
        %add3A_503 = arith.addi %and3A_500, %add3A_502 : vector<16xi32>
        %mul3A_504 = arith.constant 1 : i32
        %mul3A_505 = arith.muli %convert_element_type3A, %mul3A_504 : i32
        %add3A_506 = arith.constant 0 : i32
        %add3A_507 = arith.addi %add3A_506, %mul3A_505 : i32
        %mul3A_508 = arith.constant 1 : i32
        %mul3A_509 = arith.muli %mul3A_194, %mul3A_508 : i32
        %add3A_510 = arith.addi %add3A_507, %mul3A_509 : i32
        %add3A_511 = vector.broadcast %add3A_510 : i32 to vector<16xi32>
        %add3A_512 = arith.addi %add3A_300, %add3A_511 : vector<16xi32>
        %jit3A_513 = arith.constant true
        %select_n3A_514 = arith.select %jit3A_513, %add3A_512, %add3A_503 : vector<16xi32>
        %mul3A_515 = arith.mulf %sub3A_270, %sub3A_263 : vector<16xf32>
        %mul3A_516 = arith.mulf %mul3A_515, %sub3A_267 : vector<16xf32>
        %add3A_517 = arith.constant 24 : i32
        %add3A_518 = arith.addi %add3A_517, %shift_right_arithmetic3A_306 : i32
        %swap3A_519 = arith.index_cast %add3A_518 : i32 to index
        %swap3A_520 = arith.index_cast %mul3A_304 : i32 to index
        %swap3A_521 = tpu.vector_load %arg10[%swap3A_519, %swap3A_520] {strides = array<i32>} : memref<32x128xi32, #tpu.memory_space<vmem>>, vector<16xi32>,
        tpu.vector_store %arg10[%swap3A_519, %swap3A_520], %select_n3A_514 {strides = array<i32>} : memref<32x128xi32, #tpu.memory_space<vmem>>, vector<16xi32>,
        %mul3A_522 = arith.constant 16 : i32
        %mul3A_523 = arith.muli %scan3A_213, %mul3A_522 : i32
        %add3A_524 = arith.constant 3072 : i32
        %add3A_525 = arith.addi %add3A_524, %mul3A_523 : i32
        %swap3A_526 = arith.index_cast %add3A_525 : i32 to index
        %swap3A_527 = tpu.vector_load %arg14[%swap3A_526] {strides = array<i32>} : memref<4096xf32, #tpu.memory_space<vmem>>, vector<16xf32>,
        tpu.vector_store %arg14[%swap3A_526], %mul3A_516 {strides = array<i32>} : memref<4096xf32, #tpu.memory_space<vmem>>, vector<16xf32>,
        %xor3A_528 = arith.xori %add3A_279, %add3A_285 : vector<16xi32>
        %xor3A_529 = arith.xori %xor3A_528, %add3A_291 : vector<16xi32>
        %and3A_530 = arith.constant 524287 : i32
        %and3A_531 = vector.broadcast %and3A_530 : i32 to vector<16xi32>
        %and3A_532 = arith.andi %xor3A_529, %and3A_531 : vector<16xi32>
        %add3A_533 = arith.constant 0 : i32
        %add3A_534 = vector.broadcast %add3A_533 : i32 to vector<16xi32>
        %add3A_535 = arith.addi %and3A_532, %add3A_534 : vector<16xi32>
        %mul3A_536 = arith.constant 1 : i32
        %mul3A_537 = arith.muli %convert_element_type3A, %mul3A_536 : i32
        %add3A_538 = arith.constant 1 : i32
        %add3A_539 = arith.addi %add3A_538, %mul3A_537 : i32
        %mul3A_540 = arith.constant 1 : i32
        %mul3A_541 = arith.muli %mul3A_194, %mul3A_540 : i32
        %add3A_542 = arith.addi %add3A_539, %mul3A_541 : i32
        %add3A_543 = vector.broadcast %add3A_542 : i32 to vector<16xi32>
        %add3A_544 = arith.addi %add3A_300, %add3A_543 : vector<16xi32>
        %jit3A_545 = arith.constant true
        %select_n3A_546 = arith.select %jit3A_545, %add3A_544, %add3A_535 : vector<16xi32>
        %mul3A_547 = arith.mulf %sub3A, %sub3A_263 : vector<16xf32>
        %mul3A_548 = arith.mulf %mul3A_547, %sub3A_267 : vector<16xf32>
        %add3A_549 = arith.constant 28 : i32
        %add3A_550 = arith.addi %add3A_549, %shift_right_arithmetic3A_306 : i32
        %swap3A_551 = arith.index_cast %add3A_550 : i32 to index
        %swap3A_552 = arith.index_cast %mul3A_304 : i32 to index
        %swap3A_553 = tpu.vector_load %arg10[%swap3A_551, %swap3A_552] {strides = array<i32>} : memref<32x128xi32, #tpu.memory_space<vmem>>, vector<16xi32>,
        tpu.vector_store %arg10[%swap3A_551, %swap3A_552], %select_n3A_546 {strides = array<i32>} : memref<32x128xi32, #tpu.memory_space<vmem>>, vector<16xi32>,
        %mul3A_554 = arith.constant 16 : i32
        %mul3A_555 = arith.muli %scan3A_213, %mul3A_554 : i32
        %add3A_556 = arith.constant 3584 : i32
        %add3A_557 = arith.addi %add3A_556, %mul3A_555 : i32
        %swap3A_558 = arith.index_cast %add3A_557 : i32 to index
        %swap3A_559 = tpu.vector_load %arg14[%swap3A_558] {strides = array<i32>} : memref<4096xf32, #tpu.memory_space<vmem>>, vector<16xf32>,
        tpu.vector_store %arg14[%swap3A_558], %mul3A_548 {strides = array<i32>} : memref<4096xf32, #tpu.memory_space<vmem>>, vector<16xf32>,
      }
      %scan3A_200 = arith.constant 32 : i32
      %scan3A_201 = arith.constant 0 : i32
      %scan3A_202 = arith.constant 0 : i32
      %scan3A_203 = arith.constant 32 : i32
      %scan3A_204 = arith.addi %scan3A_202, %scan3A_203 : i32
      %scan3A_205 = arith.constant 1 : i32
      scf.for %scan3A_213 = %scan3A_202 to %scan3A_204 step %scan3A_205  : i32 {
        %mul3A_214 = arith.constant 128 : i32
        %mul3A_215 = arith.muli %scan3A_213, %mul3A_214 : i32
        %dma_start3A = arith.constant 0 : i32
        %dma_start3A_216 = tpu.memref_slice %arg12[%mul3A_215, %dma_start3A] : memref<4096x8xf32, #tpu.memory_space<vmem>> -> memref<128x8xf32, #tpu.memory_space<vmem>>
        %dma_start3A_217 = arith.constant 0 : i32
        %dma_start3A_218 = tpu.memref_slice %arg10[%scan3A_213, %dma_start3A_217] : memref<32x128xi32, #tpu.memory_space<vmem>> -> memref<1x128xi32, #tpu.memory_space<vmem>>
        %dma_start3A_219 = tpu.memref_squeeze %dma_start3A_218 : memref<1x128xi32, #tpu.memory_space<vmem>> -> memref<128xi32, #tpu.memory_space<vmem>>
        %dma_start3A_220 = arith.constant 0 : i32
        %dma_start3A_221 = arith.constant 0 : i32
        %dma_start3A_222 = tpu.memref_slice %arg2[%dma_start3A_220, %dma_start3A_221] : memref<8388608x8xf32, #tpu.memory_space<hbm>> -> memref<8388608x8xf32, #tpu.memory_space<hbm>>
        tpu.enqueue_indirect_dma source(%dma_start3A_222 : memref<8388608x8xf32, #tpu.memory_space<hbm>>) target(%dma_start3A_216 : memref<128x8xf32, #tpu.memory_space<vmem>>) offsets(%dma_start3A_219 : memref<128xi32, #tpu.memory_space<vmem>>) semaphore(%arg20 : memref<!tpu.dma_semaphore, #tpu.memory_space<semaphore_mem>>)
      }
      %scan3A_206 = arith.constant 32 : i32
      %scan3A_207 = arith.constant 0 : i32
      %scan3A_208 = arith.constant 0 : i32
      %scan3A_209 = arith.constant 8 : i32
      %scan3A_210 = arith.addi %scan3A_208, %scan3A_209 : i32
      %scan3A_211 = arith.constant 1 : i32
      scf.for %scan3A_213 = %scan3A_208 to %scan3A_210 step %scan3A_211  : i32 {
        %mul3A_214 = arith.constant 2 : i32
        %mul3A_215 = arith.muli %mul3A_214, %scan3A_213 : i32
        %add3A_216 = arith.constant 1 : i32
        %add3A_217 = arith.addi %mul3A_215, %add3A_216 : i32
        %get3A_218 = arith.index_cast %add3A_217 : i32 to index
        %get3A_219 = memref.load %arg18[%get3A_218] : memref<16xf32, #tpu.memory_space<smem>>
        %get3A_220 = arith.index_cast %add3A_217 : i32 to index
        %get3A_221 = memref.load %arg19[%get3A_220] : memref<16xf32, #tpu.memory_space<smem>>
        %convert_element_type3A_222 = arith.fptosi %get3A_221 : f32 to i32
        %mul3A_223 = arith.muli %convert_element_type3A_222, %convert_element_type3A_222 : i32
        %mul3A_224 = arith.constant 524288 : i32
        %mul3A_225 = arith.muli %add3A_217, %mul3A_224 : i32
        %lt3A = arith.constant 5 : i32
        %lt3A_226 = arith.cmpi slt, %add3A_217, %lt3A : i32
        %scan3A_227 = arith.constant 0 : i32
        %scan3A_228 = arith.constant 0 : i32
        %scan3A_229 = arith.constant 32 : i32
        %scan3A_230 = arith.addi %scan3A_228, %scan3A_229 : i32
        %scan3A_231 = arith.constant 1 : i32
        scf.for %scan3A_271 = %scan3A_228 to %scan3A_230 step %scan3A_231  : i32 {
          %mul3A_272 = arith.constant 48 : i32
          %mul3A_273 = arith.muli %scan3A_271, %mul3A_272 : i32
          %add3A_274 = vector.broadcast %mul3A_273 : i32 to vector<16xi32>
          %add3A_275 = arith.addi %mul3A_3, %add3A_274 : vector<16xi32>
          %mul3A_276 = arith.constant 48 : i32
          %mul3A_277 = arith.muli %scan3A_271, %mul3A_276 : i32
          %add3A_278 = arith.constant 1 : i32
          %add3A_279 = arith.addi %mul3A_277, %add3A_278 : i32
          %add3A_280 = vector.broadcast %add3A_279 : i32 to vector<16xi32>
          %add3A_281 = arith.addi %mul3A_3, %add3A_280 : vector<16xi32>
          %mul3A_282 = arith.constant 48 : i32
          %mul3A_283 = arith.muli %scan3A_271, %mul3A_282 : i32
          %add3A_284 = arith.constant 2 : i32
          %add3A_285 = arith.addi %mul3A_283, %add3A_284 : i32
          %add3A_286 = vector.broadcast %add3A_285 : i32 to vector<16xi32>
          %add3A_287 = arith.addi %mul3A_3, %add3A_286 : vector<16xi32>
          %shift_right_arithmetic3A = arith.constant 7 : i32
          %shift_right_arithmetic3A_288 = vector.broadcast %shift_right_arithmetic3A : i32 to vector<16xi32>
          %shift_right_arithmetic3A_289 = arith.shrsi %add3A_275, %shift_right_arithmetic3A_288 : vector<16xi32>
          %and3A = arith.constant 127 : i32
          %and3A_290 = vector.broadcast %and3A : i32 to vector<16xi32>
          %and3A_291 = arith.andi %add3A_275, %and3A_290 : vector<16xi32>
          %gather3A = tpu.vector_load_idx %arg8[%shift_right_arithmetic3A_289, %and3A_291] : memref<12x128xf32, #tpu.memory_space<vmem>>[vector<16xi32>, vector<16xi32>], vector<16xf32>,
          %shift_right_arithmetic3A_292 = arith.constant 7 : i32
          %shift_right_arithmetic3A_293 = vector.broadcast %shift_right_arithmetic3A_292 : i32 to vector<16xi32>
          %shift_right_arithmetic3A_294 = arith.shrsi %add3A_281, %shift_right_arithmetic3A_293 : vector<16xi32>
          %and3A_295 = arith.constant 127 : i32
          %and3A_296 = vector.broadcast %and3A_295 : i32 to vector<16xi32>
          %and3A_297 = arith.andi %add3A_281, %and3A_296 : vector<16xi32>
          %gather3A_298 = tpu.vector_load_idx %arg8[%shift_right_arithmetic3A_294, %and3A_297] : memref<12x128xf32, #tpu.memory_space<vmem>>[vector<16xi32>, vector<16xi32>], vector<16xf32>,
          %shift_right_arithmetic3A_299 = arith.constant 7 : i32
          %shift_right_arithmetic3A_300 = vector.broadcast %shift_right_arithmetic3A_299 : i32 to vector<16xi32>
          %shift_right_arithmetic3A_301 = arith.shrsi %add3A_287, %shift_right_arithmetic3A_300 : vector<16xi32>
          %and3A_302 = arith.constant 127 : i32
          %and3A_303 = vector.broadcast %and3A_302 : i32 to vector<16xi32>
          %and3A_304 = arith.andi %add3A_287, %and3A_303 : vector<16xi32>
          %gather3A_305 = tpu.vector_load_idx %arg8[%shift_right_arithmetic3A_301, %and3A_304] : memref<12x128xf32, #tpu.memory_space<vmem>>[vector<16xi32>, vector<16xi32>], vector<16xf32>,
          %mul3A_306 = vector.broadcast %get3A_219 : f32 to vector<16xf32>
          %mul3A_307 = arith.mulf %gather3A, %mul3A_306 : vector<16xf32>
          %convert_element_type3A_308 = arith.fptosi %mul3A_307 : vector<16xf32> to vector<16xi32>
          %mul3A_309 = vector.broadcast %get3A_219 : f32 to vector<16xf32>
          %mul3A_310 = arith.mulf %gather3A_298, %mul3A_309 : vector<16xf32>
          %convert_element_type3A_311 = arith.fptosi %mul3A_310 : vector<16xf32> to vector<16xi32>
          %mul3A_312 = vector.broadcast %get3A_219 : f32 to vector<16xf32>
          %mul3A_313 = arith.mulf %gather3A_305, %mul3A_312 : vector<16xf32>
          %convert_element_type3A_314 = arith.fptosi %mul3A_313 : vector<16xf32> to vector<16xi32>
          %mul3A_315 = vector.broadcast %get3A_219 : f32 to vector<16xf32>
          %mul3A_316 = arith.mulf %gather3A, %mul3A_315 : vector<16xf32>
          %convert_element_type3A_317 = arith.sitofp %convert_element_type3A_308 : vector<16xi32> to vector<16xf32>
          %sub3A = arith.subf %mul3A_316, %convert_element_type3A_317 : vector<16xf32>
          %mul3A_318 = vector.broadcast %get3A_219 : f32 to vector<16xf32>
          %mul3A_319 = arith.mulf %gather3A_298, %mul3A_318 : vector<16xf32>
          %convert_element_type3A_320 = arith.sitofp %convert_element_type3A_311 : vector<16xi32> to vector<16xf32>
          %sub3A_321 = arith.subf %mul3A_319, %convert_element_type3A_320 : vector<16xf32>
          %mul3A_322 = vector.broadcast %get3A_219 : f32 to vector<16xf32>
          %mul3A_323 = arith.mulf %gather3A_305, %mul3A_322 : vector<16xf32>
          %convert_element_type3A_324 = arith.sitofp %convert_element_type3A_314 : vector<16xi32> to vector<16xf32>
          %sub3A_325 = arith.subf %mul3A_323, %convert_element_type3A_324 : vector<16xf32>
          %sub3A_326 = arith.constant 1.000000e+00 : f32
          %sub3A_327 = vector.broadcast %sub3A_326 : f32 to vector<16xf32>
          %sub3A_328 = arith.subf %sub3A_327, %sub3A : vector<16xf32>
          %sub3A_329 = arith.constant 1.000000e+00 : f32
          %sub3A_330 = vector.broadcast %sub3A_329 : f32 to vector<16xf32>
          %sub3A_331 = arith.subf %sub3A_330, %sub3A_321 : vector<16xf32>
          %sub3A_332 = arith.constant 1.000000e+00 : f32
          %sub3A_333 = vector.broadcast %sub3A_332 : f32 to vector<16xf32>
          %sub3A_334 = arith.subf %sub3A_333, %sub3A_325 : vector<16xf32>
          %add3A_335 = arith.constant 1 : i32
          %add3A_336 = vector.broadcast %add3A_335 : i32 to vector<16xi32>
          %add3A_337 = arith.addi %convert_element_type3A_308, %add3A_336 : vector<16xi32>
          %mul3A_338 = arith.constant -1640531535 : i32
          %mul3A_339 = vector.broadcast %mul3A_338 : i32 to vector<16xi32>
          %mul3A_340 = arith.muli %convert_element_type3A_311, %mul3A_339 : vector<16xi32>
          %add3A_341 = arith.constant -1640531535 : i32
          %add3A_342 = vector.broadcast %add3A_341 : i32 to vector<16xi32>
          %add3A_343 = arith.addi %mul3A_340, %add3A_342 : vector<16xi32>
          %mul3A_344 = arith.constant 805459861 : i32
          %mul3A_345 = vector.broadcast %mul3A_344 : i32 to vector<16xi32>
          %mul3A_346 = arith.muli %convert_element_type3A_314, %mul3A_345 : vector<16xi32>
          %add3A_347 = arith.constant 805459861 : i32
          %add3A_348 = vector.broadcast %add3A_347 : i32 to vector<16xi32>
          %add3A_349 = arith.addi %mul3A_346, %add3A_348 : vector<16xi32>
          %mul3A_350 = vector.broadcast %convert_element_type3A_222 : i32 to vector<16xi32>
          %mul3A_351 = arith.muli %convert_element_type3A_311, %mul3A_350 : vector<16xi32>
          %add3A_352 = arith.addi %convert_element_type3A_308, %mul3A_351 : vector<16xi32>
          %mul3A_353 = vector.broadcast %mul3A_223 : i32 to vector<16xi32>
          %mul3A_354 = arith.muli %convert_element_type3A_314, %mul3A_353 : vector<16xi32>
          %add3A_355 = arith.addi %add3A_352, %mul3A_354 : vector<16xi32>
          %add3A_356 = vector.broadcast %mul3A_225 : i32 to vector<16xi32>
          %add3A_357 = arith.addi %add3A_355, %add3A_356 : vector<16xi32>
          %and3A_358 = arith.constant 7 : i32
          %and3A_359 = arith.andi %scan3A_271, %and3A_358 : i32
          %mul3A_360 = arith.constant 16 : i32
          %mul3A_361 = arith.muli %and3A_359, %mul3A_360 : i32
          %shift_right_arithmetic3A_362 = arith.constant 3 : i32
          %shift_right_arithmetic3A_363 = arith.shrsi %scan3A_271, %shift_right_arithmetic3A_362 : i32
          %xor3A = arith.xori %convert_element_type3A_308, %mul3A_340 : vector<16xi32>
          %xor3A_364 = arith.xori %xor3A, %mul3A_346 : vector<16xi32>
          %and3A_365 = arith.constant 524287 : i32
          %and3A_366 = vector.broadcast %and3A_365 : i32 to vector<16xi32>
          %and3A_367 = arith.andi %xor3A_364, %and3A_366 : vector<16xi32>
          %add3A_368 = vector.broadcast %mul3A_225 : i32 to vector<16xi32>
          %add3A_369 = arith.addi %and3A_367, %add3A_368 : vector<16xi32>
          %mul3A_370 = arith.constant 0 : i32
          %mul3A_371 = arith.muli %convert_element_type3A_222, %mul3A_370 : i32
          %add3A_372 = arith.constant 0 : i32
          %add3A_373 = arith.addi %add3A_372, %mul3A_371 : i32
          %mul3A_374 = arith.constant 0 : i32
          %mul3A_375 = arith.muli %mul3A_223, %mul3A_374 : i32
          %add3A_376 = arith.addi %add3A_373, %mul3A_375 : i32
          %add3A_377 = vector.broadcast %add3A_376 : i32 to vector<16xi32>
          %add3A_378 = arith.addi %add3A_357, %add3A_377 : vector<16xi32>
          %select_n3A = arith.select %lt3A_226, %add3A_378, %add3A_369 : vector<16xi32>
          %mul3A_379 = arith.mulf %sub3A_328, %sub3A_331 : vector<16xf32>
          %mul3A_380 = arith.mulf %mul3A_379, %sub3A_334 : vector<16xf32>
          %add3A_381 = arith.constant 0 : i32
          %add3A_382 = arith.addi %add3A_381, %shift_right_arithmetic3A_363 : i32
          %swap3A_383 = arith.index_cast %add3A_382 : i32 to index
          %swap3A_384 = arith.index_cast %mul3A_361 : i32 to index
          %swap3A_385 = tpu.vector_load %arg11[%swap3A_383, %swap3A_384] {strides = array<i32>} : memref<32x128xi32, #tpu.memory_space<vmem>>, vector<16xi32>,
          tpu.vector_store %arg11[%swap3A_383, %swap3A_384], %select_n3A {strides = array<i32>} : memref<32x128xi32, #tpu.memory_space<vmem>>, vector<16xi32>,
          %mul3A_386 = arith.constant 16 : i32
          %mul3A_387 = arith.muli %scan3A_271, %mul3A_386 : i32
          %add3A_388 = arith.constant 0 : i32
          %add3A_389 = arith.addi %add3A_388, %mul3A_387 : i32
          %swap3A_390 = arith.index_cast %add3A_389 : i32 to index
          %swap3A_391 = tpu.vector_load %arg15[%swap3A_390] {strides = array<i32>} : memref<4096xf32, #tpu.memory_space<vmem>>, vector<16xf32>,
          tpu.vector_store %arg15[%swap3A_390], %mul3A_380 {strides = array<i32>} : memref<4096xf32, #tpu.memory_space<vmem>>, vector<16xf32>,
          %xor3A_392 = arith.xori %add3A_337, %mul3A_340 : vector<16xi32>
          %xor3A_393 = arith.xori %xor3A_392, %mul3A_346 : vector<16xi32>
          %and3A_394 = arith.constant 524287 : i32
          %and3A_395 = vector.broadcast %and3A_394 : i32 to vector<16xi32>
          %and3A_396 = arith.andi %xor3A_393, %and3A_395 : vector<16xi32>
          %add3A_397 = vector.broadcast %mul3A_225 : i32 to vector<16xi32>
          %add3A_398 = arith.addi %and3A_396, %add3A_397 : vector<16xi32>
          %mul3A_399 = arith.constant 0 : i32
          %mul3A_400 = arith.muli %convert_element_type3A_222, %mul3A_399 : i32
          %add3A_401 = arith.constant 1 : i32
          %add3A_402 = arith.addi %add3A_401, %mul3A_400 : i32
          %mul3A_403 = arith.constant 0 : i32
          %mul3A_404 = arith.muli %mul3A_223, %mul3A_403 : i32
          %add3A_405 = arith.addi %add3A_402, %mul3A_404 : i32
          %add3A_406 = vector.broadcast %add3A_405 : i32 to vector<16xi32>
          %add3A_407 = arith.addi %add3A_357, %add3A_406 : vector<16xi32>
          %select_n3A_408 = arith.select %lt3A_226, %add3A_407, %add3A_398 : vector<16xi32>
          %mul3A_409 = arith.mulf %sub3A, %sub3A_331 : vector<16xf32>
          %mul3A_410 = arith.mulf %mul3A_409, %sub3A_334 : vector<16xf32>
          %add3A_411 = arith.constant 4 : i32
          %add3A_412 = arith.addi %add3A_411, %shift_right_arithmetic3A_363 : i32
          %swap3A_413 = arith.index_cast %add3A_412 : i32 to index
          %swap3A_414 = arith.index_cast %mul3A_361 : i32 to index
          %swap3A_415 = tpu.vector_load %arg11[%swap3A_413, %swap3A_414] {strides = array<i32>} : memref<32x128xi32, #tpu.memory_space<vmem>>, vector<16xi32>,
          tpu.vector_store %arg11[%swap3A_413, %swap3A_414], %select_n3A_408 {strides = array<i32>} : memref<32x128xi32, #tpu.memory_space<vmem>>, vector<16xi32>,
          %mul3A_416 = arith.constant 16 : i32
          %mul3A_417 = arith.muli %scan3A_271, %mul3A_416 : i32
          %add3A_418 = arith.constant 512 : i32
          %add3A_419 = arith.addi %add3A_418, %mul3A_417 : i32
          %swap3A_420 = arith.index_cast %add3A_419 : i32 to index
          %swap3A_421 = tpu.vector_load %arg15[%swap3A_420] {strides = array<i32>} : memref<4096xf32, #tpu.memory_space<vmem>>, vector<16xf32>,
          tpu.vector_store %arg15[%swap3A_420], %mul3A_410 {strides = array<i32>} : memref<4096xf32, #tpu.memory_space<vmem>>, vector<16xf32>,
          %xor3A_422 = arith.xori %convert_element_type3A_308, %add3A_343 : vector<16xi32>
          %xor3A_423 = arith.xori %xor3A_422, %mul3A_346 : vector<16xi32>
          %and3A_424 = arith.constant 524287 : i32
          %and3A_425 = vector.broadcast %and3A_424 : i32 to vector<16xi32>
          %and3A_426 = arith.andi %xor3A_423, %and3A_425 : vector<16xi32>
          %add3A_427 = vector.broadcast %mul3A_225 : i32 to vector<16xi32>
          %add3A_428 = arith.addi %and3A_426, %add3A_427 : vector<16xi32>
          %mul3A_429 = arith.constant 1 : i32
          %mul3A_430 = arith.muli %convert_element_type3A_222, %mul3A_429 : i32
          %add3A_431 = arith.constant 0 : i32
          %add3A_432 = arith.addi %add3A_431, %mul3A_430 : i32
          %mul3A_433 = arith.constant 0 : i32
          %mul3A_434 = arith.muli %mul3A_223, %mul3A_433 : i32
          %add3A_435 = arith.addi %add3A_432, %mul3A_434 : i32
          %add3A_436 = vector.broadcast %add3A_435 : i32 to vector<16xi32>
          %add3A_437 = arith.addi %add3A_357, %add3A_436 : vector<16xi32>
          %select_n3A_438 = arith.select %lt3A_226, %add3A_437, %add3A_428 : vector<16xi32>
          %mul3A_439 = arith.mulf %sub3A_328, %sub3A_321 : vector<16xf32>
          %mul3A_440 = arith.mulf %mul3A_439, %sub3A_334 : vector<16xf32>
          %add3A_441 = arith.constant 8 : i32
          %add3A_442 = arith.addi %add3A_441, %shift_right_arithmetic3A_363 : i32
          %swap3A_443 = arith.index_cast %add3A_442 : i32 to index
          %swap3A_444 = arith.index_cast %mul3A_361 : i32 to index
          %swap3A_445 = tpu.vector_load %arg11[%swap3A_443, %swap3A_444] {strides = array<i32>} : memref<32x128xi32, #tpu.memory_space<vmem>>, vector<16xi32>,
          tpu.vector_store %arg11[%swap3A_443, %swap3A_444], %select_n3A_438 {strides = array<i32>} : memref<32x128xi32, #tpu.memory_space<vmem>>, vector<16xi32>,
          %mul3A_446 = arith.constant 16 : i32
          %mul3A_447 = arith.muli %scan3A_271, %mul3A_446 : i32
          %add3A_448 = arith.constant 1024 : i32
          %add3A_449 = arith.addi %add3A_448, %mul3A_447 : i32
          %swap3A_450 = arith.index_cast %add3A_449 : i32 to index
          %swap3A_451 = tpu.vector_load %arg15[%swap3A_450] {strides = array<i32>} : memref<4096xf32, #tpu.memory_space<vmem>>, vector<16xf32>,
          tpu.vector_store %arg15[%swap3A_450], %mul3A_440 {strides = array<i32>} : memref<4096xf32, #tpu.memory_space<vmem>>, vector<16xf32>,
          %xor3A_452 = arith.xori %add3A_337, %add3A_343 : vector<16xi32>
          %xor3A_453 = arith.xori %xor3A_452, %mul3A_346 : vector<16xi32>
          %and3A_454 = arith.constant 524287 : i32
          %and3A_455 = vector.broadcast %and3A_454 : i32 to vector<16xi32>
          %and3A_456 = arith.andi %xor3A_453, %and3A_455 : vector<16xi32>
          %add3A_457 = vector.broadcast %mul3A_225 : i32 to vector<16xi32>
          %add3A_458 = arith.addi %and3A_456, %add3A_457 : vector<16xi32>
          %mul3A_459 = arith.constant 1 : i32
          %mul3A_460 = arith.muli %convert_element_type3A_222, %mul3A_459 : i32
          %add3A_461 = arith.constant 1 : i32
          %add3A_462 = arith.addi %add3A_461, %mul3A_460 : i32
          %mul3A_463 = arith.constant 0 : i32
          %mul3A_464 = arith.muli %mul3A_223, %mul3A_463 : i32
          %add3A_465 = arith.addi %add3A_462, %mul3A_464 : i32
          %add3A_466 = vector.broadcast %add3A_465 : i32 to vector<16xi32>
          %add3A_467 = arith.addi %add3A_357, %add3A_466 : vector<16xi32>
          %select_n3A_468 = arith.select %lt3A_226, %add3A_467, %add3A_458 : vector<16xi32>
          %mul3A_469 = arith.mulf %sub3A, %sub3A_321 : vector<16xf32>
          %mul3A_470 = arith.mulf %mul3A_469, %sub3A_334 : vector<16xf32>
          %add3A_471 = arith.constant 12 : i32
          %add3A_472 = arith.addi %add3A_471, %shift_right_arithmetic3A_363 : i32
          %swap3A_473 = arith.index_cast %add3A_472 : i32 to index
          %swap3A_474 = arith.index_cast %mul3A_361 : i32 to index
          %swap3A_475 = tpu.vector_load %arg11[%swap3A_473, %swap3A_474] {strides = array<i32>} : memref<32x128xi32, #tpu.memory_space<vmem>>, vector<16xi32>,
          tpu.vector_store %arg11[%swap3A_473, %swap3A_474], %select_n3A_468 {strides = array<i32>} : memref<32x128xi32, #tpu.memory_space<vmem>>, vector<16xi32>,
          %mul3A_476 = arith.constant 16 : i32
          %mul3A_477 = arith.muli %scan3A_271, %mul3A_476 : i32
          %add3A_478 = arith.constant 1536 : i32
          %add3A_479 = arith.addi %add3A_478, %mul3A_477 : i32
          %swap3A_480 = arith.index_cast %add3A_479 : i32 to index
          %swap3A_481 = tpu.vector_load %arg15[%swap3A_480] {strides = array<i32>} : memref<4096xf32, #tpu.memory_space<vmem>>, vector<16xf32>,
          tpu.vector_store %arg15[%swap3A_480], %mul3A_470 {strides = array<i32>} : memref<4096xf32, #tpu.memory_space<vmem>>, vector<16xf32>,
          %xor3A_482 = arith.xori %convert_element_type3A_308, %mul3A_340 : vector<16xi32>
          %xor3A_483 = arith.xori %xor3A_482, %add3A_349 : vector<16xi32>
          %and3A_484 = arith.constant 524287 : i32
          %and3A_485 = vector.broadcast %and3A_484 : i32 to vector<16xi32>
          %and3A_486 = arith.andi %xor3A_483, %and3A_485 : vector<16xi32>
          %add3A_487 = vector.broadcast %mul3A_225 : i32 to vector<16xi32>
          %add3A_488 = arith.addi %and3A_486, %add3A_487 : vector<16xi32>
          %mul3A_489 = arith.constant 0 : i32
          %mul3A_490 = arith.muli %convert_element_type3A_222, %mul3A_489 : i32
          %add3A_491 = arith.constant 0 : i32
          %add3A_492 = arith.addi %add3A_491, %mul3A_490 : i32
          %mul3A_493 = arith.constant 1 : i32
          %mul3A_494 = arith.muli %mul3A_223, %mul3A_493 : i32
          %add3A_495 = arith.addi %add3A_492, %mul3A_494 : i32
          %add3A_496 = vector.broadcast %add3A_495 : i32 to vector<16xi32>
          %add3A_497 = arith.addi %add3A_357, %add3A_496 : vector<16xi32>
          %select_n3A_498 = arith.select %lt3A_226, %add3A_497, %add3A_488 : vector<16xi32>
          %mul3A_499 = arith.mulf %sub3A_328, %sub3A_331 : vector<16xf32>
          %mul3A_500 = arith.mulf %mul3A_499, %sub3A_325 : vector<16xf32>
          %add3A_501 = arith.constant 16 : i32
          %add3A_502 = arith.addi %add3A_501, %shift_right_arithmetic3A_363 : i32
          %swap3A_503 = arith.index_cast %add3A_502 : i32 to index
          %swap3A_504 = arith.index_cast %mul3A_361 : i32 to index
          %swap3A_505 = tpu.vector_load %arg11[%swap3A_503, %swap3A_504] {strides = array<i32>} : memref<32x128xi32, #tpu.memory_space<vmem>>, vector<16xi32>,
          tpu.vector_store %arg11[%swap3A_503, %swap3A_504], %select_n3A_498 {strides = array<i32>} : memref<32x128xi32, #tpu.memory_space<vmem>>, vector<16xi32>,
          %mul3A_506 = arith.constant 16 : i32
          %mul3A_507 = arith.muli %scan3A_271, %mul3A_506 : i32
          %add3A_508 = arith.constant 2048 : i32
          %add3A_509 = arith.addi %add3A_508, %mul3A_507 : i32
          %swap3A_510 = arith.index_cast %add3A_509 : i32 to index
          %swap3A_511 = tpu.vector_load %arg15[%swap3A_510] {strides = array<i32>} : memref<4096xf32, #tpu.memory_space<vmem>>, vector<16xf32>,
          tpu.vector_store %arg15[%swap3A_510], %mul3A_500 {strides = array<i32>} : memref<4096xf32, #tpu.memory_space<vmem>>, vector<16xf32>,
          %xor3A_512 = arith.xori %add3A_337, %mul3A_340 : vector<16xi32>
          %xor3A_513 = arith.xori %xor3A_512, %add3A_349 : vector<16xi32>
          %and3A_514 = arith.constant 524287 : i32
          %and3A_515 = vector.broadcast %and3A_514 : i32 to vector<16xi32>
          %and3A_516 = arith.andi %xor3A_513, %and3A_515 : vector<16xi32>
          %add3A_517 = vector.broadcast %mul3A_225 : i32 to vector<16xi32>
          %add3A_518 = arith.addi %and3A_516, %add3A_517 : vector<16xi32>
          %mul3A_519 = arith.constant 0 : i32
          %mul3A_520 = arith.muli %convert_element_type3A_222, %mul3A_519 : i32
          %add3A_521 = arith.constant 1 : i32
          %add3A_522 = arith.addi %add3A_521, %mul3A_520 : i32
          %mul3A_523 = arith.constant 1 : i32
          %mul3A_524 = arith.muli %mul3A_223, %mul3A_523 : i32
          %add3A_525 = arith.addi %add3A_522, %mul3A_524 : i32
          %add3A_526 = vector.broadcast %add3A_525 : i32 to vector<16xi32>
          %add3A_527 = arith.addi %add3A_357, %add3A_526 : vector<16xi32>
          %select_n3A_528 = arith.select %lt3A_226, %add3A_527, %add3A_518 : vector<16xi32>
          %mul3A_529 = arith.mulf %sub3A, %sub3A_331 : vector<16xf32>
          %mul3A_530 = arith.mulf %mul3A_529, %sub3A_325 : vector<16xf32>
          %add3A_531 = arith.constant 20 : i32
          %add3A_532 = arith.addi %add3A_531, %shift_right_arithmetic3A_363 : i32
          %swap3A_533 = arith.index_cast %add3A_532 : i32 to index
          %swap3A_534 = arith.index_cast %mul3A_361 : i32 to index
          %swap3A_535 = tpu.vector_load %arg11[%swap3A_533, %swap3A_534] {strides = array<i32>} : memref<32x128xi32, #tpu.memory_space<vmem>>, vector<16xi32>,
          tpu.vector_store %arg11[%swap3A_533, %swap3A_534], %select_n3A_528 {strides = array<i32>} : memref<32x128xi32, #tpu.memory_space<vmem>>, vector<16xi32>,
          %mul3A_536 = arith.constant 16 : i32
          %mul3A_537 = arith.muli %scan3A_271, %mul3A_536 : i32
          %add3A_538 = arith.constant 2560 : i32
          %add3A_539 = arith.addi %add3A_538, %mul3A_537 : i32
          %swap3A_540 = arith.index_cast %add3A_539 : i32 to index
          %swap3A_541 = tpu.vector_load %arg15[%swap3A_540] {strides = array<i32>} : memref<4096xf32, #tpu.memory_space<vmem>>, vector<16xf32>,
          tpu.vector_store %arg15[%swap3A_540], %mul3A_530 {strides = array<i32>} : memref<4096xf32, #tpu.memory_space<vmem>>, vector<16xf32>,
          %xor3A_542 = arith.xori %convert_element_type3A_308, %add3A_343 : vector<16xi32>
          %xor3A_543 = arith.xori %xor3A_542, %add3A_349 : vector<16xi32>
          %and3A_544 = arith.constant 524287 : i32
          %and3A_545 = vector.broadcast %and3A_544 : i32 to vector<16xi32>
          %and3A_546 = arith.andi %xor3A_543, %and3A_545 : vector<16xi32>
          %add3A_547 = vector.broadcast %mul3A_225 : i32 to vector<16xi32>
          %add3A_548 = arith.addi %and3A_546, %add3A_547 : vector<16xi32>
          %mul3A_549 = arith.constant 1 : i32
          %mul3A_550 = arith.muli %convert_element_type3A_222, %mul3A_549 : i32
          %add3A_551 = arith.constant 0 : i32
          %add3A_552 = arith.addi %add3A_551, %mul3A_550 : i32
          %mul3A_553 = arith.constant 1 : i32
          %mul3A_554 = arith.muli %mul3A_223, %mul3A_553 : i32
          %add3A_555 = arith.addi %add3A_552, %mul3A_554 : i32
          %add3A_556 = vector.broadcast %add3A_555 : i32 to vector<16xi32>
          %add3A_557 = arith.addi %add3A_357, %add3A_556 : vector<16xi32>
          %select_n3A_558 = arith.select %lt3A_226, %add3A_557, %add3A_548 : vector<16xi32>
          %mul3A_559 = arith.mulf %sub3A_328, %sub3A_321 : vector<16xf32>
          %mul3A_560 = arith.mulf %mul3A_559, %sub3A_325 : vector<16xf32>
          %add3A_561 = arith.constant 24 : i32
          %add3A_562 = arith.addi %add3A_561, %shift_right_arithmetic3A_363 : i32
          %swap3A_563 = arith.index_cast %add3A_562 : i32 to index
          %swap3A_564 = arith.index_cast %mul3A_361 : i32 to index
          %swap3A_565 = tpu.vector_load %arg11[%swap3A_563, %swap3A_564] {strides = array<i32>} : memref<32x128xi32, #tpu.memory_space<vmem>>, vector<16xi32>,
          tpu.vector_store %arg11[%swap3A_563, %swap3A_564], %select_n3A_558 {strides = array<i32>} : memref<32x128xi32, #tpu.memory_space<vmem>>, vector<16xi32>,
          %mul3A_566 = arith.constant 16 : i32
          %mul3A_567 = arith.muli %scan3A_271, %mul3A_566 : i32
          %add3A_568 = arith.constant 3072 : i32
          %add3A_569 = arith.addi %add3A_568, %mul3A_567 : i32
          %swap3A_570 = arith.index_cast %add3A_569 : i32 to index
          %swap3A_571 = tpu.vector_load %arg15[%swap3A_570] {strides = array<i32>} : memref<4096xf32, #tpu.memory_space<vmem>>, vector<16xf32>,
          tpu.vector_store %arg15[%swap3A_570], %mul3A_560 {strides = array<i32>} : memref<4096xf32, #tpu.memory_space<vmem>>, vector<16xf32>,
          %xor3A_572 = arith.xori %add3A_337, %add3A_343 : vector<16xi32>
          %xor3A_573 = arith.xori %xor3A_572, %add3A_349 : vector<16xi32>
          %and3A_574 = arith.constant 524287 : i32
          %and3A_575 = vector.broadcast %and3A_574 : i32 to vector<16xi32>
          %and3A_576 = arith.andi %xor3A_573, %and3A_575 : vector<16xi32>
          %add3A_577 = vector.broadcast %mul3A_225 : i32 to vector<16xi32>
          %add3A_578 = arith.addi %and3A_576, %add3A_577 : vector<16xi32>
          %mul3A_579 = arith.constant 1 : i32
          %mul3A_580 = arith.muli %convert_element_type3A_222, %mul3A_579 : i32
          %add3A_581 = arith.constant 1 : i32
          %add3A_582 = arith.addi %add3A_581, %mul3A_580 : i32
          %mul3A_583 = arith.constant 1 : i32
          %mul3A_584 = arith.muli %mul3A_223, %mul3A_583 : i32
          %add3A_585 = arith.addi %add3A_582, %mul3A_584 : i32
          %add3A_586 = vector.broadcast %add3A_585 : i32 to vector<16xi32>
          %add3A_587 = arith.addi %add3A_357, %add3A_586 : vector<16xi32>
          %select_n3A_588 = arith.select %lt3A_226, %add3A_587, %add3A_578 : vector<16xi32>
          %mul3A_589 = arith.mulf %sub3A, %sub3A_321 : vector<16xf32>
          %mul3A_590 = arith.mulf %mul3A_589, %sub3A_325 : vector<16xf32>
          %add3A_591 = arith.constant 28 : i32
          %add3A_592 = arith.addi %add3A_591, %shift_right_arithmetic3A_363 : i32
          %swap3A_593 = arith.index_cast %add3A_592 : i32 to index
          %swap3A_594 = arith.index_cast %mul3A_361 : i32 to index
          %swap3A_595 = tpu.vector_load %arg11[%swap3A_593, %swap3A_594] {strides = array<i32>} : memref<32x128xi32, #tpu.memory_space<vmem>>, vector<16xi32>,
          tpu.vector_store %arg11[%swap3A_593, %swap3A_594], %select_n3A_588 {strides = array<i32>} : memref<32x128xi32, #tpu.memory_space<vmem>>, vector<16xi32>,
          %mul3A_596 = arith.constant 16 : i32
          %mul3A_597 = arith.muli %scan3A_271, %mul3A_596 : i32
          %add3A_598 = arith.constant 3584 : i32
          %add3A_599 = arith.addi %add3A_598, %mul3A_597 : i32
          %swap3A_600 = arith.index_cast %add3A_599 : i32 to index
          %swap3A_601 = tpu.vector_load %arg15[%swap3A_600] {strides = array<i32>} : memref<4096xf32, #tpu.memory_space<vmem>>, vector<16xf32>,
          tpu.vector_store %arg15[%swap3A_600], %mul3A_590 {strides = array<i32>} : memref<4096xf32, #tpu.memory_space<vmem>>, vector<16xf32>,
        }
        %scan3A_232 = arith.constant 32 : i32
        %scan3A_233 = arith.constant 0 : i32
        %scan3A_234 = arith.constant 0 : i32
        %scan3A_235 = arith.constant 32 : i32
        %scan3A_236 = arith.addi %scan3A_234, %scan3A_235 : i32
        %scan3A_237 = arith.constant 1 : i32
        scf.for %scan3A_271 = %scan3A_234 to %scan3A_236 step %scan3A_237  : i32 {
          %mul3A_272 = arith.constant 128 : i32
          %mul3A_273 = arith.muli %scan3A_271, %mul3A_272 : i32
          %dma_start3A = arith.constant 0 : i32
          %dma_start3A_274 = tpu.memref_slice %arg13[%mul3A_273, %dma_start3A] : memref<4096x8xf32, #tpu.memory_space<vmem>> -> memref<128x8xf32, #tpu.memory_space<vmem>>
          %dma_start3A_275 = arith.constant 0 : i32
          %dma_start3A_276 = tpu.memref_slice %arg11[%scan3A_271, %dma_start3A_275] : memref<32x128xi32, #tpu.memory_space<vmem>> -> memref<1x128xi32, #tpu.memory_space<vmem>>
          %dma_start3A_277 = tpu.memref_squeeze %dma_start3A_276 : memref<1x128xi32, #tpu.memory_space<vmem>> -> memref<128xi32, #tpu.memory_space<vmem>>
          %dma_start3A_278 = arith.constant 0 : i32
          %dma_start3A_279 = arith.constant 0 : i32
          %dma_start3A_280 = tpu.memref_slice %arg2[%dma_start3A_278, %dma_start3A_279] : memref<8388608x8xf32, #tpu.memory_space<hbm>> -> memref<8388608x8xf32, #tpu.memory_space<hbm>>
          tpu.enqueue_indirect_dma source(%dma_start3A_280 : memref<8388608x8xf32, #tpu.memory_space<hbm>>) target(%dma_start3A_274 : memref<128x8xf32, #tpu.memory_space<vmem>>) offsets(%dma_start3A_277 : memref<128xi32, #tpu.memory_space<vmem>>) semaphore(%arg21 : memref<!tpu.dma_semaphore, #tpu.memory_space<semaphore_mem>>)
        }
        %scan3A_238 = arith.constant 32 : i32
        %scan3A_239 = arith.constant 0 : i32
        %scan3A_240 = arith.constant 0 : i32
        %scan3A_241 = arith.constant 32 : i32
        %scan3A_242 = arith.addi %scan3A_240, %scan3A_241 : i32
        %scan3A_243 = arith.constant 1 : i32
        scf.for %scan3A_271 = %scan3A_240 to %scan3A_242 step %scan3A_243  : i32 {
          %mul3A_272 = arith.constant 128 : i32
          %mul3A_273 = arith.muli %scan3A_271, %mul3A_272 : i32
          %dma_wait3A = arith.constant 0 : i32
          %dma_wait3A_274 = tpu.memref_slice %arg12[%mul3A_273, %dma_wait3A] : memref<4096x8xf32, #tpu.memory_space<vmem>> -> memref<128x8xf32, #tpu.memory_space<vmem>>
          %dma_wait3A_275 = arith.constant 0 : i32
          %dma_wait3A_276 = tpu.memref_slice %arg10[%scan3A_271, %dma_wait3A_275] : memref<32x128xi32, #tpu.memory_space<vmem>> -> memref<1x128xi32, #tpu.memory_space<vmem>>
          %dma_wait3A_277 = tpu.memref_squeeze %dma_wait3A_276 : memref<1x128xi32, #tpu.memory_space<vmem>> -> memref<128xi32, #tpu.memory_space<vmem>>
          %dma_wait3A_278 = arith.constant 0 : i32
          %dma_wait3A_279 = arith.constant 0 : i32
          %dma_wait3A_280 = tpu.memref_slice %arg2[%dma_wait3A_278, %dma_wait3A_279] : memref<8388608x8xf32, #tpu.memory_space<hbm>> -> memref<8388608x8xf32, #tpu.memory_space<hbm>>
          tpu.wait_indirect_dma semaphore(%arg20 : memref<!tpu.dma_semaphore, #tpu.memory_space<semaphore_mem>>) src(%dma_wait3A_280 : memref<8388608x8xf32, #tpu.memory_space<hbm>>) dst(%dma_wait3A_274 : memref<128x8xf32, #tpu.memory_space<vmem>>)
        }
        %scan3A_244 = arith.constant 32 : i32
        %scan3A_245 = arith.constant 0 : i32
        %scan3A_246 = arith.constant 0 : i32
        %scan3A_247 = arith.constant 32 : i32
        %scan3A_248 = arith.addi %scan3A_246, %scan3A_247 : i32
        %scan3A_249 = arith.constant 1 : i32
        scf.for %scan3A_271 = %scan3A_246 to %scan3A_248 step %scan3A_249  : i32 {
          %mul3A_272 = arith.constant 64 : i32
          %mul3A_273 = arith.muli %scan3A_271, %mul3A_272 : i32
          %add3A_274 = vector.broadcast %mul3A_273 : i32 to vector<16xi32>
          %add3A_275 = arith.addi %mul3A_6, %add3A_274 : vector<16xi32>
          %mul3A_276 = arith.constant 64 : i32
          %mul3A_277 = arith.muli %scan3A_271, %mul3A_276 : i32
          %add3A_278 = arith.constant 1 : i32
          %add3A_279 = arith.addi %mul3A_277, %add3A_278 : i32
          %add3A_280 = vector.broadcast %add3A_279 : i32 to vector<16xi32>
          %add3A_281 = arith.addi %mul3A_6, %add3A_280 : vector<16xi32>
          %mul3A_282 = arith.constant 64 : i32
          %mul3A_283 = arith.muli %scan3A_271, %mul3A_282 : i32
          %add3A_284 = arith.constant 2 : i32
          %add3A_285 = arith.addi %mul3A_283, %add3A_284 : i32
          %add3A_286 = vector.broadcast %add3A_285 : i32 to vector<16xi32>
          %add3A_287 = arith.addi %mul3A_6, %add3A_286 : vector<16xi32>
          %mul3A_288 = arith.constant 64 : i32
          %mul3A_289 = arith.muli %scan3A_271, %mul3A_288 : i32
          %add3A_290 = arith.constant 3 : i32
          %add3A_291 = arith.addi %mul3A_289, %add3A_290 : i32
          %add3A_292 = vector.broadcast %add3A_291 : i32 to vector<16xi32>
          %add3A_293 = arith.addi %mul3A_6, %add3A_292 : vector<16xi32>
          %shift_right_arithmetic3A = arith.constant 7 : i32
          %shift_right_arithmetic3A_294 = vector.broadcast %shift_right_arithmetic3A : i32 to vector<16xi32>
          %shift_right_arithmetic3A_295 = arith.shrsi %add3A_275, %shift_right_arithmetic3A_294 : vector<16xi32>
          %and3A = arith.constant 127 : i32
          %and3A_296 = vector.broadcast %and3A : i32 to vector<16xi32>
          %and3A_297 = arith.andi %add3A_275, %and3A_296 : vector<16xi32>
          %gather3A = tpu.vector_load_idx %arg9[%shift_right_arithmetic3A_295, %and3A_297] : memref<16x128xf32, #tpu.memory_space<vmem>>[vector<16xi32>, vector<16xi32>], vector<16xf32>,
          %shift_right_arithmetic3A_298 = arith.constant 7 : i32
          %shift_right_arithmetic3A_299 = vector.broadcast %shift_right_arithmetic3A_298 : i32 to vector<16xi32>
          %shift_right_arithmetic3A_300 = arith.shrsi %add3A_281, %shift_right_arithmetic3A_299 : vector<16xi32>
          %and3A_301 = arith.constant 127 : i32
          %and3A_302 = vector.broadcast %and3A_301 : i32 to vector<16xi32>
          %and3A_303 = arith.andi %add3A_281, %and3A_302 : vector<16xi32>
          %gather3A_304 = tpu.vector_load_idx %arg9[%shift_right_arithmetic3A_300, %and3A_303] : memref<16x128xf32, #tpu.memory_space<vmem>>[vector<16xi32>, vector<16xi32>], vector<16xf32>,
          %shift_right_arithmetic3A_305 = arith.constant 7 : i32
          %shift_right_arithmetic3A_306 = vector.broadcast %shift_right_arithmetic3A_305 : i32 to vector<16xi32>
          %shift_right_arithmetic3A_307 = arith.shrsi %add3A_287, %shift_right_arithmetic3A_306 : vector<16xi32>
          %and3A_308 = arith.constant 127 : i32
          %and3A_309 = vector.broadcast %and3A_308 : i32 to vector<16xi32>
          %and3A_310 = arith.andi %add3A_287, %and3A_309 : vector<16xi32>
          %gather3A_311 = tpu.vector_load_idx %arg9[%shift_right_arithmetic3A_307, %and3A_310] : memref<16x128xf32, #tpu.memory_space<vmem>>[vector<16xi32>, vector<16xi32>], vector<16xf32>,
          %shift_right_arithmetic3A_312 = arith.constant 7 : i32
          %shift_right_arithmetic3A_313 = vector.broadcast %shift_right_arithmetic3A_312 : i32 to vector<16xi32>
          %shift_right_arithmetic3A_314 = arith.shrsi %add3A_293, %shift_right_arithmetic3A_313 : vector<16xi32>
          %and3A_315 = arith.constant 127 : i32
          %and3A_316 = vector.broadcast %and3A_315 : i32 to vector<16xi32>
          %and3A_317 = arith.andi %add3A_293, %and3A_316 : vector<16xi32>
          %gather3A_318 = tpu.vector_load_idx %arg9[%shift_right_arithmetic3A_314, %and3A_317] : memref<16x128xf32, #tpu.memory_space<vmem>>[vector<16xi32>, vector<16xi32>], vector<16xf32>,
          %broadcast_in_dim3A = arith.constant 0.000000e+00 : f32
          %broadcast_in_dim3A_319 = vector.broadcast %broadcast_in_dim3A : f32 to vector<16xf32>
          %broadcast_in_dim3A_320 = arith.constant 0.000000e+00 : f32
          %broadcast_in_dim3A_321 = vector.broadcast %broadcast_in_dim3A_320 : f32 to vector<16xf32>
          %mul3A_322 = arith.constant 16 : i32
          %mul3A_323 = arith.muli %scan3A_271, %mul3A_322 : i32
          %add3A_324 = arith.constant 0 : i32
          %add3A_325 = arith.addi %add3A_324, %mul3A_323 : i32
          %get3A_326 = arith.index_cast %add3A_325 : i32 to index
          %get3A_327 = tpu.vector_load %arg14[%get3A_326] {strides = array<i32>} : memref<4096xf32, #tpu.memory_space<vmem>>, vector<16xf32>,
          %mul3A_328 = arith.mulf %get3A_327, %gather3A : vector<16xf32>
          %mul3A_329 = arith.mulf %get3A_327, %gather3A_304 : vector<16xf32>
          %mul3A_330 = arith.mulf %get3A_327, %gather3A_311 : vector<16xf32>
          %mul3A_331 = arith.mulf %get3A_327, %gather3A_318 : vector<16xf32>
          %mul3A_332 = arith.constant 16 : i32
          %mul3A_333 = arith.muli %scan3A_271, %mul3A_332 : i32
          %add3A_334 = arith.constant 0 : i32
          %add3A_335 = arith.addi %add3A_334, %mul3A_333 : i32
          %add3A_336 = vector.broadcast %add3A_335 : i32 to vector<16xi32>
          %add3A_337 = arith.addi %add3A_336, %iota3A : vector<16xi32>
          %broadcast_in_dim3A_338 = arith.constant 0 : i32
          %broadcast_in_dim3A_339 = vector.broadcast %broadcast_in_dim3A_338 : i32 to vector<16xi32>
          %gather3A_340 = tpu.vector_load_idx %arg12[%add3A_337, %broadcast_in_dim3A_339] : memref<4096x8xf32, #tpu.memory_space<vmem>>[vector<16xi32>, vector<16xi32>], vector<16xf32>,
          %mul3A_341 = arith.mulf %mul3A_328, %gather3A_340 : vector<16xf32>
          %add3A_342 = arith.addf %broadcast_in_dim3A_319, %mul3A_341 : vector<16xf32>
          %broadcast_in_dim3A_343 = arith.constant 1 : i32
          %broadcast_in_dim3A_344 = vector.broadcast %broadcast_in_dim3A_343 : i32 to vector<16xi32>
          %gather3A_345 = tpu.vector_load_idx %arg12[%add3A_337, %broadcast_in_dim3A_344] : memref<4096x8xf32, #tpu.memory_space<vmem>>[vector<16xi32>, vector<16xi32>], vector<16xf32>,
          %mul3A_346 = arith.mulf %mul3A_328, %gather3A_345 : vector<16xf32>
          %add3A_347 = arith.addf %broadcast_in_dim3A_321, %mul3A_346 : vector<16xf32>
          %broadcast_in_dim3A_348 = arith.constant 2 : i32
          %broadcast_in_dim3A_349 = vector.broadcast %broadcast_in_dim3A_348 : i32 to vector<16xi32>
          %gather3A_350 = tpu.vector_load_idx %arg12[%add3A_337, %broadcast_in_dim3A_349] : memref<4096x8xf32, #tpu.memory_space<vmem>>[vector<16xi32>, vector<16xi32>], vector<16xf32>,
          %mul3A_351 = arith.mulf %mul3A_329, %gather3A_350 : vector<16xf32>
          %add3A_352 = arith.addf %add3A_342, %mul3A_351 : vector<16xf32>
          %broadcast_in_dim3A_353 = arith.constant 3 : i32
          %broadcast_in_dim3A_354 = vector.broadcast %broadcast_in_dim3A_353 : i32 to vector<16xi32>
          %gather3A_355 = tpu.vector_load_idx %arg12[%add3A_337, %broadcast_in_dim3A_354] : memref<4096x8xf32, #tpu.memory_space<vmem>>[vector<16xi32>, vector<16xi32>], vector<16xf32>,
          %mul3A_356 = arith.mulf %mul3A_329, %gather3A_355 : vector<16xf32>
          %add3A_357 = arith.addf %add3A_347, %mul3A_356 : vector<16xf32>
          %broadcast_in_dim3A_358 = arith.constant 4 : i32
          %broadcast_in_dim3A_359 = vector.broadcast %broadcast_in_dim3A_358 : i32 to vector<16xi32>
          %gather3A_360 = tpu.vector_load_idx %arg12[%add3A_337, %broadcast_in_dim3A_359] : memref<4096x8xf32, #tpu.memory_space<vmem>>[vector<16xi32>, vector<16xi32>], vector<16xf32>,
          %mul3A_361 = arith.mulf %mul3A_330, %gather3A_360 : vector<16xf32>
          %add3A_362 = arith.addf %add3A_352, %mul3A_361 : vector<16xf32>
          %broadcast_in_dim3A_363 = arith.constant 5 : i32
          %broadcast_in_dim3A_364 = vector.broadcast %broadcast_in_dim3A_363 : i32 to vector<16xi32>
          %gather3A_365 = tpu.vector_load_idx %arg12[%add3A_337, %broadcast_in_dim3A_364] : memref<4096x8xf32, #tpu.memory_space<vmem>>[vector<16xi32>, vector<16xi32>], vector<16xf32>,
          %mul3A_366 = arith.mulf %mul3A_330, %gather3A_365 : vector<16xf32>
          %add3A_367 = arith.addf %add3A_357, %mul3A_366 : vector<16xf32>
          %broadcast_in_dim3A_368 = arith.constant 6 : i32
          %broadcast_in_dim3A_369 = vector.broadcast %broadcast_in_dim3A_368 : i32 to vector<16xi32>
          %gather3A_370 = tpu.vector_load_idx %arg12[%add3A_337, %broadcast_in_dim3A_369] : memref<4096x8xf32, #tpu.memory_space<vmem>>[vector<16xi32>, vector<16xi32>], vector<16xf32>,
          %mul3A_371 = arith.mulf %mul3A_331, %gather3A_370 : vector<16xf32>
          %add3A_372 = arith.addf %add3A_362, %mul3A_371 : vector<16xf32>
          %broadcast_in_dim3A_373 = arith.constant 7 : i32
          %broadcast_in_dim3A_374 = vector.broadcast %broadcast_in_dim3A_373 : i32 to vector<16xi32>
          %gather3A_375 = tpu.vector_load_idx %arg12[%add3A_337, %broadcast_in_dim3A_374] : memref<4096x8xf32, #tpu.memory_space<vmem>>[vector<16xi32>, vector<16xi32>], vector<16xf32>,
          %mul3A_376 = arith.mulf %mul3A_331, %gather3A_375 : vector<16xf32>
          %add3A_377 = arith.addf %add3A_367, %mul3A_376 : vector<16xf32>
          %mul3A_378 = arith.constant 16 : i32
          %mul3A_379 = arith.muli %scan3A_271, %mul3A_378 : i32
          %add3A_380 = arith.constant 512 : i32
          %add3A_381 = arith.addi %add3A_380, %mul3A_379 : i32
          %get3A_382 = arith.index_cast %add3A_381 : i32 to index
          %get3A_383 = tpu.vector_load %arg14[%get3A_382] {strides = array<i32>} : memref<4096xf32, #tpu.memory_space<vmem>>, vector<16xf32>,
          %mul3A_384 = arith.mulf %get3A_383, %gather3A : vector<16xf32>
          %mul3A_385 = arith.mulf %get3A_383, %gather3A_304 : vector<16xf32>
          %mul3A_386 = arith.mulf %get3A_383, %gather3A_311 : vector<16xf32>
          %mul3A_387 = arith.mulf %get3A_383, %gather3A_318 : vector<16xf32>
          %mul3A_388 = arith.constant 16 : i32
          %mul3A_389 = arith.muli %scan3A_271, %mul3A_388 : i32
          %add3A_390 = arith.constant 512 : i32
          %add3A_391 = arith.addi %add3A_390, %mul3A_389 : i32
          %add3A_392 = vector.broadcast %add3A_391 : i32 to vector<16xi32>
          %add3A_393 = arith.addi %add3A_392, %iota3A : vector<16xi32>
          %broadcast_in_dim3A_394 = arith.constant 0 : i32
          %broadcast_in_dim3A_395 = vector.broadcast %broadcast_in_dim3A_394 : i32 to vector<16xi32>
          %gather3A_396 = tpu.vector_load_idx %arg12[%add3A_393, %broadcast_in_dim3A_395] : memref<4096x8xf32, #tpu.memory_space<vmem>>[vector<16xi32>, vector<16xi32>], vector<16xf32>,
          %mul3A_397 = arith.mulf %mul3A_384, %gather3A_396 : vector<16xf32>
          %add3A_398 = arith.addf %add3A_372, %mul3A_397 : vector<16xf32>
          %broadcast_in_dim3A_399 = arith.constant 1 : i32
          %broadcast_in_dim3A_400 = vector.broadcast %broadcast_in_dim3A_399 : i32 to vector<16xi32>
          %gather3A_401 = tpu.vector_load_idx %arg12[%add3A_393, %broadcast_in_dim3A_400] : memref<4096x8xf32, #tpu.memory_space<vmem>>[vector<16xi32>, vector<16xi32>], vector<16xf32>,
          %mul3A_402 = arith.mulf %mul3A_384, %gather3A_401 : vector<16xf32>
          %add3A_403 = arith.addf %add3A_377, %mul3A_402 : vector<16xf32>
          %broadcast_in_dim3A_404 = arith.constant 2 : i32
          %broadcast_in_dim3A_405 = vector.broadcast %broadcast_in_dim3A_404 : i32 to vector<16xi32>
          %gather3A_406 = tpu.vector_load_idx %arg12[%add3A_393, %broadcast_in_dim3A_405] : memref<4096x8xf32, #tpu.memory_space<vmem>>[vector<16xi32>, vector<16xi32>], vector<16xf32>,
          %mul3A_407 = arith.mulf %mul3A_385, %gather3A_406 : vector<16xf32>
          %add3A_408 = arith.addf %add3A_398, %mul3A_407 : vector<16xf32>
          %broadcast_in_dim3A_409 = arith.constant 3 : i32
          %broadcast_in_dim3A_410 = vector.broadcast %broadcast_in_dim3A_409 : i32 to vector<16xi32>
          %gather3A_411 = tpu.vector_load_idx %arg12[%add3A_393, %broadcast_in_dim3A_410] : memref<4096x8xf32, #tpu.memory_space<vmem>>[vector<16xi32>, vector<16xi32>], vector<16xf32>,
          %mul3A_412 = arith.mulf %mul3A_385, %gather3A_411 : vector<16xf32>
          %add3A_413 = arith.addf %add3A_403, %mul3A_412 : vector<16xf32>
          %broadcast_in_dim3A_414 = arith.constant 4 : i32
          %broadcast_in_dim3A_415 = vector.broadcast %broadcast_in_dim3A_414 : i32 to vector<16xi32>
          %gather3A_416 = tpu.vector_load_idx %arg12[%add3A_393, %broadcast_in_dim3A_415] : memref<4096x8xf32, #tpu.memory_space<vmem>>[vector<16xi32>, vector<16xi32>], vector<16xf32>,
          %mul3A_417 = arith.mulf %mul3A_386, %gather3A_416 : vector<16xf32>
          %add3A_418 = arith.addf %add3A_408, %mul3A_417 : vector<16xf32>
          %broadcast_in_dim3A_419 = arith.constant 5 : i32
          %broadcast_in_dim3A_420 = vector.broadcast %broadcast_in_dim3A_419 : i32 to vector<16xi32>
          %gather3A_421 = tpu.vector_load_idx %arg12[%add3A_393, %broadcast_in_dim3A_420] : memref<4096x8xf32, #tpu.memory_space<vmem>>[vector<16xi32>, vector<16xi32>], vector<16xf32>,
          %mul3A_422 = arith.mulf %mul3A_386, %gather3A_421 : vector<16xf32>
          %add3A_423 = arith.addf %add3A_413, %mul3A_422 : vector<16xf32>
          %broadcast_in_dim3A_424 = arith.constant 6 : i32
          %broadcast_in_dim3A_425 = vector.broadcast %broadcast_in_dim3A_424 : i32 to vector<16xi32>
          %gather3A_426 = tpu.vector_load_idx %arg12[%add3A_393, %broadcast_in_dim3A_425] : memref<4096x8xf32, #tpu.memory_space<vmem>>[vector<16xi32>, vector<16xi32>], vector<16xf32>,
          %mul3A_427 = arith.mulf %mul3A_387, %gather3A_426 : vector<16xf32>
          %add3A_428 = arith.addf %add3A_418, %mul3A_427 : vector<16xf32>
          %broadcast_in_dim3A_429 = arith.constant 7 : i32
          %broadcast_in_dim3A_430 = vector.broadcast %broadcast_in_dim3A_429 : i32 to vector<16xi32>
          %gather3A_431 = tpu.vector_load_idx %arg12[%add3A_393, %broadcast_in_dim3A_430] : memref<4096x8xf32, #tpu.memory_space<vmem>>[vector<16xi32>, vector<16xi32>], vector<16xf32>,
          %mul3A_432 = arith.mulf %mul3A_387, %gather3A_431 : vector<16xf32>
          %add3A_433 = arith.addf %add3A_423, %mul3A_432 : vector<16xf32>
          %mul3A_434 = arith.constant 16 : i32
          %mul3A_435 = arith.muli %scan3A_271, %mul3A_434 : i32
          %add3A_436 = arith.constant 1024 : i32
          %add3A_437 = arith.addi %add3A_436, %mul3A_435 : i32
          %get3A_438 = arith.index_cast %add3A_437 : i32 to index
          %get3A_439 = tpu.vector_load %arg14[%get3A_438] {strides = array<i32>} : memref<4096xf32, #tpu.memory_space<vmem>>, vector<16xf32>,
          %mul3A_440 = arith.mulf %get3A_439, %gather3A : vector<16xf32>
          %mul3A_441 = arith.mulf %get3A_439, %gather3A_304 : vector<16xf32>
          %mul3A_442 = arith.mulf %get3A_439, %gather3A_311 : vector<16xf32>
          %mul3A_443 = arith.mulf %get3A_439, %gather3A_318 : vector<16xf32>
          %mul3A_444 = arith.constant 16 : i32
          %mul3A_445 = arith.muli %scan3A_271, %mul3A_444 : i32
          %add3A_446 = arith.constant 1024 : i32
          %add3A_447 = arith.addi %add3A_446, %mul3A_445 : i32
          %add3A_448 = vector.broadcast %add3A_447 : i32 to vector<16xi32>
          %add3A_449 = arith.addi %add3A_448, %iota3A : vector<16xi32>
          %broadcast_in_dim3A_450 = arith.constant 0 : i32
          %broadcast_in_dim3A_451 = vector.broadcast %broadcast_in_dim3A_450 : i32 to vector<16xi32>
          %gather3A_452 = tpu.vector_load_idx %arg12[%add3A_449, %broadcast_in_dim3A_451] : memref<4096x8xf32, #tpu.memory_space<vmem>>[vector<16xi32>, vector<16xi32>], vector<16xf32>,
          %mul3A_453 = arith.mulf %mul3A_440, %gather3A_452 : vector<16xf32>
          %add3A_454 = arith.addf %add3A_428, %mul3A_453 : vector<16xf32>
          %broadcast_in_dim3A_455 = arith.constant 1 : i32
          %broadcast_in_dim3A_456 = vector.broadcast %broadcast_in_dim3A_455 : i32 to vector<16xi32>
          %gather3A_457 = tpu.vector_load_idx %arg12[%add3A_449, %broadcast_in_dim3A_456] : memref<4096x8xf32, #tpu.memory_space<vmem>>[vector<16xi32>, vector<16xi32>], vector<16xf32>,
          %mul3A_458 = arith.mulf %mul3A_440, %gather3A_457 : vector<16xf32>
          %add3A_459 = arith.addf %add3A_433, %mul3A_458 : vector<16xf32>
          %broadcast_in_dim3A_460 = arith.constant 2 : i32
          %broadcast_in_dim3A_461 = vector.broadcast %broadcast_in_dim3A_460 : i32 to vector<16xi32>
          %gather3A_462 = tpu.vector_load_idx %arg12[%add3A_449, %broadcast_in_dim3A_461] : memref<4096x8xf32, #tpu.memory_space<vmem>>[vector<16xi32>, vector<16xi32>], vector<16xf32>,
          %mul3A_463 = arith.mulf %mul3A_441, %gather3A_462 : vector<16xf32>
          %add3A_464 = arith.addf %add3A_454, %mul3A_463 : vector<16xf32>
          %broadcast_in_dim3A_465 = arith.constant 3 : i32
          %broadcast_in_dim3A_466 = vector.broadcast %broadcast_in_dim3A_465 : i32 to vector<16xi32>
          %gather3A_467 = tpu.vector_load_idx %arg12[%add3A_449, %broadcast_in_dim3A_466] : memref<4096x8xf32, #tpu.memory_space<vmem>>[vector<16xi32>, vector<16xi32>], vector<16xf32>,
          %mul3A_468 = arith.mulf %mul3A_441, %gather3A_467 : vector<16xf32>
          %add3A_469 = arith.addf %add3A_459, %mul3A_468 : vector<16xf32>
          %broadcast_in_dim3A_470 = arith.constant 4 : i32
          %broadcast_in_dim3A_471 = vector.broadcast %broadcast_in_dim3A_470 : i32 to vector<16xi32>
          %gather3A_472 = tpu.vector_load_idx %arg12[%add3A_449, %broadcast_in_dim3A_471] : memref<4096x8xf32, #tpu.memory_space<vmem>>[vector<16xi32>, vector<16xi32>], vector<16xf32>,
          %mul3A_473 = arith.mulf %mul3A_442, %gather3A_472 : vector<16xf32>
          %add3A_474 = arith.addf %add3A_464, %mul3A_473 : vector<16xf32>
          %broadcast_in_dim3A_475 = arith.constant 5 : i32
          %broadcast_in_dim3A_476 = vector.broadcast %broadcast_in_dim3A_475 : i32 to vector<16xi32>
          %gather3A_477 = tpu.vector_load_idx %arg12[%add3A_449, %broadcast_in_dim3A_476] : memref<4096x8xf32, #tpu.memory_space<vmem>>[vector<16xi32>, vector<16xi32>], vector<16xf32>,
          %mul3A_478 = arith.mulf %mul3A_442, %gather3A_477 : vector<16xf32>
          %add3A_479 = arith.addf %add3A_469, %mul3A_478 : vector<16xf32>
          %broadcast_in_dim3A_480 = arith.constant 6 : i32
          %broadcast_in_dim3A_481 = vector.broadcast %broadcast_in_dim3A_480 : i32 to vector<16xi32>
          %gather3A_482 = tpu.vector_load_idx %arg12[%add3A_449, %broadcast_in_dim3A_481] : memref<4096x8xf32, #tpu.memory_space<vmem>>[vector<16xi32>, vector<16xi32>], vector<16xf32>,
          %mul3A_483 = arith.mulf %mul3A_443, %gather3A_482 : vector<16xf32>
          %add3A_484 = arith.addf %add3A_474, %mul3A_483 : vector<16xf32>
          %broadcast_in_dim3A_485 = arith.constant 7 : i32
          %broadcast_in_dim3A_486 = vector.broadcast %broadcast_in_dim3A_485 : i32 to vector<16xi32>
          %gather3A_487 = tpu.vector_load_idx %arg12[%add3A_449, %broadcast_in_dim3A_486] : memref<4096x8xf32, #tpu.memory_space<vmem>>[vector<16xi32>, vector<16xi32>], vector<16xf32>,
          %mul3A_488 = arith.mulf %mul3A_443, %gather3A_487 : vector<16xf32>
          %add3A_489 = arith.addf %add3A_479, %mul3A_488 : vector<16xf32>
          %mul3A_490 = arith.constant 16 : i32
          %mul3A_491 = arith.muli %scan3A_271, %mul3A_490 : i32
          %add3A_492 = arith.constant 1536 : i32
          %add3A_493 = arith.addi %add3A_492, %mul3A_491 : i32
          %get3A_494 = arith.index_cast %add3A_493 : i32 to index
          %get3A_495 = tpu.vector_load %arg14[%get3A_494] {strides = array<i32>} : memref<4096xf32, #tpu.memory_space<vmem>>, vector<16xf32>,
          %mul3A_496 = arith.mulf %get3A_495, %gather3A : vector<16xf32>
          %mul3A_497 = arith.mulf %get3A_495, %gather3A_304 : vector<16xf32>
          %mul3A_498 = arith.mulf %get3A_495, %gather3A_311 : vector<16xf32>
          %mul3A_499 = arith.mulf %get3A_495, %gather3A_318 : vector<16xf32>
          %mul3A_500 = arith.constant 16 : i32
          %mul3A_501 = arith.muli %scan3A_271, %mul3A_500 : i32
          %add3A_502 = arith.constant 1536 : i32
          %add3A_503 = arith.addi %add3A_502, %mul3A_501 : i32
          %add3A_504 = vector.broadcast %add3A_503 : i32 to vector<16xi32>
          %add3A_505 = arith.addi %add3A_504, %iota3A : vector<16xi32>
          %broadcast_in_dim3A_506 = arith.constant 0 : i32
          %broadcast_in_dim3A_507 = vector.broadcast %broadcast_in_dim3A_506 : i32 to vector<16xi32>
          %gather3A_508 = tpu.vector_load_idx %arg12[%add3A_505, %broadcast_in_dim3A_507] : memref<4096x8xf32, #tpu.memory_space<vmem>>[vector<16xi32>, vector<16xi32>], vector<16xf32>,
          %mul3A_509 = arith.mulf %mul3A_496, %gather3A_508 : vector<16xf32>
          %add3A_510 = arith.addf %add3A_484, %mul3A_509 : vector<16xf32>
          %broadcast_in_dim3A_511 = arith.constant 1 : i32
          %broadcast_in_dim3A_512 = vector.broadcast %broadcast_in_dim3A_511 : i32 to vector<16xi32>
          %gather3A_513 = tpu.vector_load_idx %arg12[%add3A_505, %broadcast_in_dim3A_512] : memref<4096x8xf32, #tpu.memory_space<vmem>>[vector<16xi32>, vector<16xi32>], vector<16xf32>,
          %mul3A_514 = arith.mulf %mul3A_496, %gather3A_513 : vector<16xf32>
          %add3A_515 = arith.addf %add3A_489, %mul3A_514 : vector<16xf32>
          %broadcast_in_dim3A_516 = arith.constant 2 : i32
          %broadcast_in_dim3A_517 = vector.broadcast %broadcast_in_dim3A_516 : i32 to vector<16xi32>
          %gather3A_518 = tpu.vector_load_idx %arg12[%add3A_505, %broadcast_in_dim3A_517] : memref<4096x8xf32, #tpu.memory_space<vmem>>[vector<16xi32>, vector<16xi32>], vector<16xf32>,
          %mul3A_519 = arith.mulf %mul3A_497, %gather3A_518 : vector<16xf32>
          %add3A_520 = arith.addf %add3A_510, %mul3A_519 : vector<16xf32>
          %broadcast_in_dim3A_521 = arith.constant 3 : i32
          %broadcast_in_dim3A_522 = vector.broadcast %broadcast_in_dim3A_521 : i32 to vector<16xi32>
          %gather3A_523 = tpu.vector_load_idx %arg12[%add3A_505, %broadcast_in_dim3A_522] : memref<4096x8xf32, #tpu.memory_space<vmem>>[vector<16xi32>, vector<16xi32>], vector<16xf32>,
          %mul3A_524 = arith.mulf %mul3A_497, %gather3A_523 : vector<16xf32>
          %add3A_525 = arith.addf %add3A_515, %mul3A_524 : vector<16xf32>
          %broadcast_in_dim3A_526 = arith.constant 4 : i32
          %broadcast_in_dim3A_527 = vector.broadcast %broadcast_in_dim3A_526 : i32 to vector<16xi32>
          %gather3A_528 = tpu.vector_load_idx %arg12[%add3A_505, %broadcast_in_dim3A_527] : memref<4096x8xf32, #tpu.memory_space<vmem>>[vector<16xi32>, vector<16xi32>], vector<16xf32>,
          %mul3A_529 = arith.mulf %mul3A_498, %gather3A_528 : vector<16xf32>
          %add3A_530 = arith.addf %add3A_520, %mul3A_529 : vector<16xf32>
          %broadcast_in_dim3A_531 = arith.constant 5 : i32
          %broadcast_in_dim3A_532 = vector.broadcast %broadcast_in_dim3A_531 : i32 to vector<16xi32>
          %gather3A_533 = tpu.vector_load_idx %arg12[%add3A_505, %broadcast_in_dim3A_532] : memref<4096x8xf32, #tpu.memory_space<vmem>>[vector<16xi32>, vector<16xi32>], vector<16xf32>,
          %mul3A_534 = arith.mulf %mul3A_498, %gather3A_533 : vector<16xf32>
          %add3A_535 = arith.addf %add3A_525, %mul3A_534 : vector<16xf32>
          %broadcast_in_dim3A_536 = arith.constant 6 : i32
          %broadcast_in_dim3A_537 = vector.broadcast %broadcast_in_dim3A_536 : i32 to vector<16xi32>
          %gather3A_538 = tpu.vector_load_idx %arg12[%add3A_505, %broadcast_in_dim3A_537] : memref<4096x8xf32, #tpu.memory_space<vmem>>[vector<16xi32>, vector<16xi32>], vector<16xf32>,
          %mul3A_539 = arith.mulf %mul3A_499, %gather3A_538 : vector<16xf32>
          %add3A_540 = arith.addf %add3A_530, %mul3A_539 : vector<16xf32>
          %broadcast_in_dim3A_541 = arith.constant 7 : i32
          %broadcast_in_dim3A_542 = vector.broadcast %broadcast_in_dim3A_541 : i32 to vector<16xi32>
          %gather3A_543 = tpu.vector_load_idx %arg12[%add3A_505, %broadcast_in_dim3A_542] : memref<4096x8xf32, #tpu.memory_space<vmem>>[vector<16xi32>, vector<16xi32>], vector<16xf32>,
          %mul3A_544 = arith.mulf %mul3A_499, %gather3A_543 : vector<16xf32>
          %add3A_545 = arith.addf %add3A_535, %mul3A_544 : vector<16xf32>
          %mul3A_546 = arith.constant 16 : i32
          %mul3A_547 = arith.muli %scan3A_271, %mul3A_546 : i32
          %add3A_548 = arith.constant 2048 : i32
          %add3A_549 = arith.addi %add3A_548, %mul3A_547 : i32
          %get3A_550 = arith.index_cast %add3A_549 : i32 to index
          %get3A_551 = tpu.vector_load %arg14[%get3A_550] {strides = array<i32>} : memref<4096xf32, #tpu.memory_space<vmem>>, vector<16xf32>,
          %mul3A_552 = arith.mulf %get3A_551, %gather3A : vector<16xf32>
          %mul3A_553 = arith.mulf %get3A_551, %gather3A_304 : vector<16xf32>
          %mul3A_554 = arith.mulf %get3A_551, %gather3A_311 : vector<16xf32>
          %mul3A_555 = arith.mulf %get3A_551, %gather3A_318 : vector<16xf32>
          %mul3A_556 = arith.constant 16 : i32
          %mul3A_557 = arith.muli %scan3A_271, %mul3A_556 : i32
          %add3A_558 = arith.constant 2048 : i32
          %add3A_559 = arith.addi %add3A_558, %mul3A_557 : i32
          %add3A_560 = vector.broadcast %add3A_559 : i32 to vector<16xi32>
          %add3A_561 = arith.addi %add3A_560, %iota3A : vector<16xi32>
          %broadcast_in_dim3A_562 = arith.constant 0 : i32
          %broadcast_in_dim3A_563 = vector.broadcast %broadcast_in_dim3A_562 : i32 to vector<16xi32>
          %gather3A_564 = tpu.vector_load_idx %arg12[%add3A_561, %broadcast_in_dim3A_563] : memref<4096x8xf32, #tpu.memory_space<vmem>>[vector<16xi32>, vector<16xi32>], vector<16xf32>,
          %mul3A_565 = arith.mulf %mul3A_552, %gather3A_564 : vector<16xf32>
          %add3A_566 = arith.addf %add3A_540, %mul3A_565 : vector<16xf32>
          %broadcast_in_dim3A_567 = arith.constant 1 : i32
          %broadcast_in_dim3A_568 = vector.broadcast %broadcast_in_dim3A_567 : i32 to vector<16xi32>
          %gather3A_569 = tpu.vector_load_idx %arg12[%add3A_561, %broadcast_in_dim3A_568] : memref<4096x8xf32, #tpu.memory_space<vmem>>[vector<16xi32>, vector<16xi32>], vector<16xf32>,
          %mul3A_570 = arith.mulf %mul3A_552, %gather3A_569 : vector<16xf32>
          %add3A_571 = arith.addf %add3A_545, %mul3A_570 : vector<16xf32>
          %broadcast_in_dim3A_572 = arith.constant 2 : i32
          %broadcast_in_dim3A_573 = vector.broadcast %broadcast_in_dim3A_572 : i32 to vector<16xi32>
          %gather3A_574 = tpu.vector_load_idx %arg12[%add3A_561, %broadcast_in_dim3A_573] : memref<4096x8xf32, #tpu.memory_space<vmem>>[vector<16xi32>, vector<16xi32>], vector<16xf32>,
          %mul3A_575 = arith.mulf %mul3A_553, %gather3A_574 : vector<16xf32>
          %add3A_576 = arith.addf %add3A_566, %mul3A_575 : vector<16xf32>
          %broadcast_in_dim3A_577 = arith.constant 3 : i32
          %broadcast_in_dim3A_578 = vector.broadcast %broadcast_in_dim3A_577 : i32 to vector<16xi32>
          %gather3A_579 = tpu.vector_load_idx %arg12[%add3A_561, %broadcast_in_dim3A_578] : memref<4096x8xf32, #tpu.memory_space<vmem>>[vector<16xi32>, vector<16xi32>], vector<16xf32>,
          %mul3A_580 = arith.mulf %mul3A_553, %gather3A_579 : vector<16xf32>
          %add3A_581 = arith.addf %add3A_571, %mul3A_580 : vector<16xf32>
          %broadcast_in_dim3A_582 = arith.constant 4 : i32
          %broadcast_in_dim3A_583 = vector.broadcast %broadcast_in_dim3A_582 : i32 to vector<16xi32>
          %gather3A_584 = tpu.vector_load_idx %arg12[%add3A_561, %broadcast_in_dim3A_583] : memref<4096x8xf32, #tpu.memory_space<vmem>>[vector<16xi32>, vector<16xi32>], vector<16xf32>,
          %mul3A_585 = arith.mulf %mul3A_554, %gather3A_584 : vector<16xf32>
          %add3A_586 = arith.addf %add3A_576, %mul3A_585 : vector<16xf32>
          %broadcast_in_dim3A_587 = arith.constant 5 : i32
          %broadcast_in_dim3A_588 = vector.broadcast %broadcast_in_dim3A_587 : i32 to vector<16xi32>
          %gather3A_589 = tpu.vector_load_idx %arg12[%add3A_561, %broadcast_in_dim3A_588] : memref<4096x8xf32, #tpu.memory_space<vmem>>[vector<16xi32>, vector<16xi32>], vector<16xf32>,
          %mul3A_590 = arith.mulf %mul3A_554, %gather3A_589 : vector<16xf32>
          %add3A_591 = arith.addf %add3A_581, %mul3A_590 : vector<16xf32>
          %broadcast_in_dim3A_592 = arith.constant 6 : i32
          %broadcast_in_dim3A_593 = vector.broadcast %broadcast_in_dim3A_592 : i32 to vector<16xi32>
          %gather3A_594 = tpu.vector_load_idx %arg12[%add3A_561, %broadcast_in_dim3A_593] : memref<4096x8xf32, #tpu.memory_space<vmem>>[vector<16xi32>, vector<16xi32>], vector<16xf32>,
          %mul3A_595 = arith.mulf %mul3A_555, %gather3A_594 : vector<16xf32>
          %add3A_596 = arith.addf %add3A_586, %mul3A_595 : vector<16xf32>
          %broadcast_in_dim3A_597 = arith.constant 7 : i32
          %broadcast_in_dim3A_598 = vector.broadcast %broadcast_in_dim3A_597 : i32 to vector<16xi32>
          %gather3A_599 = tpu.vector_load_idx %arg12[%add3A_561, %broadcast_in_dim3A_598] : memref<4096x8xf32, #tpu.memory_space<vmem>>[vector<16xi32>, vector<16xi32>], vector<16xf32>,
          %mul3A_600 = arith.mulf %mul3A_555, %gather3A_599 : vector<16xf32>
          %add3A_601 = arith.addf %add3A_591, %mul3A_600 : vector<16xf32>
          %mul3A_602 = arith.constant 16 : i32
          %mul3A_603 = arith.muli %scan3A_271, %mul3A_602 : i32
          %add3A_604 = arith.constant 2560 : i32
          %add3A_605 = arith.addi %add3A_604, %mul3A_603 : i32
          %get3A_606 = arith.index_cast %add3A_605 : i32 to index
          %get3A_607 = tpu.vector_load %arg14[%get3A_606] {strides = array<i32>} : memref<4096xf32, #tpu.memory_space<vmem>>, vector<16xf32>,
          %mul3A_608 = arith.mulf %get3A_607, %gather3A : vector<16xf32>
          %mul3A_609 = arith.mulf %get3A_607, %gather3A_304 : vector<16xf32>
          %mul3A_610 = arith.mulf %get3A_607, %gather3A_311 : vector<16xf32>
          %mul3A_611 = arith.mulf %get3A_607, %gather3A_318 : vector<16xf32>
          %mul3A_612 = arith.constant 16 : i32
          %mul3A_613 = arith.muli %scan3A_271, %mul3A_612 : i32
          %add3A_614 = arith.constant 2560 : i32
          %add3A_615 = arith.addi %add3A_614, %mul3A_613 : i32
          %add3A_616 = vector.broadcast %add3A_615 : i32 to vector<16xi32>
          %add3A_617 = arith.addi %add3A_616, %iota3A : vector<16xi32>
          %broadcast_in_dim3A_618 = arith.constant 0 : i32
          %broadcast_in_dim3A_619 = vector.broadcast %broadcast_in_dim3A_618 : i32 to vector<16xi32>
          %gather3A_620 = tpu.vector_load_idx %arg12[%add3A_617, %broadcast_in_dim3A_619] : memref<4096x8xf32, #tpu.memory_space<vmem>>[vector<16xi32>, vector<16xi32>], vector<16xf32>,
          %mul3A_621 = arith.mulf %mul3A_608, %gather3A_620 : vector<16xf32>
          %add3A_622 = arith.addf %add3A_596, %mul3A_621 : vector<16xf32>
          %broadcast_in_dim3A_623 = arith.constant 1 : i32
          %broadcast_in_dim3A_624 = vector.broadcast %broadcast_in_dim3A_623 : i32 to vector<16xi32>
          %gather3A_625 = tpu.vector_load_idx %arg12[%add3A_617, %broadcast_in_dim3A_624] : memref<4096x8xf32, #tpu.memory_space<vmem>>[vector<16xi32>, vector<16xi32>], vector<16xf32>,
          %mul3A_626 = arith.mulf %mul3A_608, %gather3A_625 : vector<16xf32>
          %add3A_627 = arith.addf %add3A_601, %mul3A_626 : vector<16xf32>
          %broadcast_in_dim3A_628 = arith.constant 2 : i32
          %broadcast_in_dim3A_629 = vector.broadcast %broadcast_in_dim3A_628 : i32 to vector<16xi32>
          %gather3A_630 = tpu.vector_load_idx %arg12[%add3A_617, %broadcast_in_dim3A_629] : memref<4096x8xf32, #tpu.memory_space<vmem>>[vector<16xi32>, vector<16xi32>], vector<16xf32>,
          %mul3A_631 = arith.mulf %mul3A_609, %gather3A_630 : vector<16xf32>
          %add3A_632 = arith.addf %add3A_622, %mul3A_631 : vector<16xf32>
          %broadcast_in_dim3A_633 = arith.constant 3 : i32
          %broadcast_in_dim3A_634 = vector.broadcast %broadcast_in_dim3A_633 : i32 to vector<16xi32>
          %gather3A_635 = tpu.vector_load_idx %arg12[%add3A_617, %broadcast_in_dim3A_634] : memref<4096x8xf32, #tpu.memory_space<vmem>>[vector<16xi32>, vector<16xi32>], vector<16xf32>,
          %mul3A_636 = arith.mulf %mul3A_609, %gather3A_635 : vector<16xf32>
          %add3A_637 = arith.addf %add3A_627, %mul3A_636 : vector<16xf32>
          %broadcast_in_dim3A_638 = arith.constant 4 : i32
          %broadcast_in_dim3A_639 = vector.broadcast %broadcast_in_dim3A_638 : i32 to vector<16xi32>
          %gather3A_640 = tpu.vector_load_idx %arg12[%add3A_617, %broadcast_in_dim3A_639] : memref<4096x8xf32, #tpu.memory_space<vmem>>[vector<16xi32>, vector<16xi32>], vector<16xf32>,
          %mul3A_641 = arith.mulf %mul3A_610, %gather3A_640 : vector<16xf32>
          %add3A_642 = arith.addf %add3A_632, %mul3A_641 : vector<16xf32>
          %broadcast_in_dim3A_643 = arith.constant 5 : i32
          %broadcast_in_dim3A_644 = vector.broadcast %broadcast_in_dim3A_643 : i32 to vector<16xi32>
          %gather3A_645 = tpu.vector_load_idx %arg12[%add3A_617, %broadcast_in_dim3A_644] : memref<4096x8xf32, #tpu.memory_space<vmem>>[vector<16xi32>, vector<16xi32>], vector<16xf32>,
          %mul3A_646 = arith.mulf %mul3A_610, %gather3A_645 : vector<16xf32>
          %add3A_647 = arith.addf %add3A_637, %mul3A_646 : vector<16xf32>
          %broadcast_in_dim3A_648 = arith.constant 6 : i32
          %broadcast_in_dim3A_649 = vector.broadcast %broadcast_in_dim3A_648 : i32 to vector<16xi32>
          %gather3A_650 = tpu.vector_load_idx %arg12[%add3A_617, %broadcast_in_dim3A_649] : memref<4096x8xf32, #tpu.memory_space<vmem>>[vector<16xi32>, vector<16xi32>], vector<16xf32>,
          %mul3A_651 = arith.mulf %mul3A_611, %gather3A_650 : vector<16xf32>
          %add3A_652 = arith.addf %add3A_642, %mul3A_651 : vector<16xf32>
          %broadcast_in_dim3A_653 = arith.constant 7 : i32
          %broadcast_in_dim3A_654 = vector.broadcast %broadcast_in_dim3A_653 : i32 to vector<16xi32>
          %gather3A_655 = tpu.vector_load_idx %arg12[%add3A_617, %broadcast_in_dim3A_654] : memref<4096x8xf32, #tpu.memory_space<vmem>>[vector<16xi32>, vector<16xi32>], vector<16xf32>,
          %mul3A_656 = arith.mulf %mul3A_611, %gather3A_655 : vector<16xf32>
          %add3A_657 = arith.addf %add3A_647, %mul3A_656 : vector<16xf32>
          %mul3A_658 = arith.constant 16 : i32
          %mul3A_659 = arith.muli %scan3A_271, %mul3A_658 : i32
          %add3A_660 = arith.constant 3072 : i32
          %add3A_661 = arith.addi %add3A_660, %mul3A_659 : i32
          %get3A_662 = arith.index_cast %add3A_661 : i32 to index
          %get3A_663 = tpu.vector_load %arg14[%get3A_662] {strides = array<i32>} : memref<4096xf32, #tpu.memory_space<vmem>>, vector<16xf32>,
          %mul3A_664 = arith.mulf %get3A_663, %gather3A : vector<16xf32>
          %mul3A_665 = arith.mulf %get3A_663, %gather3A_304 : vector<16xf32>
          %mul3A_666 = arith.mulf %get3A_663, %gather3A_311 : vector<16xf32>
          %mul3A_667 = arith.mulf %get3A_663, %gather3A_318 : vector<16xf32>
          %mul3A_668 = arith.constant 16 : i32
          %mul3A_669 = arith.muli %scan3A_271, %mul3A_668 : i32
          %add3A_670 = arith.constant 3072 : i32
          %add3A_671 = arith.addi %add3A_670, %mul3A_669 : i32
          %add3A_672 = vector.broadcast %add3A_671 : i32 to vector<16xi32>
          %add3A_673 = arith.addi %add3A_672, %iota3A : vector<16xi32>
          %broadcast_in_dim3A_674 = arith.constant 0 : i32
          %broadcast_in_dim3A_675 = vector.broadcast %broadcast_in_dim3A_674 : i32 to vector<16xi32>
          %gather3A_676 = tpu.vector_load_idx %arg12[%add3A_673, %broadcast_in_dim3A_675] : memref<4096x8xf32, #tpu.memory_space<vmem>>[vector<16xi32>, vector<16xi32>], vector<16xf32>,
          %mul3A_677 = arith.mulf %mul3A_664, %gather3A_676 : vector<16xf32>
          %add3A_678 = arith.addf %add3A_652, %mul3A_677 : vector<16xf32>
          %broadcast_in_dim3A_679 = arith.constant 1 : i32
          %broadcast_in_dim3A_680 = vector.broadcast %broadcast_in_dim3A_679 : i32 to vector<16xi32>
          %gather3A_681 = tpu.vector_load_idx %arg12[%add3A_673, %broadcast_in_dim3A_680] : memref<4096x8xf32, #tpu.memory_space<vmem>>[vector<16xi32>, vector<16xi32>], vector<16xf32>,
          %mul3A_682 = arith.mulf %mul3A_664, %gather3A_681 : vector<16xf32>
          %add3A_683 = arith.addf %add3A_657, %mul3A_682 : vector<16xf32>
          %broadcast_in_dim3A_684 = arith.constant 2 : i32
          %broadcast_in_dim3A_685 = vector.broadcast %broadcast_in_dim3A_684 : i32 to vector<16xi32>
          %gather3A_686 = tpu.vector_load_idx %arg12[%add3A_673, %broadcast_in_dim3A_685] : memref<4096x8xf32, #tpu.memory_space<vmem>>[vector<16xi32>, vector<16xi32>], vector<16xf32>,
          %mul3A_687 = arith.mulf %mul3A_665, %gather3A_686 : vector<16xf32>
          %add3A_688 = arith.addf %add3A_678, %mul3A_687 : vector<16xf32>
          %broadcast_in_dim3A_689 = arith.constant 3 : i32
          %broadcast_in_dim3A_690 = vector.broadcast %broadcast_in_dim3A_689 : i32 to vector<16xi32>
          %gather3A_691 = tpu.vector_load_idx %arg12[%add3A_673, %broadcast_in_dim3A_690] : memref<4096x8xf32, #tpu.memory_space<vmem>>[vector<16xi32>, vector<16xi32>], vector<16xf32>,
          %mul3A_692 = arith.mulf %mul3A_665, %gather3A_691 : vector<16xf32>
          %add3A_693 = arith.addf %add3A_683, %mul3A_692 : vector<16xf32>
          %broadcast_in_dim3A_694 = arith.constant 4 : i32
          %broadcast_in_dim3A_695 = vector.broadcast %broadcast_in_dim3A_694 : i32 to vector<16xi32>
          %gather3A_696 = tpu.vector_load_idx %arg12[%add3A_673, %broadcast_in_dim3A_695] : memref<4096x8xf32, #tpu.memory_space<vmem>>[vector<16xi32>, vector<16xi32>], vector<16xf32>,
          %mul3A_697 = arith.mulf %mul3A_666, %gather3A_696 : vector<16xf32>
          %add3A_698 = arith.addf %add3A_688, %mul3A_697 : vector<16xf32>
          %broadcast_in_dim3A_699 = arith.constant 5 : i32
          %broadcast_in_dim3A_700 = vector.broadcast %broadcast_in_dim3A_699 : i32 to vector<16xi32>
          %gather3A_701 = tpu.vector_load_idx %arg12[%add3A_673, %broadcast_in_dim3A_700] : memref<4096x8xf32, #tpu.memory_space<vmem>>[vector<16xi32>, vector<16xi32>], vector<16xf32>,
          %mul3A_702 = arith.mulf %mul3A_666, %gather3A_701 : vector<16xf32>
          %add3A_703 = arith.addf %add3A_693, %mul3A_702 : vector<16xf32>
          %broadcast_in_dim3A_704 = arith.constant 6 : i32
          %broadcast_in_dim3A_705 = vector.broadcast %broadcast_in_dim3A_704 : i32 to vector<16xi32>
          %gather3A_706 = tpu.vector_load_idx %arg12[%add3A_673, %broadcast_in_dim3A_705] : memref<4096x8xf32, #tpu.memory_space<vmem>>[vector<16xi32>, vector<16xi32>], vector<16xf32>,
          %mul3A_707 = arith.mulf %mul3A_667, %gather3A_706 : vector<16xf32>
          %add3A_708 = arith.addf %add3A_698, %mul3A_707 : vector<16xf32>
          %broadcast_in_dim3A_709 = arith.constant 7 : i32
          %broadcast_in_dim3A_710 = vector.broadcast %broadcast_in_dim3A_709 : i32 to vector<16xi32>
          %gather3A_711 = tpu.vector_load_idx %arg12[%add3A_673, %broadcast_in_dim3A_710] : memref<4096x8xf32, #tpu.memory_space<vmem>>[vector<16xi32>, vector<16xi32>], vector<16xf32>,
          %mul3A_712 = arith.mulf %mul3A_667, %gather3A_711 : vector<16xf32>
          %add3A_713 = arith.addf %add3A_703, %mul3A_712 : vector<16xf32>
          %mul3A_714 = arith.constant 16 : i32
          %mul3A_715 = arith.muli %scan3A_271, %mul3A_714 : i32
          %add3A_716 = arith.constant 3584 : i32
          %add3A_717 = arith.addi %add3A_716, %mul3A_715 : i32
          %get3A_718 = arith.index_cast %add3A_717 : i32 to index
          %get3A_719 = tpu.vector_load %arg14[%get3A_718] {strides = array<i32>} : memref<4096xf32, #tpu.memory_space<vmem>>, vector<16xf32>,
          %mul3A_720 = arith.mulf %get3A_719, %gather3A : vector<16xf32>
          %mul3A_721 = arith.mulf %get3A_719, %gather3A_304 : vector<16xf32>
          %mul3A_722 = arith.mulf %get3A_719, %gather3A_311 : vector<16xf32>
          %mul3A_723 = arith.mulf %get3A_719, %gather3A_318 : vector<16xf32>
          %mul3A_724 = arith.constant 16 : i32
          %mul3A_725 = arith.muli %scan3A_271, %mul3A_724 : i32
          %add3A_726 = arith.constant 3584 : i32
          %add3A_727 = arith.addi %add3A_726, %mul3A_725 : i32
          %add3A_728 = vector.broadcast %add3A_727 : i32 to vector<16xi32>
          %add3A_729 = arith.addi %add3A_728, %iota3A : vector<16xi32>
          %broadcast_in_dim3A_730 = arith.constant 0 : i32
          %broadcast_in_dim3A_731 = vector.broadcast %broadcast_in_dim3A_730 : i32 to vector<16xi32>
          %gather3A_732 = tpu.vector_load_idx %arg12[%add3A_729, %broadcast_in_dim3A_731] : memref<4096x8xf32, #tpu.memory_space<vmem>>[vector<16xi32>, vector<16xi32>], vector<16xf32>,
          %mul3A_733 = arith.mulf %mul3A_720, %gather3A_732 : vector<16xf32>
          %add3A_734 = arith.addf %add3A_708, %mul3A_733 : vector<16xf32>
          %broadcast_in_dim3A_735 = arith.constant 1 : i32
          %broadcast_in_dim3A_736 = vector.broadcast %broadcast_in_dim3A_735 : i32 to vector<16xi32>
          %gather3A_737 = tpu.vector_load_idx %arg12[%add3A_729, %broadcast_in_dim3A_736] : memref<4096x8xf32, #tpu.memory_space<vmem>>[vector<16xi32>, vector<16xi32>], vector<16xf32>,
          %mul3A_738 = arith.mulf %mul3A_720, %gather3A_737 : vector<16xf32>
          %add3A_739 = arith.addf %add3A_713, %mul3A_738 : vector<16xf32>
          %broadcast_in_dim3A_740 = arith.constant 2 : i32
          %broadcast_in_dim3A_741 = vector.broadcast %broadcast_in_dim3A_740 : i32 to vector<16xi32>
          %gather3A_742 = tpu.vector_load_idx %arg12[%add3A_729, %broadcast_in_dim3A_741] : memref<4096x8xf32, #tpu.memory_space<vmem>>[vector<16xi32>, vector<16xi32>], vector<16xf32>,
          %mul3A_743 = arith.mulf %mul3A_721, %gather3A_742 : vector<16xf32>
          %add3A_744 = arith.addf %add3A_734, %mul3A_743 : vector<16xf32>
          %broadcast_in_dim3A_745 = arith.constant 3 : i32
          %broadcast_in_dim3A_746 = vector.broadcast %broadcast_in_dim3A_745 : i32 to vector<16xi32>
          %gather3A_747 = tpu.vector_load_idx %arg12[%add3A_729, %broadcast_in_dim3A_746] : memref<4096x8xf32, #tpu.memory_space<vmem>>[vector<16xi32>, vector<16xi32>], vector<16xf32>,
          %mul3A_748 = arith.mulf %mul3A_721, %gather3A_747 : vector<16xf32>
          %add3A_749 = arith.addf %add3A_739, %mul3A_748 : vector<16xf32>
          %broadcast_in_dim3A_750 = arith.constant 4 : i32
          %broadcast_in_dim3A_751 = vector.broadcast %broadcast_in_dim3A_750 : i32 to vector<16xi32>
          %gather3A_752 = tpu.vector_load_idx %arg12[%add3A_729, %broadcast_in_dim3A_751] : memref<4096x8xf32, #tpu.memory_space<vmem>>[vector<16xi32>, vector<16xi32>], vector<16xf32>,
          %mul3A_753 = arith.mulf %mul3A_722, %gather3A_752 : vector<16xf32>
          %add3A_754 = arith.addf %add3A_744, %mul3A_753 : vector<16xf32>
          %broadcast_in_dim3A_755 = arith.constant 5 : i32
          %broadcast_in_dim3A_756 = vector.broadcast %broadcast_in_dim3A_755 : i32 to vector<16xi32>
          %gather3A_757 = tpu.vector_load_idx %arg12[%add3A_729, %broadcast_in_dim3A_756] : memref<4096x8xf32, #tpu.memory_space<vmem>>[vector<16xi32>, vector<16xi32>], vector<16xf32>,
          %mul3A_758 = arith.mulf %mul3A_722, %gather3A_757 : vector<16xf32>
          %add3A_759 = arith.addf %add3A_749, %mul3A_758 : vector<16xf32>
          %broadcast_in_dim3A_760 = arith.constant 6 : i32
          %broadcast_in_dim3A_761 = vector.broadcast %broadcast_in_dim3A_760 : i32 to vector<16xi32>
          %gather3A_762 = tpu.vector_load_idx %arg12[%add3A_729, %broadcast_in_dim3A_761] : memref<4096x8xf32, #tpu.memory_space<vmem>>[vector<16xi32>, vector<16xi32>], vector<16xf32>,
          %mul3A_763 = arith.mulf %mul3A_723, %gather3A_762 : vector<16xf32>
          %add3A_764 = arith.addf %add3A_754, %mul3A_763 : vector<16xf32>
          %broadcast_in_dim3A_765 = arith.constant 7 : i32
          %broadcast_in_dim3A_766 = vector.broadcast %broadcast_in_dim3A_765 : i32 to vector<16xi32>
          %gather3A_767 = tpu.vector_load_idx %arg12[%add3A_729, %broadcast_in_dim3A_766] : memref<4096x8xf32, #tpu.memory_space<vmem>>[vector<16xi32>, vector<16xi32>], vector<16xf32>,
          %mul3A_768 = arith.mulf %mul3A_723, %gather3A_767 : vector<16xf32>
          %add3A_769 = arith.addf %add3A_759, %mul3A_768 : vector<16xf32>
          %mul3A_770 = arith.constant 16 : i32
          %mul3A_771 = arith.muli %scan3A_271, %mul3A_770 : i32
          %add3A_772 = vector.broadcast %mul3A_771 : i32 to vector<16xi32>
          %add3A_773 = arith.addi %add3A_772, %iota3A : vector<16xi32>
          %mul3A_774 = arith.constant 2 : i32
          %mul3A_775 = arith.muli %mul3A_774, %mul3A_215 : i32
          %broadcast_in_dim3A_776 = vector.broadcast %mul3A_775 : i32 to vector<16xi32>
          tpu.vector_store_idx %arg16[%add3A_773, %broadcast_in_dim3A_776], %add3A_764 : memref<512x32xf32, #tpu.memory_space<vmem>>[vector<16xi32>, vector<16xi32>], vector<16xf32>,
          %mul3A_777 = arith.constant 2 : i32
          %mul3A_778 = arith.muli %mul3A_777, %mul3A_215 : i32
          %add3A_779 = arith.constant 1 : i32
          %add3A_780 = arith.addi %mul3A_778, %add3A_779 : i32
          %broadcast_in_dim3A_781 = vector.broadcast %add3A_780 : i32 to vector<16xi32>
          tpu.vector_store_idx %arg16[%add3A_773, %broadcast_in_dim3A_781], %add3A_769 : memref<512x32xf32, #tpu.memory_space<vmem>>[vector<16xi32>, vector<16xi32>], vector<16xf32>,
        }
        %scan3A_250 = arith.constant 32 : i32
        %add3A_251 = arith.constant 2 : i32
        %add3A_252 = arith.addi %mul3A_215, %add3A_251 : i32
        %lt3A_253 = arith.constant 16 : i32
        %lt3A_254 = arith.cmpi slt, %add3A_252, %lt3A_253 : i32
        %convert_element_type3A_255 = arith.extui %lt3A_254 : i1 to i32
        %cond3A = arith.constant 0 : i32
        %cond3A_256 = arith.cmpi ne, %convert_element_type3A_255, %cond3A : i32
        scf.if %cond3A_256 {
          %add3A_271 = arith.constant 2 : i32
          %add3A_272 = arith.addi %mul3A_215, %add3A_271 : i32
          %get3A_273 = arith.index_cast %add3A_272 : i32 to index
          %get3A_274 = memref.load %arg18[%get3A_273] : memref<16xf32, #tpu.memory_space<smem>>
          %get3A_275 = arith.index_cast %add3A_272 : i32 to index
          %get3A_276 = memref.load %arg19[%get3A_275] : memref<16xf32, #tpu.memory_space<smem>>
          %convert_element_type3A_277 = arith.fptosi %get3A_276 : f32 to i32
          %mul3A_278 = arith.muli %convert_element_type3A_277, %convert_element_type3A_277 : i32
          %mul3A_279 = arith.constant 524288 : i32
          %mul3A_280 = arith.muli %add3A_272, %mul3A_279 : i32
          %lt3A_281 = arith.constant 5 : i32
          %lt3A_282 = arith.cmpi slt, %add3A_272, %lt3A_281 : i32
          %scan3A_283 = arith.constant 0 : i32
          %scan3A_284 = arith.constant 0 : i32
          %scan3A_285 = arith.constant 32 : i32
          %scan3A_286 = arith.addi %scan3A_284, %scan3A_285 : i32
          %scan3A_287 = arith.constant 1 : i32
          scf.for %scan3A_295 = %scan3A_284 to %scan3A_286 step %scan3A_287  : i32 {
            %mul3A_296 = arith.constant 48 : i32
            %mul3A_297 = arith.muli %scan3A_295, %mul3A_296 : i32
            %add3A_298 = vector.broadcast %mul3A_297 : i32 to vector<16xi32>
            %add3A_299 = arith.addi %mul3A_3, %add3A_298 : vector<16xi32>
            %mul3A_300 = arith.constant 48 : i32
            %mul3A_301 = arith.muli %scan3A_295, %mul3A_300 : i32
            %add3A_302 = arith.constant 1 : i32
            %add3A_303 = arith.addi %mul3A_301, %add3A_302 : i32
            %add3A_304 = vector.broadcast %add3A_303 : i32 to vector<16xi32>
            %add3A_305 = arith.addi %mul3A_3, %add3A_304 : vector<16xi32>
            %mul3A_306 = arith.constant 48 : i32
            %mul3A_307 = arith.muli %scan3A_295, %mul3A_306 : i32
            %add3A_308 = arith.constant 2 : i32
            %add3A_309 = arith.addi %mul3A_307, %add3A_308 : i32
            %add3A_310 = vector.broadcast %add3A_309 : i32 to vector<16xi32>
            %add3A_311 = arith.addi %mul3A_3, %add3A_310 : vector<16xi32>
            %shift_right_arithmetic3A = arith.constant 7 : i32
            %shift_right_arithmetic3A_312 = vector.broadcast %shift_right_arithmetic3A : i32 to vector<16xi32>
            %shift_right_arithmetic3A_313 = arith.shrsi %add3A_299, %shift_right_arithmetic3A_312 : vector<16xi32>
            %and3A = arith.constant 127 : i32
            %and3A_314 = vector.broadcast %and3A : i32 to vector<16xi32>
            %and3A_315 = arith.andi %add3A_299, %and3A_314 : vector<16xi32>
            %gather3A = tpu.vector_load_idx %arg8[%shift_right_arithmetic3A_313, %and3A_315] : memref<12x128xf32, #tpu.memory_space<vmem>>[vector<16xi32>, vector<16xi32>], vector<16xf32>,
            %shift_right_arithmetic3A_316 = arith.constant 7 : i32
            %shift_right_arithmetic3A_317 = vector.broadcast %shift_right_arithmetic3A_316 : i32 to vector<16xi32>
            %shift_right_arithmetic3A_318 = arith.shrsi %add3A_305, %shift_right_arithmetic3A_317 : vector<16xi32>
            %and3A_319 = arith.constant 127 : i32
            %and3A_320 = vector.broadcast %and3A_319 : i32 to vector<16xi32>
            %and3A_321 = arith.andi %add3A_305, %and3A_320 : vector<16xi32>
            %gather3A_322 = tpu.vector_load_idx %arg8[%shift_right_arithmetic3A_318, %and3A_321] : memref<12x128xf32, #tpu.memory_space<vmem>>[vector<16xi32>, vector<16xi32>], vector<16xf32>,
            %shift_right_arithmetic3A_323 = arith.constant 7 : i32
            %shift_right_arithmetic3A_324 = vector.broadcast %shift_right_arithmetic3A_323 : i32 to vector<16xi32>
            %shift_right_arithmetic3A_325 = arith.shrsi %add3A_311, %shift_right_arithmetic3A_324 : vector<16xi32>
            %and3A_326 = arith.constant 127 : i32
            %and3A_327 = vector.broadcast %and3A_326 : i32 to vector<16xi32>
            %and3A_328 = arith.andi %add3A_311, %and3A_327 : vector<16xi32>
            %gather3A_329 = tpu.vector_load_idx %arg8[%shift_right_arithmetic3A_325, %and3A_328] : memref<12x128xf32, #tpu.memory_space<vmem>>[vector<16xi32>, vector<16xi32>], vector<16xf32>,
            %mul3A_330 = vector.broadcast %get3A_274 : f32 to vector<16xf32>
            %mul3A_331 = arith.mulf %gather3A, %mul3A_330 : vector<16xf32>
            %convert_element_type3A_332 = arith.fptosi %mul3A_331 : vector<16xf32> to vector<16xi32>
            %mul3A_333 = vector.broadcast %get3A_274 : f32 to vector<16xf32>
            %mul3A_334 = arith.mulf %gather3A_322, %mul3A_333 : vector<16xf32>
            %convert_element_type3A_335 = arith.fptosi %mul3A_334 : vector<16xf32> to vector<16xi32>
            %mul3A_336 = vector.broadcast %get3A_274 : f32 to vector<16xf32>
            %mul3A_337 = arith.mulf %gather3A_329, %mul3A_336 : vector<16xf32>
            %convert_element_type3A_338 = arith.fptosi %mul3A_337 : vector<16xf32> to vector<16xi32>
            %mul3A_339 = vector.broadcast %get3A_274 : f32 to vector<16xf32>
            %mul3A_340 = arith.mulf %gather3A, %mul3A_339 : vector<16xf32>
            %convert_element_type3A_341 = arith.sitofp %convert_element_type3A_332 : vector<16xi32> to vector<16xf32>
            %sub3A = arith.subf %mul3A_340, %convert_element_type3A_341 : vector<16xf32>
            %mul3A_342 = vector.broadcast %get3A_274 : f32 to vector<16xf32>
            %mul3A_343 = arith.mulf %gather3A_322, %mul3A_342 : vector<16xf32>
            %convert_element_type3A_344 = arith.sitofp %convert_element_type3A_335 : vector<16xi32> to vector<16xf32>
            %sub3A_345 = arith.subf %mul3A_343, %convert_element_type3A_344 : vector<16xf32>
            %mul3A_346 = vector.broadcast %get3A_274 : f32 to vector<16xf32>
            %mul3A_347 = arith.mulf %gather3A_329, %mul3A_346 : vector<16xf32>
            %convert_element_type3A_348 = arith.sitofp %convert_element_type3A_338 : vector<16xi32> to vector<16xf32>
            %sub3A_349 = arith.subf %mul3A_347, %convert_element_type3A_348 : vector<16xf32>
            %sub3A_350 = arith.constant 1.000000e+00 : f32
            %sub3A_351 = vector.broadcast %sub3A_350 : f32 to vector<16xf32>
            %sub3A_352 = arith.subf %sub3A_351, %sub3A : vector<16xf32>
            %sub3A_353 = arith.constant 1.000000e+00 : f32
            %sub3A_354 = vector.broadcast %sub3A_353 : f32 to vector<16xf32>
            %sub3A_355 = arith.subf %sub3A_354, %sub3A_345 : vector<16xf32>
            %sub3A_356 = arith.constant 1.000000e+00 : f32
            %sub3A_357 = vector.broadcast %sub3A_356 : f32 to vector<16xf32>
            %sub3A_358 = arith.subf %sub3A_357, %sub3A_349 : vector<16xf32>
            %add3A_359 = arith.constant 1 : i32
            %add3A_360 = vector.broadcast %add3A_359 : i32 to vector<16xi32>
            %add3A_361 = arith.addi %convert_element_type3A_332, %add3A_360 : vector<16xi32>
            %mul3A_362 = arith.constant -1640531535 : i32
            %mul3A_363 = vector.broadcast %mul3A_362 : i32 to vector<16xi32>
            %mul3A_364 = arith.muli %convert_element_type3A_335, %mul3A_363 : vector<16xi32>
            %add3A_365 = arith.constant -1640531535 : i32
            %add3A_366 = vector.broadcast %add3A_365 : i32 to vector<16xi32>
            %add3A_367 = arith.addi %mul3A_364, %add3A_366 : vector<16xi32>
            %mul3A_368 = arith.constant 805459861 : i32
            %mul3A_369 = vector.broadcast %mul3A_368 : i32 to vector<16xi32>
            %mul3A_370 = arith.muli %convert_element_type3A_338, %mul3A_369 : vector<16xi32>
            %add3A_371 = arith.constant 805459861 : i32
            %add3A_372 = vector.broadcast %add3A_371 : i32 to vector<16xi32>
            %add3A_373 = arith.addi %mul3A_370, %add3A_372 : vector<16xi32>
            %mul3A_374 = vector.broadcast %convert_element_type3A_277 : i32 to vector<16xi32>
            %mul3A_375 = arith.muli %convert_element_type3A_335, %mul3A_374 : vector<16xi32>
            %add3A_376 = arith.addi %convert_element_type3A_332, %mul3A_375 : vector<16xi32>
            %mul3A_377 = vector.broadcast %mul3A_278 : i32 to vector<16xi32>
            %mul3A_378 = arith.muli %convert_element_type3A_338, %mul3A_377 : vector<16xi32>
            %add3A_379 = arith.addi %add3A_376, %mul3A_378 : vector<16xi32>
            %add3A_380 = vector.broadcast %mul3A_280 : i32 to vector<16xi32>
            %add3A_381 = arith.addi %add3A_379, %add3A_380 : vector<16xi32>
            %and3A_382 = arith.constant 7 : i32
            %and3A_383 = arith.andi %scan3A_295, %and3A_382 : i32
            %mul3A_384 = arith.constant 16 : i32
            %mul3A_385 = arith.muli %and3A_383, %mul3A_384 : i32
            %shift_right_arithmetic3A_386 = arith.constant 3 : i32
            %shift_right_arithmetic3A_387 = arith.shrsi %scan3A_295, %shift_right_arithmetic3A_386 : i32
            %xor3A = arith.xori %convert_element_type3A_332, %mul3A_364 : vector<16xi32>
            %xor3A_388 = arith.xori %xor3A, %mul3A_370 : vector<16xi32>
            %and3A_389 = arith.constant 524287 : i32
            %and3A_390 = vector.broadcast %and3A_389 : i32 to vector<16xi32>
            %and3A_391 = arith.andi %xor3A_388, %and3A_390 : vector<16xi32>
            %add3A_392 = vector.broadcast %mul3A_280 : i32 to vector<16xi32>
            %add3A_393 = arith.addi %and3A_391, %add3A_392 : vector<16xi32>
            %mul3A_394 = arith.constant 0 : i32
            %mul3A_395 = arith.muli %convert_element_type3A_277, %mul3A_394 : i32
            %add3A_396 = arith.constant 0 : i32
            %add3A_397 = arith.addi %add3A_396, %mul3A_395 : i32
            %mul3A_398 = arith.constant 0 : i32
            %mul3A_399 = arith.muli %mul3A_278, %mul3A_398 : i32
            %add3A_400 = arith.addi %add3A_397, %mul3A_399 : i32
            %add3A_401 = vector.broadcast %add3A_400 : i32 to vector<16xi32>
            %add3A_402 = arith.addi %add3A_381, %add3A_401 : vector<16xi32>
            %select_n3A = arith.select %lt3A_282, %add3A_402, %add3A_393 : vector<16xi32>
            %mul3A_403 = arith.mulf %sub3A_352, %sub3A_355 : vector<16xf32>
            %mul3A_404 = arith.mulf %mul3A_403, %sub3A_358 : vector<16xf32>
            %add3A_405 = arith.constant 0 : i32
            %add3A_406 = arith.addi %add3A_405, %shift_right_arithmetic3A_387 : i32
            %swap3A_407 = arith.index_cast %add3A_406 : i32 to index
            %swap3A_408 = arith.index_cast %mul3A_385 : i32 to index
            %swap3A_409 = tpu.vector_load %arg10[%swap3A_407, %swap3A_408] {strides = array<i32>} : memref<32x128xi32, #tpu.memory_space<vmem>>, vector<16xi32>,
            tpu.vector_store %arg10[%swap3A_407, %swap3A_408], %select_n3A {strides = array<i32>} : memref<32x128xi32, #tpu.memory_space<vmem>>, vector<16xi32>,
            %mul3A_410 = arith.constant 16 : i32
            %mul3A_411 = arith.muli %scan3A_295, %mul3A_410 : i32
            %add3A_412 = arith.constant 0 : i32
            %add3A_413 = arith.addi %add3A_412, %mul3A_411 : i32
            %swap3A_414 = arith.index_cast %add3A_413 : i32 to index
            %swap3A_415 = tpu.vector_load %arg14[%swap3A_414] {strides = array<i32>} : memref<4096xf32, #tpu.memory_space<vmem>>, vector<16xf32>,
            tpu.vector_store %arg14[%swap3A_414], %mul3A_404 {strides = array<i32>} : memref<4096xf32, #tpu.memory_space<vmem>>, vector<16xf32>,
            %xor3A_416 = arith.xori %add3A_361, %mul3A_364 : vector<16xi32>
            %xor3A_417 = arith.xori %xor3A_416, %mul3A_370 : vector<16xi32>
            %and3A_418 = arith.constant 524287 : i32
            %and3A_419 = vector.broadcast %and3A_418 : i32 to vector<16xi32>
            %and3A_420 = arith.andi %xor3A_417, %and3A_419 : vector<16xi32>
            %add3A_421 = vector.broadcast %mul3A_280 : i32 to vector<16xi32>
            %add3A_422 = arith.addi %and3A_420, %add3A_421 : vector<16xi32>
            %mul3A_423 = arith.constant 0 : i32
            %mul3A_424 = arith.muli %convert_element_type3A_277, %mul3A_423 : i32
            %add3A_425 = arith.constant 1 : i32
            %add3A_426 = arith.addi %add3A_425, %mul3A_424 : i32
            %mul3A_427 = arith.constant 0 : i32
            %mul3A_428 = arith.muli %mul3A_278, %mul3A_427 : i32
            %add3A_429 = arith.addi %add3A_426, %mul3A_428 : i32
            %add3A_430 = vector.broadcast %add3A_429 : i32 to vector<16xi32>
            %add3A_431 = arith.addi %add3A_381, %add3A_430 : vector<16xi32>
            %select_n3A_432 = arith.select %lt3A_282, %add3A_431, %add3A_422 : vector<16xi32>
            %mul3A_433 = arith.mulf %sub3A, %sub3A_355 : vector<16xf32>
            %mul3A_434 = arith.mulf %mul3A_433, %sub3A_358 : vector<16xf32>
            %add3A_435 = arith.constant 4 : i32
            %add3A_436 = arith.addi %add3A_435, %shift_right_arithmetic3A_387 : i32
            %swap3A_437 = arith.index_cast %add3A_436 : i32 to index
            %swap3A_438 = arith.index_cast %mul3A_385 : i32 to index
            %swap3A_439 = tpu.vector_load %arg10[%swap3A_437, %swap3A_438] {strides = array<i32>} : memref<32x128xi32, #tpu.memory_space<vmem>>, vector<16xi32>,
            tpu.vector_store %arg10[%swap3A_437, %swap3A_438], %select_n3A_432 {strides = array<i32>} : memref<32x128xi32, #tpu.memory_space<vmem>>, vector<16xi32>,
            %mul3A_440 = arith.constant 16 : i32
            %mul3A_441 = arith.muli %scan3A_295, %mul3A_440 : i32
            %add3A_442 = arith.constant 512 : i32
            %add3A_443 = arith.addi %add3A_442, %mul3A_441 : i32
            %swap3A_444 = arith.index_cast %add3A_443 : i32 to index
            %swap3A_445 = tpu.vector_load %arg14[%swap3A_444] {strides = array<i32>} : memref<4096xf32, #tpu.memory_space<vmem>>, vector<16xf32>,
            tpu.vector_store %arg14[%swap3A_444], %mul3A_434 {strides = array<i32>} : memref<4096xf32, #tpu.memory_space<vmem>>, vector<16xf32>,
            %xor3A_446 = arith.xori %convert_element_type3A_332, %add3A_367 : vector<16xi32>
            %xor3A_447 = arith.xori %xor3A_446, %mul3A_370 : vector<16xi32>
            %and3A_448 = arith.constant 524287 : i32
            %and3A_449 = vector.broadcast %and3A_448 : i32 to vector<16xi32>
            %and3A_450 = arith.andi %xor3A_447, %and3A_449 : vector<16xi32>
            %add3A_451 = vector.broadcast %mul3A_280 : i32 to vector<16xi32>
            %add3A_452 = arith.addi %and3A_450, %add3A_451 : vector<16xi32>
            %mul3A_453 = arith.constant 1 : i32
            %mul3A_454 = arith.muli %convert_element_type3A_277, %mul3A_453 : i32
            %add3A_455 = arith.constant 0 : i32
            %add3A_456 = arith.addi %add3A_455, %mul3A_454 : i32
            %mul3A_457 = arith.constant 0 : i32
            %mul3A_458 = arith.muli %mul3A_278, %mul3A_457 : i32
            %add3A_459 = arith.addi %add3A_456, %mul3A_458 : i32
            %add3A_460 = vector.broadcast %add3A_459 : i32 to vector<16xi32>
            %add3A_461 = arith.addi %add3A_381, %add3A_460 : vector<16xi32>
            %select_n3A_462 = arith.select %lt3A_282, %add3A_461, %add3A_452 : vector<16xi32>
            %mul3A_463 = arith.mulf %sub3A_352, %sub3A_345 : vector<16xf32>
            %mul3A_464 = arith.mulf %mul3A_463, %sub3A_358 : vector<16xf32>
            %add3A_465 = arith.constant 8 : i32
            %add3A_466 = arith.addi %add3A_465, %shift_right_arithmetic3A_387 : i32
            %swap3A_467 = arith.index_cast %add3A_466 : i32 to index
            %swap3A_468 = arith.index_cast %mul3A_385 : i32 to index
            %swap3A_469 = tpu.vector_load %arg10[%swap3A_467, %swap3A_468] {strides = array<i32>} : memref<32x128xi32, #tpu.memory_space<vmem>>, vector<16xi32>,
            tpu.vector_store %arg10[%swap3A_467, %swap3A_468], %select_n3A_462 {strides = array<i32>} : memref<32x128xi32, #tpu.memory_space<vmem>>, vector<16xi32>,
            %mul3A_470 = arith.constant 16 : i32
            %mul3A_471 = arith.muli %scan3A_295, %mul3A_470 : i32
            %add3A_472 = arith.constant 1024 : i32
            %add3A_473 = arith.addi %add3A_472, %mul3A_471 : i32
            %swap3A_474 = arith.index_cast %add3A_473 : i32 to index
            %swap3A_475 = tpu.vector_load %arg14[%swap3A_474] {strides = array<i32>} : memref<4096xf32, #tpu.memory_space<vmem>>, vector<16xf32>,
            tpu.vector_store %arg14[%swap3A_474], %mul3A_464 {strides = array<i32>} : memref<4096xf32, #tpu.memory_space<vmem>>, vector<16xf32>,
            %xor3A_476 = arith.xori %add3A_361, %add3A_367 : vector<16xi32>
            %xor3A_477 = arith.xori %xor3A_476, %mul3A_370 : vector<16xi32>
            %and3A_478 = arith.constant 524287 : i32
            %and3A_479 = vector.broadcast %and3A_478 : i32 to vector<16xi32>
            %and3A_480 = arith.andi %xor3A_477, %and3A_479 : vector<16xi32>
            %add3A_481 = vector.broadcast %mul3A_280 : i32 to vector<16xi32>
            %add3A_482 = arith.addi %and3A_480, %add3A_481 : vector<16xi32>
            %mul3A_483 = arith.constant 1 : i32
            %mul3A_484 = arith.muli %convert_element_type3A_277, %mul3A_483 : i32
            %add3A_485 = arith.constant 1 : i32
            %add3A_486 = arith.addi %add3A_485, %mul3A_484 : i32
            %mul3A_487 = arith.constant 0 : i32
            %mul3A_488 = arith.muli %mul3A_278, %mul3A_487 : i32
            %add3A_489 = arith.addi %add3A_486, %mul3A_488 : i32
            %add3A_490 = vector.broadcast %add3A_489 : i32 to vector<16xi32>
            %add3A_491 = arith.addi %add3A_381, %add3A_490 : vector<16xi32>
            %select_n3A_492 = arith.select %lt3A_282, %add3A_491, %add3A_482 : vector<16xi32>
            %mul3A_493 = arith.mulf %sub3A, %sub3A_345 : vector<16xf32>
            %mul3A_494 = arith.mulf %mul3A_493, %sub3A_358 : vector<16xf32>
            %add3A_495 = arith.constant 12 : i32
            %add3A_496 = arith.addi %add3A_495, %shift_right_arithmetic3A_387 : i32
            %swap3A_497 = arith.index_cast %add3A_496 : i32 to index
            %swap3A_498 = arith.index_cast %mul3A_385 : i32 to index
            %swap3A_499 = tpu.vector_load %arg10[%swap3A_497, %swap3A_498] {strides = array<i32>} : memref<32x128xi32, #tpu.memory_space<vmem>>, vector<16xi32>,
            tpu.vector_store %arg10[%swap3A_497, %swap3A_498], %select_n3A_492 {strides = array<i32>} : memref<32x128xi32, #tpu.memory_space<vmem>>, vector<16xi32>,
            %mul3A_500 = arith.constant 16 : i32
            %mul3A_501 = arith.muli %scan3A_295, %mul3A_500 : i32
            %add3A_502 = arith.constant 1536 : i32
            %add3A_503 = arith.addi %add3A_502, %mul3A_501 : i32
            %swap3A_504 = arith.index_cast %add3A_503 : i32 to index
            %swap3A_505 = tpu.vector_load %arg14[%swap3A_504] {strides = array<i32>} : memref<4096xf32, #tpu.memory_space<vmem>>, vector<16xf32>,
            tpu.vector_store %arg14[%swap3A_504], %mul3A_494 {strides = array<i32>} : memref<4096xf32, #tpu.memory_space<vmem>>, vector<16xf32>,
            %xor3A_506 = arith.xori %convert_element_type3A_332, %mul3A_364 : vector<16xi32>
            %xor3A_507 = arith.xori %xor3A_506, %add3A_373 : vector<16xi32>
            %and3A_508 = arith.constant 524287 : i32
            %and3A_509 = vector.broadcast %and3A_508 : i32 to vector<16xi32>
            %and3A_510 = arith.andi %xor3A_507, %and3A_509 : vector<16xi32>
            %add3A_511 = vector.broadcast %mul3A_280 : i32 to vector<16xi32>
            %add3A_512 = arith.addi %and3A_510, %add3A_511 : vector<16xi32>
            %mul3A_513 = arith.constant 0 : i32
            %mul3A_514 = arith.muli %convert_element_type3A_277, %mul3A_513 : i32
            %add3A_515 = arith.constant 0 : i32
            %add3A_516 = arith.addi %add3A_515, %mul3A_514 : i32
            %mul3A_517 = arith.constant 1 : i32
            %mul3A_518 = arith.muli %mul3A_278, %mul3A_517 : i32
            %add3A_519 = arith.addi %add3A_516, %mul3A_518 : i32
            %add3A_520 = vector.broadcast %add3A_519 : i32 to vector<16xi32>
            %add3A_521 = arith.addi %add3A_381, %add3A_520 : vector<16xi32>
            %select_n3A_522 = arith.select %lt3A_282, %add3A_521, %add3A_512 : vector<16xi32>
            %mul3A_523 = arith.mulf %sub3A_352, %sub3A_355 : vector<16xf32>
            %mul3A_524 = arith.mulf %mul3A_523, %sub3A_349 : vector<16xf32>
            %add3A_525 = arith.constant 16 : i32
            %add3A_526 = arith.addi %add3A_525, %shift_right_arithmetic3A_387 : i32
            %swap3A_527 = arith.index_cast %add3A_526 : i32 to index
            %swap3A_528 = arith.index_cast %mul3A_385 : i32 to index
            %swap3A_529 = tpu.vector_load %arg10[%swap3A_527, %swap3A_528] {strides = array<i32>} : memref<32x128xi32, #tpu.memory_space<vmem>>, vector<16xi32>,
            tpu.vector_store %arg10[%swap3A_527, %swap3A_528], %select_n3A_522 {strides = array<i32>} : memref<32x128xi32, #tpu.memory_space<vmem>>, vector<16xi32>,
            %mul3A_530 = arith.constant 16 : i32
            %mul3A_531 = arith.muli %scan3A_295, %mul3A_530 : i32
            %add3A_532 = arith.constant 2048 : i32
            %add3A_533 = arith.addi %add3A_532, %mul3A_531 : i32
            %swap3A_534 = arith.index_cast %add3A_533 : i32 to index
            %swap3A_535 = tpu.vector_load %arg14[%swap3A_534] {strides = array<i32>} : memref<4096xf32, #tpu.memory_space<vmem>>, vector<16xf32>,
            tpu.vector_store %arg14[%swap3A_534], %mul3A_524 {strides = array<i32>} : memref<4096xf32, #tpu.memory_space<vmem>>, vector<16xf32>,
            %xor3A_536 = arith.xori %add3A_361, %mul3A_364 : vector<16xi32>
            %xor3A_537 = arith.xori %xor3A_536, %add3A_373 : vector<16xi32>
            %and3A_538 = arith.constant 524287 : i32
            %and3A_539 = vector.broadcast %and3A_538 : i32 to vector<16xi32>
            %and3A_540 = arith.andi %xor3A_537, %and3A_539 : vector<16xi32>
            %add3A_541 = vector.broadcast %mul3A_280 : i32 to vector<16xi32>
            %add3A_542 = arith.addi %and3A_540, %add3A_541 : vector<16xi32>
            %mul3A_543 = arith.constant 0 : i32
            %mul3A_544 = arith.muli %convert_element_type3A_277, %mul3A_543 : i32
            %add3A_545 = arith.constant 1 : i32
            %add3A_546 = arith.addi %add3A_545, %mul3A_544 : i32
            %mul3A_547 = arith.constant 1 : i32
            %mul3A_548 = arith.muli %mul3A_278, %mul3A_547 : i32
            %add3A_549 = arith.addi %add3A_546, %mul3A_548 : i32
            %add3A_550 = vector.broadcast %add3A_549 : i32 to vector<16xi32>
            %add3A_551 = arith.addi %add3A_381, %add3A_550 : vector<16xi32>
            %select_n3A_552 = arith.select %lt3A_282, %add3A_551, %add3A_542 : vector<16xi32>
            %mul3A_553 = arith.mulf %sub3A, %sub3A_355 : vector<16xf32>
            %mul3A_554 = arith.mulf %mul3A_553, %sub3A_349 : vector<16xf32>
            %add3A_555 = arith.constant 20 : i32
            %add3A_556 = arith.addi %add3A_555, %shift_right_arithmetic3A_387 : i32
            %swap3A_557 = arith.index_cast %add3A_556 : i32 to index
            %swap3A_558 = arith.index_cast %mul3A_385 : i32 to index
            %swap3A_559 = tpu.vector_load %arg10[%swap3A_557, %swap3A_558] {strides = array<i32>} : memref<32x128xi32, #tpu.memory_space<vmem>>, vector<16xi32>,
            tpu.vector_store %arg10[%swap3A_557, %swap3A_558], %select_n3A_552 {strides = array<i32>} : memref<32x128xi32, #tpu.memory_space<vmem>>, vector<16xi32>,
            %mul3A_560 = arith.constant 16 : i32
            %mul3A_561 = arith.muli %scan3A_295, %mul3A_560 : i32
            %add3A_562 = arith.constant 2560 : i32
            %add3A_563 = arith.addi %add3A_562, %mul3A_561 : i32
            %swap3A_564 = arith.index_cast %add3A_563 : i32 to index
            %swap3A_565 = tpu.vector_load %arg14[%swap3A_564] {strides = array<i32>} : memref<4096xf32, #tpu.memory_space<vmem>>, vector<16xf32>,
            tpu.vector_store %arg14[%swap3A_564], %mul3A_554 {strides = array<i32>} : memref<4096xf32, #tpu.memory_space<vmem>>, vector<16xf32>,
            %xor3A_566 = arith.xori %convert_element_type3A_332, %add3A_367 : vector<16xi32>
            %xor3A_567 = arith.xori %xor3A_566, %add3A_373 : vector<16xi32>
            %and3A_568 = arith.constant 524287 : i32
            %and3A_569 = vector.broadcast %and3A_568 : i32 to vector<16xi32>
            %and3A_570 = arith.andi %xor3A_567, %and3A_569 : vector<16xi32>
            %add3A_571 = vector.broadcast %mul3A_280 : i32 to vector<16xi32>
            %add3A_572 = arith.addi %and3A_570, %add3A_571 : vector<16xi32>
            %mul3A_573 = arith.constant 1 : i32
            %mul3A_574 = arith.muli %convert_element_type3A_277, %mul3A_573 : i32
            %add3A_575 = arith.constant 0 : i32
            %add3A_576 = arith.addi %add3A_575, %mul3A_574 : i32
            %mul3A_577 = arith.constant 1 : i32
            %mul3A_578 = arith.muli %mul3A_278, %mul3A_577 : i32
            %add3A_579 = arith.addi %add3A_576, %mul3A_578 : i32
            %add3A_580 = vector.broadcast %add3A_579 : i32 to vector<16xi32>
            %add3A_581 = arith.addi %add3A_381, %add3A_580 : vector<16xi32>
            %select_n3A_582 = arith.select %lt3A_282, %add3A_581, %add3A_572 : vector<16xi32>
            %mul3A_583 = arith.mulf %sub3A_352, %sub3A_345 : vector<16xf32>
            %mul3A_584 = arith.mulf %mul3A_583, %sub3A_349 : vector<16xf32>
            %add3A_585 = arith.constant 24 : i32
            %add3A_586 = arith.addi %add3A_585, %shift_right_arithmetic3A_387 : i32
            %swap3A_587 = arith.index_cast %add3A_586 : i32 to index
            %swap3A_588 = arith.index_cast %mul3A_385 : i32 to index
            %swap3A_589 = tpu.vector_load %arg10[%swap3A_587, %swap3A_588] {strides = array<i32>} : memref<32x128xi32, #tpu.memory_space<vmem>>, vector<16xi32>,
            tpu.vector_store %arg10[%swap3A_587, %swap3A_588], %select_n3A_582 {strides = array<i32>} : memref<32x128xi32, #tpu.memory_space<vmem>>, vector<16xi32>,
            %mul3A_590 = arith.constant 16 : i32
            %mul3A_591 = arith.muli %scan3A_295, %mul3A_590 : i32
            %add3A_592 = arith.constant 3072 : i32
            %add3A_593 = arith.addi %add3A_592, %mul3A_591 : i32
            %swap3A_594 = arith.index_cast %add3A_593 : i32 to index
            %swap3A_595 = tpu.vector_load %arg14[%swap3A_594] {strides = array<i32>} : memref<4096xf32, #tpu.memory_space<vmem>>, vector<16xf32>,
            tpu.vector_store %arg14[%swap3A_594], %mul3A_584 {strides = array<i32>} : memref<4096xf32, #tpu.memory_space<vmem>>, vector<16xf32>,
            %xor3A_596 = arith.xori %add3A_361, %add3A_367 : vector<16xi32>
            %xor3A_597 = arith.xori %xor3A_596, %add3A_373 : vector<16xi32>
            %and3A_598 = arith.constant 524287 : i32
            %and3A_599 = vector.broadcast %and3A_598 : i32 to vector<16xi32>
            %and3A_600 = arith.andi %xor3A_597, %and3A_599 : vector<16xi32>
            %add3A_601 = vector.broadcast %mul3A_280 : i32 to vector<16xi32>
            %add3A_602 = arith.addi %and3A_600, %add3A_601 : vector<16xi32>
            %mul3A_603 = arith.constant 1 : i32
            %mul3A_604 = arith.muli %convert_element_type3A_277, %mul3A_603 : i32
            %add3A_605 = arith.constant 1 : i32
            %add3A_606 = arith.addi %add3A_605, %mul3A_604 : i32
            %mul3A_607 = arith.constant 1 : i32
            %mul3A_608 = arith.muli %mul3A_278, %mul3A_607 : i32
            %add3A_609 = arith.addi %add3A_606, %mul3A_608 : i32
            %add3A_610 = vector.broadcast %add3A_609 : i32 to vector<16xi32>
            %add3A_611 = arith.addi %add3A_381, %add3A_610 : vector<16xi32>
            %select_n3A_612 = arith.select %lt3A_282, %add3A_611, %add3A_602 : vector<16xi32>
            %mul3A_613 = arith.mulf %sub3A, %sub3A_345 : vector<16xf32>
            %mul3A_614 = arith.mulf %mul3A_613, %sub3A_349 : vector<16xf32>
            %add3A_615 = arith.constant 28 : i32
            %add3A_616 = arith.addi %add3A_615, %shift_right_arithmetic3A_387 : i32
            %swap3A_617 = arith.index_cast %add3A_616 : i32 to index
            %swap3A_618 = arith.index_cast %mul3A_385 : i32 to index
            %swap3A_619 = tpu.vector_load %arg10[%swap3A_617, %swap3A_618] {strides = array<i32>} : memref<32x128xi32, #tpu.memory_space<vmem>>, vector<16xi32>,
            tpu.vector_store %arg10[%swap3A_617, %swap3A_618], %select_n3A_612 {strides = array<i32>} : memref<32x128xi32, #tpu.memory_space<vmem>>, vector<16xi32>,
            %mul3A_620 = arith.constant 16 : i32
            %mul3A_621 = arith.muli %scan3A_295, %mul3A_620 : i32
            %add3A_622 = arith.constant 3584 : i32
            %add3A_623 = arith.addi %add3A_622, %mul3A_621 : i32
            %swap3A_624 = arith.index_cast %add3A_623 : i32 to index
            %swap3A_625 = tpu.vector_load %arg14[%swap3A_624] {strides = array<i32>} : memref<4096xf32, #tpu.memory_space<vmem>>, vector<16xf32>,
            tpu.vector_store %arg14[%swap3A_624], %mul3A_614 {strides = array<i32>} : memref<4096xf32, #tpu.memory_space<vmem>>, vector<16xf32>,
          }
          %scan3A_288 = arith.constant 32 : i32
          %scan3A_289 = arith.constant 0 : i32
          %scan3A_290 = arith.constant 0 : i32
          %scan3A_291 = arith.constant 32 : i32
          %scan3A_292 = arith.addi %scan3A_290, %scan3A_291 : i32
          %scan3A_293 = arith.constant 1 : i32
          scf.for %scan3A_295 = %scan3A_290 to %scan3A_292 step %scan3A_293  : i32 {
            %mul3A_296 = arith.constant 128 : i32
            %mul3A_297 = arith.muli %scan3A_295, %mul3A_296 : i32
            %dma_start3A = arith.constant 0 : i32
            %dma_start3A_298 = tpu.memref_slice %arg12[%mul3A_297, %dma_start3A] : memref<4096x8xf32, #tpu.memory_space<vmem>> -> memref<128x8xf32, #tpu.memory_space<vmem>>
            %dma_start3A_299 = arith.constant 0 : i32
            %dma_start3A_300 = tpu.memref_slice %arg10[%scan3A_295, %dma_start3A_299] : memref<32x128xi32, #tpu.memory_space<vmem>> -> memref<1x128xi32, #tpu.memory_space<vmem>>
            %dma_start3A_301 = tpu.memref_squeeze %dma_start3A_300 : memref<1x128xi32, #tpu.memory_space<vmem>> -> memref<128xi32, #tpu.memory_space<vmem>>
            %dma_start3A_302 = arith.constant 0 : i32
            %dma_start3A_303 = arith.constant 0 : i32
            %dma_start3A_304 = tpu.memref_slice %arg2[%dma_start3A_302, %dma_start3A_303] : memref<8388608x8xf32, #tpu.memory_space<hbm>> -> memref<8388608x8xf32, #tpu.memory_space<hbm>>
            tpu.enqueue_indirect_dma source(%dma_start3A_304 : memref<8388608x8xf32, #tpu.memory_space<hbm>>) target(%dma_start3A_298 : memref<128x8xf32, #tpu.memory_space<vmem>>) offsets(%dma_start3A_301 : memref<128xi32, #tpu.memory_space<vmem>>) semaphore(%arg20 : memref<!tpu.dma_semaphore, #tpu.memory_space<semaphore_mem>>)
          }
          %scan3A_294 = arith.constant 32 : i32
        } else {
        }
        %scan3A_257 = arith.constant 0 : i32
        %scan3A_258 = arith.constant 0 : i32
        %scan3A_259 = arith.constant 32 : i32
        %scan3A_260 = arith.addi %scan3A_258, %scan3A_259 : i32
        %scan3A_261 = arith.constant 1 : i32
        scf.for %scan3A_271 = %scan3A_258 to %scan3A_260 step %scan3A_261  : i32 {
          %mul3A_272 = arith.constant 128 : i32
          %mul3A_273 = arith.muli %scan3A_271, %mul3A_272 : i32
          %dma_wait3A = arith.constant 0 : i32
          %dma_wait3A_274 = tpu.memref_slice %arg13[%mul3A_273, %dma_wait3A] : memref<4096x8xf32, #tpu.memory_space<vmem>> -> memref<128x8xf32, #tpu.memory_space<vmem>>
          %dma_wait3A_275 = arith.constant 0 : i32
          %dma_wait3A_276 = tpu.memref_slice %arg11[%scan3A_271, %dma_wait3A_275] : memref<32x128xi32, #tpu.memory_space<vmem>> -> memref<1x128xi32, #tpu.memory_space<vmem>>
          %dma_wait3A_277 = tpu.memref_squeeze %dma_wait3A_276 : memref<1x128xi32, #tpu.memory_space<vmem>> -> memref<128xi32, #tpu.memory_space<vmem>>
          %dma_wait3A_278 = arith.constant 0 : i32
          %dma_wait3A_279 = arith.constant 0 : i32
          %dma_wait3A_280 = tpu.memref_slice %arg2[%dma_wait3A_278, %dma_wait3A_279] : memref<8388608x8xf32, #tpu.memory_space<hbm>> -> memref<8388608x8xf32, #tpu.memory_space<hbm>>
          tpu.wait_indirect_dma semaphore(%arg21 : memref<!tpu.dma_semaphore, #tpu.memory_space<semaphore_mem>>) src(%dma_wait3A_280 : memref<8388608x8xf32, #tpu.memory_space<hbm>>) dst(%dma_wait3A_274 : memref<128x8xf32, #tpu.memory_space<vmem>>)
        }
        %scan3A_262 = arith.constant 32 : i32
        %add3A_263 = arith.constant 1 : i32
        %add3A_264 = arith.addi %mul3A_215, %add3A_263 : i32
        %scan3A_265 = arith.constant 0 : i32
        %scan3A_266 = arith.constant 0 : i32
        %scan3A_267 = arith.constant 32 : i32
        %scan3A_268 = arith.addi %scan3A_266, %scan3A_267 : i32
        %scan3A_269 = arith.constant 1 : i32
        scf.for %scan3A_271 = %scan3A_266 to %scan3A_268 step %scan3A_269  : i32 {
          %mul3A_272 = arith.constant 64 : i32
          %mul3A_273 = arith.muli %scan3A_271, %mul3A_272 : i32
          %add3A_274 = vector.broadcast %mul3A_273 : i32 to vector<16xi32>
          %add3A_275 = arith.addi %mul3A_6, %add3A_274 : vector<16xi32>
          %mul3A_276 = arith.constant 64 : i32
          %mul3A_277 = arith.muli %scan3A_271, %mul3A_276 : i32
          %add3A_278 = arith.constant 1 : i32
          %add3A_279 = arith.addi %mul3A_277, %add3A_278 : i32
          %add3A_280 = vector.broadcast %add3A_279 : i32 to vector<16xi32>
          %add3A_281 = arith.addi %mul3A_6, %add3A_280 : vector<16xi32>
          %mul3A_282 = arith.constant 64 : i32
          %mul3A_283 = arith.muli %scan3A_271, %mul3A_282 : i32
          %add3A_284 = arith.constant 2 : i32
          %add3A_285 = arith.addi %mul3A_283, %add3A_284 : i32
          %add3A_286 = vector.broadcast %add3A_285 : i32 to vector<16xi32>
          %add3A_287 = arith.addi %mul3A_6, %add3A_286 : vector<16xi32>
          %mul3A_288 = arith.constant 64 : i32
          %mul3A_289 = arith.muli %scan3A_271, %mul3A_288 : i32
          %add3A_290 = arith.constant 3 : i32
          %add3A_291 = arith.addi %mul3A_289, %add3A_290 : i32
          %add3A_292 = vector.broadcast %add3A_291 : i32 to vector<16xi32>
          %add3A_293 = arith.addi %mul3A_6, %add3A_292 : vector<16xi32>
          %shift_right_arithmetic3A = arith.constant 7 : i32
          %shift_right_arithmetic3A_294 = vector.broadcast %shift_right_arithmetic3A : i32 to vector<16xi32>
          %shift_right_arithmetic3A_295 = arith.shrsi %add3A_275, %shift_right_arithmetic3A_294 : vector<16xi32>
          %and3A = arith.constant 127 : i32
          %and3A_296 = vector.broadcast %and3A : i32 to vector<16xi32>
          %and3A_297 = arith.andi %add3A_275, %and3A_296 : vector<16xi32>
          %gather3A = tpu.vector_load_idx %arg9[%shift_right_arithmetic3A_295, %and3A_297] : memref<16x128xf32, #tpu.memory_space<vmem>>[vector<16xi32>, vector<16xi32>], vector<16xf32>,
          %shift_right_arithmetic3A_298 = arith.constant 7 : i32
          %shift_right_arithmetic3A_299 = vector.broadcast %shift_right_arithmetic3A_298 : i32 to vector<16xi32>
          %shift_right_arithmetic3A_300 = arith.shrsi %add3A_281, %shift_right_arithmetic3A_299 : vector<16xi32>
          %and3A_301 = arith.constant 127 : i32
          %and3A_302 = vector.broadcast %and3A_301 : i32 to vector<16xi32>
          %and3A_303 = arith.andi %add3A_281, %and3A_302 : vector<16xi32>
          %gather3A_304 = tpu.vector_load_idx %arg9[%shift_right_arithmetic3A_300, %and3A_303] : memref<16x128xf32, #tpu.memory_space<vmem>>[vector<16xi32>, vector<16xi32>], vector<16xf32>,
          %shift_right_arithmetic3A_305 = arith.constant 7 : i32
          %shift_right_arithmetic3A_306 = vector.broadcast %shift_right_arithmetic3A_305 : i32 to vector<16xi32>
          %shift_right_arithmetic3A_307 = arith.shrsi %add3A_287, %shift_right_arithmetic3A_306 : vector<16xi32>
          %and3A_308 = arith.constant 127 : i32
          %and3A_309 = vector.broadcast %and3A_308 : i32 to vector<16xi32>
          %and3A_310 = arith.andi %add3A_287, %and3A_309 : vector<16xi32>
          %gather3A_311 = tpu.vector_load_idx %arg9[%shift_right_arithmetic3A_307, %and3A_310] : memref<16x128xf32, #tpu.memory_space<vmem>>[vector<16xi32>, vector<16xi32>], vector<16xf32>,
          %shift_right_arithmetic3A_312 = arith.constant 7 : i32
          %shift_right_arithmetic3A_313 = vector.broadcast %shift_right_arithmetic3A_312 : i32 to vector<16xi32>
          %shift_right_arithmetic3A_314 = arith.shrsi %add3A_293, %shift_right_arithmetic3A_313 : vector<16xi32>
          %and3A_315 = arith.constant 127 : i32
          %and3A_316 = vector.broadcast %and3A_315 : i32 to vector<16xi32>
          %and3A_317 = arith.andi %add3A_293, %and3A_316 : vector<16xi32>
          %gather3A_318 = tpu.vector_load_idx %arg9[%shift_right_arithmetic3A_314, %and3A_317] : memref<16x128xf32, #tpu.memory_space<vmem>>[vector<16xi32>, vector<16xi32>], vector<16xf32>,
          %broadcast_in_dim3A = arith.constant 0.000000e+00 : f32
          %broadcast_in_dim3A_319 = vector.broadcast %broadcast_in_dim3A : f32 to vector<16xf32>
          %broadcast_in_dim3A_320 = arith.constant 0.000000e+00 : f32
          %broadcast_in_dim3A_321 = vector.broadcast %broadcast_in_dim3A_320 : f32 to vector<16xf32>
          %mul3A_322 = arith.constant 16 : i32
          %mul3A_323 = arith.muli %scan3A_271, %mul3A_322 : i32
          %add3A_324 = arith.constant 0 : i32
          %add3A_325 = arith.addi %add3A_324, %mul3A_323 : i32
          %get3A_326 = arith.index_cast %add3A_325 : i32 to index
          %get3A_327 = tpu.vector_load %arg15[%get3A_326] {strides = array<i32>} : memref<4096xf32, #tpu.memory_space<vmem>>, vector<16xf32>,
          %mul3A_328 = arith.mulf %get3A_327, %gather3A : vector<16xf32>
          %mul3A_329 = arith.mulf %get3A_327, %gather3A_304 : vector<16xf32>
          %mul3A_330 = arith.mulf %get3A_327, %gather3A_311 : vector<16xf32>
          %mul3A_331 = arith.mulf %get3A_327, %gather3A_318 : vector<16xf32>
          %mul3A_332 = arith.constant 16 : i32
          %mul3A_333 = arith.muli %scan3A_271, %mul3A_332 : i32
          %add3A_334 = arith.constant 0 : i32
          %add3A_335 = arith.addi %add3A_334, %mul3A_333 : i32
          %add3A_336 = vector.broadcast %add3A_335 : i32 to vector<16xi32>
          %add3A_337 = arith.addi %add3A_336, %iota3A : vector<16xi32>
          %broadcast_in_dim3A_338 = arith.constant 0 : i32
          %broadcast_in_dim3A_339 = vector.broadcast %broadcast_in_dim3A_338 : i32 to vector<16xi32>
          %gather3A_340 = tpu.vector_load_idx %arg13[%add3A_337, %broadcast_in_dim3A_339] : memref<4096x8xf32, #tpu.memory_space<vmem>>[vector<16xi32>, vector<16xi32>], vector<16xf32>,
          %mul3A_341 = arith.mulf %mul3A_328, %gather3A_340 : vector<16xf32>
          %add3A_342 = arith.addf %broadcast_in_dim3A_319, %mul3A_341 : vector<16xf32>
          %broadcast_in_dim3A_343 = arith.constant 1 : i32
          %broadcast_in_dim3A_344 = vector.broadcast %broadcast_in_dim3A_343 : i32 to vector<16xi32>
          %gather3A_345 = tpu.vector_load_idx %arg13[%add3A_337, %broadcast_in_dim3A_344] : memref<4096x8xf32, #tpu.memory_space<vmem>>[vector<16xi32>, vector<16xi32>], vector<16xf32>,
          %mul3A_346 = arith.mulf %mul3A_328, %gather3A_345 : vector<16xf32>
          %add3A_347 = arith.addf %broadcast_in_dim3A_321, %mul3A_346 : vector<16xf32>
          %broadcast_in_dim3A_348 = arith.constant 2 : i32
          %broadcast_in_dim3A_349 = vector.broadcast %broadcast_in_dim3A_348 : i32 to vector<16xi32>
          %gather3A_350 = tpu.vector_load_idx %arg13[%add3A_337, %broadcast_in_dim3A_349] : memref<4096x8xf32, #tpu.memory_space<vmem>>[vector<16xi32>, vector<16xi32>], vector<16xf32>,
          %mul3A_351 = arith.mulf %mul3A_329, %gather3A_350 : vector<16xf32>
          %add3A_352 = arith.addf %add3A_342, %mul3A_351 : vector<16xf32>
          %broadcast_in_dim3A_353 = arith.constant 3 : i32
          %broadcast_in_dim3A_354 = vector.broadcast %broadcast_in_dim3A_353 : i32 to vector<16xi32>
          %gather3A_355 = tpu.vector_load_idx %arg13[%add3A_337, %broadcast_in_dim3A_354] : memref<4096x8xf32, #tpu.memory_space<vmem>>[vector<16xi32>, vector<16xi32>], vector<16xf32>,
          %mul3A_356 = arith.mulf %mul3A_329, %gather3A_355 : vector<16xf32>
          %add3A_357 = arith.addf %add3A_347, %mul3A_356 : vector<16xf32>
          %broadcast_in_dim3A_358 = arith.constant 4 : i32
          %broadcast_in_dim3A_359 = vector.broadcast %broadcast_in_dim3A_358 : i32 to vector<16xi32>
          %gather3A_360 = tpu.vector_load_idx %arg13[%add3A_337, %broadcast_in_dim3A_359] : memref<4096x8xf32, #tpu.memory_space<vmem>>[vector<16xi32>, vector<16xi32>], vector<16xf32>,
          %mul3A_361 = arith.mulf %mul3A_330, %gather3A_360 : vector<16xf32>
          %add3A_362 = arith.addf %add3A_352, %mul3A_361 : vector<16xf32>
          %broadcast_in_dim3A_363 = arith.constant 5 : i32
          %broadcast_in_dim3A_364 = vector.broadcast %broadcast_in_dim3A_363 : i32 to vector<16xi32>
          %gather3A_365 = tpu.vector_load_idx %arg13[%add3A_337, %broadcast_in_dim3A_364] : memref<4096x8xf32, #tpu.memory_space<vmem>>[vector<16xi32>, vector<16xi32>], vector<16xf32>,
          %mul3A_366 = arith.mulf %mul3A_330, %gather3A_365 : vector<16xf32>
          %add3A_367 = arith.addf %add3A_357, %mul3A_366 : vector<16xf32>
          %broadcast_in_dim3A_368 = arith.constant 6 : i32
          %broadcast_in_dim3A_369 = vector.broadcast %broadcast_in_dim3A_368 : i32 to vector<16xi32>
          %gather3A_370 = tpu.vector_load_idx %arg13[%add3A_337, %broadcast_in_dim3A_369] : memref<4096x8xf32, #tpu.memory_space<vmem>>[vector<16xi32>, vector<16xi32>], vector<16xf32>,
          %mul3A_371 = arith.mulf %mul3A_331, %gather3A_370 : vector<16xf32>
          %add3A_372 = arith.addf %add3A_362, %mul3A_371 : vector<16xf32>
          %broadcast_in_dim3A_373 = arith.constant 7 : i32
          %broadcast_in_dim3A_374 = vector.broadcast %broadcast_in_dim3A_373 : i32 to vector<16xi32>
          %gather3A_375 = tpu.vector_load_idx %arg13[%add3A_337, %broadcast_in_dim3A_374] : memref<4096x8xf32, #tpu.memory_space<vmem>>[vector<16xi32>, vector<16xi32>], vector<16xf32>,
          %mul3A_376 = arith.mulf %mul3A_331, %gather3A_375 : vector<16xf32>
          %add3A_377 = arith.addf %add3A_367, %mul3A_376 : vector<16xf32>
          %mul3A_378 = arith.constant 16 : i32
          %mul3A_379 = arith.muli %scan3A_271, %mul3A_378 : i32
          %add3A_380 = arith.constant 512 : i32
          %add3A_381 = arith.addi %add3A_380, %mul3A_379 : i32
          %get3A_382 = arith.index_cast %add3A_381 : i32 to index
          %get3A_383 = tpu.vector_load %arg15[%get3A_382] {strides = array<i32>} : memref<4096xf32, #tpu.memory_space<vmem>>, vector<16xf32>,
          %mul3A_384 = arith.mulf %get3A_383, %gather3A : vector<16xf32>
          %mul3A_385 = arith.mulf %get3A_383, %gather3A_304 : vector<16xf32>
          %mul3A_386 = arith.mulf %get3A_383, %gather3A_311 : vector<16xf32>
          %mul3A_387 = arith.mulf %get3A_383, %gather3A_318 : vector<16xf32>
          %mul3A_388 = arith.constant 16 : i32
          %mul3A_389 = arith.muli %scan3A_271, %mul3A_388 : i32
          %add3A_390 = arith.constant 512 : i32
          %add3A_391 = arith.addi %add3A_390, %mul3A_389 : i32
          %add3A_392 = vector.broadcast %add3A_391 : i32 to vector<16xi32>
          %add3A_393 = arith.addi %add3A_392, %iota3A : vector<16xi32>
          %broadcast_in_dim3A_394 = arith.constant 0 : i32
          %broadcast_in_dim3A_395 = vector.broadcast %broadcast_in_dim3A_394 : i32 to vector<16xi32>
          %gather3A_396 = tpu.vector_load_idx %arg13[%add3A_393, %broadcast_in_dim3A_395] : memref<4096x8xf32, #tpu.memory_space<vmem>>[vector<16xi32>, vector<16xi32>], vector<16xf32>,
          %mul3A_397 = arith.mulf %mul3A_384, %gather3A_396 : vector<16xf32>
          %add3A_398 = arith.addf %add3A_372, %mul3A_397 : vector<16xf32>
          %broadcast_in_dim3A_399 = arith.constant 1 : i32
          %broadcast_in_dim3A_400 = vector.broadcast %broadcast_in_dim3A_399 : i32 to vector<16xi32>
          %gather3A_401 = tpu.vector_load_idx %arg13[%add3A_393, %broadcast_in_dim3A_400] : memref<4096x8xf32, #tpu.memory_space<vmem>>[vector<16xi32>, vector<16xi32>], vector<16xf32>,
          %mul3A_402 = arith.mulf %mul3A_384, %gather3A_401 : vector<16xf32>
          %add3A_403 = arith.addf %add3A_377, %mul3A_402 : vector<16xf32>
          %broadcast_in_dim3A_404 = arith.constant 2 : i32
          %broadcast_in_dim3A_405 = vector.broadcast %broadcast_in_dim3A_404 : i32 to vector<16xi32>
          %gather3A_406 = tpu.vector_load_idx %arg13[%add3A_393, %broadcast_in_dim3A_405] : memref<4096x8xf32, #tpu.memory_space<vmem>>[vector<16xi32>, vector<16xi32>], vector<16xf32>,
          %mul3A_407 = arith.mulf %mul3A_385, %gather3A_406 : vector<16xf32>
          %add3A_408 = arith.addf %add3A_398, %mul3A_407 : vector<16xf32>
          %broadcast_in_dim3A_409 = arith.constant 3 : i32
          %broadcast_in_dim3A_410 = vector.broadcast %broadcast_in_dim3A_409 : i32 to vector<16xi32>
          %gather3A_411 = tpu.vector_load_idx %arg13[%add3A_393, %broadcast_in_dim3A_410] : memref<4096x8xf32, #tpu.memory_space<vmem>>[vector<16xi32>, vector<16xi32>], vector<16xf32>,
          %mul3A_412 = arith.mulf %mul3A_385, %gather3A_411 : vector<16xf32>
          %add3A_413 = arith.addf %add3A_403, %mul3A_412 : vector<16xf32>
          %broadcast_in_dim3A_414 = arith.constant 4 : i32
          %broadcast_in_dim3A_415 = vector.broadcast %broadcast_in_dim3A_414 : i32 to vector<16xi32>
          %gather3A_416 = tpu.vector_load_idx %arg13[%add3A_393, %broadcast_in_dim3A_415] : memref<4096x8xf32, #tpu.memory_space<vmem>>[vector<16xi32>, vector<16xi32>], vector<16xf32>,
          %mul3A_417 = arith.mulf %mul3A_386, %gather3A_416 : vector<16xf32>
          %add3A_418 = arith.addf %add3A_408, %mul3A_417 : vector<16xf32>
          %broadcast_in_dim3A_419 = arith.constant 5 : i32
          %broadcast_in_dim3A_420 = vector.broadcast %broadcast_in_dim3A_419 : i32 to vector<16xi32>
          %gather3A_421 = tpu.vector_load_idx %arg13[%add3A_393, %broadcast_in_dim3A_420] : memref<4096x8xf32, #tpu.memory_space<vmem>>[vector<16xi32>, vector<16xi32>], vector<16xf32>,
          %mul3A_422 = arith.mulf %mul3A_386, %gather3A_421 : vector<16xf32>
          %add3A_423 = arith.addf %add3A_413, %mul3A_422 : vector<16xf32>
          %broadcast_in_dim3A_424 = arith.constant 6 : i32
          %broadcast_in_dim3A_425 = vector.broadcast %broadcast_in_dim3A_424 : i32 to vector<16xi32>
          %gather3A_426 = tpu.vector_load_idx %arg13[%add3A_393, %broadcast_in_dim3A_425] : memref<4096x8xf32, #tpu.memory_space<vmem>>[vector<16xi32>, vector<16xi32>], vector<16xf32>,
          %mul3A_427 = arith.mulf %mul3A_387, %gather3A_426 : vector<16xf32>
          %add3A_428 = arith.addf %add3A_418, %mul3A_427 : vector<16xf32>
          %broadcast_in_dim3A_429 = arith.constant 7 : i32
          %broadcast_in_dim3A_430 = vector.broadcast %broadcast_in_dim3A_429 : i32 to vector<16xi32>
          %gather3A_431 = tpu.vector_load_idx %arg13[%add3A_393, %broadcast_in_dim3A_430] : memref<4096x8xf32, #tpu.memory_space<vmem>>[vector<16xi32>, vector<16xi32>], vector<16xf32>,
          %mul3A_432 = arith.mulf %mul3A_387, %gather3A_431 : vector<16xf32>
          %add3A_433 = arith.addf %add3A_423, %mul3A_432 : vector<16xf32>
          %mul3A_434 = arith.constant 16 : i32
          %mul3A_435 = arith.muli %scan3A_271, %mul3A_434 : i32
          %add3A_436 = arith.constant 1024 : i32
          %add3A_437 = arith.addi %add3A_436, %mul3A_435 : i32
          %get3A_438 = arith.index_cast %add3A_437 : i32 to index
          %get3A_439 = tpu.vector_load %arg15[%get3A_438] {strides = array<i32>} : memref<4096xf32, #tpu.memory_space<vmem>>, vector<16xf32>,
          %mul3A_440 = arith.mulf %get3A_439, %gather3A : vector<16xf32>
          %mul3A_441 = arith.mulf %get3A_439, %gather3A_304 : vector<16xf32>
          %mul3A_442 = arith.mulf %get3A_439, %gather3A_311 : vector<16xf32>
          %mul3A_443 = arith.mulf %get3A_439, %gather3A_318 : vector<16xf32>
          %mul3A_444 = arith.constant 16 : i32
          %mul3A_445 = arith.muli %scan3A_271, %mul3A_444 : i32
          %add3A_446 = arith.constant 1024 : i32
          %add3A_447 = arith.addi %add3A_446, %mul3A_445 : i32
          %add3A_448 = vector.broadcast %add3A_447 : i32 to vector<16xi32>
          %add3A_449 = arith.addi %add3A_448, %iota3A : vector<16xi32>
          %broadcast_in_dim3A_450 = arith.constant 0 : i32
          %broadcast_in_dim3A_451 = vector.broadcast %broadcast_in_dim3A_450 : i32 to vector<16xi32>
          %gather3A_452 = tpu.vector_load_idx %arg13[%add3A_449, %broadcast_in_dim3A_451] : memref<4096x8xf32, #tpu.memory_space<vmem>>[vector<16xi32>, vector<16xi32>], vector<16xf32>,
          %mul3A_453 = arith.mulf %mul3A_440, %gather3A_452 : vector<16xf32>
          %add3A_454 = arith.addf %add3A_428, %mul3A_453 : vector<16xf32>
          %broadcast_in_dim3A_455 = arith.constant 1 : i32
          %broadcast_in_dim3A_456 = vector.broadcast %broadcast_in_dim3A_455 : i32 to vector<16xi32>
          %gather3A_457 = tpu.vector_load_idx %arg13[%add3A_449, %broadcast_in_dim3A_456] : memref<4096x8xf32, #tpu.memory_space<vmem>>[vector<16xi32>, vector<16xi32>], vector<16xf32>,
          %mul3A_458 = arith.mulf %mul3A_440, %gather3A_457 : vector<16xf32>
          %add3A_459 = arith.addf %add3A_433, %mul3A_458 : vector<16xf32>
          %broadcast_in_dim3A_460 = arith.constant 2 : i32
          %broadcast_in_dim3A_461 = vector.broadcast %broadcast_in_dim3A_460 : i32 to vector<16xi32>
          %gather3A_462 = tpu.vector_load_idx %arg13[%add3A_449, %broadcast_in_dim3A_461] : memref<4096x8xf32, #tpu.memory_space<vmem>>[vector<16xi32>, vector<16xi32>], vector<16xf32>,
          %mul3A_463 = arith.mulf %mul3A_441, %gather3A_462 : vector<16xf32>
          %add3A_464 = arith.addf %add3A_454, %mul3A_463 : vector<16xf32>
          %broadcast_in_dim3A_465 = arith.constant 3 : i32
          %broadcast_in_dim3A_466 = vector.broadcast %broadcast_in_dim3A_465 : i32 to vector<16xi32>
          %gather3A_467 = tpu.vector_load_idx %arg13[%add3A_449, %broadcast_in_dim3A_466] : memref<4096x8xf32, #tpu.memory_space<vmem>>[vector<16xi32>, vector<16xi32>], vector<16xf32>,
          %mul3A_468 = arith.mulf %mul3A_441, %gather3A_467 : vector<16xf32>
          %add3A_469 = arith.addf %add3A_459, %mul3A_468 : vector<16xf32>
          %broadcast_in_dim3A_470 = arith.constant 4 : i32
          %broadcast_in_dim3A_471 = vector.broadcast %broadcast_in_dim3A_470 : i32 to vector<16xi32>
          %gather3A_472 = tpu.vector_load_idx %arg13[%add3A_449, %broadcast_in_dim3A_471] : memref<4096x8xf32, #tpu.memory_space<vmem>>[vector<16xi32>, vector<16xi32>], vector<16xf32>,
          %mul3A_473 = arith.mulf %mul3A_442, %gather3A_472 : vector<16xf32>
          %add3A_474 = arith.addf %add3A_464, %mul3A_473 : vector<16xf32>
          %broadcast_in_dim3A_475 = arith.constant 5 : i32
          %broadcast_in_dim3A_476 = vector.broadcast %broadcast_in_dim3A_475 : i32 to vector<16xi32>
          %gather3A_477 = tpu.vector_load_idx %arg13[%add3A_449, %broadcast_in_dim3A_476] : memref<4096x8xf32, #tpu.memory_space<vmem>>[vector<16xi32>, vector<16xi32>], vector<16xf32>,
          %mul3A_478 = arith.mulf %mul3A_442, %gather3A_477 : vector<16xf32>
          %add3A_479 = arith.addf %add3A_469, %mul3A_478 : vector<16xf32>
          %broadcast_in_dim3A_480 = arith.constant 6 : i32
          %broadcast_in_dim3A_481 = vector.broadcast %broadcast_in_dim3A_480 : i32 to vector<16xi32>
          %gather3A_482 = tpu.vector_load_idx %arg13[%add3A_449, %broadcast_in_dim3A_481] : memref<4096x8xf32, #tpu.memory_space<vmem>>[vector<16xi32>, vector<16xi32>], vector<16xf32>,
          %mul3A_483 = arith.mulf %mul3A_443, %gather3A_482 : vector<16xf32>
          %add3A_484 = arith.addf %add3A_474, %mul3A_483 : vector<16xf32>
          %broadcast_in_dim3A_485 = arith.constant 7 : i32
          %broadcast_in_dim3A_486 = vector.broadcast %broadcast_in_dim3A_485 : i32 to vector<16xi32>
          %gather3A_487 = tpu.vector_load_idx %arg13[%add3A_449, %broadcast_in_dim3A_486] : memref<4096x8xf32, #tpu.memory_space<vmem>>[vector<16xi32>, vector<16xi32>], vector<16xf32>,
          %mul3A_488 = arith.mulf %mul3A_443, %gather3A_487 : vector<16xf32>
          %add3A_489 = arith.addf %add3A_479, %mul3A_488 : vector<16xf32>
          %mul3A_490 = arith.constant 16 : i32
          %mul3A_491 = arith.muli %scan3A_271, %mul3A_490 : i32
          %add3A_492 = arith.constant 1536 : i32
          %add3A_493 = arith.addi %add3A_492, %mul3A_491 : i32
          %get3A_494 = arith.index_cast %add3A_493 : i32 to index
          %get3A_495 = tpu.vector_load %arg15[%get3A_494] {strides = array<i32>} : memref<4096xf32, #tpu.memory_space<vmem>>, vector<16xf32>,
          %mul3A_496 = arith.mulf %get3A_495, %gather3A : vector<16xf32>
          %mul3A_497 = arith.mulf %get3A_495, %gather3A_304 : vector<16xf32>
          %mul3A_498 = arith.mulf %get3A_495, %gather3A_311 : vector<16xf32>
          %mul3A_499 = arith.mulf %get3A_495, %gather3A_318 : vector<16xf32>
          %mul3A_500 = arith.constant 16 : i32
          %mul3A_501 = arith.muli %scan3A_271, %mul3A_500 : i32
          %add3A_502 = arith.constant 1536 : i32
          %add3A_503 = arith.addi %add3A_502, %mul3A_501 : i32
          %add3A_504 = vector.broadcast %add3A_503 : i32 to vector<16xi32>
          %add3A_505 = arith.addi %add3A_504, %iota3A : vector<16xi32>
          %broadcast_in_dim3A_506 = arith.constant 0 : i32
          %broadcast_in_dim3A_507 = vector.broadcast %broadcast_in_dim3A_506 : i32 to vector<16xi32>
          %gather3A_508 = tpu.vector_load_idx %arg13[%add3A_505, %broadcast_in_dim3A_507] : memref<4096x8xf32, #tpu.memory_space<vmem>>[vector<16xi32>, vector<16xi32>], vector<16xf32>,
          %mul3A_509 = arith.mulf %mul3A_496, %gather3A_508 : vector<16xf32>
          %add3A_510 = arith.addf %add3A_484, %mul3A_509 : vector<16xf32>
          %broadcast_in_dim3A_511 = arith.constant 1 : i32
          %broadcast_in_dim3A_512 = vector.broadcast %broadcast_in_dim3A_511 : i32 to vector<16xi32>
          %gather3A_513 = tpu.vector_load_idx %arg13[%add3A_505, %broadcast_in_dim3A_512] : memref<4096x8xf32, #tpu.memory_space<vmem>>[vector<16xi32>, vector<16xi32>], vector<16xf32>,
          %mul3A_514 = arith.mulf %mul3A_496, %gather3A_513 : vector<16xf32>
          %add3A_515 = arith.addf %add3A_489, %mul3A_514 : vector<16xf32>
          %broadcast_in_dim3A_516 = arith.constant 2 : i32
          %broadcast_in_dim3A_517 = vector.broadcast %broadcast_in_dim3A_516 : i32 to vector<16xi32>
          %gather3A_518 = tpu.vector_load_idx %arg13[%add3A_505, %broadcast_in_dim3A_517] : memref<4096x8xf32, #tpu.memory_space<vmem>>[vector<16xi32>, vector<16xi32>], vector<16xf32>,
          %mul3A_519 = arith.mulf %mul3A_497, %gather3A_518 : vector<16xf32>
          %add3A_520 = arith.addf %add3A_510, %mul3A_519 : vector<16xf32>
          %broadcast_in_dim3A_521 = arith.constant 3 : i32
          %broadcast_in_dim3A_522 = vector.broadcast %broadcast_in_dim3A_521 : i32 to vector<16xi32>
          %gather3A_523 = tpu.vector_load_idx %arg13[%add3A_505, %broadcast_in_dim3A_522] : memref<4096x8xf32, #tpu.memory_space<vmem>>[vector<16xi32>, vector<16xi32>], vector<16xf32>,
          %mul3A_524 = arith.mulf %mul3A_497, %gather3A_523 : vector<16xf32>
          %add3A_525 = arith.addf %add3A_515, %mul3A_524 : vector<16xf32>
          %broadcast_in_dim3A_526 = arith.constant 4 : i32
          %broadcast_in_dim3A_527 = vector.broadcast %broadcast_in_dim3A_526 : i32 to vector<16xi32>
          %gather3A_528 = tpu.vector_load_idx %arg13[%add3A_505, %broadcast_in_dim3A_527] : memref<4096x8xf32, #tpu.memory_space<vmem>>[vector<16xi32>, vector<16xi32>], vector<16xf32>,
          %mul3A_529 = arith.mulf %mul3A_498, %gather3A_528 : vector<16xf32>
          %add3A_530 = arith.addf %add3A_520, %mul3A_529 : vector<16xf32>
          %broadcast_in_dim3A_531 = arith.constant 5 : i32
          %broadcast_in_dim3A_532 = vector.broadcast %broadcast_in_dim3A_531 : i32 to vector<16xi32>
          %gather3A_533 = tpu.vector_load_idx %arg13[%add3A_505, %broadcast_in_dim3A_532] : memref<4096x8xf32, #tpu.memory_space<vmem>>[vector<16xi32>, vector<16xi32>], vector<16xf32>,
          %mul3A_534 = arith.mulf %mul3A_498, %gather3A_533 : vector<16xf32>
          %add3A_535 = arith.addf %add3A_525, %mul3A_534 : vector<16xf32>
          %broadcast_in_dim3A_536 = arith.constant 6 : i32
          %broadcast_in_dim3A_537 = vector.broadcast %broadcast_in_dim3A_536 : i32 to vector<16xi32>
          %gather3A_538 = tpu.vector_load_idx %arg13[%add3A_505, %broadcast_in_dim3A_537] : memref<4096x8xf32, #tpu.memory_space<vmem>>[vector<16xi32>, vector<16xi32>], vector<16xf32>,
          %mul3A_539 = arith.mulf %mul3A_499, %gather3A_538 : vector<16xf32>
          %add3A_540 = arith.addf %add3A_530, %mul3A_539 : vector<16xf32>
          %broadcast_in_dim3A_541 = arith.constant 7 : i32
          %broadcast_in_dim3A_542 = vector.broadcast %broadcast_in_dim3A_541 : i32 to vector<16xi32>
          %gather3A_543 = tpu.vector_load_idx %arg13[%add3A_505, %broadcast_in_dim3A_542] : memref<4096x8xf32, #tpu.memory_space<vmem>>[vector<16xi32>, vector<16xi32>], vector<16xf32>,
          %mul3A_544 = arith.mulf %mul3A_499, %gather3A_543 : vector<16xf32>
          %add3A_545 = arith.addf %add3A_535, %mul3A_544 : vector<16xf32>
          %mul3A_546 = arith.constant 16 : i32
          %mul3A_547 = arith.muli %scan3A_271, %mul3A_546 : i32
          %add3A_548 = arith.constant 2048 : i32
          %add3A_549 = arith.addi %add3A_548, %mul3A_547 : i32
          %get3A_550 = arith.index_cast %add3A_549 : i32 to index
          %get3A_551 = tpu.vector_load %arg15[%get3A_550] {strides = array<i32>} : memref<4096xf32, #tpu.memory_space<vmem>>, vector<16xf32>,
          %mul3A_552 = arith.mulf %get3A_551, %gather3A : vector<16xf32>
          %mul3A_553 = arith.mulf %get3A_551, %gather3A_304 : vector<16xf32>
          %mul3A_554 = arith.mulf %get3A_551, %gather3A_311 : vector<16xf32>
          %mul3A_555 = arith.mulf %get3A_551, %gather3A_318 : vector<16xf32>
          %mul3A_556 = arith.constant 16 : i32
          %mul3A_557 = arith.muli %scan3A_271, %mul3A_556 : i32
          %add3A_558 = arith.constant 2048 : i32
          %add3A_559 = arith.addi %add3A_558, %mul3A_557 : i32
          %add3A_560 = vector.broadcast %add3A_559 : i32 to vector<16xi32>
          %add3A_561 = arith.addi %add3A_560, %iota3A : vector<16xi32>
          %broadcast_in_dim3A_562 = arith.constant 0 : i32
          %broadcast_in_dim3A_563 = vector.broadcast %broadcast_in_dim3A_562 : i32 to vector<16xi32>
          %gather3A_564 = tpu.vector_load_idx %arg13[%add3A_561, %broadcast_in_dim3A_563] : memref<4096x8xf32, #tpu.memory_space<vmem>>[vector<16xi32>, vector<16xi32>], vector<16xf32>,
          %mul3A_565 = arith.mulf %mul3A_552, %gather3A_564 : vector<16xf32>
          %add3A_566 = arith.addf %add3A_540, %mul3A_565 : vector<16xf32>
          %broadcast_in_dim3A_567 = arith.constant 1 : i32
          %broadcast_in_dim3A_568 = vector.broadcast %broadcast_in_dim3A_567 : i32 to vector<16xi32>
          %gather3A_569 = tpu.vector_load_idx %arg13[%add3A_561, %broadcast_in_dim3A_568] : memref<4096x8xf32, #tpu.memory_space<vmem>>[vector<16xi32>, vector<16xi32>], vector<16xf32>,
          %mul3A_570 = arith.mulf %mul3A_552, %gather3A_569 : vector<16xf32>
          %add3A_571 = arith.addf %add3A_545, %mul3A_570 : vector<16xf32>
          %broadcast_in_dim3A_572 = arith.constant 2 : i32
          %broadcast_in_dim3A_573 = vector.broadcast %broadcast_in_dim3A_572 : i32 to vector<16xi32>
          %gather3A_574 = tpu.vector_load_idx %arg13[%add3A_561, %broadcast_in_dim3A_573] : memref<4096x8xf32, #tpu.memory_space<vmem>>[vector<16xi32>, vector<16xi32>], vector<16xf32>,
          %mul3A_575 = arith.mulf %mul3A_553, %gather3A_574 : vector<16xf32>
          %add3A_576 = arith.addf %add3A_566, %mul3A_575 : vector<16xf32>
          %broadcast_in_dim3A_577 = arith.constant 3 : i32
          %broadcast_in_dim3A_578 = vector.broadcast %broadcast_in_dim3A_577 : i32 to vector<16xi32>
          %gather3A_579 = tpu.vector_load_idx %arg13[%add3A_561, %broadcast_in_dim3A_578] : memref<4096x8xf32, #tpu.memory_space<vmem>>[vector<16xi32>, vector<16xi32>], vector<16xf32>,
          %mul3A_580 = arith.mulf %mul3A_553, %gather3A_579 : vector<16xf32>
          %add3A_581 = arith.addf %add3A_571, %mul3A_580 : vector<16xf32>
          %broadcast_in_dim3A_582 = arith.constant 4 : i32
          %broadcast_in_dim3A_583 = vector.broadcast %broadcast_in_dim3A_582 : i32 to vector<16xi32>
          %gather3A_584 = tpu.vector_load_idx %arg13[%add3A_561, %broadcast_in_dim3A_583] : memref<4096x8xf32, #tpu.memory_space<vmem>>[vector<16xi32>, vector<16xi32>], vector<16xf32>,
          %mul3A_585 = arith.mulf %mul3A_554, %gather3A_584 : vector<16xf32>
          %add3A_586 = arith.addf %add3A_576, %mul3A_585 : vector<16xf32>
          %broadcast_in_dim3A_587 = arith.constant 5 : i32
          %broadcast_in_dim3A_588 = vector.broadcast %broadcast_in_dim3A_587 : i32 to vector<16xi32>
          %gather3A_589 = tpu.vector_load_idx %arg13[%add3A_561, %broadcast_in_dim3A_588] : memref<4096x8xf32, #tpu.memory_space<vmem>>[vector<16xi32>, vector<16xi32>], vector<16xf32>,
          %mul3A_590 = arith.mulf %mul3A_554, %gather3A_589 : vector<16xf32>
          %add3A_591 = arith.addf %add3A_581, %mul3A_590 : vector<16xf32>
          %broadcast_in_dim3A_592 = arith.constant 6 : i32
          %broadcast_in_dim3A_593 = vector.broadcast %broadcast_in_dim3A_592 : i32 to vector<16xi32>
          %gather3A_594 = tpu.vector_load_idx %arg13[%add3A_561, %broadcast_in_dim3A_593] : memref<4096x8xf32, #tpu.memory_space<vmem>>[vector<16xi32>, vector<16xi32>], vector<16xf32>,
          %mul3A_595 = arith.mulf %mul3A_555, %gather3A_594 : vector<16xf32>
          %add3A_596 = arith.addf %add3A_586, %mul3A_595 : vector<16xf32>
          %broadcast_in_dim3A_597 = arith.constant 7 : i32
          %broadcast_in_dim3A_598 = vector.broadcast %broadcast_in_dim3A_597 : i32 to vector<16xi32>
          %gather3A_599 = tpu.vector_load_idx %arg13[%add3A_561, %broadcast_in_dim3A_598] : memref<4096x8xf32, #tpu.memory_space<vmem>>[vector<16xi32>, vector<16xi32>], vector<16xf32>,
          %mul3A_600 = arith.mulf %mul3A_555, %gather3A_599 : vector<16xf32>
          %add3A_601 = arith.addf %add3A_591, %mul3A_600 : vector<16xf32>
          %mul3A_602 = arith.constant 16 : i32
          %mul3A_603 = arith.muli %scan3A_271, %mul3A_602 : i32
          %add3A_604 = arith.constant 2560 : i32
          %add3A_605 = arith.addi %add3A_604, %mul3A_603 : i32
          %get3A_606 = arith.index_cast %add3A_605 : i32 to index
          %get3A_607 = tpu.vector_load %arg15[%get3A_606] {strides = array<i32>} : memref<4096xf32, #tpu.memory_space<vmem>>, vector<16xf32>,
          %mul3A_608 = arith.mulf %get3A_607, %gather3A : vector<16xf32>
          %mul3A_609 = arith.mulf %get3A_607, %gather3A_304 : vector<16xf32>
          %mul3A_610 = arith.mulf %get3A_607, %gather3A_311 : vector<16xf32>
          %mul3A_611 = arith.mulf %get3A_607, %gather3A_318 : vector<16xf32>
          %mul3A_612 = arith.constant 16 : i32
          %mul3A_613 = arith.muli %scan3A_271, %mul3A_612 : i32
          %add3A_614 = arith.constant 2560 : i32
          %add3A_615 = arith.addi %add3A_614, %mul3A_613 : i32
          %add3A_616 = vector.broadcast %add3A_615 : i32 to vector<16xi32>
          %add3A_617 = arith.addi %add3A_616, %iota3A : vector<16xi32>
          %broadcast_in_dim3A_618 = arith.constant 0 : i32
          %broadcast_in_dim3A_619 = vector.broadcast %broadcast_in_dim3A_618 : i32 to vector<16xi32>
          %gather3A_620 = tpu.vector_load_idx %arg13[%add3A_617, %broadcast_in_dim3A_619] : memref<4096x8xf32, #tpu.memory_space<vmem>>[vector<16xi32>, vector<16xi32>], vector<16xf32>,
          %mul3A_621 = arith.mulf %mul3A_608, %gather3A_620 : vector<16xf32>
          %add3A_622 = arith.addf %add3A_596, %mul3A_621 : vector<16xf32>
          %broadcast_in_dim3A_623 = arith.constant 1 : i32
          %broadcast_in_dim3A_624 = vector.broadcast %broadcast_in_dim3A_623 : i32 to vector<16xi32>
          %gather3A_625 = tpu.vector_load_idx %arg13[%add3A_617, %broadcast_in_dim3A_624] : memref<4096x8xf32, #tpu.memory_space<vmem>>[vector<16xi32>, vector<16xi32>], vector<16xf32>,
          %mul3A_626 = arith.mulf %mul3A_608, %gather3A_625 : vector<16xf32>
          %add3A_627 = arith.addf %add3A_601, %mul3A_626 : vector<16xf32>
          %broadcast_in_dim3A_628 = arith.constant 2 : i32
          %broadcast_in_dim3A_629 = vector.broadcast %broadcast_in_dim3A_628 : i32 to vector<16xi32>
          %gather3A_630 = tpu.vector_load_idx %arg13[%add3A_617, %broadcast_in_dim3A_629] : memref<4096x8xf32, #tpu.memory_space<vmem>>[vector<16xi32>, vector<16xi32>], vector<16xf32>,
          %mul3A_631 = arith.mulf %mul3A_609, %gather3A_630 : vector<16xf32>
          %add3A_632 = arith.addf %add3A_622, %mul3A_631 : vector<16xf32>
          %broadcast_in_dim3A_633 = arith.constant 3 : i32
          %broadcast_in_dim3A_634 = vector.broadcast %broadcast_in_dim3A_633 : i32 to vector<16xi32>
          %gather3A_635 = tpu.vector_load_idx %arg13[%add3A_617, %broadcast_in_dim3A_634] : memref<4096x8xf32, #tpu.memory_space<vmem>>[vector<16xi32>, vector<16xi32>], vector<16xf32>,
          %mul3A_636 = arith.mulf %mul3A_609, %gather3A_635 : vector<16xf32>
          %add3A_637 = arith.addf %add3A_627, %mul3A_636 : vector<16xf32>
          %broadcast_in_dim3A_638 = arith.constant 4 : i32
          %broadcast_in_dim3A_639 = vector.broadcast %broadcast_in_dim3A_638 : i32 to vector<16xi32>
          %gather3A_640 = tpu.vector_load_idx %arg13[%add3A_617, %broadcast_in_dim3A_639] : memref<4096x8xf32, #tpu.memory_space<vmem>>[vector<16xi32>, vector<16xi32>], vector<16xf32>,
          %mul3A_641 = arith.mulf %mul3A_610, %gather3A_640 : vector<16xf32>
          %add3A_642 = arith.addf %add3A_632, %mul3A_641 : vector<16xf32>
          %broadcast_in_dim3A_643 = arith.constant 5 : i32
          %broadcast_in_dim3A_644 = vector.broadcast %broadcast_in_dim3A_643 : i32 to vector<16xi32>
          %gather3A_645 = tpu.vector_load_idx %arg13[%add3A_617, %broadcast_in_dim3A_644] : memref<4096x8xf32, #tpu.memory_space<vmem>>[vector<16xi32>, vector<16xi32>], vector<16xf32>,
          %mul3A_646 = arith.mulf %mul3A_610, %gather3A_645 : vector<16xf32>
          %add3A_647 = arith.addf %add3A_637, %mul3A_646 : vector<16xf32>
          %broadcast_in_dim3A_648 = arith.constant 6 : i32
          %broadcast_in_dim3A_649 = vector.broadcast %broadcast_in_dim3A_648 : i32 to vector<16xi32>
          %gather3A_650 = tpu.vector_load_idx %arg13[%add3A_617, %broadcast_in_dim3A_649] : memref<4096x8xf32, #tpu.memory_space<vmem>>[vector<16xi32>, vector<16xi32>], vector<16xf32>,
          %mul3A_651 = arith.mulf %mul3A_611, %gather3A_650 : vector<16xf32>
          %add3A_652 = arith.addf %add3A_642, %mul3A_651 : vector<16xf32>
          %broadcast_in_dim3A_653 = arith.constant 7 : i32
          %broadcast_in_dim3A_654 = vector.broadcast %broadcast_in_dim3A_653 : i32 to vector<16xi32>
          %gather3A_655 = tpu.vector_load_idx %arg13[%add3A_617, %broadcast_in_dim3A_654] : memref<4096x8xf32, #tpu.memory_space<vmem>>[vector<16xi32>, vector<16xi32>], vector<16xf32>,
          %mul3A_656 = arith.mulf %mul3A_611, %gather3A_655 : vector<16xf32>
          %add3A_657 = arith.addf %add3A_647, %mul3A_656 : vector<16xf32>
          %mul3A_658 = arith.constant 16 : i32
          %mul3A_659 = arith.muli %scan3A_271, %mul3A_658 : i32
          %add3A_660 = arith.constant 3072 : i32
          %add3A_661 = arith.addi %add3A_660, %mul3A_659 : i32
          %get3A_662 = arith.index_cast %add3A_661 : i32 to index
          %get3A_663 = tpu.vector_load %arg15[%get3A_662] {strides = array<i32>} : memref<4096xf32, #tpu.memory_space<vmem>>, vector<16xf32>,
          %mul3A_664 = arith.mulf %get3A_663, %gather3A : vector<16xf32>
          %mul3A_665 = arith.mulf %get3A_663, %gather3A_304 : vector<16xf32>
          %mul3A_666 = arith.mulf %get3A_663, %gather3A_311 : vector<16xf32>
          %mul3A_667 = arith.mulf %get3A_663, %gather3A_318 : vector<16xf32>
          %mul3A_668 = arith.constant 16 : i32
          %mul3A_669 = arith.muli %scan3A_271, %mul3A_668 : i32
          %add3A_670 = arith.constant 3072 : i32
          %add3A_671 = arith.addi %add3A_670, %mul3A_669 : i32
          %add3A_672 = vector.broadcast %add3A_671 : i32 to vector<16xi32>
          %add3A_673 = arith.addi %add3A_672, %iota3A : vector<16xi32>
          %broadcast_in_dim3A_674 = arith.constant 0 : i32
          %broadcast_in_dim3A_675 = vector.broadcast %broadcast_in_dim3A_674 : i32 to vector<16xi32>
          %gather3A_676 = tpu.vector_load_idx %arg13[%add3A_673, %broadcast_in_dim3A_675] : memref<4096x8xf32, #tpu.memory_space<vmem>>[vector<16xi32>, vector<16xi32>], vector<16xf32>,
          %mul3A_677 = arith.mulf %mul3A_664, %gather3A_676 : vector<16xf32>
          %add3A_678 = arith.addf %add3A_652, %mul3A_677 : vector<16xf32>
          %broadcast_in_dim3A_679 = arith.constant 1 : i32
          %broadcast_in_dim3A_680 = vector.broadcast %broadcast_in_dim3A_679 : i32 to vector<16xi32>
          %gather3A_681 = tpu.vector_load_idx %arg13[%add3A_673, %broadcast_in_dim3A_680] : memref<4096x8xf32, #tpu.memory_space<vmem>>[vector<16xi32>, vector<16xi32>], vector<16xf32>,
          %mul3A_682 = arith.mulf %mul3A_664, %gather3A_681 : vector<16xf32>
          %add3A_683 = arith.addf %add3A_657, %mul3A_682 : vector<16xf32>
          %broadcast_in_dim3A_684 = arith.constant 2 : i32
          %broadcast_in_dim3A_685 = vector.broadcast %broadcast_in_dim3A_684 : i32 to vector<16xi32>
          %gather3A_686 = tpu.vector_load_idx %arg13[%add3A_673, %broadcast_in_dim3A_685] : memref<4096x8xf32, #tpu.memory_space<vmem>>[vector<16xi32>, vector<16xi32>], vector<16xf32>,
          %mul3A_687 = arith.mulf %mul3A_665, %gather3A_686 : vector<16xf32>
          %add3A_688 = arith.addf %add3A_678, %mul3A_687 : vector<16xf32>
          %broadcast_in_dim3A_689 = arith.constant 3 : i32
          %broadcast_in_dim3A_690 = vector.broadcast %broadcast_in_dim3A_689 : i32 to vector<16xi32>
          %gather3A_691 = tpu.vector_load_idx %arg13[%add3A_673, %broadcast_in_dim3A_690] : memref<4096x8xf32, #tpu.memory_space<vmem>>[vector<16xi32>, vector<16xi32>], vector<16xf32>,
          %mul3A_692 = arith.mulf %mul3A_665, %gather3A_691 : vector<16xf32>
          %add3A_693 = arith.addf %add3A_683, %mul3A_692 : vector<16xf32>
          %broadcast_in_dim3A_694 = arith.constant 4 : i32
          %broadcast_in_dim3A_695 = vector.broadcast %broadcast_in_dim3A_694 : i32 to vector<16xi32>
          %gather3A_696 = tpu.vector_load_idx %arg13[%add3A_673, %broadcast_in_dim3A_695] : memref<4096x8xf32, #tpu.memory_space<vmem>>[vector<16xi32>, vector<16xi32>], vector<16xf32>,
          %mul3A_697 = arith.mulf %mul3A_666, %gather3A_696 : vector<16xf32>
          %add3A_698 = arith.addf %add3A_688, %mul3A_697 : vector<16xf32>
          %broadcast_in_dim3A_699 = arith.constant 5 : i32
          %broadcast_in_dim3A_700 = vector.broadcast %broadcast_in_dim3A_699 : i32 to vector<16xi32>
          %gather3A_701 = tpu.vector_load_idx %arg13[%add3A_673, %broadcast_in_dim3A_700] : memref<4096x8xf32, #tpu.memory_space<vmem>>[vector<16xi32>, vector<16xi32>], vector<16xf32>,
          %mul3A_702 = arith.mulf %mul3A_666, %gather3A_701 : vector<16xf32>
          %add3A_703 = arith.addf %add3A_693, %mul3A_702 : vector<16xf32>
          %broadcast_in_dim3A_704 = arith.constant 6 : i32
          %broadcast_in_dim3A_705 = vector.broadcast %broadcast_in_dim3A_704 : i32 to vector<16xi32>
          %gather3A_706 = tpu.vector_load_idx %arg13[%add3A_673, %broadcast_in_dim3A_705] : memref<4096x8xf32, #tpu.memory_space<vmem>>[vector<16xi32>, vector<16xi32>], vector<16xf32>,
          %mul3A_707 = arith.mulf %mul3A_667, %gather3A_706 : vector<16xf32>
          %add3A_708 = arith.addf %add3A_698, %mul3A_707 : vector<16xf32>
          %broadcast_in_dim3A_709 = arith.constant 7 : i32
          %broadcast_in_dim3A_710 = vector.broadcast %broadcast_in_dim3A_709 : i32 to vector<16xi32>
          %gather3A_711 = tpu.vector_load_idx %arg13[%add3A_673, %broadcast_in_dim3A_710] : memref<4096x8xf32, #tpu.memory_space<vmem>>[vector<16xi32>, vector<16xi32>], vector<16xf32>,
          %mul3A_712 = arith.mulf %mul3A_667, %gather3A_711 : vector<16xf32>
          %add3A_713 = arith.addf %add3A_703, %mul3A_712 : vector<16xf32>
          %mul3A_714 = arith.constant 16 : i32
          %mul3A_715 = arith.muli %scan3A_271, %mul3A_714 : i32
          %add3A_716 = arith.constant 3584 : i32
          %add3A_717 = arith.addi %add3A_716, %mul3A_715 : i32
          %get3A_718 = arith.index_cast %add3A_717 : i32 to index
          %get3A_719 = tpu.vector_load %arg15[%get3A_718] {strides = array<i32>} : memref<4096xf32, #tpu.memory_space<vmem>>, vector<16xf32>,
          %mul3A_720 = arith.mulf %get3A_719, %gather3A : vector<16xf32>
          %mul3A_721 = arith.mulf %get3A_719, %gather3A_304 : vector<16xf32>
          %mul3A_722 = arith.mulf %get3A_719, %gather3A_311 : vector<16xf32>
          %mul3A_723 = arith.mulf %get3A_719, %gather3A_318 : vector<16xf32>
          %mul3A_724 = arith.constant 16 : i32
          %mul3A_725 = arith.muli %scan3A_271, %mul3A_724 : i32
          %add3A_726 = arith.constant 3584 : i32
          %add3A_727 = arith.addi %add3A_726, %mul3A_725 : i32
          %add3A_728 = vector.broadcast %add3A_727 : i32 to vector<16xi32>
          %add3A_729 = arith.addi %add3A_728, %iota3A : vector<16xi32>
          %broadcast_in_dim3A_730 = arith.constant 0 : i32
          %broadcast_in_dim3A_731 = vector.broadcast %broadcast_in_dim3A_730 : i32 to vector<16xi32>
          %gather3A_732 = tpu.vector_load_idx %arg13[%add3A_729, %broadcast_in_dim3A_731] : memref<4096x8xf32, #tpu.memory_space<vmem>>[vector<16xi32>, vector<16xi32>], vector<16xf32>,
          %mul3A_733 = arith.mulf %mul3A_720, %gather3A_732 : vector<16xf32>
          %add3A_734 = arith.addf %add3A_708, %mul3A_733 : vector<16xf32>
          %broadcast_in_dim3A_735 = arith.constant 1 : i32
          %broadcast_in_dim3A_736 = vector.broadcast %broadcast_in_dim3A_735 : i32 to vector<16xi32>
          %gather3A_737 = tpu.vector_load_idx %arg13[%add3A_729, %broadcast_in_dim3A_736] : memref<4096x8xf32, #tpu.memory_space<vmem>>[vector<16xi32>, vector<16xi32>], vector<16xf32>,
          %mul3A_738 = arith.mulf %mul3A_720, %gather3A_737 : vector<16xf32>
          %add3A_739 = arith.addf %add3A_713, %mul3A_738 : vector<16xf32>
          %broadcast_in_dim3A_740 = arith.constant 2 : i32
          %broadcast_in_dim3A_741 = vector.broadcast %broadcast_in_dim3A_740 : i32 to vector<16xi32>
          %gather3A_742 = tpu.vector_load_idx %arg13[%add3A_729, %broadcast_in_dim3A_741] : memref<4096x8xf32, #tpu.memory_space<vmem>>[vector<16xi32>, vector<16xi32>], vector<16xf32>,
          %mul3A_743 = arith.mulf %mul3A_721, %gather3A_742 : vector<16xf32>
          %add3A_744 = arith.addf %add3A_734, %mul3A_743 : vector<16xf32>
          %broadcast_in_dim3A_745 = arith.constant 3 : i32
          %broadcast_in_dim3A_746 = vector.broadcast %broadcast_in_dim3A_745 : i32 to vector<16xi32>
          %gather3A_747 = tpu.vector_load_idx %arg13[%add3A_729, %broadcast_in_dim3A_746] : memref<4096x8xf32, #tpu.memory_space<vmem>>[vector<16xi32>, vector<16xi32>], vector<16xf32>,
          %mul3A_748 = arith.mulf %mul3A_721, %gather3A_747 : vector<16xf32>
          %add3A_749 = arith.addf %add3A_739, %mul3A_748 : vector<16xf32>
          %broadcast_in_dim3A_750 = arith.constant 4 : i32
          %broadcast_in_dim3A_751 = vector.broadcast %broadcast_in_dim3A_750 : i32 to vector<16xi32>
          %gather3A_752 = tpu.vector_load_idx %arg13[%add3A_729, %broadcast_in_dim3A_751] : memref<4096x8xf32, #tpu.memory_space<vmem>>[vector<16xi32>, vector<16xi32>], vector<16xf32>,
          %mul3A_753 = arith.mulf %mul3A_722, %gather3A_752 : vector<16xf32>
          %add3A_754 = arith.addf %add3A_744, %mul3A_753 : vector<16xf32>
          %broadcast_in_dim3A_755 = arith.constant 5 : i32
          %broadcast_in_dim3A_756 = vector.broadcast %broadcast_in_dim3A_755 : i32 to vector<16xi32>
          %gather3A_757 = tpu.vector_load_idx %arg13[%add3A_729, %broadcast_in_dim3A_756] : memref<4096x8xf32, #tpu.memory_space<vmem>>[vector<16xi32>, vector<16xi32>], vector<16xf32>,
          %mul3A_758 = arith.mulf %mul3A_722, %gather3A_757 : vector<16xf32>
          %add3A_759 = arith.addf %add3A_749, %mul3A_758 : vector<16xf32>
          %broadcast_in_dim3A_760 = arith.constant 6 : i32
          %broadcast_in_dim3A_761 = vector.broadcast %broadcast_in_dim3A_760 : i32 to vector<16xi32>
          %gather3A_762 = tpu.vector_load_idx %arg13[%add3A_729, %broadcast_in_dim3A_761] : memref<4096x8xf32, #tpu.memory_space<vmem>>[vector<16xi32>, vector<16xi32>], vector<16xf32>,
          %mul3A_763 = arith.mulf %mul3A_723, %gather3A_762 : vector<16xf32>
          %add3A_764 = arith.addf %add3A_754, %mul3A_763 : vector<16xf32>
          %broadcast_in_dim3A_765 = arith.constant 7 : i32
          %broadcast_in_dim3A_766 = vector.broadcast %broadcast_in_dim3A_765 : i32 to vector<16xi32>
          %gather3A_767 = tpu.vector_load_idx %arg13[%add3A_729, %broadcast_in_dim3A_766] : memref<4096x8xf32, #tpu.memory_space<vmem>>[vector<16xi32>, vector<16xi32>], vector<16xf32>,
          %mul3A_768 = arith.mulf %mul3A_723, %gather3A_767 : vector<16xf32>
          %add3A_769 = arith.addf %add3A_759, %mul3A_768 : vector<16xf32>
          %mul3A_770 = arith.constant 16 : i32
          %mul3A_771 = arith.muli %scan3A_271, %mul3A_770 : i32
          %add3A_772 = vector.broadcast %mul3A_771 : i32 to vector<16xi32>
          %add3A_773 = arith.addi %add3A_772, %iota3A : vector<16xi32>
          %mul3A_774 = arith.constant 2 : i32
          %mul3A_775 = arith.muli %mul3A_774, %add3A_264 : i32
          %broadcast_in_dim3A_776 = vector.broadcast %mul3A_775 : i32 to vector<16xi32>
          tpu.vector_store_idx %arg16[%add3A_773, %broadcast_in_dim3A_776], %add3A_764 : memref<512x32xf32, #tpu.memory_space<vmem>>[vector<16xi32>, vector<16xi32>], vector<16xf32>,
          %mul3A_777 = arith.constant 2 : i32
          %mul3A_778 = arith.muli %mul3A_777, %add3A_264 : i32
          %add3A_779 = arith.constant 1 : i32
          %add3A_780 = arith.addi %mul3A_778, %add3A_779 : i32
          %broadcast_in_dim3A_781 = vector.broadcast %add3A_780 : i32 to vector<16xi32>
          tpu.vector_store_idx %arg16[%add3A_773, %broadcast_in_dim3A_781], %add3A_769 : memref<512x32xf32, #tpu.memory_space<vmem>>[vector<16xi32>, vector<16xi32>], vector<16xf32>,
        }
        %scan3A_270 = arith.constant 32 : i32
      }
      %scan3A_212 = arith.constant 8 : i32
      "tpu.region"() ({
        %run_scoped3A = tpu.sem_alloc : memref<!tpu.dma_semaphore, #tpu.memory_space<semaphore_mem>>
        %dma_start3A = arith.constant 0 : i32
        %dma_start3A_213 = tpu.memref_slice %arg7[%add3A_177, %dma_start3A] : memref<131072x32xf32, #tpu.memory_space<hbm>> -> memref<512x32xf32, #tpu.memory_space<hbm>>
        %dma_start3A_214 = arith.constant 0 : i32
        %dma_start3A_215 = tpu.memref_slice %arg7[%add3A_177, %dma_start3A_214] : memref<131072x32xf32, #tpu.memory_space<hbm>> -> memref<512x32xf32, #tpu.memory_space<hbm>>
        tpu.enqueue_dma source(%arg16 : memref<512x32xf32, #tpu.memory_space<vmem>>) target(%dma_start3A_215 : memref<512x32xf32, #tpu.memory_space<hbm>>) target_semaphore(%run_scoped3A : memref<!tpu.dma_semaphore, #tpu.memory_space<semaphore_mem>>)
        %dma_wait3A = arith.constant 0 : i32
        %dma_wait3A_216 = tpu.memref_slice %arg7[%add3A_177, %dma_wait3A] : memref<131072x32xf32, #tpu.memory_space<hbm>> -> memref<512x32xf32, #tpu.memory_space<hbm>>
        %dma_wait3A_217 = arith.constant 0 : i32
        %dma_wait3A_218 = tpu.memref_slice %arg7[%add3A_177, %dma_wait3A_217] : memref<131072x32xf32, #tpu.memory_space<hbm>> -> memref<512x32xf32, #tpu.memory_space<hbm>>
        tpu.wait_dma2 semaphore(%run_scoped3A : memref<!tpu.dma_semaphore, #tpu.memory_space<semaphore_mem>>) src(%arg16 : memref<512x32xf32, #tpu.memory_space<vmem>>) dst(%dma_wait3A_218 : memref<512x32xf32, #tpu.memory_space<hbm>>)
        tpu.yield
      }) : () -> ()
    }
    %scan3A_171 = arith.constant 8 : i32
    return
  }
}

#map = affine_map<(d0, d1) -> (0, 0, 0, 0)>
#map1 = affine_map<(d0, d1) -> (0, 0)>
module attributes {stable_mosaic.version = 14 : i64} {
  func.func @_tp_body(%arg0: i32, %arg1: i32, %arg2: memref<4x16x8192x128xf32, #tpu.memory_space<hbm>>, %arg3: memref<8388608x8xf32, #tpu.memory_space<hbm>>, %arg4: memref<4x64x128xf32, #tpu.memory_space<vmem>>, %arg5: memref<4x64x128xf32, #tpu.memory_space<vmem>>, %arg6: memref<4096x8xf32, #tpu.memory_space<vmem>>, %arg7: memref<4096x8xf32, #tpu.memory_space<vmem>>, %arg8: memref<!tpu.dma_semaphore, #tpu.memory_space<semaphore_mem>>, %arg9: memref<!tpu.dma_semaphore, #tpu.memory_space<semaphore_mem>>, %arg10: memref<!tpu.dma_semaphore, #tpu.memory_space<semaphore_mem>>, %arg11: memref<!tpu.dma_semaphore, #tpu.memory_space<semaphore_mem>>) attributes {dimension_semantics = [#tpu.dimension_semantics<core_parallel>, #tpu.dimension_semantics<subcore_parallel>], iteration_bounds = array<i64: 2, 16>, scalar_prefetch = 0 : i64, scratch_operands = 8 : i64, tpu.core_type = #tpu.core_type<sc_vector_subcore>, window_params = [{transform_indices = #map}, {transform_indices = #map1}]} {
    %mul3A = arith.constant 2 : i32
    %mul3A_0 = arith.muli %arg1, %mul3A : i32
    %add3A = arith.addi %mul3A_0, %arg0 : i32
    %iota3A = tpu.iota {dimensions = array<i32: 0>} : vector<16xi32>
    %shift_right_arithmetic3A = arith.constant 1 : i32
    %shift_right_arithmetic3A_1 = vector.broadcast %shift_right_arithmetic3A : i32 to vector<16xi32>
    %shift_right_arithmetic3A_2 = arith.shrsi %iota3A, %shift_right_arithmetic3A_1 : vector<16xi32>
    %and3A = arith.constant 1 : i32
    %and3A_3 = vector.broadcast %and3A : i32 to vector<16xi32>
    %and3A_4 = arith.andi %iota3A, %and3A_3 : vector<16xi32>
    %mul3A_5 = arith.constant 16384 : i32
    %mul3A_6 = arith.muli %add3A, %mul3A_5 : i32
    %add3A_7 = arith.constant 0 : i32
    %add3A_8 = arith.addi %mul3A_6, %add3A_7 : i32
    %jit3A = arith.constant 64 : i32
    %div3A = arith.divsi %add3A_8, %jit3A : i32
    %sign3A = arith.constant 0 : i32
    %sign3A_9 = arith.cmpi sgt, %add3A_8, %sign3A : i32
    %sign3A_10 = arith.extui %sign3A_9 : i1 to i32
    %sign3A_11 = arith.constant 0 : i32
    %sign3A_12 = arith.cmpi slt, %add3A_8, %sign3A_11 : i32
    %sign3A_13 = arith.extui %sign3A_12 : i1 to i32
    %sign3A_14 = arith.subi %sign3A_10, %sign3A_13 : i32
    %sign3A_15 = arith.constant 0 : i32
    %sign3A_16 = arith.cmpi sgt, %jit3A, %sign3A_15 : i32
    %sign3A_17 = arith.extui %sign3A_16 : i1 to i32
    %sign3A_18 = arith.constant 0 : i32
    %sign3A_19 = arith.cmpi slt, %jit3A, %sign3A_18 : i32
    %sign3A_20 = arith.extui %sign3A_19 : i1 to i32
    %sign3A_21 = arith.subi %sign3A_17, %sign3A_20 : i32
    %ne3A = arith.cmpi ne, %sign3A_14, %sign3A_21 : i32
    %rem3A = arith.remsi %add3A_8, %jit3A : i32
    %ne3A_22 = arith.constant 0 : i32
    %ne3A_23 = arith.cmpi ne, %rem3A, %ne3A_22 : i32
    %and3A_24 = arith.andi %ne3A, %ne3A_23 : i1
    %sub3A = arith.constant 1 : i32
    %sub3A_25 = arith.subi %div3A, %sub3A : i32
    %select_n3A = arith.select %and3A_24, %sub3A_25, %div3A : i32
    %dma_start3A = arith.constant 0 : i32
    %dma_start3A_26 = arith.constant 0 : i32
    %dma_start3A_27 = arith.constant 0 : i32
    %dma_start3A_28 = arith.constant 0 : i32
    %dma_start3A_29 = arith.constant 0 : i32
    %dma_start3A_30 = tpu.memref_slice %arg4[%dma_start3A_27, %dma_start3A_28, %dma_start3A_29] : memref<4x64x128xf32, #tpu.memory_space<vmem>> -> memref<1x64x128xf32, #tpu.memory_space<vmem>>
    %dma_start3A_31 = tpu.memref_squeeze %dma_start3A_30 : memref<1x64x128xf32, #tpu.memory_space<vmem>> -> memref<64x128xf32, #tpu.memory_space<vmem>>
    %dma_start3A_32 = arith.constant 0 : i32
    %dma_start3A_33 = tpu.memref_slice %arg2[%dma_start3A, %dma_start3A_26, %select_n3A, %dma_start3A_32] : memref<4x16x8192x128xf32, #tpu.memory_space<hbm>> -> memref<1x1x64x128xf32, #tpu.memory_space<hbm>>
    %dma_start3A_34 = tpu.memref_squeeze %dma_start3A_33 : memref<1x1x64x128xf32, #tpu.memory_space<hbm>> -> memref<64x128xf32, #tpu.memory_space<hbm>>
    %dma_start3A_35 = arith.constant 0 : i32
    %dma_start3A_36 = arith.constant 0 : i32
    %dma_start3A_37 = tpu.memref_slice %arg4[%dma_start3A_27, %dma_start3A_35, %dma_start3A_36] : memref<4x64x128xf32, #tpu.memory_space<vmem>> -> memref<1x64x128xf32, #tpu.memory_space<vmem>>
    %dma_start3A_38 = tpu.memref_squeeze %dma_start3A_37 : memref<1x64x128xf32, #tpu.memory_space<vmem>> -> memref<64x128xf32, #tpu.memory_space<vmem>>
    %dma_start3A_39 = arith.constant 0 : i32
    %dma_start3A_40 = tpu.memref_slice %arg2[%dma_start3A, %dma_start3A_26, %select_n3A, %dma_start3A_39] : memref<4x16x8192x128xf32, #tpu.memory_space<hbm>> -> memref<1x1x64x128xf32, #tpu.memory_space<hbm>>
    %dma_start3A_41 = tpu.memref_squeeze %dma_start3A_40 : memref<1x1x64x128xf32, #tpu.memory_space<hbm>> -> memref<64x128xf32, #tpu.memory_space<hbm>>
    tpu.enqueue_dma source(%dma_start3A_41 : memref<64x128xf32, #tpu.memory_space<hbm>>) target(%dma_start3A_38 : memref<64x128xf32, #tpu.memory_space<vmem>>) target_semaphore(%arg8 : memref<!tpu.dma_semaphore, #tpu.memory_space<semaphore_mem>>)
    %dma_start3A_42 = arith.constant 1 : i32
    %dma_start3A_43 = arith.constant 0 : i32
    %dma_start3A_44 = arith.constant 1 : i32
    %dma_start3A_45 = arith.constant 0 : i32
    %dma_start3A_46 = arith.constant 0 : i32
    %dma_start3A_47 = tpu.memref_slice %arg4[%dma_start3A_44, %dma_start3A_45, %dma_start3A_46] : memref<4x64x128xf32, #tpu.memory_space<vmem>> -> memref<1x64x128xf32, #tpu.memory_space<vmem>>
    %dma_start3A_48 = tpu.memref_squeeze %dma_start3A_47 : memref<1x64x128xf32, #tpu.memory_space<vmem>> -> memref<64x128xf32, #tpu.memory_space<vmem>>
    %dma_start3A_49 = arith.constant 0 : i32
    %dma_start3A_50 = tpu.memref_slice %arg2[%dma_start3A_42, %dma_start3A_43, %select_n3A, %dma_start3A_49] : memref<4x16x8192x128xf32, #tpu.memory_space<hbm>> -> memref<1x1x64x128xf32, #tpu.memory_space<hbm>>
    %dma_start3A_51 = tpu.memref_squeeze %dma_start3A_50 : memref<1x1x64x128xf32, #tpu.memory_space<hbm>> -> memref<64x128xf32, #tpu.memory_space<hbm>>
    %dma_start3A_52 = arith.constant 0 : i32
    %dma_start3A_53 = arith.constant 0 : i32
    %dma_start3A_54 = tpu.memref_slice %arg4[%dma_start3A_44, %dma_start3A_52, %dma_start3A_53] : memref<4x64x128xf32, #tpu.memory_space<vmem>> -> memref<1x64x128xf32, #tpu.memory_space<vmem>>
    %dma_start3A_55 = tpu.memref_squeeze %dma_start3A_54 : memref<1x64x128xf32, #tpu.memory_space<vmem>> -> memref<64x128xf32, #tpu.memory_space<vmem>>
    %dma_start3A_56 = arith.constant 0 : i32
    %dma_start3A_57 = tpu.memref_slice %arg2[%dma_start3A_42, %dma_start3A_43, %select_n3A, %dma_start3A_56] : memref<4x16x8192x128xf32, #tpu.memory_space<hbm>> -> memref<1x1x64x128xf32, #tpu.memory_space<hbm>>
    %dma_start3A_58 = tpu.memref_squeeze %dma_start3A_57 : memref<1x1x64x128xf32, #tpu.memory_space<hbm>> -> memref<64x128xf32, #tpu.memory_space<hbm>>
    tpu.enqueue_dma source(%dma_start3A_58 : memref<64x128xf32, #tpu.memory_space<hbm>>) target(%dma_start3A_55 : memref<64x128xf32, #tpu.memory_space<vmem>>) target_semaphore(%arg8 : memref<!tpu.dma_semaphore, #tpu.memory_space<semaphore_mem>>)
    %dma_start3A_59 = arith.constant 2 : i32
    %dma_start3A_60 = arith.constant 0 : i32
    %dma_start3A_61 = arith.constant 2 : i32
    %dma_start3A_62 = arith.constant 0 : i32
    %dma_start3A_63 = arith.constant 0 : i32
    %dma_start3A_64 = tpu.memref_slice %arg4[%dma_start3A_61, %dma_start3A_62, %dma_start3A_63] : memref<4x64x128xf32, #tpu.memory_space<vmem>> -> memref<1x64x128xf32, #tpu.memory_space<vmem>>
    %dma_start3A_65 = tpu.memref_squeeze %dma_start3A_64 : memref<1x64x128xf32, #tpu.memory_space<vmem>> -> memref<64x128xf32, #tpu.memory_space<vmem>>
    %dma_start3A_66 = arith.constant 0 : i32
    %dma_start3A_67 = tpu.memref_slice %arg2[%dma_start3A_59, %dma_start3A_60, %select_n3A, %dma_start3A_66] : memref<4x16x8192x128xf32, #tpu.memory_space<hbm>> -> memref<1x1x64x128xf32, #tpu.memory_space<hbm>>
    %dma_start3A_68 = tpu.memref_squeeze %dma_start3A_67 : memref<1x1x64x128xf32, #tpu.memory_space<hbm>> -> memref<64x128xf32, #tpu.memory_space<hbm>>
    %dma_start3A_69 = arith.constant 0 : i32
    %dma_start3A_70 = arith.constant 0 : i32
    %dma_start3A_71 = tpu.memref_slice %arg4[%dma_start3A_61, %dma_start3A_69, %dma_start3A_70] : memref<4x64x128xf32, #tpu.memory_space<vmem>> -> memref<1x64x128xf32, #tpu.memory_space<vmem>>
    %dma_start3A_72 = tpu.memref_squeeze %dma_start3A_71 : memref<1x64x128xf32, #tpu.memory_space<vmem>> -> memref<64x128xf32, #tpu.memory_space<vmem>>
    %dma_start3A_73 = arith.constant 0 : i32
    %dma_start3A_74 = tpu.memref_slice %arg2[%dma_start3A_59, %dma_start3A_60, %select_n3A, %dma_start3A_73] : memref<4x16x8192x128xf32, #tpu.memory_space<hbm>> -> memref<1x1x64x128xf32, #tpu.memory_space<hbm>>
    %dma_start3A_75 = tpu.memref_squeeze %dma_start3A_74 : memref<1x1x64x128xf32, #tpu.memory_space<hbm>> -> memref<64x128xf32, #tpu.memory_space<hbm>>
    tpu.enqueue_dma source(%dma_start3A_75 : memref<64x128xf32, #tpu.memory_space<hbm>>) target(%dma_start3A_72 : memref<64x128xf32, #tpu.memory_space<vmem>>) target_semaphore(%arg8 : memref<!tpu.dma_semaphore, #tpu.memory_space<semaphore_mem>>)
    %dma_start3A_76 = arith.constant 3 : i32
    %dma_start3A_77 = arith.constant 0 : i32
    %dma_start3A_78 = arith.constant 3 : i32
    %dma_start3A_79 = arith.constant 0 : i32
    %dma_start3A_80 = arith.constant 0 : i32
    %dma_start3A_81 = tpu.memref_slice %arg4[%dma_start3A_78, %dma_start3A_79, %dma_start3A_80] : memref<4x64x128xf32, #tpu.memory_space<vmem>> -> memref<1x64x128xf32, #tpu.memory_space<vmem>>
    %dma_start3A_82 = tpu.memref_squeeze %dma_start3A_81 : memref<1x64x128xf32, #tpu.memory_space<vmem>> -> memref<64x128xf32, #tpu.memory_space<vmem>>
    %dma_start3A_83 = arith.constant 0 : i32
    %dma_start3A_84 = tpu.memref_slice %arg2[%dma_start3A_76, %dma_start3A_77, %select_n3A, %dma_start3A_83] : memref<4x16x8192x128xf32, #tpu.memory_space<hbm>> -> memref<1x1x64x128xf32, #tpu.memory_space<hbm>>
    %dma_start3A_85 = tpu.memref_squeeze %dma_start3A_84 : memref<1x1x64x128xf32, #tpu.memory_space<hbm>> -> memref<64x128xf32, #tpu.memory_space<hbm>>
    %dma_start3A_86 = arith.constant 0 : i32
    %dma_start3A_87 = arith.constant 0 : i32
    %dma_start3A_88 = tpu.memref_slice %arg4[%dma_start3A_78, %dma_start3A_86, %dma_start3A_87] : memref<4x64x128xf32, #tpu.memory_space<vmem>> -> memref<1x64x128xf32, #tpu.memory_space<vmem>>
    %dma_start3A_89 = tpu.memref_squeeze %dma_start3A_88 : memref<1x64x128xf32, #tpu.memory_space<vmem>> -> memref<64x128xf32, #tpu.memory_space<vmem>>
    %dma_start3A_90 = arith.constant 0 : i32
    %dma_start3A_91 = tpu.memref_slice %arg2[%dma_start3A_76, %dma_start3A_77, %select_n3A, %dma_start3A_90] : memref<4x16x8192x128xf32, #tpu.memory_space<hbm>> -> memref<1x1x64x128xf32, #tpu.memory_space<hbm>>
    %dma_start3A_92 = tpu.memref_squeeze %dma_start3A_91 : memref<1x1x64x128xf32, #tpu.memory_space<hbm>> -> memref<64x128xf32, #tpu.memory_space<hbm>>
    tpu.enqueue_dma source(%dma_start3A_92 : memref<64x128xf32, #tpu.memory_space<hbm>>) target(%dma_start3A_89 : memref<64x128xf32, #tpu.memory_space<vmem>>) target_semaphore(%arg8 : memref<!tpu.dma_semaphore, #tpu.memory_space<semaphore_mem>>)
    %scan3A = arith.constant 0 : i32
    %scan3A_93 = arith.constant 0 : i32
    %scan3A_94 = arith.constant 32 : i32
    %scan3A_95 = arith.addi %scan3A_93, %scan3A_94 : i32
    %scan3A_96 = arith.constant 1 : i32
    scf.for %scan3A_117 = %scan3A_93 to %scan3A_95 step %scan3A_96  : i32 {
      %mul3A_118 = arith.constant 2 : i32
      %mul3A_119 = arith.muli %mul3A_118, %scan3A_117 : i32
      %add3A_120 = arith.constant 1 : i32
      %add3A_121 = arith.addi %mul3A_119, %add3A_120 : i32
      %shift_right_arithmetic3A_122 = arith.constant 2 : i32
      %shift_right_arithmetic3A_123 = arith.shrsi %add3A_121, %shift_right_arithmetic3A_122 : i32
      %mul3A_124 = arith.constant 16384 : i32
      %mul3A_125 = arith.muli %add3A, %mul3A_124 : i32
      %and3A_126 = arith.constant 3 : i32
      %and3A_127 = arith.andi %add3A_121, %and3A_126 : i32
      %mul3A_128 = arith.constant 4096 : i32
      %mul3A_129 = arith.muli %and3A_127, %mul3A_128 : i32
      %add3A_130 = arith.addi %mul3A_125, %mul3A_129 : i32
      %jit3A_131 = arith.constant 64 : i32
      %div3A_132 = arith.divsi %add3A_130, %jit3A_131 : i32
      %sign3A_133 = arith.constant 0 : i32
      %sign3A_134 = arith.cmpi sgt, %add3A_130, %sign3A_133 : i32
      %sign3A_135 = arith.extui %sign3A_134 : i1 to i32
      %sign3A_136 = arith.constant 0 : i32
      %sign3A_137 = arith.cmpi slt, %add3A_130, %sign3A_136 : i32
      %sign3A_138 = arith.extui %sign3A_137 : i1 to i32
      %sign3A_139 = arith.subi %sign3A_135, %sign3A_138 : i32
      %sign3A_140 = arith.constant 0 : i32
      %sign3A_141 = arith.cmpi sgt, %jit3A_131, %sign3A_140 : i32
      %sign3A_142 = arith.extui %sign3A_141 : i1 to i32
      %sign3A_143 = arith.constant 0 : i32
      %sign3A_144 = arith.cmpi slt, %jit3A_131, %sign3A_143 : i32
      %sign3A_145 = arith.extui %sign3A_144 : i1 to i32
      %sign3A_146 = arith.subi %sign3A_142, %sign3A_145 : i32
      %ne3A_147 = arith.cmpi ne, %sign3A_139, %sign3A_146 : i32
      %rem3A_148 = arith.remsi %add3A_130, %jit3A_131 : i32
      %ne3A_149 = arith.constant 0 : i32
      %ne3A_150 = arith.cmpi ne, %rem3A_148, %ne3A_149 : i32
      %and3A_151 = arith.andi %ne3A_147, %ne3A_150 : i1
      %sub3A_152 = arith.constant 1 : i32
      %sub3A_153 = arith.subi %div3A_132, %sub3A_152 : i32
      %select_n3A_154 = arith.select %and3A_151, %sub3A_153, %div3A_132 : i32
      %dma_start3A_155 = arith.constant 0 : i32
      %dma_start3A_156 = arith.constant 0 : i32
      %dma_start3A_157 = arith.constant 0 : i32
      %dma_start3A_158 = arith.constant 0 : i32
      %dma_start3A_159 = tpu.memref_slice %arg5[%dma_start3A_156, %dma_start3A_157, %dma_start3A_158] : memref<4x64x128xf32, #tpu.memory_space<vmem>> -> memref<1x64x128xf32, #tpu.memory_space<vmem>>
      %dma_start3A_160 = tpu.memref_squeeze %dma_start3A_159 : memref<1x64x128xf32, #tpu.memory_space<vmem>> -> memref<64x128xf32, #tpu.memory_space<vmem>>
      %dma_start3A_161 = arith.constant 0 : i32
      %dma_start3A_162 = tpu.memref_slice %arg2[%dma_start3A_155, %shift_right_arithmetic3A_123, %select_n3A_154, %dma_start3A_161] : memref<4x16x8192x128xf32, #tpu.memory_space<hbm>> -> memref<1x1x64x128xf32, #tpu.memory_space<hbm>>
      %dma_start3A_163 = tpu.memref_squeeze %dma_start3A_162 : memref<1x1x64x128xf32, #tpu.memory_space<hbm>> -> memref<64x128xf32, #tpu.memory_space<hbm>>
      %dma_start3A_164 = arith.constant 0 : i32
      %dma_start3A_165 = arith.constant 0 : i32
      %dma_start3A_166 = tpu.memref_slice %arg5[%dma_start3A_156, %dma_start3A_164, %dma_start3A_165] : memref<4x64x128xf32, #tpu.memory_space<vmem>> -> memref<1x64x128xf32, #tpu.memory_space<vmem>>
      %dma_start3A_167 = tpu.memref_squeeze %dma_start3A_166 : memref<1x64x128xf32, #tpu.memory_space<vmem>> -> memref<64x128xf32, #tpu.memory_space<vmem>>
      %dma_start3A_168 = arith.constant 0 : i32
      %dma_start3A_169 = tpu.memref_slice %arg2[%dma_start3A_155, %shift_right_arithmetic3A_123, %select_n3A_154, %dma_start3A_168] : memref<4x16x8192x128xf32, #tpu.memory_space<hbm>> -> memref<1x1x64x128xf32, #tpu.memory_space<hbm>>
      %dma_start3A_170 = tpu.memref_squeeze %dma_start3A_169 : memref<1x1x64x128xf32, #tpu.memory_space<hbm>> -> memref<64x128xf32, #tpu.memory_space<hbm>>
      tpu.enqueue_dma source(%dma_start3A_170 : memref<64x128xf32, #tpu.memory_space<hbm>>) target(%dma_start3A_167 : memref<64x128xf32, #tpu.memory_space<vmem>>) target_semaphore(%arg9 : memref<!tpu.dma_semaphore, #tpu.memory_space<semaphore_mem>>)
      %dma_start3A_171 = arith.constant 1 : i32
      %dma_start3A_172 = arith.constant 1 : i32
      %dma_start3A_173 = arith.constant 0 : i32
      %dma_start3A_174 = arith.constant 0 : i32
      %dma_start3A_175 = tpu.memref_slice %arg5[%dma_start3A_172, %dma_start3A_173, %dma_start3A_174] : memref<4x64x128xf32, #tpu.memory_space<vmem>> -> memref<1x64x128xf32, #tpu.memory_space<vmem>>
      %dma_start3A_176 = tpu.memref_squeeze %dma_start3A_175 : memref<1x64x128xf32, #tpu.memory_space<vmem>> -> memref<64x128xf32, #tpu.memory_space<vmem>>
      %dma_start3A_177 = arith.constant 0 : i32
      %dma_start3A_178 = tpu.memref_slice %arg2[%dma_start3A_171, %shift_right_arithmetic3A_123, %select_n3A_154, %dma_start3A_177] : memref<4x16x8192x128xf32, #tpu.memory_space<hbm>> -> memref<1x1x64x128xf32, #tpu.memory_space<hbm>>
      %dma_start3A_179 = tpu.memref_squeeze %dma_start3A_178 : memref<1x1x64x128xf32, #tpu.memory_space<hbm>> -> memref<64x128xf32, #tpu.memory_space<hbm>>
      %dma_start3A_180 = arith.constant 0 : i32
      %dma_start3A_181 = arith.constant 0 : i32
      %dma_start3A_182 = tpu.memref_slice %arg5[%dma_start3A_172, %dma_start3A_180, %dma_start3A_181] : memref<4x64x128xf32, #tpu.memory_space<vmem>> -> memref<1x64x128xf32, #tpu.memory_space<vmem>>
      %dma_start3A_183 = tpu.memref_squeeze %dma_start3A_182 : memref<1x64x128xf32, #tpu.memory_space<vmem>> -> memref<64x128xf32, #tpu.memory_space<vmem>>
      %dma_start3A_184 = arith.constant 0 : i32
      %dma_start3A_185 = tpu.memref_slice %arg2[%dma_start3A_171, %shift_right_arithmetic3A_123, %select_n3A_154, %dma_start3A_184] : memref<4x16x8192x128xf32, #tpu.memory_space<hbm>> -> memref<1x1x64x128xf32, #tpu.memory_space<hbm>>
      %dma_start3A_186 = tpu.memref_squeeze %dma_start3A_185 : memref<1x1x64x128xf32, #tpu.memory_space<hbm>> -> memref<64x128xf32, #tpu.memory_space<hbm>>
      tpu.enqueue_dma source(%dma_start3A_186 : memref<64x128xf32, #tpu.memory_space<hbm>>) target(%dma_start3A_183 : memref<64x128xf32, #tpu.memory_space<vmem>>) target_semaphore(%arg9 : memref<!tpu.dma_semaphore, #tpu.memory_space<semaphore_mem>>)
      %dma_start3A_187 = arith.constant 2 : i32
      %dma_start3A_188 = arith.constant 2 : i32
      %dma_start3A_189 = arith.constant 0 : i32
      %dma_start3A_190 = arith.constant 0 : i32
      %dma_start3A_191 = tpu.memref_slice %arg5[%dma_start3A_188, %dma_start3A_189, %dma_start3A_190] : memref<4x64x128xf32, #tpu.memory_space<vmem>> -> memref<1x64x128xf32, #tpu.memory_space<vmem>>
      %dma_start3A_192 = tpu.memref_squeeze %dma_start3A_191 : memref<1x64x128xf32, #tpu.memory_space<vmem>> -> memref<64x128xf32, #tpu.memory_space<vmem>>
      %dma_start3A_193 = arith.constant 0 : i32
      %dma_start3A_194 = tpu.memref_slice %arg2[%dma_start3A_187, %shift_right_arithmetic3A_123, %select_n3A_154, %dma_start3A_193] : memref<4x16x8192x128xf32, #tpu.memory_space<hbm>> -> memref<1x1x64x128xf32, #tpu.memory_space<hbm>>
      %dma_start3A_195 = tpu.memref_squeeze %dma_start3A_194 : memref<1x1x64x128xf32, #tpu.memory_space<hbm>> -> memref<64x128xf32, #tpu.memory_space<hbm>>
      %dma_start3A_196 = arith.constant 0 : i32
      %dma_start3A_197 = arith.constant 0 : i32
      %dma_start3A_198 = tpu.memref_slice %arg5[%dma_start3A_188, %dma_start3A_196, %dma_start3A_197] : memref<4x64x128xf32, #tpu.memory_space<vmem>> -> memref<1x64x128xf32, #tpu.memory_space<vmem>>
      %dma_start3A_199 = tpu.memref_squeeze %dma_start3A_198 : memref<1x64x128xf32, #tpu.memory_space<vmem>> -> memref<64x128xf32, #tpu.memory_space<vmem>>
      %dma_start3A_200 = arith.constant 0 : i32
      %dma_start3A_201 = tpu.memref_slice %arg2[%dma_start3A_187, %shift_right_arithmetic3A_123, %select_n3A_154, %dma_start3A_200] : memref<4x16x8192x128xf32, #tpu.memory_space<hbm>> -> memref<1x1x64x128xf32, #tpu.memory_space<hbm>>
      %dma_start3A_202 = tpu.memref_squeeze %dma_start3A_201 : memref<1x1x64x128xf32, #tpu.memory_space<hbm>> -> memref<64x128xf32, #tpu.memory_space<hbm>>
      tpu.enqueue_dma source(%dma_start3A_202 : memref<64x128xf32, #tpu.memory_space<hbm>>) target(%dma_start3A_199 : memref<64x128xf32, #tpu.memory_space<vmem>>) target_semaphore(%arg9 : memref<!tpu.dma_semaphore, #tpu.memory_space<semaphore_mem>>)
      %dma_start3A_203 = arith.constant 3 : i32
      %dma_start3A_204 = arith.constant 3 : i32
      %dma_start3A_205 = arith.constant 0 : i32
      %dma_start3A_206 = arith.constant 0 : i32
      %dma_start3A_207 = tpu.memref_slice %arg5[%dma_start3A_204, %dma_start3A_205, %dma_start3A_206] : memref<4x64x128xf32, #tpu.memory_space<vmem>> -> memref<1x64x128xf32, #tpu.memory_space<vmem>>
      %dma_start3A_208 = tpu.memref_squeeze %dma_start3A_207 : memref<1x64x128xf32, #tpu.memory_space<vmem>> -> memref<64x128xf32, #tpu.memory_space<vmem>>
      %dma_start3A_209 = arith.constant 0 : i32
      %dma_start3A_210 = tpu.memref_slice %arg2[%dma_start3A_203, %shift_right_arithmetic3A_123, %select_n3A_154, %dma_start3A_209] : memref<4x16x8192x128xf32, #tpu.memory_space<hbm>> -> memref<1x1x64x128xf32, #tpu.memory_space<hbm>>
      %dma_start3A_211 = tpu.memref_squeeze %dma_start3A_210 : memref<1x1x64x128xf32, #tpu.memory_space<hbm>> -> memref<64x128xf32, #tpu.memory_space<hbm>>
      %dma_start3A_212 = arith.constant 0 : i32
      %dma_start3A_213 = arith.constant 0 : i32
      %dma_start3A_214 = tpu.memref_slice %arg5[%dma_start3A_204, %dma_start3A_212, %dma_start3A_213] : memref<4x64x128xf32, #tpu.memory_space<vmem>> -> memref<1x64x128xf32, #tpu.memory_space<vmem>>
      %dma_start3A_215 = tpu.memref_squeeze %dma_start3A_214 : memref<1x64x128xf32, #tpu.memory_space<vmem>> -> memref<64x128xf32, #tpu.memory_space<vmem>>
      %dma_start3A_216 = arith.constant 0 : i32
      %dma_start3A_217 = tpu.memref_slice %arg2[%dma_start3A_203, %shift_right_arithmetic3A_123, %select_n3A_154, %dma_start3A_216] : memref<4x16x8192x128xf32, #tpu.memory_space<hbm>> -> memref<1x1x64x128xf32, #tpu.memory_space<hbm>>
      %dma_start3A_218 = tpu.memref_squeeze %dma_start3A_217 : memref<1x1x64x128xf32, #tpu.memory_space<hbm>> -> memref<64x128xf32, #tpu.memory_space<hbm>>
      tpu.enqueue_dma source(%dma_start3A_218 : memref<64x128xf32, #tpu.memory_space<hbm>>) target(%dma_start3A_215 : memref<64x128xf32, #tpu.memory_space<vmem>>) target_semaphore(%arg9 : memref<!tpu.dma_semaphore, #tpu.memory_space<semaphore_mem>>)
      %shift_right_arithmetic3A_219 = arith.constant 2 : i32
      %shift_right_arithmetic3A_220 = arith.shrsi %mul3A_119, %shift_right_arithmetic3A_219 : i32
      %mul3A_221 = arith.constant 16384 : i32
      %mul3A_222 = arith.muli %add3A, %mul3A_221 : i32
      %and3A_223 = arith.constant 3 : i32
      %and3A_224 = arith.andi %mul3A_119, %and3A_223 : i32
      %mul3A_225 = arith.constant 4096 : i32
      %mul3A_226 = arith.muli %and3A_224, %mul3A_225 : i32
      %add3A_227 = arith.addi %mul3A_222, %mul3A_226 : i32
      %jit3A_228 = arith.constant 64 : i32
      %div3A_229 = arith.divsi %add3A_227, %jit3A_228 : i32
      %sign3A_230 = arith.constant 0 : i32
      %sign3A_231 = arith.cmpi sgt, %add3A_227, %sign3A_230 : i32
      %sign3A_232 = arith.extui %sign3A_231 : i1 to i32
      %sign3A_233 = arith.constant 0 : i32
      %sign3A_234 = arith.cmpi slt, %add3A_227, %sign3A_233 : i32
      %sign3A_235 = arith.extui %sign3A_234 : i1 to i32
      %sign3A_236 = arith.subi %sign3A_232, %sign3A_235 : i32
      %sign3A_237 = arith.constant 0 : i32
      %sign3A_238 = arith.cmpi sgt, %jit3A_228, %sign3A_237 : i32
      %sign3A_239 = arith.extui %sign3A_238 : i1 to i32
      %sign3A_240 = arith.constant 0 : i32
      %sign3A_241 = arith.cmpi slt, %jit3A_228, %sign3A_240 : i32
      %sign3A_242 = arith.extui %sign3A_241 : i1 to i32
      %sign3A_243 = arith.subi %sign3A_239, %sign3A_242 : i32
      %ne3A_244 = arith.cmpi ne, %sign3A_236, %sign3A_243 : i32
      %rem3A_245 = arith.remsi %add3A_227, %jit3A_228 : i32
      %ne3A_246 = arith.constant 0 : i32
      %ne3A_247 = arith.cmpi ne, %rem3A_245, %ne3A_246 : i32
      %and3A_248 = arith.andi %ne3A_244, %ne3A_247 : i1
      %sub3A_249 = arith.constant 1 : i32
      %sub3A_250 = arith.subi %div3A_229, %sub3A_249 : i32
      %select_n3A_251 = arith.select %and3A_248, %sub3A_250, %div3A_229 : i32
      %dma_wait3A_252 = arith.constant 0 : i32
      %dma_wait3A_253 = arith.constant 0 : i32
      %dma_wait3A_254 = arith.constant 0 : i32
      %dma_wait3A_255 = arith.constant 0 : i32
      %dma_wait3A_256 = tpu.memref_slice %arg4[%dma_wait3A_253, %dma_wait3A_254, %dma_wait3A_255] : memref<4x64x128xf32, #tpu.memory_space<vmem>> -> memref<1x64x128xf32, #tpu.memory_space<vmem>>
      %dma_wait3A_257 = tpu.memref_squeeze %dma_wait3A_256 : memref<1x64x128xf32, #tpu.memory_space<vmem>> -> memref<64x128xf32, #tpu.memory_space<vmem>>
      %dma_wait3A_258 = arith.constant 0 : i32
      %dma_wait3A_259 = tpu.memref_slice %arg2[%dma_wait3A_252, %shift_right_arithmetic3A_220, %select_n3A_251, %dma_wait3A_258] : memref<4x16x8192x128xf32, #tpu.memory_space<hbm>> -> memref<1x1x64x128xf32, #tpu.memory_space<hbm>>
      %dma_wait3A_260 = tpu.memref_squeeze %dma_wait3A_259 : memref<1x1x64x128xf32, #tpu.memory_space<hbm>> -> memref<64x128xf32, #tpu.memory_space<hbm>>
      %dma_wait3A_261 = arith.constant 0 : i32
      %dma_wait3A_262 = arith.constant 0 : i32
      %dma_wait3A_263 = tpu.memref_slice %arg4[%dma_wait3A_253, %dma_wait3A_261, %dma_wait3A_262] : memref<4x64x128xf32, #tpu.memory_space<vmem>> -> memref<1x64x128xf32, #tpu.memory_space<vmem>>
      %dma_wait3A_264 = tpu.memref_squeeze %dma_wait3A_263 : memref<1x64x128xf32, #tpu.memory_space<vmem>> -> memref<64x128xf32, #tpu.memory_space<vmem>>
      %dma_wait3A_265 = arith.constant 0 : i32
      %dma_wait3A_266 = tpu.memref_slice %arg2[%dma_wait3A_252, %shift_right_arithmetic3A_220, %select_n3A_251, %dma_wait3A_265] : memref<4x16x8192x128xf32, #tpu.memory_space<hbm>> -> memref<1x1x64x128xf32, #tpu.memory_space<hbm>>
      %dma_wait3A_267 = tpu.memref_squeeze %dma_wait3A_266 : memref<1x1x64x128xf32, #tpu.memory_space<hbm>> -> memref<64x128xf32, #tpu.memory_space<hbm>>
      tpu.wait_dma2 semaphore(%arg8 : memref<!tpu.dma_semaphore, #tpu.memory_space<semaphore_mem>>) src(%dma_wait3A_267 : memref<64x128xf32, #tpu.memory_space<hbm>>) dst(%dma_wait3A_264 : memref<64x128xf32, #tpu.memory_space<vmem>>)
      %dma_wait3A_268 = arith.constant 1 : i32
      %dma_wait3A_269 = arith.constant 1 : i32
      %dma_wait3A_270 = arith.constant 0 : i32
      %dma_wait3A_271 = arith.constant 0 : i32
      %dma_wait3A_272 = tpu.memref_slice %arg4[%dma_wait3A_269, %dma_wait3A_270, %dma_wait3A_271] : memref<4x64x128xf32, #tpu.memory_space<vmem>> -> memref<1x64x128xf32, #tpu.memory_space<vmem>>
      %dma_wait3A_273 = tpu.memref_squeeze %dma_wait3A_272 : memref<1x64x128xf32, #tpu.memory_space<vmem>> -> memref<64x128xf32, #tpu.memory_space<vmem>>
      %dma_wait3A_274 = arith.constant 0 : i32
      %dma_wait3A_275 = tpu.memref_slice %arg2[%dma_wait3A_268, %shift_right_arithmetic3A_220, %select_n3A_251, %dma_wait3A_274] : memref<4x16x8192x128xf32, #tpu.memory_space<hbm>> -> memref<1x1x64x128xf32, #tpu.memory_space<hbm>>
      %dma_wait3A_276 = tpu.memref_squeeze %dma_wait3A_275 : memref<1x1x64x128xf32, #tpu.memory_space<hbm>> -> memref<64x128xf32, #tpu.memory_space<hbm>>
      %dma_wait3A_277 = arith.constant 0 : i32
      %dma_wait3A_278 = arith.constant 0 : i32
      %dma_wait3A_279 = tpu.memref_slice %arg4[%dma_wait3A_269, %dma_wait3A_277, %dma_wait3A_278] : memref<4x64x128xf32, #tpu.memory_space<vmem>> -> memref<1x64x128xf32, #tpu.memory_space<vmem>>
      %dma_wait3A_280 = tpu.memref_squeeze %dma_wait3A_279 : memref<1x64x128xf32, #tpu.memory_space<vmem>> -> memref<64x128xf32, #tpu.memory_space<vmem>>
      %dma_wait3A_281 = arith.constant 0 : i32
      %dma_wait3A_282 = tpu.memref_slice %arg2[%dma_wait3A_268, %shift_right_arithmetic3A_220, %select_n3A_251, %dma_wait3A_281] : memref<4x16x8192x128xf32, #tpu.memory_space<hbm>> -> memref<1x1x64x128xf32, #tpu.memory_space<hbm>>
      %dma_wait3A_283 = tpu.memref_squeeze %dma_wait3A_282 : memref<1x1x64x128xf32, #tpu.memory_space<hbm>> -> memref<64x128xf32, #tpu.memory_space<hbm>>
      tpu.wait_dma2 semaphore(%arg8 : memref<!tpu.dma_semaphore, #tpu.memory_space<semaphore_mem>>) src(%dma_wait3A_283 : memref<64x128xf32, #tpu.memory_space<hbm>>) dst(%dma_wait3A_280 : memref<64x128xf32, #tpu.memory_space<vmem>>)
      %dma_wait3A_284 = arith.constant 2 : i32
      %dma_wait3A_285 = arith.constant 2 : i32
      %dma_wait3A_286 = arith.constant 0 : i32
      %dma_wait3A_287 = arith.constant 0 : i32
      %dma_wait3A_288 = tpu.memref_slice %arg4[%dma_wait3A_285, %dma_wait3A_286, %dma_wait3A_287] : memref<4x64x128xf32, #tpu.memory_space<vmem>> -> memref<1x64x128xf32, #tpu.memory_space<vmem>>
      %dma_wait3A_289 = tpu.memref_squeeze %dma_wait3A_288 : memref<1x64x128xf32, #tpu.memory_space<vmem>> -> memref<64x128xf32, #tpu.memory_space<vmem>>
      %dma_wait3A_290 = arith.constant 0 : i32
      %dma_wait3A_291 = tpu.memref_slice %arg2[%dma_wait3A_284, %shift_right_arithmetic3A_220, %select_n3A_251, %dma_wait3A_290] : memref<4x16x8192x128xf32, #tpu.memory_space<hbm>> -> memref<1x1x64x128xf32, #tpu.memory_space<hbm>>
      %dma_wait3A_292 = tpu.memref_squeeze %dma_wait3A_291 : memref<1x1x64x128xf32, #tpu.memory_space<hbm>> -> memref<64x128xf32, #tpu.memory_space<hbm>>
      %dma_wait3A_293 = arith.constant 0 : i32
      %dma_wait3A_294 = arith.constant 0 : i32
      %dma_wait3A_295 = tpu.memref_slice %arg4[%dma_wait3A_285, %dma_wait3A_293, %dma_wait3A_294] : memref<4x64x128xf32, #tpu.memory_space<vmem>> -> memref<1x64x128xf32, #tpu.memory_space<vmem>>
      %dma_wait3A_296 = tpu.memref_squeeze %dma_wait3A_295 : memref<1x64x128xf32, #tpu.memory_space<vmem>> -> memref<64x128xf32, #tpu.memory_space<vmem>>
      %dma_wait3A_297 = arith.constant 0 : i32
      %dma_wait3A_298 = tpu.memref_slice %arg2[%dma_wait3A_284, %shift_right_arithmetic3A_220, %select_n3A_251, %dma_wait3A_297] : memref<4x16x8192x128xf32, #tpu.memory_space<hbm>> -> memref<1x1x64x128xf32, #tpu.memory_space<hbm>>
      %dma_wait3A_299 = tpu.memref_squeeze %dma_wait3A_298 : memref<1x1x64x128xf32, #tpu.memory_space<hbm>> -> memref<64x128xf32, #tpu.memory_space<hbm>>
      tpu.wait_dma2 semaphore(%arg8 : memref<!tpu.dma_semaphore, #tpu.memory_space<semaphore_mem>>) src(%dma_wait3A_299 : memref<64x128xf32, #tpu.memory_space<hbm>>) dst(%dma_wait3A_296 : memref<64x128xf32, #tpu.memory_space<vmem>>)
      %dma_wait3A_300 = arith.constant 3 : i32
      %dma_wait3A_301 = arith.constant 3 : i32
      %dma_wait3A_302 = arith.constant 0 : i32
      %dma_wait3A_303 = arith.constant 0 : i32
      %dma_wait3A_304 = tpu.memref_slice %arg4[%dma_wait3A_301, %dma_wait3A_302, %dma_wait3A_303] : memref<4x64x128xf32, #tpu.memory_space<vmem>> -> memref<1x64x128xf32, #tpu.memory_space<vmem>>
      %dma_wait3A_305 = tpu.memref_squeeze %dma_wait3A_304 : memref<1x64x128xf32, #tpu.memory_space<vmem>> -> memref<64x128xf32, #tpu.memory_space<vmem>>
      %dma_wait3A_306 = arith.constant 0 : i32
      %dma_wait3A_307 = tpu.memref_slice %arg2[%dma_wait3A_300, %shift_right_arithmetic3A_220, %select_n3A_251, %dma_wait3A_306] : memref<4x16x8192x128xf32, #tpu.memory_space<hbm>> -> memref<1x1x64x128xf32, #tpu.memory_space<hbm>>
      %dma_wait3A_308 = tpu.memref_squeeze %dma_wait3A_307 : memref<1x1x64x128xf32, #tpu.memory_space<hbm>> -> memref<64x128xf32, #tpu.memory_space<hbm>>
      %dma_wait3A_309 = arith.constant 0 : i32
      %dma_wait3A_310 = arith.constant 0 : i32
      %dma_wait3A_311 = tpu.memref_slice %arg4[%dma_wait3A_301, %dma_wait3A_309, %dma_wait3A_310] : memref<4x64x128xf32, #tpu.memory_space<vmem>> -> memref<1x64x128xf32, #tpu.memory_space<vmem>>
      %dma_wait3A_312 = tpu.memref_squeeze %dma_wait3A_311 : memref<1x64x128xf32, #tpu.memory_space<vmem>> -> memref<64x128xf32, #tpu.memory_space<vmem>>
      %dma_wait3A_313 = arith.constant 0 : i32
      %dma_wait3A_314 = tpu.memref_slice %arg2[%dma_wait3A_300, %shift_right_arithmetic3A_220, %select_n3A_251, %dma_wait3A_313] : memref<4x16x8192x128xf32, #tpu.memory_space<hbm>> -> memref<1x1x64x128xf32, #tpu.memory_space<hbm>>
      %dma_wait3A_315 = tpu.memref_squeeze %dma_wait3A_314 : memref<1x1x64x128xf32, #tpu.memory_space<hbm>> -> memref<64x128xf32, #tpu.memory_space<hbm>>
      tpu.wait_dma2 semaphore(%arg8 : memref<!tpu.dma_semaphore, #tpu.memory_space<semaphore_mem>>) src(%dma_wait3A_315 : memref<64x128xf32, #tpu.memory_space<hbm>>) dst(%dma_wait3A_312 : memref<64x128xf32, #tpu.memory_space<vmem>>)
      %ge3A = arith.constant 2 : i32
      %ge3A_316 = arith.cmpi sge, %mul3A_119, %ge3A : i32
      %convert_element_type3A = arith.extui %ge3A_316 : i1 to i32
      %cond3A = arith.constant 0 : i32
      %cond3A_317 = arith.cmpi ne, %convert_element_type3A, %cond3A : i32
      scf.if %cond3A_317 {
        %sub3A_476 = arith.constant 2 : i32
        %sub3A_477 = arith.subi %mul3A_119, %sub3A_476 : i32
        %shift_right_arithmetic3A_478 = arith.constant 2 : i32
        %shift_right_arithmetic3A_479 = arith.shrsi %sub3A_477, %shift_right_arithmetic3A_478 : i32
        %mul3A_480 = arith.constant 16384 : i32
        %mul3A_481 = arith.muli %add3A, %mul3A_480 : i32
        %and3A_482 = arith.constant 3 : i32
        %and3A_483 = arith.andi %sub3A_477, %and3A_482 : i32
        %mul3A_484 = arith.constant 4096 : i32
        %mul3A_485 = arith.muli %and3A_483, %mul3A_484 : i32
        %add3A_486 = arith.addi %mul3A_481, %mul3A_485 : i32
        %mul3A_487 = arith.constant 524288 : i32
        %mul3A_488 = arith.muli %shift_right_arithmetic3A_479, %mul3A_487 : i32
        %add3A_489 = arith.addi %mul3A_488, %add3A_486 : i32
        %dma_wait3A_490 = arith.constant 0 : i32
        %dma_wait3A_491 = tpu.memref_slice %arg3[%add3A_489, %dma_wait3A_490] : memref<8388608x8xf32, #tpu.memory_space<hbm>> -> memref<4096x8xf32, #tpu.memory_space<hbm>>
        %dma_wait3A_492 = arith.constant 0 : i32
        %dma_wait3A_493 = tpu.memref_slice %arg3[%add3A_489, %dma_wait3A_492] : memref<8388608x8xf32, #tpu.memory_space<hbm>> -> memref<4096x8xf32, #tpu.memory_space<hbm>>
        tpu.wait_dma2 semaphore(%arg10 : memref<!tpu.dma_semaphore, #tpu.memory_space<semaphore_mem>>) src(%arg6 : memref<4096x8xf32, #tpu.memory_space<vmem>>) dst(%dma_wait3A_493 : memref<4096x8xf32, #tpu.memory_space<hbm>>)
      } else {
      }
      %scan3A_318 = arith.constant 0 : i32
      %scan3A_319 = arith.constant 0 : i32
      %scan3A_320 = arith.constant 512 : i32
      %scan3A_321 = arith.addi %scan3A_319, %scan3A_320 : i32
      %scan3A_322 = arith.constant 1 : i32
      scf.for %scan3A_476 = %scan3A_319 to %scan3A_321 step %scan3A_322  : i32 {
        %mul3A_477 = arith.constant 8 : i32
        %mul3A_478 = arith.muli %scan3A_476, %mul3A_477 : i32
        %add3A_479 = vector.broadcast %mul3A_478 : i32 to vector<16xi32>
        %add3A_480 = arith.addi %shift_right_arithmetic3A_2, %add3A_479 : vector<16xi32>
        %shift_right_arithmetic3A_481 = arith.constant 3 : i32
        %shift_right_arithmetic3A_482 = arith.shrsi %scan3A_476, %shift_right_arithmetic3A_481 : i32
        %and3A_483 = arith.constant 7 : i32
        %and3A_484 = arith.andi %scan3A_476, %and3A_483 : i32
        %mul3A_485 = arith.constant 16 : i32
        %mul3A_486 = arith.muli %and3A_484, %mul3A_485 : i32
        %get3A = arith.constant 0 : i32
        %get3A_487 = arith.index_cast %get3A : i32 to index
        %get3A_488 = arith.index_cast %shift_right_arithmetic3A_482 : i32 to index
        %get3A_489 = arith.index_cast %mul3A_486 : i32 to index
        %get3A_490 = tpu.vector_load %arg4[%get3A_487, %get3A_488, %get3A_489] {strides = array<i32>} : memref<4x64x128xf32, #tpu.memory_space<vmem>>, vector<16xf32>,
        %add3A_491 = arith.constant 0 : i32
        %add3A_492 = vector.broadcast %add3A_491 : i32 to vector<16xi32>
        %add3A_493 = arith.addi %and3A_4, %add3A_492 : vector<16xi32>
        tpu.vector_store_idx %arg6[%add3A_480, %add3A_493], %get3A_490 : memref<4096x8xf32, #tpu.memory_space<vmem>>[vector<16xi32>, vector<16xi32>], vector<16xf32>,
        %shift_right_arithmetic3A_494 = arith.constant 3 : i32
        %shift_right_arithmetic3A_495 = arith.shrsi %scan3A_476, %shift_right_arithmetic3A_494 : i32
        %and3A_496 = arith.constant 7 : i32
        %and3A_497 = arith.andi %scan3A_476, %and3A_496 : i32
        %mul3A_498 = arith.constant 16 : i32
        %mul3A_499 = arith.muli %and3A_497, %mul3A_498 : i32
        %get3A_500 = arith.constant 1 : i32
        %get3A_501 = arith.index_cast %get3A_500 : i32 to index
        %get3A_502 = arith.index_cast %shift_right_arithmetic3A_495 : i32 to index
        %get3A_503 = arith.index_cast %mul3A_499 : i32 to index
        %get3A_504 = tpu.vector_load %arg4[%get3A_501, %get3A_502, %get3A_503] {strides = array<i32>} : memref<4x64x128xf32, #tpu.memory_space<vmem>>, vector<16xf32>,
        %add3A_505 = arith.constant 2 : i32
        %add3A_506 = vector.broadcast %add3A_505 : i32 to vector<16xi32>
        %add3A_507 = arith.addi %and3A_4, %add3A_506 : vector<16xi32>
        tpu.vector_store_idx %arg6[%add3A_480, %add3A_507], %get3A_504 : memref<4096x8xf32, #tpu.memory_space<vmem>>[vector<16xi32>, vector<16xi32>], vector<16xf32>,
        %shift_right_arithmetic3A_508 = arith.constant 3 : i32
        %shift_right_arithmetic3A_509 = arith.shrsi %scan3A_476, %shift_right_arithmetic3A_508 : i32
        %and3A_510 = arith.constant 7 : i32
        %and3A_511 = arith.andi %scan3A_476, %and3A_510 : i32
        %mul3A_512 = arith.constant 16 : i32
        %mul3A_513 = arith.muli %and3A_511, %mul3A_512 : i32
        %get3A_514 = arith.constant 2 : i32
        %get3A_515 = arith.index_cast %get3A_514 : i32 to index
        %get3A_516 = arith.index_cast %shift_right_arithmetic3A_509 : i32 to index
        %get3A_517 = arith.index_cast %mul3A_513 : i32 to index
        %get3A_518 = tpu.vector_load %arg4[%get3A_515, %get3A_516, %get3A_517] {strides = array<i32>} : memref<4x64x128xf32, #tpu.memory_space<vmem>>, vector<16xf32>,
        %add3A_519 = arith.constant 4 : i32
        %add3A_520 = vector.broadcast %add3A_519 : i32 to vector<16xi32>
        %add3A_521 = arith.addi %and3A_4, %add3A_520 : vector<16xi32>
        tpu.vector_store_idx %arg6[%add3A_480, %add3A_521], %get3A_518 : memref<4096x8xf32, #tpu.memory_space<vmem>>[vector<16xi32>, vector<16xi32>], vector<16xf32>,
        %shift_right_arithmetic3A_522 = arith.constant 3 : i32
        %shift_right_arithmetic3A_523 = arith.shrsi %scan3A_476, %shift_right_arithmetic3A_522 : i32
        %and3A_524 = arith.constant 7 : i32
        %and3A_525 = arith.andi %scan3A_476, %and3A_524 : i32
        %mul3A_526 = arith.constant 16 : i32
        %mul3A_527 = arith.muli %and3A_525, %mul3A_526 : i32
        %get3A_528 = arith.constant 3 : i32
        %get3A_529 = arith.index_cast %get3A_528 : i32 to index
        %get3A_530 = arith.index_cast %shift_right_arithmetic3A_523 : i32 to index
        %get3A_531 = arith.index_cast %mul3A_527 : i32 to index
        %get3A_532 = tpu.vector_load %arg4[%get3A_529, %get3A_530, %get3A_531] {strides = array<i32>} : memref<4x64x128xf32, #tpu.memory_space<vmem>>, vector<16xf32>,
        %add3A_533 = arith.constant 6 : i32
        %add3A_534 = vector.broadcast %add3A_533 : i32 to vector<16xi32>
        %add3A_535 = arith.addi %and3A_4, %add3A_534 : vector<16xi32>
        tpu.vector_store_idx %arg6[%add3A_480, %add3A_535], %get3A_532 : memref<4096x8xf32, #tpu.memory_space<vmem>>[vector<16xi32>, vector<16xi32>], vector<16xf32>,
      }
      %scan3A_323 = arith.constant 512 : i32
      %shift_right_arithmetic3A_324 = arith.constant 2 : i32
      %shift_right_arithmetic3A_325 = arith.shrsi %mul3A_119, %shift_right_arithmetic3A_324 : i32
      %mul3A_326 = arith.constant 16384 : i32
      %mul3A_327 = arith.muli %add3A, %mul3A_326 : i32
      %and3A_328 = arith.constant 3 : i32
      %and3A_329 = arith.andi %mul3A_119, %and3A_328 : i32
      %mul3A_330 = arith.constant 4096 : i32
      %mul3A_331 = arith.muli %and3A_329, %mul3A_330 : i32
      %add3A_332 = arith.addi %mul3A_327, %mul3A_331 : i32
      %mul3A_333 = arith.constant 524288 : i32
      %mul3A_334 = arith.muli %shift_right_arithmetic3A_325, %mul3A_333 : i32
      %add3A_335 = arith.addi %mul3A_334, %add3A_332 : i32
      %dma_start3A_336 = arith.constant 0 : i32
      %dma_start3A_337 = tpu.memref_slice %arg3[%add3A_335, %dma_start3A_336] : memref<8388608x8xf32, #tpu.memory_space<hbm>> -> memref<4096x8xf32, #tpu.memory_space<hbm>>
      %dma_start3A_338 = arith.constant 0 : i32
      %dma_start3A_339 = tpu.memref_slice %arg3[%add3A_335, %dma_start3A_338] : memref<8388608x8xf32, #tpu.memory_space<hbm>> -> memref<4096x8xf32, #tpu.memory_space<hbm>>
      tpu.enqueue_dma source(%arg6 : memref<4096x8xf32, #tpu.memory_space<vmem>>) target(%dma_start3A_339 : memref<4096x8xf32, #tpu.memory_space<hbm>>) target_semaphore(%arg10 : memref<!tpu.dma_semaphore, #tpu.memory_space<semaphore_mem>>)
      %add3A_340 = arith.constant 2 : i32
      %add3A_341 = arith.addi %mul3A_119, %add3A_340 : i32
      %lt3A = arith.constant 64 : i32
      %lt3A_342 = arith.cmpi slt, %add3A_341, %lt3A : i32
      %convert_element_type3A_343 = arith.extui %lt3A_342 : i1 to i32
      %cond3A_344 = arith.constant 0 : i32
      %cond3A_345 = arith.cmpi ne, %convert_element_type3A_343, %cond3A_344 : i32
      scf.if %cond3A_345 {
        %add3A_476 = arith.constant 2 : i32
        %add3A_477 = arith.addi %mul3A_119, %add3A_476 : i32
        %shift_right_arithmetic3A_478 = arith.constant 2 : i32
        %shift_right_arithmetic3A_479 = arith.shrsi %add3A_477, %shift_right_arithmetic3A_478 : i32
        %mul3A_480 = arith.constant 16384 : i32
        %mul3A_481 = arith.muli %add3A, %mul3A_480 : i32
        %and3A_482 = arith.constant 3 : i32
        %and3A_483 = arith.andi %add3A_477, %and3A_482 : i32
        %mul3A_484 = arith.constant 4096 : i32
        %mul3A_485 = arith.muli %and3A_483, %mul3A_484 : i32
        %add3A_486 = arith.addi %mul3A_481, %mul3A_485 : i32
        %jit3A_487 = arith.constant 64 : i32
        %div3A_488 = arith.divsi %add3A_486, %jit3A_487 : i32
        %sign3A_489 = arith.constant 0 : i32
        %sign3A_490 = arith.cmpi sgt, %add3A_486, %sign3A_489 : i32
        %sign3A_491 = arith.extui %sign3A_490 : i1 to i32
        %sign3A_492 = arith.constant 0 : i32
        %sign3A_493 = arith.cmpi slt, %add3A_486, %sign3A_492 : i32
        %sign3A_494 = arith.extui %sign3A_493 : i1 to i32
        %sign3A_495 = arith.subi %sign3A_491, %sign3A_494 : i32
        %sign3A_496 = arith.constant 0 : i32
        %sign3A_497 = arith.cmpi sgt, %jit3A_487, %sign3A_496 : i32
        %sign3A_498 = arith.extui %sign3A_497 : i1 to i32
        %sign3A_499 = arith.constant 0 : i32
        %sign3A_500 = arith.cmpi slt, %jit3A_487, %sign3A_499 : i32
        %sign3A_501 = arith.extui %sign3A_500 : i1 to i32
        %sign3A_502 = arith.subi %sign3A_498, %sign3A_501 : i32
        %ne3A_503 = arith.cmpi ne, %sign3A_495, %sign3A_502 : i32
        %rem3A_504 = arith.remsi %add3A_486, %jit3A_487 : i32
        %ne3A_505 = arith.constant 0 : i32
        %ne3A_506 = arith.cmpi ne, %rem3A_504, %ne3A_505 : i32
        %and3A_507 = arith.andi %ne3A_503, %ne3A_506 : i1
        %sub3A_508 = arith.constant 1 : i32
        %sub3A_509 = arith.subi %div3A_488, %sub3A_508 : i32
        %select_n3A_510 = arith.select %and3A_507, %sub3A_509, %div3A_488 : i32
        %dma_start3A_511 = arith.constant 0 : i32
        %dma_start3A_512 = arith.constant 0 : i32
        %dma_start3A_513 = arith.constant 0 : i32
        %dma_start3A_514 = arith.constant 0 : i32
        %dma_start3A_515 = tpu.memref_slice %arg4[%dma_start3A_512, %dma_start3A_513, %dma_start3A_514] : memref<4x64x128xf32, #tpu.memory_space<vmem>> -> memref<1x64x128xf32, #tpu.memory_space<vmem>>
        %dma_start3A_516 = tpu.memref_squeeze %dma_start3A_515 : memref<1x64x128xf32, #tpu.memory_space<vmem>> -> memref<64x128xf32, #tpu.memory_space<vmem>>
        %dma_start3A_517 = arith.constant 0 : i32
        %dma_start3A_518 = tpu.memref_slice %arg2[%dma_start3A_511, %shift_right_arithmetic3A_479, %select_n3A_510, %dma_start3A_517] : memref<4x16x8192x128xf32, #tpu.memory_space<hbm>> -> memref<1x1x64x128xf32, #tpu.memory_space<hbm>>
        %dma_start3A_519 = tpu.memref_squeeze %dma_start3A_518 : memref<1x1x64x128xf32, #tpu.memory_space<hbm>> -> memref<64x128xf32, #tpu.memory_space<hbm>>
        %dma_start3A_520 = arith.constant 0 : i32
        %dma_start3A_521 = arith.constant 0 : i32
        %dma_start3A_522 = tpu.memref_slice %arg4[%dma_start3A_512, %dma_start3A_520, %dma_start3A_521] : memref<4x64x128xf32, #tpu.memory_space<vmem>> -> memref<1x64x128xf32, #tpu.memory_space<vmem>>
        %dma_start3A_523 = tpu.memref_squeeze %dma_start3A_522 : memref<1x64x128xf32, #tpu.memory_space<vmem>> -> memref<64x128xf32, #tpu.memory_space<vmem>>
        %dma_start3A_524 = arith.constant 0 : i32
        %dma_start3A_525 = tpu.memref_slice %arg2[%dma_start3A_511, %shift_right_arithmetic3A_479, %select_n3A_510, %dma_start3A_524] : memref<4x16x8192x128xf32, #tpu.memory_space<hbm>> -> memref<1x1x64x128xf32, #tpu.memory_space<hbm>>
        %dma_start3A_526 = tpu.memref_squeeze %dma_start3A_525 : memref<1x1x64x128xf32, #tpu.memory_space<hbm>> -> memref<64x128xf32, #tpu.memory_space<hbm>>
        tpu.enqueue_dma source(%dma_start3A_526 : memref<64x128xf32, #tpu.memory_space<hbm>>) target(%dma_start3A_523 : memref<64x128xf32, #tpu.memory_space<vmem>>) target_semaphore(%arg8 : memref<!tpu.dma_semaphore, #tpu.memory_space<semaphore_mem>>)
        %dma_start3A_527 = arith.constant 1 : i32
        %dma_start3A_528 = arith.constant 1 : i32
        %dma_start3A_529 = arith.constant 0 : i32
        %dma_start3A_530 = arith.constant 0 : i32
        %dma_start3A_531 = tpu.memref_slice %arg4[%dma_start3A_528, %dma_start3A_529, %dma_start3A_530] : memref<4x64x128xf32, #tpu.memory_space<vmem>> -> memref<1x64x128xf32, #tpu.memory_space<vmem>>
        %dma_start3A_532 = tpu.memref_squeeze %dma_start3A_531 : memref<1x64x128xf32, #tpu.memory_space<vmem>> -> memref<64x128xf32, #tpu.memory_space<vmem>>
        %dma_start3A_533 = arith.constant 0 : i32
        %dma_start3A_534 = tpu.memref_slice %arg2[%dma_start3A_527, %shift_right_arithmetic3A_479, %select_n3A_510, %dma_start3A_533] : memref<4x16x8192x128xf32, #tpu.memory_space<hbm>> -> memref<1x1x64x128xf32, #tpu.memory_space<hbm>>
        %dma_start3A_535 = tpu.memref_squeeze %dma_start3A_534 : memref<1x1x64x128xf32, #tpu.memory_space<hbm>> -> memref<64x128xf32, #tpu.memory_space<hbm>>
        %dma_start3A_536 = arith.constant 0 : i32
        %dma_start3A_537 = arith.constant 0 : i32
        %dma_start3A_538 = tpu.memref_slice %arg4[%dma_start3A_528, %dma_start3A_536, %dma_start3A_537] : memref<4x64x128xf32, #tpu.memory_space<vmem>> -> memref<1x64x128xf32, #tpu.memory_space<vmem>>
        %dma_start3A_539 = tpu.memref_squeeze %dma_start3A_538 : memref<1x64x128xf32, #tpu.memory_space<vmem>> -> memref<64x128xf32, #tpu.memory_space<vmem>>
        %dma_start3A_540 = arith.constant 0 : i32
        %dma_start3A_541 = tpu.memref_slice %arg2[%dma_start3A_527, %shift_right_arithmetic3A_479, %select_n3A_510, %dma_start3A_540] : memref<4x16x8192x128xf32, #tpu.memory_space<hbm>> -> memref<1x1x64x128xf32, #tpu.memory_space<hbm>>
        %dma_start3A_542 = tpu.memref_squeeze %dma_start3A_541 : memref<1x1x64x128xf32, #tpu.memory_space<hbm>> -> memref<64x128xf32, #tpu.memory_space<hbm>>
        tpu.enqueue_dma source(%dma_start3A_542 : memref<64x128xf32, #tpu.memory_space<hbm>>) target(%dma_start3A_539 : memref<64x128xf32, #tpu.memory_space<vmem>>) target_semaphore(%arg8 : memref<!tpu.dma_semaphore, #tpu.memory_space<semaphore_mem>>)
        %dma_start3A_543 = arith.constant 2 : i32
        %dma_start3A_544 = arith.constant 2 : i32
        %dma_start3A_545 = arith.constant 0 : i32
        %dma_start3A_546 = arith.constant 0 : i32
        %dma_start3A_547 = tpu.memref_slice %arg4[%dma_start3A_544, %dma_start3A_545, %dma_start3A_546] : memref<4x64x128xf32, #tpu.memory_space<vmem>> -> memref<1x64x128xf32, #tpu.memory_space<vmem>>
        %dma_start3A_548 = tpu.memref_squeeze %dma_start3A_547 : memref<1x64x128xf32, #tpu.memory_space<vmem>> -> memref<64x128xf32, #tpu.memory_space<vmem>>
        %dma_start3A_549 = arith.constant 0 : i32
        %dma_start3A_550 = tpu.memref_slice %arg2[%dma_start3A_543, %shift_right_arithmetic3A_479, %select_n3A_510, %dma_start3A_549] : memref<4x16x8192x128xf32, #tpu.memory_space<hbm>> -> memref<1x1x64x128xf32, #tpu.memory_space<hbm>>
        %dma_start3A_551 = tpu.memref_squeeze %dma_start3A_550 : memref<1x1x64x128xf32, #tpu.memory_space<hbm>> -> memref<64x128xf32, #tpu.memory_space<hbm>>
        %dma_start3A_552 = arith.constant 0 : i32
        %dma_start3A_553 = arith.constant 0 : i32
        %dma_start3A_554 = tpu.memref_slice %arg4[%dma_start3A_544, %dma_start3A_552, %dma_start3A_553] : memref<4x64x128xf32, #tpu.memory_space<vmem>> -> memref<1x64x128xf32, #tpu.memory_space<vmem>>
        %dma_start3A_555 = tpu.memref_squeeze %dma_start3A_554 : memref<1x64x128xf32, #tpu.memory_space<vmem>> -> memref<64x128xf32, #tpu.memory_space<vmem>>
        %dma_start3A_556 = arith.constant 0 : i32
        %dma_start3A_557 = tpu.memref_slice %arg2[%dma_start3A_543, %shift_right_arithmetic3A_479, %select_n3A_510, %dma_start3A_556] : memref<4x16x8192x128xf32, #tpu.memory_space<hbm>> -> memref<1x1x64x128xf32, #tpu.memory_space<hbm>>
        %dma_start3A_558 = tpu.memref_squeeze %dma_start3A_557 : memref<1x1x64x128xf32, #tpu.memory_space<hbm>> -> memref<64x128xf32, #tpu.memory_space<hbm>>
        tpu.enqueue_dma source(%dma_start3A_558 : memref<64x128xf32, #tpu.memory_space<hbm>>) target(%dma_start3A_555 : memref<64x128xf32, #tpu.memory_space<vmem>>) target_semaphore(%arg8 : memref<!tpu.dma_semaphore, #tpu.memory_space<semaphore_mem>>)
        %dma_start3A_559 = arith.constant 3 : i32
        %dma_start3A_560 = arith.constant 3 : i32
        %dma_start3A_561 = arith.constant 0 : i32
        %dma_start3A_562 = arith.constant 0 : i32
        %dma_start3A_563 = tpu.memref_slice %arg4[%dma_start3A_560, %dma_start3A_561, %dma_start3A_562] : memref<4x64x128xf32, #tpu.memory_space<vmem>> -> memref<1x64x128xf32, #tpu.memory_space<vmem>>
        %dma_start3A_564 = tpu.memref_squeeze %dma_start3A_563 : memref<1x64x128xf32, #tpu.memory_space<vmem>> -> memref<64x128xf32, #tpu.memory_space<vmem>>
        %dma_start3A_565 = arith.constant 0 : i32
        %dma_start3A_566 = tpu.memref_slice %arg2[%dma_start3A_559, %shift_right_arithmetic3A_479, %select_n3A_510, %dma_start3A_565] : memref<4x16x8192x128xf32, #tpu.memory_space<hbm>> -> memref<1x1x64x128xf32, #tpu.memory_space<hbm>>
        %dma_start3A_567 = tpu.memref_squeeze %dma_start3A_566 : memref<1x1x64x128xf32, #tpu.memory_space<hbm>> -> memref<64x128xf32, #tpu.memory_space<hbm>>
        %dma_start3A_568 = arith.constant 0 : i32
        %dma_start3A_569 = arith.constant 0 : i32
        %dma_start3A_570 = tpu.memref_slice %arg4[%dma_start3A_560, %dma_start3A_568, %dma_start3A_569] : memref<4x64x128xf32, #tpu.memory_space<vmem>> -> memref<1x64x128xf32, #tpu.memory_space<vmem>>
        %dma_start3A_571 = tpu.memref_squeeze %dma_start3A_570 : memref<1x64x128xf32, #tpu.memory_space<vmem>> -> memref<64x128xf32, #tpu.memory_space<vmem>>
        %dma_start3A_572 = arith.constant 0 : i32
        %dma_start3A_573 = tpu.memref_slice %arg2[%dma_start3A_559, %shift_right_arithmetic3A_479, %select_n3A_510, %dma_start3A_572] : memref<4x16x8192x128xf32, #tpu.memory_space<hbm>> -> memref<1x1x64x128xf32, #tpu.memory_space<hbm>>
        %dma_start3A_574 = tpu.memref_squeeze %dma_start3A_573 : memref<1x1x64x128xf32, #tpu.memory_space<hbm>> -> memref<64x128xf32, #tpu.memory_space<hbm>>
        tpu.enqueue_dma source(%dma_start3A_574 : memref<64x128xf32, #tpu.memory_space<hbm>>) target(%dma_start3A_571 : memref<64x128xf32, #tpu.memory_space<vmem>>) target_semaphore(%arg8 : memref<!tpu.dma_semaphore, #tpu.memory_space<semaphore_mem>>)
      } else {
      }
      %add3A_346 = arith.constant 1 : i32
      %add3A_347 = arith.addi %mul3A_119, %add3A_346 : i32
      %shift_right_arithmetic3A_348 = arith.constant 2 : i32
      %shift_right_arithmetic3A_349 = arith.shrsi %add3A_347, %shift_right_arithmetic3A_348 : i32
      %mul3A_350 = arith.constant 16384 : i32
      %mul3A_351 = arith.muli %add3A, %mul3A_350 : i32
      %and3A_352 = arith.constant 3 : i32
      %and3A_353 = arith.andi %add3A_347, %and3A_352 : i32
      %mul3A_354 = arith.constant 4096 : i32
      %mul3A_355 = arith.muli %and3A_353, %mul3A_354 : i32
      %add3A_356 = arith.addi %mul3A_351, %mul3A_355 : i32
      %jit3A_357 = arith.constant 64 : i32
      %div3A_358 = arith.divsi %add3A_356, %jit3A_357 : i32
      %sign3A_359 = arith.constant 0 : i32
      %sign3A_360 = arith.cmpi sgt, %add3A_356, %sign3A_359 : i32
      %sign3A_361 = arith.extui %sign3A_360 : i1 to i32
      %sign3A_362 = arith.constant 0 : i32
      %sign3A_363 = arith.cmpi slt, %add3A_356, %sign3A_362 : i32
      %sign3A_364 = arith.extui %sign3A_363 : i1 to i32
      %sign3A_365 = arith.subi %sign3A_361, %sign3A_364 : i32
      %sign3A_366 = arith.constant 0 : i32
      %sign3A_367 = arith.cmpi sgt, %jit3A_357, %sign3A_366 : i32
      %sign3A_368 = arith.extui %sign3A_367 : i1 to i32
      %sign3A_369 = arith.constant 0 : i32
      %sign3A_370 = arith.cmpi slt, %jit3A_357, %sign3A_369 : i32
      %sign3A_371 = arith.extui %sign3A_370 : i1 to i32
      %sign3A_372 = arith.subi %sign3A_368, %sign3A_371 : i32
      %ne3A_373 = arith.cmpi ne, %sign3A_365, %sign3A_372 : i32
      %rem3A_374 = arith.remsi %add3A_356, %jit3A_357 : i32
      %ne3A_375 = arith.constant 0 : i32
      %ne3A_376 = arith.cmpi ne, %rem3A_374, %ne3A_375 : i32
      %and3A_377 = arith.andi %ne3A_373, %ne3A_376 : i1
      %sub3A_378 = arith.constant 1 : i32
      %sub3A_379 = arith.subi %div3A_358, %sub3A_378 : i32
      %select_n3A_380 = arith.select %and3A_377, %sub3A_379, %div3A_358 : i32
      %dma_wait3A_381 = arith.constant 0 : i32
      %dma_wait3A_382 = arith.constant 0 : i32
      %dma_wait3A_383 = arith.constant 0 : i32
      %dma_wait3A_384 = arith.constant 0 : i32
      %dma_wait3A_385 = tpu.memref_slice %arg5[%dma_wait3A_382, %dma_wait3A_383, %dma_wait3A_384] : memref<4x64x128xf32, #tpu.memory_space<vmem>> -> memref<1x64x128xf32, #tpu.memory_space<vmem>>
      %dma_wait3A_386 = tpu.memref_squeeze %dma_wait3A_385 : memref<1x64x128xf32, #tpu.memory_space<vmem>> -> memref<64x128xf32, #tpu.memory_space<vmem>>
      %dma_wait3A_387 = arith.constant 0 : i32
      %dma_wait3A_388 = tpu.memref_slice %arg2[%dma_wait3A_381, %shift_right_arithmetic3A_349, %select_n3A_380, %dma_wait3A_387] : memref<4x16x8192x128xf32, #tpu.memory_space<hbm>> -> memref<1x1x64x128xf32, #tpu.memory_space<hbm>>
      %dma_wait3A_389 = tpu.memref_squeeze %dma_wait3A_388 : memref<1x1x64x128xf32, #tpu.memory_space<hbm>> -> memref<64x128xf32, #tpu.memory_space<hbm>>
      %dma_wait3A_390 = arith.constant 0 : i32
      %dma_wait3A_391 = arith.constant 0 : i32
      %dma_wait3A_392 = tpu.memref_slice %arg5[%dma_wait3A_382, %dma_wait3A_390, %dma_wait3A_391] : memref<4x64x128xf32, #tpu.memory_space<vmem>> -> memref<1x64x128xf32, #tpu.memory_space<vmem>>
      %dma_wait3A_393 = tpu.memref_squeeze %dma_wait3A_392 : memref<1x64x128xf32, #tpu.memory_space<vmem>> -> memref<64x128xf32, #tpu.memory_space<vmem>>
      %dma_wait3A_394 = arith.constant 0 : i32
      %dma_wait3A_395 = tpu.memref_slice %arg2[%dma_wait3A_381, %shift_right_arithmetic3A_349, %select_n3A_380, %dma_wait3A_394] : memref<4x16x8192x128xf32, #tpu.memory_space<hbm>> -> memref<1x1x64x128xf32, #tpu.memory_space<hbm>>
      %dma_wait3A_396 = tpu.memref_squeeze %dma_wait3A_395 : memref<1x1x64x128xf32, #tpu.memory_space<hbm>> -> memref<64x128xf32, #tpu.memory_space<hbm>>
      tpu.wait_dma2 semaphore(%arg9 : memref<!tpu.dma_semaphore, #tpu.memory_space<semaphore_mem>>) src(%dma_wait3A_396 : memref<64x128xf32, #tpu.memory_space<hbm>>) dst(%dma_wait3A_393 : memref<64x128xf32, #tpu.memory_space<vmem>>)
      %dma_wait3A_397 = arith.constant 1 : i32
      %dma_wait3A_398 = arith.constant 1 : i32
      %dma_wait3A_399 = arith.constant 0 : i32
      %dma_wait3A_400 = arith.constant 0 : i32
      %dma_wait3A_401 = tpu.memref_slice %arg5[%dma_wait3A_398, %dma_wait3A_399, %dma_wait3A_400] : memref<4x64x128xf32, #tpu.memory_space<vmem>> -> memref<1x64x128xf32, #tpu.memory_space<vmem>>
      %dma_wait3A_402 = tpu.memref_squeeze %dma_wait3A_401 : memref<1x64x128xf32, #tpu.memory_space<vmem>> -> memref<64x128xf32, #tpu.memory_space<vmem>>
      %dma_wait3A_403 = arith.constant 0 : i32
      %dma_wait3A_404 = tpu.memref_slice %arg2[%dma_wait3A_397, %shift_right_arithmetic3A_349, %select_n3A_380, %dma_wait3A_403] : memref<4x16x8192x128xf32, #tpu.memory_space<hbm>> -> memref<1x1x64x128xf32, #tpu.memory_space<hbm>>
      %dma_wait3A_405 = tpu.memref_squeeze %dma_wait3A_404 : memref<1x1x64x128xf32, #tpu.memory_space<hbm>> -> memref<64x128xf32, #tpu.memory_space<hbm>>
      %dma_wait3A_406 = arith.constant 0 : i32
      %dma_wait3A_407 = arith.constant 0 : i32
      %dma_wait3A_408 = tpu.memref_slice %arg5[%dma_wait3A_398, %dma_wait3A_406, %dma_wait3A_407] : memref<4x64x128xf32, #tpu.memory_space<vmem>> -> memref<1x64x128xf32, #tpu.memory_space<vmem>>
      %dma_wait3A_409 = tpu.memref_squeeze %dma_wait3A_408 : memref<1x64x128xf32, #tpu.memory_space<vmem>> -> memref<64x128xf32, #tpu.memory_space<vmem>>
      %dma_wait3A_410 = arith.constant 0 : i32
      %dma_wait3A_411 = tpu.memref_slice %arg2[%dma_wait3A_397, %shift_right_arithmetic3A_349, %select_n3A_380, %dma_wait3A_410] : memref<4x16x8192x128xf32, #tpu.memory_space<hbm>> -> memref<1x1x64x128xf32, #tpu.memory_space<hbm>>
      %dma_wait3A_412 = tpu.memref_squeeze %dma_wait3A_411 : memref<1x1x64x128xf32, #tpu.memory_space<hbm>> -> memref<64x128xf32, #tpu.memory_space<hbm>>
      tpu.wait_dma2 semaphore(%arg9 : memref<!tpu.dma_semaphore, #tpu.memory_space<semaphore_mem>>) src(%dma_wait3A_412 : memref<64x128xf32, #tpu.memory_space<hbm>>) dst(%dma_wait3A_409 : memref<64x128xf32, #tpu.memory_space<vmem>>)
      %dma_wait3A_413 = arith.constant 2 : i32
      %dma_wait3A_414 = arith.constant 2 : i32
      %dma_wait3A_415 = arith.constant 0 : i32
      %dma_wait3A_416 = arith.constant 0 : i32
      %dma_wait3A_417 = tpu.memref_slice %arg5[%dma_wait3A_414, %dma_wait3A_415, %dma_wait3A_416] : memref<4x64x128xf32, #tpu.memory_space<vmem>> -> memref<1x64x128xf32, #tpu.memory_space<vmem>>
      %dma_wait3A_418 = tpu.memref_squeeze %dma_wait3A_417 : memref<1x64x128xf32, #tpu.memory_space<vmem>> -> memref<64x128xf32, #tpu.memory_space<vmem>>
      %dma_wait3A_419 = arith.constant 0 : i32
      %dma_wait3A_420 = tpu.memref_slice %arg2[%dma_wait3A_413, %shift_right_arithmetic3A_349, %select_n3A_380, %dma_wait3A_419] : memref<4x16x8192x128xf32, #tpu.memory_space<hbm>> -> memref<1x1x64x128xf32, #tpu.memory_space<hbm>>
      %dma_wait3A_421 = tpu.memref_squeeze %dma_wait3A_420 : memref<1x1x64x128xf32, #tpu.memory_space<hbm>> -> memref<64x128xf32, #tpu.memory_space<hbm>>
      %dma_wait3A_422 = arith.constant 0 : i32
      %dma_wait3A_423 = arith.constant 0 : i32
      %dma_wait3A_424 = tpu.memref_slice %arg5[%dma_wait3A_414, %dma_wait3A_422, %dma_wait3A_423] : memref<4x64x128xf32, #tpu.memory_space<vmem>> -> memref<1x64x128xf32, #tpu.memory_space<vmem>>
      %dma_wait3A_425 = tpu.memref_squeeze %dma_wait3A_424 : memref<1x64x128xf32, #tpu.memory_space<vmem>> -> memref<64x128xf32, #tpu.memory_space<vmem>>
      %dma_wait3A_426 = arith.constant 0 : i32
      %dma_wait3A_427 = tpu.memref_slice %arg2[%dma_wait3A_413, %shift_right_arithmetic3A_349, %select_n3A_380, %dma_wait3A_426] : memref<4x16x8192x128xf32, #tpu.memory_space<hbm>> -> memref<1x1x64x128xf32, #tpu.memory_space<hbm>>
      %dma_wait3A_428 = tpu.memref_squeeze %dma_wait3A_427 : memref<1x1x64x128xf32, #tpu.memory_space<hbm>> -> memref<64x128xf32, #tpu.memory_space<hbm>>
      tpu.wait_dma2 semaphore(%arg9 : memref<!tpu.dma_semaphore, #tpu.memory_space<semaphore_mem>>) src(%dma_wait3A_428 : memref<64x128xf32, #tpu.memory_space<hbm>>) dst(%dma_wait3A_425 : memref<64x128xf32, #tpu.memory_space<vmem>>)
      %dma_wait3A_429 = arith.constant 3 : i32
      %dma_wait3A_430 = arith.constant 3 : i32
      %dma_wait3A_431 = arith.constant 0 : i32
      %dma_wait3A_432 = arith.constant 0 : i32
      %dma_wait3A_433 = tpu.memref_slice %arg5[%dma_wait3A_430, %dma_wait3A_431, %dma_wait3A_432] : memref<4x64x128xf32, #tpu.memory_space<vmem>> -> memref<1x64x128xf32, #tpu.memory_space<vmem>>
      %dma_wait3A_434 = tpu.memref_squeeze %dma_wait3A_433 : memref<1x64x128xf32, #tpu.memory_space<vmem>> -> memref<64x128xf32, #tpu.memory_space<vmem>>
      %dma_wait3A_435 = arith.constant 0 : i32
      %dma_wait3A_436 = tpu.memref_slice %arg2[%dma_wait3A_429, %shift_right_arithmetic3A_349, %select_n3A_380, %dma_wait3A_435] : memref<4x16x8192x128xf32, #tpu.memory_space<hbm>> -> memref<1x1x64x128xf32, #tpu.memory_space<hbm>>
      %dma_wait3A_437 = tpu.memref_squeeze %dma_wait3A_436 : memref<1x1x64x128xf32, #tpu.memory_space<hbm>> -> memref<64x128xf32, #tpu.memory_space<hbm>>
      %dma_wait3A_438 = arith.constant 0 : i32
      %dma_wait3A_439 = arith.constant 0 : i32
      %dma_wait3A_440 = tpu.memref_slice %arg5[%dma_wait3A_430, %dma_wait3A_438, %dma_wait3A_439] : memref<4x64x128xf32, #tpu.memory_space<vmem>> -> memref<1x64x128xf32, #tpu.memory_space<vmem>>
      %dma_wait3A_441 = tpu.memref_squeeze %dma_wait3A_440 : memref<1x64x128xf32, #tpu.memory_space<vmem>> -> memref<64x128xf32, #tpu.memory_space<vmem>>
      %dma_wait3A_442 = arith.constant 0 : i32
      %dma_wait3A_443 = tpu.memref_slice %arg2[%dma_wait3A_429, %shift_right_arithmetic3A_349, %select_n3A_380, %dma_wait3A_442] : memref<4x16x8192x128xf32, #tpu.memory_space<hbm>> -> memref<1x1x64x128xf32, #tpu.memory_space<hbm>>
      %dma_wait3A_444 = tpu.memref_squeeze %dma_wait3A_443 : memref<1x1x64x128xf32, #tpu.memory_space<hbm>> -> memref<64x128xf32, #tpu.memory_space<hbm>>
      tpu.wait_dma2 semaphore(%arg9 : memref<!tpu.dma_semaphore, #tpu.memory_space<semaphore_mem>>) src(%dma_wait3A_444 : memref<64x128xf32, #tpu.memory_space<hbm>>) dst(%dma_wait3A_441 : memref<64x128xf32, #tpu.memory_space<vmem>>)
      %ge3A_445 = arith.constant 1 : i32
      %ge3A_446 = arith.cmpi sge, %mul3A_119, %ge3A_445 : i32
      %convert_element_type3A_447 = arith.extui %ge3A_446 : i1 to i32
      %cond3A_448 = arith.constant 0 : i32
      %cond3A_449 = arith.cmpi ne, %convert_element_type3A_447, %cond3A_448 : i32
      scf.if %cond3A_449 {
        %sub3A_476 = arith.constant 1 : i32
        %sub3A_477 = arith.subi %mul3A_119, %sub3A_476 : i32
        %shift_right_arithmetic3A_478 = arith.constant 2 : i32
        %shift_right_arithmetic3A_479 = arith.shrsi %sub3A_477, %shift_right_arithmetic3A_478 : i32
        %mul3A_480 = arith.constant 16384 : i32
        %mul3A_481 = arith.muli %add3A, %mul3A_480 : i32
        %and3A_482 = arith.constant 3 : i32
        %and3A_483 = arith.andi %sub3A_477, %and3A_482 : i32
        %mul3A_484 = arith.constant 4096 : i32
        %mul3A_485 = arith.muli %and3A_483, %mul3A_484 : i32
        %add3A_486 = arith.addi %mul3A_481, %mul3A_485 : i32
        %mul3A_487 = arith.constant 524288 : i32
        %mul3A_488 = arith.muli %shift_right_arithmetic3A_479, %mul3A_487 : i32
        %add3A_489 = arith.addi %mul3A_488, %add3A_486 : i32
        %dma_wait3A_490 = arith.constant 0 : i32
        %dma_wait3A_491 = tpu.memref_slice %arg3[%add3A_489, %dma_wait3A_490] : memref<8388608x8xf32, #tpu.memory_space<hbm>> -> memref<4096x8xf32, #tpu.memory_space<hbm>>
        %dma_wait3A_492 = arith.constant 0 : i32
        %dma_wait3A_493 = tpu.memref_slice %arg3[%add3A_489, %dma_wait3A_492] : memref<8388608x8xf32, #tpu.memory_space<hbm>> -> memref<4096x8xf32, #tpu.memory_space<hbm>>
        tpu.wait_dma2 semaphore(%arg11 : memref<!tpu.dma_semaphore, #tpu.memory_space<semaphore_mem>>) src(%arg7 : memref<4096x8xf32, #tpu.memory_space<vmem>>) dst(%dma_wait3A_493 : memref<4096x8xf32, #tpu.memory_space<hbm>>)
      } else {
      }
      %add3A_450 = arith.constant 1 : i32
      %add3A_451 = arith.addi %mul3A_119, %add3A_450 : i32
      %scan3A_452 = arith.constant 0 : i32
      %scan3A_453 = arith.constant 0 : i32
      %scan3A_454 = arith.constant 512 : i32
      %scan3A_455 = arith.addi %scan3A_453, %scan3A_454 : i32
      %scan3A_456 = arith.constant 1 : i32
      scf.for %scan3A_476 = %scan3A_453 to %scan3A_455 step %scan3A_456  : i32 {
        %mul3A_477 = arith.constant 8 : i32
        %mul3A_478 = arith.muli %scan3A_476, %mul3A_477 : i32
        %add3A_479 = vector.broadcast %mul3A_478 : i32 to vector<16xi32>
        %add3A_480 = arith.addi %shift_right_arithmetic3A_2, %add3A_479 : vector<16xi32>
        %shift_right_arithmetic3A_481 = arith.constant 3 : i32
        %shift_right_arithmetic3A_482 = arith.shrsi %scan3A_476, %shift_right_arithmetic3A_481 : i32
        %and3A_483 = arith.constant 7 : i32
        %and3A_484 = arith.andi %scan3A_476, %and3A_483 : i32
        %mul3A_485 = arith.constant 16 : i32
        %mul3A_486 = arith.muli %and3A_484, %mul3A_485 : i32
        %get3A = arith.constant 0 : i32
        %get3A_487 = arith.index_cast %get3A : i32 to index
        %get3A_488 = arith.index_cast %shift_right_arithmetic3A_482 : i32 to index
        %get3A_489 = arith.index_cast %mul3A_486 : i32 to index
        %get3A_490 = tpu.vector_load %arg5[%get3A_487, %get3A_488, %get3A_489] {strides = array<i32>} : memref<4x64x128xf32, #tpu.memory_space<vmem>>, vector<16xf32>,
        %add3A_491 = arith.constant 0 : i32
        %add3A_492 = vector.broadcast %add3A_491 : i32 to vector<16xi32>
        %add3A_493 = arith.addi %and3A_4, %add3A_492 : vector<16xi32>
        tpu.vector_store_idx %arg7[%add3A_480, %add3A_493], %get3A_490 : memref<4096x8xf32, #tpu.memory_space<vmem>>[vector<16xi32>, vector<16xi32>], vector<16xf32>,
        %shift_right_arithmetic3A_494 = arith.constant 3 : i32
        %shift_right_arithmetic3A_495 = arith.shrsi %scan3A_476, %shift_right_arithmetic3A_494 : i32
        %and3A_496 = arith.constant 7 : i32
        %and3A_497 = arith.andi %scan3A_476, %and3A_496 : i32
        %mul3A_498 = arith.constant 16 : i32
        %mul3A_499 = arith.muli %and3A_497, %mul3A_498 : i32
        %get3A_500 = arith.constant 1 : i32
        %get3A_501 = arith.index_cast %get3A_500 : i32 to index
        %get3A_502 = arith.index_cast %shift_right_arithmetic3A_495 : i32 to index
        %get3A_503 = arith.index_cast %mul3A_499 : i32 to index
        %get3A_504 = tpu.vector_load %arg5[%get3A_501, %get3A_502, %get3A_503] {strides = array<i32>} : memref<4x64x128xf32, #tpu.memory_space<vmem>>, vector<16xf32>,
        %add3A_505 = arith.constant 2 : i32
        %add3A_506 = vector.broadcast %add3A_505 : i32 to vector<16xi32>
        %add3A_507 = arith.addi %and3A_4, %add3A_506 : vector<16xi32>
        tpu.vector_store_idx %arg7[%add3A_480, %add3A_507], %get3A_504 : memref<4096x8xf32, #tpu.memory_space<vmem>>[vector<16xi32>, vector<16xi32>], vector<16xf32>,
        %shift_right_arithmetic3A_508 = arith.constant 3 : i32
        %shift_right_arithmetic3A_509 = arith.shrsi %scan3A_476, %shift_right_arithmetic3A_508 : i32
        %and3A_510 = arith.constant 7 : i32
        %and3A_511 = arith.andi %scan3A_476, %and3A_510 : i32
        %mul3A_512 = arith.constant 16 : i32
        %mul3A_513 = arith.muli %and3A_511, %mul3A_512 : i32
        %get3A_514 = arith.constant 2 : i32
        %get3A_515 = arith.index_cast %get3A_514 : i32 to index
        %get3A_516 = arith.index_cast %shift_right_arithmetic3A_509 : i32 to index
        %get3A_517 = arith.index_cast %mul3A_513 : i32 to index
        %get3A_518 = tpu.vector_load %arg5[%get3A_515, %get3A_516, %get3A_517] {strides = array<i32>} : memref<4x64x128xf32, #tpu.memory_space<vmem>>, vector<16xf32>,
        %add3A_519 = arith.constant 4 : i32
        %add3A_520 = vector.broadcast %add3A_519 : i32 to vector<16xi32>
        %add3A_521 = arith.addi %and3A_4, %add3A_520 : vector<16xi32>
        tpu.vector_store_idx %arg7[%add3A_480, %add3A_521], %get3A_518 : memref<4096x8xf32, #tpu.memory_space<vmem>>[vector<16xi32>, vector<16xi32>], vector<16xf32>,
        %shift_right_arithmetic3A_522 = arith.constant 3 : i32
        %shift_right_arithmetic3A_523 = arith.shrsi %scan3A_476, %shift_right_arithmetic3A_522 : i32
        %and3A_524 = arith.constant 7 : i32
        %and3A_525 = arith.andi %scan3A_476, %and3A_524 : i32
        %mul3A_526 = arith.constant 16 : i32
        %mul3A_527 = arith.muli %and3A_525, %mul3A_526 : i32
        %get3A_528 = arith.constant 3 : i32
        %get3A_529 = arith.index_cast %get3A_528 : i32 to index
        %get3A_530 = arith.index_cast %shift_right_arithmetic3A_523 : i32 to index
        %get3A_531 = arith.index_cast %mul3A_527 : i32 to index
        %get3A_532 = tpu.vector_load %arg5[%get3A_529, %get3A_530, %get3A_531] {strides = array<i32>} : memref<4x64x128xf32, #tpu.memory_space<vmem>>, vector<16xf32>,
        %add3A_533 = arith.constant 6 : i32
        %add3A_534 = vector.broadcast %add3A_533 : i32 to vector<16xi32>
        %add3A_535 = arith.addi %and3A_4, %add3A_534 : vector<16xi32>
        tpu.vector_store_idx %arg7[%add3A_480, %add3A_535], %get3A_532 : memref<4096x8xf32, #tpu.memory_space<vmem>>[vector<16xi32>, vector<16xi32>], vector<16xf32>,
      }
      %scan3A_457 = arith.constant 512 : i32
      %add3A_458 = arith.constant 1 : i32
      %add3A_459 = arith.addi %mul3A_119, %add3A_458 : i32
      %shift_right_arithmetic3A_460 = arith.constant 2 : i32
      %shift_right_arithmetic3A_461 = arith.shrsi %add3A_459, %shift_right_arithmetic3A_460 : i32
      %mul3A_462 = arith.constant 16384 : i32
      %mul3A_463 = arith.muli %add3A, %mul3A_462 : i32
      %and3A_464 = arith.constant 3 : i32
      %and3A_465 = arith.andi %add3A_459, %and3A_464 : i32
      %mul3A_466 = arith.constant 4096 : i32
      %mul3A_467 = arith.muli %and3A_465, %mul3A_466 : i32
      %add3A_468 = arith.addi %mul3A_463, %mul3A_467 : i32
      %mul3A_469 = arith.constant 524288 : i32
      %mul3A_470 = arith.muli %shift_right_arithmetic3A_461, %mul3A_469 : i32
      %add3A_471 = arith.addi %mul3A_470, %add3A_468 : i32
      %dma_start3A_472 = arith.constant 0 : i32
      %dma_start3A_473 = tpu.memref_slice %arg3[%add3A_471, %dma_start3A_472] : memref<8388608x8xf32, #tpu.memory_space<hbm>> -> memref<4096x8xf32, #tpu.memory_space<hbm>>
      %dma_start3A_474 = arith.constant 0 : i32
      %dma_start3A_475 = tpu.memref_slice %arg3[%add3A_471, %dma_start3A_474] : memref<8388608x8xf32, #tpu.memory_space<hbm>> -> memref<4096x8xf32, #tpu.memory_space<hbm>>
      tpu.enqueue_dma source(%arg7 : memref<4096x8xf32, #tpu.memory_space<vmem>>) target(%dma_start3A_475 : memref<4096x8xf32, #tpu.memory_space<hbm>>) target_semaphore(%arg11 : memref<!tpu.dma_semaphore, #tpu.memory_space<semaphore_mem>>)
    }
    %scan3A_97 = arith.constant 32 : i32
    %mul3A_98 = arith.constant 16384 : i32
    %mul3A_99 = arith.muli %add3A, %mul3A_98 : i32
    %add3A_100 = arith.constant 8192 : i32
    %add3A_101 = arith.addi %mul3A_99, %add3A_100 : i32
    %add3A_102 = arith.constant 7864320 : i32
    %add3A_103 = arith.addi %add3A_102, %add3A_101 : i32
    %dma_wait3A = arith.constant 0 : i32
    %dma_wait3A_104 = tpu.memref_slice %arg3[%add3A_103, %dma_wait3A] : memref<8388608x8xf32, #tpu.memory_space<hbm>> -> memref<4096x8xf32, #tpu.memory_space<hbm>>
    %dma_wait3A_105 = arith.constant 0 : i32
    %dma_wait3A_106 = tpu.memref_slice %arg3[%add3A_103, %dma_wait3A_105] : memref<8388608x8xf32, #tpu.memory_space<hbm>> -> memref<4096x8xf32, #tpu.memory_space<hbm>>
    tpu.wait_dma2 semaphore(%arg10 : memref<!tpu.dma_semaphore, #tpu.memory_space<semaphore_mem>>) src(%arg6 : memref<4096x8xf32, #tpu.memory_space<vmem>>) dst(%dma_wait3A_106 : memref<4096x8xf32, #tpu.memory_space<hbm>>)
    %mul3A_107 = arith.constant 16384 : i32
    %mul3A_108 = arith.muli %add3A, %mul3A_107 : i32
    %add3A_109 = arith.constant 12288 : i32
    %add3A_110 = arith.addi %mul3A_108, %add3A_109 : i32
    %add3A_111 = arith.constant 7864320 : i32
    %add3A_112 = arith.addi %add3A_111, %add3A_110 : i32
    %dma_wait3A_113 = arith.constant 0 : i32
    %dma_wait3A_114 = tpu.memref_slice %arg3[%add3A_112, %dma_wait3A_113] : memref<8388608x8xf32, #tpu.memory_space<hbm>> -> memref<4096x8xf32, #tpu.memory_space<hbm>>
    %dma_wait3A_115 = arith.constant 0 : i32
    %dma_wait3A_116 = tpu.memref_slice %arg3[%add3A_112, %dma_wait3A_115] : memref<8388608x8xf32, #tpu.memory_space<hbm>> -> memref<4096x8xf32, #tpu.memory_space<hbm>>
    tpu.wait_dma2 semaphore(%arg11 : memref<!tpu.dma_semaphore, #tpu.memory_space<semaphore_mem>>) src(%arg7 : memref<4096x8xf32, #tpu.memory_space<vmem>>) dst(%dma_wait3A_116 : memref<4096x8xf32, #tpu.memory_space<hbm>>)
    return
  }
}

</mosaic_0001>

<sc_bundles>
// kernel: kernel.4.cloned.1.call-start
scs
__scs_entry_jumppad:
0x0: {  	(pc) =	sbr.rel $0x88, $3  }
0x1: {  	(tag) =	ssettag $0x0;
	lr =	simm.s32 $0x1  }
0x2: {  	[smem:$0x3F9E] =	sst lr;
	_ =	strace $0xD0000000  }
0x3: {  	_ = 	snop  }
0x4: {  	_ = 	snop  }
0x5: {  	_ = 	snop  }
0x6: {  	_ = 	snop  }
0x7: {  	_ = 	snop  }
__scs_overlays_trampoline_lowered:
0x8: {  	[smem:$0x3FAD] =	sst s0  }
0x9: {  	[smem:$0x3FAE] =	sst s1  }
0xa: {  	[smem:$0x3FAF] =	sst s2  }
0xb: {  	[smem:$0x3FB0] =	sst s3  }
0xc: {  	[smem:$0x3FB1] =	sst s4  }
0xd: {  	[smem:$0x3FB2] =	sst s5  }
0xe: {  	[smem:$0x3FB3] =	sst s6  }
0xf: {  	[smem:$0x3FB4] =	sst s7  }
0x10: {  	[smem:$0x3FB5] =	sst s8  }
0x11: {  	[smem:$0x3FB6] =	sst s9;
	s0 =	simm.s32 @!p0 $0x0  }
0x12: {  	s1 =	sld [smem:$0x3F9C];
	s0 =	simm.s32 @p0 $0x1  }
0x13: {  	[smem:$0x3FB7] =	sst s0;
	s0 =	simm.s32 @!p1 $0x0  }
0x14: {  	s2 =	sld [smem:$0x3F9B];
	s0 =	simm.s32 @p1 $0x1  }
0x15: {  	[smem:$0x3FB8] =	sst s0;
	s0 =	simm.s32 @!p2 $0x0  }
0x16: {  	s3 =	sld [smem:$0x3FDB];
	s0 =	simm.s32 @p2 $0x1  }
0x17: {  	s4 =	simm.s32 $0x1BF5;
	[smem:$0x3FBA] =	sst s0  }
0x18: {  	s0 =	sld [smem:$0x3F9D];
	_ =	swait.ge [sflag:s4], $0x0  }
0x19: {  	s7 =	sld [smem:$0x3F9E]  }
0x1a: {  	s8 =	sadd.s32 $0xFFFFE003, lr  }
0x1b: {  	s9 =	sadd.s32 $0xFFFFFEF7, lr;
	s5 =	simm.s32 $0xFFFFFFFF;
	p2 =	slt.u32 s8, $0xFFFFF086  }
0x1c: {  	p1 =	slt.u32 s9, $0xF7A;
	s5 =	simm.s32 @!p2 $0x0  }
0x1d: {  	s5 =	simm.s32 @p1 $0x1;
	p0 =	seq.s32 s7, s2  }
0x1e: {  	s7 =	smul.u32 @!p0 $0xF7A, s2;
	p2 =	seq.s32 @!p0 s5, $0x0  }
0x1f: {  	s9 =	smul.u32 $0xF7A, s1;
	s8 =	simm.s32 @!p0 $0x1BF5;
	p2 =	por !p2, p0  }
0x20: {  	[sflag:s8] =	ssyncset.s32 @!p0 $0xFFFFF086;
	s6 =	sadd.s32 @!p0 s3, s7;
	s7 =	simm.s32 @!p0 $0x108  }
0x21: {  	s3 =	sadd.s32 s3, s9;
	s6 =	sadd.s32 @!p0 $0x88, s6;
	s7 =	simm.s32 @p2 $0x1082  }
0x22: {  	[simem:s7], [sflag:s8] =	dma.local @!p0 [hbm:s6], $0xF7A  }
0x23: {  	s9 =	sor.u32 $0xD0000000, s2;
	s6 =	simm.s32 $0x108;
	_ =	swait.ge @!p0 [sflag:s8], $0x0  }
0x24: {  	s3 =	sadd.s32 $0x88, s3;
	s6 =	simm.s32 @!p1 $0x1082;
	[sflag:s4] =	ssyncset.s32 $0xFFFFF086  }
0x25: {  	[simem:s6], [sflag:s4] =	dma.local [hbm:s3], $0xF7A  }
0x26: {  	[smem:$0x3F9E] =	sst s1;
	(tag) =	ssettag s2;
	_ =	strace s9  }
0x27: {  	s1 =	sld [smem:$0x3FAE]  }
0x28: {  	s2 =	sld [smem:$0x3FAF]  }
0x29: {  	s4 =	sld [smem:$0x3FB1]  }
0x2a: {  	p0 =	seq.s32 s5, $0x0;
	s5 =	sld [smem:$0x3FB2]  }
0x2b: {  	s6 =	sld [smem:$0x3FB3]  }
0x2c: {  	s7 =	sld [smem:$0x3FB4]  }
0x2d: {  	s3 =	simm.s32 $0x108;
	s8 =	sld [smem:$0x3FB5]  }
0x2e: {  	s3 =	simm.s32 @!p0 $0x1082;
	s9 =	sld [smem:$0x3FB6]  }
0x2f: {  	lr =	sadd.s32 s0, s3;
	s0 =	sld [smem:$0x3FAD]  }
0x30: {  	s3 =	sld [smem:$0x3FB0]  }
0x31: {  	[smem:$0x3FB9] =	sst s10  }
0x32: {  	s10 =	sld [smem:$0x3FB7];
	_ =	sdelay $0x3  }
0x33: {  	p0 =	seq.s32 s10, $0x1;
	s10 =	sld [smem:$0x3FB9];
	_ =	sdelay $0x3  }
0x34: {  	[smem:$0x3FB9] =	sst s10  }
0x35: {  	s10 =	sld [smem:$0x3FB8];
	_ =	sdelay $0x3  }
0x36: {  	p1 =	seq.s32 s10, $0x1;
	s10 =	sld [smem:$0x3FB9];
	_ =	sdelay $0x3  }
0x37: {  	[smem:$0x3FB9] =	sst s10  }
0x38: {  	s10 =	sld [smem:$0x3FBA]  }
0x39: {  	_ = 	snop;
	(pc) =	sbr.ind lr, $3  }
0x3a: {  	_ = 	snop  }
0x3b: {  	_ = 	snop  }
0x3c: {  	p2 =	seq.s32 s10, $0x1;
	s10 =	sld [smem:$0x3FB9]  }
0x3d: {  	_ =	shalt  }
0x3e: {  	_ =	shalt  }
0x3f: {  	_ =	shalt  }
0x40: {  	_ =	shalt  }
0x41: {  	_ =	shalt  }
0x42: {  	_ =	shalt  }
0x43: {  	_ =	shalt  }
0x44: {  	_ =	shalt  }
0x45: {  	_ =	shalt  }
0x46: {  	_ =	shalt  }
0x47: {  	_ =	shalt  }
0x48: {  	_ =	shalt  }
0x49: {  	_ =	shalt  }
0x4a: {  	_ =	shalt  }
0x4b: {  	_ =	shalt  }
0x4c: {  	_ =	shalt  }
0x4d: {  	_ =	shalt  }
0x4e: {  	_ =	shalt  }
0x4f: {  	_ =	shalt  }
0x50: {  	_ =	shalt  }
0x51: {  	_ =	shalt  }
0x52: {  	_ =	shalt  }
0x53: {  	_ =	shalt  }
0x54: {  	_ =	shalt  }
0x55: {  	_ =	shalt  }
0x56: {  	_ =	shalt  }
0x57: {  	_ =	shalt  }
0x58: {  	_ =	shalt  }
0x59: {  	_ =	shalt  }
0x5a: {  	_ =	shalt  }
0x5b: {  	_ =	shalt  }
0x5c: {  	_ =	shalt  }
0x5d: {  	_ =	shalt  }
0x5e: {  	_ =	shalt  }
0x5f: {  	_ =	shalt  }
0x60: {  	_ =	shalt  }
0x61: {  	_ =	shalt  }
0x62: {  	_ =	shalt  }
0x63: {  	_ =	shalt  }
0x64: {  	_ =	shalt  }
0x65: {  	_ =	shalt  }
0x66: {  	_ =	shalt  }
0x67: {  	_ =	shalt  }
0x68: {  	_ =	shalt  }
0x69: {  	_ =	shalt  }
0x6a: {  	_ =	shalt  }
0x6b: {  	_ =	shalt  }
0x6c: {  	_ =	shalt  }
0x6d: {  	_ =	shalt  }
0x6e: {  	_ =	shalt  }
0x6f: {  	_ =	shalt  }
0x70: {  	_ =	shalt  }
0x71: {  	_ =	shalt  }
0x72: {  	_ =	shalt  }
0x73: {  	_ =	shalt  }
0x74: {  	_ =	shalt  }
0x75: {  	_ =	shalt  }
0x76: {  	_ =	shalt  }
0x77: {  	_ =	shalt  }
0x78: {  	_ =	shalt  }
0x79: {  	_ =	shalt  }
0x7a: {  	_ =	shalt  }
0x7b: {  	_ =	shalt  }
0x7c: {  	_ =	shalt  }
0x7d: {  	_ =	shalt  }
0x7e: {  	_ =	shalt  }
0x7f: {  	_ =	shalt  }
0x80: {  	_ =	shalt  }
0x81: {  	_ =	shalt  }
0x82: {  	_ =	shalt  }
0x83: {  	_ =	shalt  }
0x84: {  	_ =	shalt  }
0x85: {  	_ =	shalt  }
0x86: {  	_ =	shalt  }
0x87: {  	_ =	shalt  }
.Lfunc_end0:
.L_simem_size_0:
called_computation.1_lowered:
.L_overlay_start_0:
0x88: {  	s2 =	sld [smem:$0x3FD9]  }
0x89: {  	s3 =	sld [smem:$0x3FFE];
	_ =	sdelay $0x1  }
0x8a: {  	s1 =	srdreg.scid  }
0x8b: {  	s0 =	sand.u32 $0x1, s1  }
0x8c: {  	s16 =	sshll.u32 s0, $0xA;
	s2 =	sadd.s32 s3, s2  }
0x8d: {  	s2 =	sadd.s32 s2, s16  }
0x8e: {  	[smem:$0x3FC5] =	sst s2  }
0x8f: {  	_ = 	snop  }
0x90: {  	(tm) =	ssettm $0x1  }
0x91: {  	s17 =	sld [smem:$0x3FFB];
	_ =	sdelay $0x3  }
0x92: {  	_ =	strace s17  }
0x93: {  	s2 =	sld [smem:$0x3FFC];
	_ =	sdelay $0x3  }
0x94: {  	_ =	strace s2  }
0x95: {  	s2 =	sld [smem:$0x3FFD];
	_ =	sdelay $0x3  }
0x96: {  	_ =	strace s2  }
0x97: {  	_ =	strace $0x8FFFFFFF  }
0x98: {  	s18 =	sld [smem:$0x3FDB];
	_ =	sdelay $0x1  }
0x99: {  	s19 =	simm.s32 $_scs_section_size  }
0x9a: {  	s4 =	simm.s32 $_size__tile_overlayer_lowered;
	s5 =	simm.s32 $_tile_overlayer_lowered  }
0x9b: {  	s22 =	simm.s32 $0x1BFF;
	s21 =	sshll.u32 s5, $0x1;
	s2 =	sadd.s32 s19, s18  }
0x9c: {  	s6 =	simm.s32 $0x0;
	s20 =	sshll.u32 s4, $0x1;
	s4 =	sadd.s32 s21, s2  }
0x9d: {  	[timem:s6], [sflag:s22] =	dma.local [hbm:s4], s20  }
0x9e: {  	_ =	swait.ge [sflag:s22], s20  }
0x9f: {  	s3 =	ssub.s32 $0x0, s20;
	[sflag:s22] =	ssyncset.done $0x0  }
0xa0: {  	[sflag:s22] =	ssyncadd.s32 s3;
	_ =	sdelay $0x1  }
0xa1: {  	s23 =	simm.s32 $0x1B8B  }
0xa2: {  	_ =	swait.ge [sflag:s23], $0x1  }
0xa3: {  	[sflag:s23] =	ssyncset.done $0x0  }
0xa4: {  	s25 =	simm.s32 $0x1B8E;
	s24 =	sld [smem:$0x3FFE];
	[sflag:s23] =	ssyncadd.s32 $0xFFFFFFFF  }
0xa5: {  	s26 =	simm.s32 $execute0_lowered;
	[smem:$0x3FD2] =	sst s25  }
0xa6: {  	s4 =	sshll.u32 s26, $0x1;
	_ =	strace $0x80000049;
	[dreg:$0x1] =	wrdreg $0xFFFFFFFF  }
0xa7: {  	s28 =	simm.s32 $_size_execute0_lowered;
	s2 =	sadd.s32 s2, s4;
	[dreg:$0x0] =	wrdreg $0x0  }
0xa8: {  	s4 =	sshll.u32 s28, $0x1;
	[dreg:$0x2] =	wrdreg s2  }
0xa9: {  	[dreg:$0x3] =	wrdreg s4  }
0xaa: {  	[dreg:$0x4] =	wrdreg $0xC0  }
0xab: {  	_ =	task [dreg:s6], $0x5FFFF  }
0xac: {  	[dreg:$0x1] =	wrdreg $0xFFFFFFFF  }
0xad: {  	[dreg:$0x0] =	wrdreg $0x60  }
0xae: {  	[dreg:$0x2] =	wrdreg s24  }
0xaf: {  	[dreg:$0x3] =	wrdreg $0x9  }
0xb0: {  	_ =	task.clear_ibuf [dreg:s6], $0x4FFFF;
	_ =	strace $0x90000049  }
0xb1: {  	s29 =	simm.s32 $0x9;
	_ =	strace $0x8000004B  }
0xb2: {  	_ =	swait.ge [sflag:s29], $0x1  }
0xb3: {  	[sflag:s29] =	ssyncadd.s32 $0xFFFFFFFF  }
0xb4: {  	_ =	strace $0x9000004B  }
0xb5: {  	_ =	sfence  }
0xb6: {  	s30 =	sld [smem:$0x0];
	_ =	sdelay $0x2  }
0xb7: {  	s31 =	sshll.u32 s1, $0xD;
	s1 =	sshrl.u32 s1, $0x2  }
0xb8: {  	s3 =	sand.u32 $0x4000, s31;
	s1 =	sadd.s32 s1, s30  }
0xb9: {  	s0 =	sor.u32 s3, s0;
	s1 =	sshll.u32 s1, $0x11  }
0xba: {  	s0 =	sor.u32 s1, s0  }
0xbb: {  	s0 =	sadd.s32 $0x8F2B, s0  }
0xbc: {  	[sflag:s0] =	ssyncadd.remote.s32 $0x1  }
0xbd: {  	_ =	sfence.sel $0xFFFF  }
0xbe: {  	[dreg:$0x0] =	wrdreg $0xFFFFFFFF;
	(pc) =	sbr.abs _section_cstart, $3  }
0xbf: {  	[dreg:$0x1] =	wrdreg $0xFFFFFFFF  }
0xc0: {  	_ =	task.clear_ibuf [dreg:s6], $0x2FFFF;
	_ =	strace $0x9FFFFFFF  }
0xc1: {  	(tm) =	ssettm $0x7FFFFFFF  }
tec
execute0_lowered:
.L_overlay_start_1:
0x0: {  	(tag) =	ssettag $0x1  }
0x1: {  	s0 =	rddreg [dreg:$0x0];
	s1 =	srdreg.scid  }
0x2: {  	s2 =	simm.s32 $0x0;
	s3 =	stileid.u32;
	s15 =	simm.s32 $0x6000  }
0x3: {  	s16 =	simm.s32 $0x8000;
	s17 =	simm.s32 $0xA000;
	s18 =	simm.s32 $0xC000  }
0x4: {  	s19 =	simm.s32 $0xE000;
	s20 =	simm.s32 $0x1;
	s21 =	simm.s32 $0x10000  }
0x5: {  	s22 =	simm.s32 $0x2;
	s23 =	simm.s32 $0x18000;
	s24 =	simm.s32 $0x3  }
0x6: {  	s25 =	simm.s32 $0x4;
	s26 =	simm.s32 $0x0;
	s1 =	sand.u32 $0x1, s1  }
0x7: {  	[smem:$0x7FF] =	sst s2;
	s3 =	sshll.u32 s3, $0xF;
	s5 =	sadd.s32 $0x1400, s0  }
0x8: {  	s4 =	sshll.u32 s1, $0xE;
	_ =	strace $0x8000004A;
	s1 =	ssub.s32 $0x2, s1  }
0x9: {  	v1 =	vlaneseq.u32;
	s3 =	sor.u32 s4, s3;
	s4 =	sadd.s32 $0x4001400, s0;
	s31 =	sshrl.u32 s1, $0x1  }
0xa: {  	v0 =	vshrl.u32 v1, $0x1;
	s6 =	sshrl.u32 s3, $0x2;
	s0 =	ssub.s32 s1, s31;
	s10 =	sadd.s32 s5, s3  }
0xb: {  	v1 =	vand.u32 $0x1, v1;
	v0 =	vmul.u32 $0x8, v0;
	s12 =	sor.u32 $0x1000, s3;
	s6 =	sadd.s32 s4, s6;
	s11 =	smax.u32 s0, $0x1  }
0xc: {  	v2 =	vor.u32 $0x2, v1;
	v3 =	vor.u32 $0x4, v1;
	v4 =	vor.u32 $0x6, v1;
	s7 =	sadd.s32 $0x200000, s6;
	s8 =	sadd.s32 $0x400000, s6;
	s9 =	sadd.s32 $0x600000, s6  }
.LBB2_1:
0xd: {  	[tilespmem:s2], [sflag:$0x1] =	stream.linear.gather [hbm4b:s6+s2], $0x2000, $0x38;
	v63 =	vld [tilespmem:$0x0]  }
0xe: {  	s0 =	simm.s32 $0x2000  }
0xf: {  	[tilespmem:s0], [sflag:$0x1] =	stream.linear.gather [hbm4b:s7+s2], $0x2000, $0x38;
	v63 =	vld [tilespmem:$0x0]  }
0x10: {  	s31 =	simm.s32 $0x4000  }
0x11: {  	[tilespmem:s31], [sflag:$0x1] =	stream.linear.gather [hbm4b:s8+s2], $0x2000, $0x38;
	v63 =	vld [tilespmem:$0x0]  }
0x12: {  	s28 =	simm.s32 $0x0  }
0x13: {  	[tilespmem:s15], [sflag:$0x1] =	stream.linear.gather [hbm4b:s9+s2], $0x2000, $0x38;
	v63 =	vld [tilespmem:$0x0]  }
.LBB2_2:
0x14: {  	s0 =	sshll.u32 s28, $0xD  }
0x15: {  	s31 =	sand.u32 $0x2000, s0  }
0x16: {  	s30 =	sshrl.u32 s28, $0x1;
	s29 =	sor.u32 s12, s31  }
0x17: {  	s13 =	sshll.u32 s30, $0x14;
	s1 =	sshll.u32 s29, $0x1  }
0x18: {  	s0 =	sor.u32 s13, s1  }
0x19: {  	s0 =	sshrl.u32 s0, $0x3  }
0x1a: {  	s14 =	sadd.s32 s4, s0;
	s13 =	sor.u32 $0x200000, s0  }
0x1b: {  	[tilespmem:s16], [sflag:$0x2] =	stream.linear.gather [hbm4b:s14+s2], $0x2000, $0x38;
	v63 =	vld [tilespmem:$0x0]  }
0x1c: {  	s1 =	sadd.s32 s4, s13;
	s14 =	sor.u32 $0x400000, s0  }
0x1d: {  	[tilespmem:s17], [sflag:$0x2] =	stream.linear.gather [hbm4b:s1+s2], $0x2000, $0x38;
	v63 =	vld [tilespmem:$0x0]  }
0x1e: {  	s0 =	sor.u32 $0x600000, s0;
	s1 =	sadd.s32 s4, s14  }
0x1f: {  	[tilespmem:s18], [sflag:$0x2] =	stream.linear.gather [hbm4b:s1+s2], $0x2000, $0x38;
	v63 =	vld [tilespmem:$0x0]  }
0x20: {  	s0 =	sadd.s32 s4, s0  }
0x21: {  	[tilespmem:s19], [sflag:$0x2] =	stream.linear.gather [hbm4b:s0+s2], $0x2000, $0x38;
	v63 =	vld [tilespmem:$0x0]  }
0x22: {  	_ =	swait.ge [sflag:s20], $0x2000  }
0x23: {  	[sflag:s20] =	ssyncset.done $0x0  }
0x24: {  	[sflag:s20] =	ssyncadd.s32 $0xFFFFE000  }
0x25: {  	_ =	swait.ge [sflag:s20], $0x2000  }
0x26: {  	[sflag:s20] =	ssyncset.done $0x0  }
0x27: {  	[sflag:s20] =	ssyncadd.s32 $0xFFFFE000  }
0x28: {  	_ =	swait.ge [sflag:s20], $0x2000  }
0x29: {  	[sflag:s20] =	ssyncset.done $0x0  }
0x2a: {  	[sflag:s20] =	ssyncadd.s32 $0xFFFFE000  }
0x2b: {  	_ =	swait.ge [sflag:s20], $0x2000  }
0x2c: {  	p0 =	seq.s32 s28, $0x0;
	[sflag:s20] =	ssyncset.done $0x0  }
0x2d: {  	s1 =	simm.s32 $0x0;
	s0 =	simm.s32 @!p0 $0x3;
	[sflag:s20] =	ssyncadd.s32 $0xFFFFE000  }
0x2e: {  	v5 =	vmov s1;
	_ =	swait.ge @!p0 [sflag:s0], $0x8000  }
0x2f: {  	v5 =	vshll.u32 v5, $0x3;
	[sflag:s0] =	ssyncset.done @!p0 $0x0  }
0x30: {  	s13 =	sand.u32 $0x1FF0, s1;
	v6 =	vor.u32 v0, v5;
	[sflag:s0] =	ssyncadd.s32 @!p0 $0xFFFF8000  }
0x31: {  	v7 =	vor.u32 v1, v6;
	v5 =	vld [tilespmem:s13+$0x0];
	_ =	sdelay $0x4  }
0x32: {  	[tilespmem:v7+s21+$0x0] =	vst.idx.msk $0xffff, v5  }
0x33: {  	v7 =	vor.u32 v2, v6;
	v5 =	vld [tilespmem:s13+$0x2000];
	_ =	sdelay $0x4  }
0x34: {  	[tilespmem:v7+s21+$0x0] =	vst.idx.msk $0xffff, v5  }
0x35: {  	v7 =	vor.u32 v3, v6;
	v5 =	vld [tilespmem:s13+$0x4000];
	_ =	sdelay $0x4  }
0x36: {  	[tilespmem:v7+s21+$0x0] =	vst.idx.msk $0xffff, v5  }
0x37: {  	v6 =	vor.u32 v4, v6;
	v5 =	vld [tilespmem:s13+$0x6000];
	_ =	sdelay $0x1  }
0x38: {  	s14 =	simm.s32 $0x8  }
0x39: {  	s0 =	sshll.u32 s28, $0x1;
	v7 =	vmov s14;
	s13 =	simm.s32 $0x10  }
.LBB2_3:
0x3a: {  	p1 =	sne.s32 s13, $0xFF8;
	v7 =	vshll.u32 v7, $0x3;
	s1 =	sadd.s32 $0x10, s1  }
0x3b: {  	s14 =	sand.u32 $0x1FF0, s1;
	v7 =	vor.u32 v0, v7;
	[tilespmem:v6+s21+$0x0] =	vst.idx.msk $0xffff, v5  }
0x3c: {  	v5 =	vld [tilespmem:s14+$0x0];
	v6 =	vor.u32 v1, v7;
	_ =	sdelay $0x4  }
0x3d: {  	[tilespmem:v6+s21+$0x0] =	vst.idx.msk $0xffff, v5  }
0x3e: {  	v6 =	vor.u32 v2, v7;
	v5 =	vld [tilespmem:s14+$0x2000];
	_ =	sdelay $0x4  }
0x3f: {  	[tilespmem:v6+s21+$0x0] =	vst.idx.msk $0xffff, v5  }
0x40: {  	v6 =	vor.u32 v3, v7;
	v5 =	vld [tilespmem:s14+$0x4000];
	_ =	sdelay $0x4  }
.Ltmp0:
0x41: {  	[tilespmem:v6+s21+$0x0] =	vst.idx.msk $0xffff, v5;
	(pc) =	sbr.rel @p1 .LBB2_3-.Ltmp0, $2  }
0x42: {  	v6 =	vor.u32 v4, v7;
	v5 =	vld [tilespmem:s14+$0x6000];
	_ =	sdelay $0x2  }
0x43: {  	v7 =	vmov s13;
	s13 =	sadd.s32 $0x8, s13  }
0x44: {  	_ =	sdelay $0x2  }
0x45: {  	v7 =	vshll.u32 v7, $0x3;
	s1 =	sadd.s32 $0x10, s1  }
0x46: {  	s1 =	sand.u32 $0x1FF0, s1;
	v7 =	vor.u32 v0, v7;
	[tilespmem:v6+s21+$0x0] =	vst.idx.msk $0xffff, v5  }
0x47: {  	v5 =	vld [tilespmem:s1+$0x0];
	v6 =	vor.u32 v1, v7;
	_ =	sdelay $0x4  }
0x48: {  	[tilespmem:v6+s21+$0x0] =	vst.idx.msk $0xffff, v5  }
0x49: {  	v6 =	vor.u32 v2, v7;
	v5 =	vld [tilespmem:s1+$0x2000];
	_ =	sdelay $0x4  }
0x4a: {  	[tilespmem:v6+s21+$0x0] =	vst.idx.msk $0xffff, v5  }
0x4b: {  	v6 =	vor.u32 v3, v7;
	v5 =	vld [tilespmem:s1+$0x4000];
	_ =	sdelay $0x4  }
0x4c: {  	[tilespmem:v6+s21+$0x0] =	vst.idx.msk $0xffff, v5  }
0x4d: {  	v6 =	vor.u32 v4, v7;
	v5 =	vld [tilespmem:s1+$0x6000];
	_ =	sdelay $0x1  }
0x4e: {  	s13 =	sshll.u32 s28, $0x12  }
0x4f: {  	s1 =	sand.u32 $0x780000, s13  }
0x50: {  	p1 =	seq.s32 s28, $0x1F;
	s1 =	sor.u32 s1, s31  }
0x51: {  	s0 =	sadd.s32 @!p1 $0x2, s0;
	s1 =	sadd.s32 s1, s10;
	[tilespmem:v6+s21+$0x0] =	vst.idx.msk $0xffff, v5  }
0x52: {  	[hbm4b:s1+s2] =	stream.linear.scatter [tilespmem:s21], [sflag:$0x3], $0x8000, $0x38;
	v63 =	vld [tilespmem:$0x0]  }
0x53: {  	s1 =	sshll.u32 @!p1 s0, $0xC  }
0x54: {  	s1 =	sand.u32 @!p1 $0x2000, s1  }
0x55: {  	s0 =	sshll.u32 @!p1 s0, $0x12;
	s1 =	sor.u32 @!p1 s3, s1  }
0x56: {  	s0 =	sand.u32 @!p1 $0x1F00000, s0;
	s1 =	sshll.u32 @!p1 s1, $0x1  }
0x57: {  	s0 =	sor.u32 @!p1 s0, s1  }
0x58: {  	s0 =	sshrl.u32 @!p1 s0, $0x3  }
0x59: {  	s1 =	simm.s32 @!p1 $0x0;
	s0 =	sadd.s32 @!p1 s4, s0  }
0x5a: {  	[tilespmem:s1], [sflag:$0x1] =	stream.linear.gather @!p1 [hbm4b:s0+s1], $0x2000, $0x38;
	v63 =	vld [tilespmem:$0x0]  }
0x5b: {  	s14 =	simm.s32 @!p1 $0x2000;
	s13 =	sadd.s32 @!p1 $0x200000, s0  }
0x5c: {  	[tilespmem:s14], [sflag:$0x1] =	stream.linear.gather @!p1 [hbm4b:s13+s1], $0x2000, $0x38;
	v63 =	vld [tilespmem:$0x0]  }
0x5d: {  	s13 =	sadd.s32 @!p1 $0x400000, s0;
	s14 =	simm.s32 @!p1 $0x4000  }
0x5e: {  	[tilespmem:s14], [sflag:$0x1] =	stream.linear.gather @!p1 [hbm4b:s13+s1], $0x2000, $0x38;
	v63 =	vld [tilespmem:$0x0]  }
0x5f: {  	s0 =	sadd.s32 @!p1 $0x600000, s0;
	s13 =	simm.s32 @!p1 $0x6000  }
0x60: {  	[tilespmem:s13], [sflag:$0x1] =	stream.linear.gather @!p1 [hbm4b:s0+s1], $0x2000, $0x38;
	v63 =	vld [tilespmem:$0x0]  }
0x61: {  	_ =	swait.ge [sflag:s22], $0x2000  }
0x62: {  	[sflag:s22] =	ssyncset.done $0x0  }
0x63: {  	[sflag:s22] =	ssyncadd.s32 $0xFFFFE000  }
0x64: {  	_ =	swait.ge [sflag:s22], $0x2000  }
0x65: {  	[sflag:s22] =	ssyncset.done $0x0  }
0x66: {  	[sflag:s22] =	ssyncadd.s32 $0xFFFFE000  }
0x67: {  	_ =	swait.ge [sflag:s22], $0x2000  }
0x68: {  	[sflag:s22] =	ssyncset.done $0x0  }
0x69: {  	[sflag:s22] =	ssyncadd.s32 $0xFFFFE000  }
0x6a: {  	_ =	swait.ge [sflag:s22], $0x2000  }
0x6b: {  	[sflag:s22] =	ssyncset.done $0x0  }
0x6c: {  	s1 =	simm.s32 @!p0 $0x4;
	s0 =	simm.s32 $0x0;
	[sflag:s22] =	ssyncadd.s32 $0xFFFFE000  }
0x6d: {  	v5 =	vmov s0;
	_ =	swait.ge @!p0 [sflag:s1], $0x8000  }
0x6e: {  	v5 =	vshll.u32 v5, $0x3;
	[sflag:s1] =	ssyncset.done @!p0 $0x0  }
0x6f: {  	s14 =	sand.u32 $0x1FF0, s0;
	v6 =	vor.u32 v0, v5;
	[sflag:s1] =	ssyncadd.s32 @!p0 $0xFFFF8000  }
0x70: {  	v7 =	vor.u32 v1, v6;
	v5 =	vld [tilespmem:s14+$0x8000];
	_ =	sdelay $0x4  }
0x71: {  	[tilespmem:v7+s23+$0x0] =	vst.idx.msk $0xffff, v5  }
0x72: {  	v7 =	vor.u32 v2, v6;
	v5 =	vld [tilespmem:s14+$0xA000];
	_ =	sdelay $0x4  }
0x73: {  	[tilespmem:v7+s23+$0x0] =	vst.idx.msk $0xffff, v5  }
0x74: {  	v7 =	vor.u32 v3, v6;
	v5 =	vld [tilespmem:s14+$0xC000];
	_ =	sdelay $0x4  }
0x75: {  	[tilespmem:v7+s23+$0x0] =	vst.idx.msk $0xffff, v5  }
0x76: {  	v6 =	vor.u32 v4, v6;
	v5 =	vld [tilespmem:s14+$0xE000];
	_ =	sdelay $0x1  }
0x77: {  	s31 =	simm.s32 $0x8  }
0x78: {  	s1 =	simm.s32 $0x10;
	v7 =	vmov s31  }
.LBB2_5:
0x79: {  	p0 =	sne.s32 s1, $0xFF8;
	v7 =	vshll.u32 v7, $0x3;
	s0 =	sadd.s32 $0x10, s0  }
0x7a: {  	s13 =	sand.u32 $0x1FF0, s0;
	v7 =	vor.u32 v0, v7;
	[tilespmem:v6+s23+$0x0] =	vst.idx.msk $0xffff, v5  }
0x7b: {  	v5 =	vld [tilespmem:s13+$0x8000];
	v6 =	vor.u32 v1, v7;
	_ =	sdelay $0x4  }
0x7c: {  	[tilespmem:v6+s23+$0x0] =	vst.idx.msk $0xffff, v5  }
0x7d: {  	v6 =	vor.u32 v2, v7;
	v5 =	vld [tilespmem:s13+$0xA000];
	_ =	sdelay $0x4  }
0x7e: {  	[tilespmem:v6+s23+$0x0] =	vst.idx.msk $0xffff, v5  }
0x7f: {  	v6 =	vor.u32 v3, v7;
	v5 =	vld [tilespmem:s13+$0xC000];
	_ =	sdelay $0x4  }
.Ltmp1:
0x80: {  	[tilespmem:v6+s23+$0x0] =	vst.idx.msk $0xffff, v5;
	(pc) =	sbr.rel @p0 .LBB2_5-.Ltmp1, $2  }
0x81: {  	v6 =	vor.u32 v4, v7;
	v5 =	vld [tilespmem:s13+$0xE000];
	_ =	sdelay $0x2  }
0x82: {  	v7 =	vmov s1;
	s1 =	sadd.s32 $0x8, s1  }
0x83: {  	_ =	sdelay $0x2  }
0x84: {  	v7 =	vshll.u32 v7, $0x3;
	s0 =	sadd.s32 $0x10, s0  }
0x85: {  	s0 =	sand.u32 $0x1FF0, s0;
	v7 =	vor.u32 v0, v7;
	[tilespmem:v6+s23+$0x0] =	vst.idx.msk $0xffff, v5  }
0x86: {  	v5 =	vld [tilespmem:s0+$0x8000];
	v6 =	vor.u32 v1, v7;
	_ =	sdelay $0x4  }
0x87: {  	[tilespmem:v6+s23+$0x0] =	vst.idx.msk $0xffff, v5  }
0x88: {  	v6 =	vor.u32 v2, v7;
	v5 =	vld [tilespmem:s0+$0xA000];
	_ =	sdelay $0x4  }
0x89: {  	[tilespmem:v6+s23+$0x0] =	vst.idx.msk $0xffff, v5  }
0x8a: {  	v6 =	vor.u32 v3, v7;
	v5 =	vld [tilespmem:s0+$0xC000];
	_ =	sdelay $0x4  }
0x8b: {  	[tilespmem:v6+s23+$0x0] =	vst.idx.msk $0xffff, v5  }
0x8c: {  	s28 =	sadd.s32 $0x1, s28;
	v6 =	vor.u32 v4, v7;
	v5 =	vld [tilespmem:s0+$0xE000]  }
0x8d: {  	p0 =	sne.s32 s28, $0x20  }
.Ltmp2:
0x8e: {  	_ = 	snop;
	(pc) =	sbr.rel @p0 .LBB2_2-.Ltmp2, $4  }
0x8f: {  	s31 =	sshll.u32 s30, $0x13  }
0x90: {  	s0 =	sadd.s32 s5, s31  }
0x91: {  	s0 =	sadd.s32 s29, s0;
	[tilespmem:v6+s23+$0x0] =	vst.idx.msk $0xffff, v5  }
0x92: {  	[hbm4b:s0+s2] =	stream.linear.scatter [tilespmem:s23], [sflag:$0x4], $0x8000, $0x38;
	v63 =	vld [tilespmem:$0x0]  }
0x93: {  	s26 =	sadd.s32 $0x1, s26  }
0x94: {  	_ =	swait.ge [sflag:s24], $0x8000;
	p0 =	sne.s32 s26, s11  }
.Ltmp3:
0x95: {  	[sflag:s24] =	ssyncset.done $0x0;
	(pc) =	sbr.rel @p0 .LBB2_1-.Ltmp3, $4  }
0x96: {  	[sflag:s24] =	ssyncadd.s32 $0xFFFF8000  }
0x97: {  	_ =	swait.ge [sflag:s25], $0x8000  }
0x98: {  	[sflag:s25] =	ssyncset.done $0x0  }
0x99: {  	[sflag:s25] =	ssyncadd.s32 $0xFFFF8000  }
0x9a: {  	_ =	sfence.sel $0x180000  }
0x9b: {  	[bflag:$0x0] =	sbarrier.arrive $0xFFFF  }
0x9c: {  	_ =	strace $0x9000004A  }
0x9d: {  	s0 =	stileid.u32;
	[bflag:$0x2] =	sbarrier.arrive $0xFFFF  }
0x9e: {  	p0 =	sne.s32 s0, $0x0;
	s0 =	rddreg [dreg:$0x1]  }
0x9f: {  	s0 =	sadd.s32 @!p0 $0x100000, s0  }
0xa0: {  	[sflag:s0] =	ssyncadd.tile.s32 @!p0 $0x1;
	_ =	shalt  }
.Lfunc_end2:
_tile_overlayer_lowered:
.L_overlay_start_2:
0xa1: {  	(tag) =	ssettag $0x2  }
0xa2: {  	s0 =	rddreg [dreg:$0x0];
	s2 =	stileid.u32  }
0xa3: {  	s1 =	rddreg [dreg:$0x1];
	p0 =	sne.s32 s2, $0x0  }
0xa4: {  	s3 =	rddreg [dreg:$0x2];
	[bflag:$0x3] =	sbarrier.arrive $0xFFFF;
	s2 =	simm.s32 @!p0 $0x1C05  }
0xa5: {  	[timem:s3], [sflag:s2] =	dma.local @!p0 [hbm:s0], s1  }
0xa6: {  	s0 =	simm.s32 @!p0 $0x5  }
0xa7: {  	_ =	swait.ge @!p0 [sflag:s0], s1  }
0xa8: {  	s1 =	ssub.s32 @!p0 $0x0, s1;
	[sflag:s0] =	ssyncset.done @!p0 $0x0  }
0xa9: {  	[sflag:s0] =	ssyncadd.s32 @!p0 s1  }
0xaa: {  	[bflag:$0x3] =	sbarrier.arrive $0xFFFF  }
0xab: {  	_ =	shalt  }

// kernel: kernel.7.cloned.1.call-start
scs
__scs_entry_jumppad:
0x0: {  	(pc) =	sbr.rel $0x88, $3  }
0x1: {  	(tag) =	ssettag $0x0;
	lr =	simm.s32 $0x1  }
0x2: {  	[smem:$0x3F9E] =	sst lr;
	_ =	strace $0xD0000000  }
0x3: {  	_ = 	snop  }
0x4: {  	_ = 	snop  }
0x5: {  	_ = 	snop  }
0x6: {  	_ = 	snop  }
0x7: {  	_ = 	snop  }
__scs_overlays_trampoline_lowered:
0x8: {  	[smem:$0x3FAD] =	sst s0  }
0x9: {  	[smem:$0x3FAE] =	sst s1  }
0xa: {  	[smem:$0x3FAF] =	sst s2  }
0xb: {  	[smem:$0x3FB0] =	sst s3  }
0xc: {  	[smem:$0x3FB1] =	sst s4  }
0xd: {  	[smem:$0x3FB2] =	sst s5  }
0xe: {  	[smem:$0x3FB3] =	sst s6  }
0xf: {  	[smem:$0x3FB4] =	sst s7  }
0x10: {  	[smem:$0x3FB5] =	sst s8  }
0x11: {  	[smem:$0x3FB6] =	sst s9;
	s0 =	simm.s32 @!p0 $0x0  }
0x12: {  	s1 =	sld [smem:$0x3F9C];
	s0 =	simm.s32 @p0 $0x1  }
0x13: {  	[smem:$0x3FB7] =	sst s0;
	s0 =	simm.s32 @!p1 $0x0  }
0x14: {  	s2 =	sld [smem:$0x3F9B];
	s0 =	simm.s32 @p1 $0x1  }
0x15: {  	[smem:$0x3FB8] =	sst s0;
	s0 =	simm.s32 @!p2 $0x0  }
0x16: {  	s3 =	sld [smem:$0x3FDB];
	s0 =	simm.s32 @p2 $0x1  }
0x17: {  	s4 =	simm.s32 $0x1BF5;
	[smem:$0x3FBA] =	sst s0  }
0x18: {  	s0 =	sld [smem:$0x3F9D];
	_ =	swait.ge [sflag:s4], $0x0  }
0x19: {  	s7 =	sld [smem:$0x3F9E]  }
0x1a: {  	s8 =	sadd.s32 $0xFFFFE003, lr  }
0x1b: {  	s9 =	sadd.s32 $0xFFFFFEF7, lr;
	s5 =	simm.s32 $0xFFFFFFFF;
	p2 =	slt.u32 s8, $0xFFFFF086  }
0x1c: {  	p1 =	slt.u32 s9, $0xF7A;
	s5 =	simm.s32 @!p2 $0x0  }
0x1d: {  	s5 =	simm.s32 @p1 $0x1;
	p0 =	seq.s32 s7, s2  }
0x1e: {  	s7 =	smul.u32 @!p0 $0xF7A, s2;
	p2 =	seq.s32 @!p0 s5, $0x0  }
0x1f: {  	s9 =	smul.u32 $0xF7A, s1;
	s8 =	simm.s32 @!p0 $0x1BF5;
	p2 =	por !p2, p0  }
0x20: {  	[sflag:s8] =	ssyncset.s32 @!p0 $0xFFFFF086;
	s6 =	sadd.s32 @!p0 s3, s7;
	s7 =	simm.s32 @!p0 $0x108  }
0x21: {  	s3 =	sadd.s32 s3, s9;
	s6 =	sadd.s32 @!p0 $0x88, s6;
	s7 =	simm.s32 @p2 $0x1082  }
0x22: {  	[simem:s7], [sflag:s8] =	dma.local @!p0 [hbm:s6], $0xF7A  }
0x23: {  	s9 =	sor.u32 $0xD0000000, s2;
	s6 =	simm.s32 $0x108;
	_ =	swait.ge @!p0 [sflag:s8], $0x0  }
0x24: {  	s3 =	sadd.s32 $0x88, s3;
	s6 =	simm.s32 @!p1 $0x1082;
	[sflag:s4] =	ssyncset.s32 $0xFFFFF086  }
0x25: {  	[simem:s6], [sflag:s4] =	dma.local [hbm:s3], $0xF7A  }
0x26: {  	[smem:$0x3F9E] =	sst s1;
	(tag) =	ssettag s2;
	_ =	strace s9  }
0x27: {  	s1 =	sld [smem:$0x3FAE]  }
0x28: {  	s2 =	sld [smem:$0x3FAF]  }
0x29: {  	s4 =	sld [smem:$0x3FB1]  }
0x2a: {  	p0 =	seq.s32 s5, $0x0;
	s5 =	sld [smem:$0x3FB2]  }
0x2b: {  	s6 =	sld [smem:$0x3FB3]  }
0x2c: {  	s7 =	sld [smem:$0x3FB4]  }
0x2d: {  	s3 =	simm.s32 $0x108;
	s8 =	sld [smem:$0x3FB5]  }
0x2e: {  	s3 =	simm.s32 @!p0 $0x1082;
	s9 =	sld [smem:$0x3FB6]  }
0x2f: {  	lr =	sadd.s32 s0, s3;
	s0 =	sld [smem:$0x3FAD]  }
0x30: {  	s3 =	sld [smem:$0x3FB0]  }
0x31: {  	[smem:$0x3FB9] =	sst s10  }
0x32: {  	s10 =	sld [smem:$0x3FB7];
	_ =	sdelay $0x3  }
0x33: {  	p0 =	seq.s32 s10, $0x1;
	s10 =	sld [smem:$0x3FB9];
	_ =	sdelay $0x3  }
0x34: {  	[smem:$0x3FB9] =	sst s10  }
0x35: {  	s10 =	sld [smem:$0x3FB8];
	_ =	sdelay $0x3  }
0x36: {  	p1 =	seq.s32 s10, $0x1;
	s10 =	sld [smem:$0x3FB9];
	_ =	sdelay $0x3  }
0x37: {  	[smem:$0x3FB9] =	sst s10  }
0x38: {  	s10 =	sld [smem:$0x3FBA]  }
0x39: {  	_ = 	snop;
	(pc) =	sbr.ind lr, $3  }
0x3a: {  	_ = 	snop  }
0x3b: {  	_ = 	snop  }
0x3c: {  	p2 =	seq.s32 s10, $0x1;
	s10 =	sld [smem:$0x3FB9]  }
0x3d: {  	_ =	shalt  }
0x3e: {  	_ =	shalt  }
0x3f: {  	_ =	shalt  }
0x40: {  	_ =	shalt  }
0x41: {  	_ =	shalt  }
0x42: {  	_ =	shalt  }
0x43: {  	_ =	shalt  }
0x44: {  	_ =	shalt  }
0x45: {  	_ =	shalt  }
0x46: {  	_ =	shalt  }
0x47: {  	_ =	shalt  }
0x48: {  	_ =	shalt  }
0x49: {  	_ =	shalt  }
0x4a: {  	_ =	shalt  }
0x4b: {  	_ =	shalt  }
0x4c: {  	_ =	shalt  }
0x4d: {  	_ =	shalt  }
0x4e: {  	_ =	shalt  }
0x4f: {  	_ =	shalt  }
0x50: {  	_ =	shalt  }
0x51: {  	_ =	shalt  }
0x52: {  	_ =	shalt  }
0x53: {  	_ =	shalt  }
0x54: {  	_ =	shalt  }
0x55: {  	_ =	shalt  }
0x56: {  	_ =	shalt  }
0x57: {  	_ =	shalt  }
0x58: {  	_ =	shalt  }
0x59: {  	_ =	shalt  }
0x5a: {  	_ =	shalt  }
0x5b: {  	_ =	shalt  }
0x5c: {  	_ =	shalt  }
0x5d: {  	_ =	shalt  }
0x5e: {  	_ =	shalt  }
0x5f: {  	_ =	shalt  }
0x60: {  	_ =	shalt  }
0x61: {  	_ =	shalt  }
0x62: {  	_ =	shalt  }
0x63: {  	_ =	shalt  }
0x64: {  	_ =	shalt  }
0x65: {  	_ =	shalt  }
0x66: {  	_ =	shalt  }
0x67: {  	_ =	shalt  }
0x68: {  	_ =	shalt  }
0x69: {  	_ =	shalt  }
0x6a: {  	_ =	shalt  }
0x6b: {  	_ =	shalt  }
0x6c: {  	_ =	shalt  }
0x6d: {  	_ =	shalt  }
0x6e: {  	_ =	shalt  }
0x6f: {  	_ =	shalt  }
0x70: {  	_ =	shalt  }
0x71: {  	_ =	shalt  }
0x72: {  	_ =	shalt  }
0x73: {  	_ =	shalt  }
0x74: {  	_ =	shalt  }
0x75: {  	_ =	shalt  }
0x76: {  	_ =	shalt  }
0x77: {  	_ =	shalt  }
0x78: {  	_ =	shalt  }
0x79: {  	_ =	shalt  }
0x7a: {  	_ =	shalt  }
0x7b: {  	_ =	shalt  }
0x7c: {  	_ =	shalt  }
0x7d: {  	_ =	shalt  }
0x7e: {  	_ =	shalt  }
0x7f: {  	_ =	shalt  }
0x80: {  	_ =	shalt  }
0x81: {  	_ =	shalt  }
0x82: {  	_ =	shalt  }
0x83: {  	_ =	shalt  }
0x84: {  	_ =	shalt  }
0x85: {  	_ =	shalt  }
0x86: {  	_ =	shalt  }
0x87: {  	_ =	shalt  }
.Lfunc_end0:
.L_simem_size_0:
called_computation.2_lowered:
.L_overlay_start_0:
0x88: {  	s2 =	sld [smem:$0x3FD9]  }
0x89: {  	s3 =	sld [smem:$0x3FFE];
	_ =	sdelay $0x1  }
0x8a: {  	s1 =	srdreg.scid  }
0x8b: {  	s0 =	sand.u32 $0x1, s1  }
0x8c: {  	s17 =	sshll.u32 s0, $0xA;
	s2 =	sadd.s32 s3, s2  }
0x8d: {  	s2 =	sadd.s32 s2, s17  }
0x8e: {  	[smem:$0x3FC5] =	sst s2  }
0x8f: {  	_ = 	snop  }
0x90: {  	s2 =	sld [smem:$0x3FD0];
	(tm) =	ssettm $0x1  }
0x91: {  	s18 =	sld [smem:$0x3FFB];
	_ =	sdelay $0x3  }
0x92: {  	_ =	strace s18  }
0x93: {  	s3 =	sld [smem:$0x3FFC];
	_ =	sdelay $0x3  }
0x94: {  	_ =	strace s3  }
0x95: {  	s3 =	sld [smem:$0x3FFD];
	_ =	sdelay $0x3  }
0x96: {  	_ =	strace s3  }
0x97: {  	_ =	strace $0x8FFFFFFF  }
0x98: {  	s19 =	sld [smem:$0x3FDB];
	_ =	sdelay $0x1  }
0x99: {  	s4 =	simm.s32 $_scs_section_size  }
0x9a: {  	s5 =	simm.s32 $_size__tile_overlayer_lowered;
	s6 =	simm.s32 $_tile_overlayer_lowered  }
0x9b: {  	s22 =	simm.s32 $0x1BFF;
	s21 =	sshll.u32 s6, $0x1;
	s3 =	sadd.s32 s4, s19  }
0x9c: {  	s7 =	simm.s32 $0x0;
	s20 =	sshll.u32 s5, $0x1;
	s5 =	sadd.s32 s21, s3  }
0x9d: {  	[timem:s7], [sflag:s22] =	dma.local [hbm:s5], s20  }
0x9e: {  	_ =	swait.ge [sflag:s22], s20  }
0x9f: {  	s4 =	ssub.s32 $0x0, s20;
	[sflag:s22] =	ssyncset.done $0x0  }
0xa0: {  	[sflag:s22] =	ssyncadd.s32 s4;
	_ =	sdelay $0x1  }
0xa1: {  	s23 =	simm.s32 $0x1B8B  }
0xa2: {  	_ =	swait.ge [sflag:s23], $0x1  }
0xa3: {  	[sflag:s23] =	ssyncset.done $0x0  }
0xa4: {  	s25 =	simm.s32 $0x1B8E;
	s24 =	sld [smem:$0x3FFE];
	[sflag:s23] =	ssyncadd.s32 $0xFFFFFFFF  }
0xa5: {  	s26 =	simm.s32 $execute0_lowered;
	[smem:$0x3FD2] =	sst s25  }
0xa6: {  	s5 =	sshll.u32 s26, $0x1;
	_ =	strace $0x8000004C;
	[dreg:$0x1] =	wrdreg $0xFFFFFFFF  }
0xa7: {  	s28 =	simm.s32 $_size_execute0_lowered;
	s3 =	sadd.s32 s3, s5;
	[dreg:$0x0] =	wrdreg $0x0  }
0xa8: {  	s5 =	sshll.u32 s28, $0x1;
	[dreg:$0x2] =	wrdreg s3  }
0xa9: {  	[dreg:$0x3] =	wrdreg s5  }
0xaa: {  	[dreg:$0x4] =	wrdreg $0xC0  }
0xab: {  	_ =	task [dreg:s7], $0x5FFFF  }
0xac: {  	[dreg:$0x1] =	wrdreg $0xFFFFFFFF  }
0xad: {  	[dreg:$0x0] =	wrdreg $0x60  }
0xae: {  	[dreg:$0x2] =	wrdreg s24  }
0xaf: {  	[dreg:$0x3] =	wrdreg s2  }
0xb0: {  	[dreg:$0x4] =	wrdreg $0x9  }
0xb1: {  	_ =	task.clear_ibuf [dreg:s7], $0x5FFFF;
	_ =	strace $0x9000004C  }
0xb2: {  	s29 =	simm.s32 $0x9;
	_ =	strace $0x8000004E  }
0xb3: {  	_ =	swait.ge [sflag:s29], $0x1  }
0xb4: {  	[sflag:s29] =	ssyncadd.s32 $0xFFFFFFFF  }
0xb5: {  	_ =	strace $0x9000004E  }
0xb6: {  	_ =	sfence  }
0xb7: {  	s30 =	sld [smem:$0x0];
	_ =	sdelay $0x2  }
0xb8: {  	s31 =	sshll.u32 s1, $0xD;
	s1 =	sshrl.u32 s1, $0x2  }
0xb9: {  	s3 =	sand.u32 $0x4000, s31;
	s1 =	sadd.s32 s1, s30  }
0xba: {  	s0 =	sor.u32 s3, s0;
	s1 =	sshll.u32 s1, $0x11  }
0xbb: {  	s0 =	sor.u32 s1, s0  }
0xbc: {  	s0 =	sadd.s32 $0x8F2B, s0  }
0xbd: {  	[sflag:s0] =	ssyncadd.remote.s32 $0x1  }
0xbe: {  	_ =	sfence.sel $0xFFFF  }
0xbf: {  	[dreg:$0x0] =	wrdreg $0xFFFFFFFF;
	(pc) =	sbr.abs _section_cstart, $3  }
0xc0: {  	[dreg:$0x1] =	wrdreg $0xFFFFFFFF  }
0xc1: {  	_ =	task.clear_ibuf [dreg:s7], $0x2FFFF;
	_ =	strace $0x9FFFFFFF  }
0xc2: {  	(tm) =	ssettm $0x7FFFFFFF  }
0xc3: {  	_ =	shalt  }
tec
execute0_lowered:
.L_overlay_start_1:
0x0: {  	(tag) =	ssettag $0x1  }
0x1: {  	s0 =	rddreg [dreg:$0x0]  }
0x2: {  	s1 =	rddreg [dreg:$0x1]  }
0x3: {  	s2 =	simm.s32 $0x0;
	s3 =	srdreg.scid;
	s5 =	stileid.u32  }
0x4: {  	s22 =	simm.s32 $0x3;
	s13 =	simm.s32 $0x600;
	s14 =	simm.s32 $0x80  }
0x5: {  	s16 =	simm.s32 $0x2E00;
	s29 =	simm.s32 $0xAE00;
	s11 =	simm.s32 $0x2C00  }
0x6: {  	s10 =	simm.s32 $0x12200;
	s9 =	simm.s32 $0x12A00;
	s12 =	simm.s32 $0x1  }
0x7: {  	s15 =	simm.s32 $0x14E00;
	s17 =	simm.s32 $0x2;
	s19 =	simm.s32 $0x0  }
0x8: {  	[smem:$0x7FF] =	sst s2;
	s4 =	sand.u32 $0x1, s3;
	s25 =	sshll.u32 s5, $0x1  }
0x9: {  	s3 =	sadd.s32 $0x1400, s0;
	s7 =	sadd.s32 $0xA11400, s0;
	s8 =	sadd.s32 $0x801600, s0  }
0xa: {  	_ =	strace $0x8000004D;
	s5 =	sor.u32 s4, s25;
	[dreg:$0x3] =	wrdreg s7  }
0xb: {  	s4 =	ssub.s32 $0x2, s4;
	[dreg:$0x4] =	wrdreg s8;
	s7 =	simm.s32 $0x12600  }
0xc: {  	s6 =	sshll.u32 s5, $0xB;
	s26 =	sshrl.u32 s4, $0x1;
	s30 =	sshll.u32 s5, $0xE  }
0xd: {  	s5 =	smul.u32 $0x60, s5;
	s6 =	sadd.s32 s6, s0;
	s0 =	sadd.s32 $0x801400, s0  }
0xe: {  	s8 =	simm.s32 $0x2D80;
	s28 =	ssub.s32 s4, s26;
	[dreg:$0x5] =	wrdreg s0  }
0xf: {  	v1 =	vimm.s32 $0x52741630;
	s1 =	sadd.s32 s1, s30;
	s4 =	simm.s32 $0x2D00;
	[dreg:$0x6] =	wrdreg s5  }
0x10: {  	v0 =	vlaneseq.u32;
	v2 =	vunpack.c.l.s4.s8 v1;
	s31 =	sadd.s32 $0xA01400, s6;
	[dreg:$0x8] =	wrdreg s1;
	s0 =	smax.u32 s28, $0x1  }
0x11: {  	v1 =	vmul.u32 $0x3, v0;
	s1 =	simm.s32 $0x11A00;
	s5 =	simm.s32 $0x11E00;
	[dreg:$0x7] =	wrdreg s31  }
0x12: {  	v3 =	vmul.u32 $0x4, v0;
	v4 =	vmul.u32 $0x8, v0;
	v2 =	vunpack.c.0.s8.s32 v2;
	s6 =	simm.s32 $0x2C80;
	[dreg:$0x9] =	wrdreg s0;
	s0 =	simm.s32 $0x2B80  }
.LBB2_1:
0x13: {  	[dreg:$0xa] =	wrdreg s19  }
0x14: {  	s18 =	rddreg [dreg:$0x4];
	s26 =	simm.s32 $0x18E00  }
0x15: {  	[tilespmem:s26], [sflag:$0x3] =	stream.linear.gather [hbm4b:s18+s2], $0x10, $0x38;
	[tilespmem:$0x18E10] =	vst v63  }
0x16: {  	_ =	swait.ge [sflag:s22], $0x10  }
0x17: {  	[sflag:s22] =	ssyncset.done $0x0  }
0x18: {  	s28 =	rddreg [dreg:$0x5];
	[sflag:s22] =	ssyncadd.s32 $0xFFFFFFF0  }
0x19: {  	v5 =	vld [tilespmem:$0x18E00];
	[tilespmem:s26], [sflag:$0x3] =	stream.linear.gather [hbm4b:s28+s2], $0x10, $0x38  }
0x1a: {  	_ =	swait.ge [sflag:s22], $0x10  }
0x1b: {  	[sflag:s22] =	ssyncset.done $0x0  }
0x1c: {  	[sflag:s22] =	ssyncadd.s32 $0xFFFFFFF0  }
0x1d: {  	v6 =	vld [tilespmem:$0x18E00];
	_ =	sdelay $0x3  }
0x1e: {  	(v2sf) =	vpush v5, $0x0  }
0x1f: {  	(v2sf) =	vpush v6, $0x0  }
0x20: {  	(v2sf) =	vpush v5, $0x1  }
0x21: {  	(v2sf) =	vpush v6, $0x1  }
0x22: {  	(v2sf) =	vpush v5, $0x2  }
0x23: {  	(v2sf) =	vpush v6, $0x2  }
0x24: {  	(v2sf) =	vpush v5, $0x3  }
0x25: {  	(v2sf) =	vpush v6, $0x3  }
0x26: {  	(v2sf) =	vpush v5, $0x4  }
0x27: {  	(v2sf) =	vpush v6, $0x4  }
0x28: {  	(v2sf) =	vpush v5, $0x5  }
0x29: {  	(v2sf) =	vpush v6, $0x5  }
0x2a: {  	(v2sf) =	vpush v5, $0x6  }
0x2b: {  	(v2sf) =	vpush v6, $0x6  }
0x2c: {  	(v2sf) =	vpush v5, $0x7  }
0x2d: {  	s30 =	spop (v2sf);
	(v2sf) =	vpush v6, $0x7  }
0x2e: {  	[smem:$0x0] =	sst s30;
	s31 =	spop (v2sf);
	(v2sf) =	vpush v5, $0x8  }
0x2f: {  	[smem:$0x10] =	sst s31;
	s19 =	spop (v2sf);
	(v2sf) =	vpush v6, $0x8  }
0x30: {  	[smem:$0x1] =	sst s19;
	s20 =	spop (v2sf);
	(v2sf) =	vpush v5, $0x9  }
0x31: {  	[smem:$0x11] =	sst s20;
	s21 =	spop (v2sf);
	(v2sf) =	vpush v6, $0x9  }
0x32: {  	[smem:$0x2] =	sst s21;
	s23 =	spop (v2sf);
	(v2sf) =	vpush v5, $0xA  }
0x33: {  	[smem:$0x12] =	sst s23;
	s24 =	spop (v2sf);
	(v2sf) =	vpush v6, $0xA  }
0x34: {  	[smem:$0x3] =	sst s24;
	s25 =	spop (v2sf);
	(v2sf) =	vpush v5, $0xB  }
0x35: {  	[smem:$0x13] =	sst s25;
	s26 =	spop (v2sf);
	(v2sf) =	vpush v6, $0xB  }
0x36: {  	[smem:$0x4] =	sst s26;
	s28 =	spop (v2sf);
	(v2sf) =	vpush v5, $0xC  }
0x37: {  	[smem:$0x14] =	sst s28;
	s30 =	spop (v2sf);
	(v2sf) =	vpush v6, $0xC  }
0x38: {  	[smem:$0x5] =	sst s30;
	s31 =	spop (v2sf);
	(v2sf) =	vpush v5, $0xD  }
0x39: {  	[smem:$0x15] =	sst s31;
	s19 =	spop (v2sf);
	(v2sf) =	vpush v6, $0xD  }
0x3a: {  	[smem:$0x6] =	sst s19;
	s20 =	spop (v2sf);
	(v2sf) =	vpush v5, $0xE  }
0x3b: {  	[smem:$0x16] =	sst s20;
	s21 =	spop (v2sf);
	(v2sf) =	vpush v6, $0xE  }
0x3c: {  	[smem:$0x7] =	sst s21;
	s23 =	spop (v2sf);
	(v2sf) =	vpush v5, $0xF  }
0x3d: {  	[smem:$0x17] =	sst s23;
	s24 =	spop (v2sf);
	(v2sf) =	vpush v6, $0xF  }
0x3e: {  	[smem:$0x8] =	sst s24;
	s25 =	spop (v2sf)  }
0x3f: {  	[smem:$0x18] =	sst s25;
	s26 =	spop (v2sf)  }
0x40: {  	[smem:$0x9] =	sst s26;
	s28 =	spop (v2sf)  }
0x41: {  	[smem:$0x19] =	sst s28;
	s30 =	spop (v2sf)  }
0x42: {  	[smem:$0xA] =	sst s30;
	s31 =	spop (v2sf)  }
0x43: {  	[smem:$0x1A] =	sst s31;
	s19 =	spop (v2sf)  }
0x44: {  	[smem:$0xB] =	sst s19;
	s20 =	spop (v2sf)  }
0x45: {  	[smem:$0x1B] =	sst s20;
	s21 =	spop (v2sf)  }
0x46: {  	[smem:$0xC] =	sst s21;
	s23 =	spop (v2sf)  }
0x47: {  	[smem:$0x1C] =	sst s23;
	s24 =	spop (v2sf)  }
0x48: {  	[smem:$0xD] =	sst s24;
	s25 =	spop (v2sf)  }
0x49: {  	[smem:$0x1D] =	sst s25;
	s26 =	spop (v2sf)  }
0x4a: {  	[smem:$0xE] =	sst s26;
	s28 =	spop (v2sf)  }
0x4b: {  	[smem:$0x1E] =	sst s28;
	s30 =	spop (v2sf)  }
0x4c: {  	[smem:$0xF] =	sst s30;
	s31 =	spop (v2sf)  }
0x4d: {  	s20 =	simm.s32 $0x0;
	[smem:$0x1F] =	sst s31  }
.LBB2_2:
0x4e: {  	s18 =	smul.u32 $0xC, s20  }
0x4f: {  	s19 =	rddreg [dreg:$0x6]  }
0x50: {  	s18 =	sadd.s32 s19, s18  }
0x51: {  	s21 =	rddreg [dreg:$0x3];
	s18 =	sshll.u32 s18, $0x4  }
0x52: {  	s24 =	simm.s32 $0x0;
	s19 =	sadd.s32 s21, s18;
	s18 =	simm.s32 $0x0  }
0x53: {  	[tilespmem:s18], [sflag:$0x3] =	stream.linear.gather [hbm4b:s19+s18], $0x600, $0x38;
	[tilespmem:$0x18E10] =	vst v63  }
0x54: {  	s23 =	sshll.u32 s20, $0x8;
	s25 =	simm.s32 $0x1;
	v5 =	vadd.s32 s24, v1;
	_ =	swait.ge [sflag:s22], $0x600  }
0x55: {  	s26 =	simm.s32 $0x2;
	v5 =	vand.u32 $0xFF8, v5;
	[sflag:s22] =	ssyncset.done $0x0;
	s21 =	rddreg [dreg:$0x7]  }
0x56: {  	v5 =	vor.u32 v2, v5;
	[dreg:$0xb] =	wrdreg s20;
	[sflag:s22] =	ssyncadd.s32 $0xFFFFFA00;
	s19 =	sadd.s32 s23, s21  }
0x57: {  	v6 =	vadd.s32 s25, v1;
	[tilespmem:s13], [sflag:$0x3] =	stream.linear.gather [hbm4b:s19+s18], $0x800, $0x38;
	[tilespmem:$0x18E10] =	vst v63  }
0x58: {  	v7 =	vadd.s32 s26, v1;
	_ =	swait.ge [sflag:s22], $0x800  }
0x59: {  	[sflag:s22] =	ssyncset.done $0x0  }
0x5a: {  	[sflag:s22] =	ssyncadd.s32 $0xFFFFF800  }
0x5b: {  	v5 =	vld.idx.msk [tilespmem:v5+s2+$0x0], $0xffff  }
0x5c: {  	v6 =	vld.idx.msk [tilespmem:v6+s2+$0x0], $0xffff  }
0x5d: {  	s28 =	sld [smem:$0x0];
	v8 =	vld.idx.msk [tilespmem:v7+s2+$0x0], $0xffff;
	_ =	sdelay $0x2  }
0x5e: {  	v7 =	vmov s28  }
0x5f: {  	v5 =	vmul.f32 v5, v7  }
0x60: {  	v6 =	vmul.f32 v6, v7;
	v8 =	vmul.f32 v8, v7  }
0x61: {  	v9 =	vtrunc.f32 v5  }
0x62: {  	v10 =	vtrunc.f32 v6;
	v11 =	vtrunc.f32 v8  }
0x63: {  	s30 =	sld [smem:$0x10];
	v9 =	vcvt.f32.s32 v9;
	v10 =	vcvt.f32.s32 v10  }
0x64: {  	v11 =	vcvt.f32.s32 v11  }
0x65: {  	v12 =	vcvt.s32.f32 v9;
	v13 =	vcvt.s32.f32 v10  }
0x66: {  	s19 =	scvt.f32.s32 s30;
	v14 =	vcvt.s32.f32 v11  }
0x67: {  	v12 =	vsub.f32 v5, v12;
	v13 =	vsub.f32 v6, v13  }
0x68: {  	s31 =	smul.u32 s19, s19;
	v14 =	vsub.f32 v8, v14  }
0x69: {  	v6 =	vmov s19;
	v8 =	vsub.f32 $1.000000000e+00, v12;
	v15 =	vsub.f32 $1.000000000e+00, v13  }
0x6a: {  	v5 =	vmov s31;
	v10 =	vmul.u32 v10, v6  }
0x6b: {  	s24 =	simm.s32 $0x0;
	v11 =	vmul.u32 v11, v5;
	v16 =	vsub.f32 $1.000000000e+00, v14;
	v17 =	vmul.f32 v15, v8  }
0x6c: {  	s25 =	sand.u32 $0x70, s18;
	s20 =	sand.u32 $0x180, s24;
	v9 =	vadd.s32 v9, v10  }
0x6d: {  	s20 =	sor.u32 s25, s20;
	v18 =	vadd.s32 v11, v9;
	v10 =	vmul.f32 v15, v12;
	v9 =	vmul.f32 v16, v17  }
0x6e: {  	s22 =	simm.s32 $0x0;
	[tilespmem:s20+$0xE00] =	vst v18  }
0x6f: {  	v11 =	vmul.f32 v13, v8;
	v15 =	vadd.s32 $0x1, v18;
	v8 =	vmul.f32 v16, v10;
	[tilespmem:s22+$0x12E00] =	vst v9  }
0x70: {  	[tilespmem:s20+$0x1000] =	vst v15  }
0x71: {  	s23 =	sadd.s32 $0x1, s19;
	v12 =	vmul.f32 v13, v12;
	v13 =	vadd.s32 v6, v18;
	v9 =	vmul.f32 v16, v11;
	[tilespmem:s22+$0x13000] =	vst v8  }
0x72: {  	v8 =	vmov s23;
	[tilespmem:s20+$0x1200] =	vst v13  }
0x73: {  	v15 =	vmul.f32 v16, v12;
	v13 =	vadd.s32 v8, v18;
	[tilespmem:s22+$0x13200] =	vst v9  }
0x74: {  	[tilespmem:s20+$0x1400] =	vst v13  }
0x75: {  	s24 =	sadd.s32 $0x1, s31;
	v16 =	vadd.s32 v5, v18;
	v13 =	vmul.f32 v17, v14;
	[tilespmem:s22+$0x13400] =	vst v15  }
0x76: {  	v9 =	vmov s24;
	[tilespmem:s20+$0x1600] =	vst v16  }
0x77: {  	s26 =	simm.s32 $0x30;
	s19 =	sadd.s32 s19, s31;
	v15 =	vmul.f32 v10, v14;
	v16 =	vadd.s32 v9, v18;
	[tilespmem:s22+$0x13600] =	vst v13  }
0x78: {  	v10 =	vmov s19;
	v13 =	vadd.s32 s26, v1;
	[tilespmem:s20+$0x1800] =	vst v16  }
0x79: {  	s28 =	sadd.s32 s31, s23;
	v17 =	vmul.f32 v14, v11;
	v13 =	vand.u32 $0xFF8, v13;
	v16 =	vadd.s32 v10, v18;
	[tilespmem:s22+$0x13800] =	vst v15  }
0x7a: {  	s30 =	simm.s32 $0x32;
	s31 =	simm.s32 $0x31;
	v12 =	vmul.f32 v14, v12;
	v11 =	vmov s28;
	v13 =	vor.u32 v2, v13;
	[tilespmem:s20+$0x1A00] =	vst v16  }
0x7b: {  	s24 =	simm.s32 $0x62;
	v14 =	vadd.s32 s31, v1;
	s19 =	simm.s32 $0x0;
	v15 =	vadd.s32 s30, v1;
	v16 =	vadd.s32 v11, v18;
	[tilespmem:s22+$0x13A00] =	vst v17  }
.LBB2_3:
0x7c: {  	s18 =	sadd.s32 $0x40, s18  }
0x7d: {  	[tilespmem:s20+$0x1C00] =	vst v16;
	s19 =	sadd.s32 $0x10, s19;
	s23 =	smov.u32 s24;
	s21 =	sadd.s32 $0x30, s24  }
0x7e: {  	p0 =	sne.s32 s24, $0x5D2;
	[tilespmem:s22+$0x13C00] =	vst v12  }
0x7f: {  	v12 =	vld.idx.msk [tilespmem:v13+s2+$0x0], $0xffff  }
0x80: {  	v13 =	vld.idx.msk [tilespmem:v14+s2+$0x0], $0xffff  }
0x81: {  	v14 =	vld.idx.msk [tilespmem:v15+s2+$0x0], $0xffff;
	_ =	sdelay $0x3  }
0x82: {  	v12 =	vmul.f32 v12, v7  }
0x83: {  	v13 =	vmul.f32 v13, v7  }
0x84: {  	v15 =	vtrunc.f32 v12;
	v14 =	vmul.f32 v14, v7  }
0x85: {  	v15 =	vcvt.f32.s32 v15;
	v16 =	vtrunc.f32 v13  }
0x86: {  	v16 =	vcvt.f32.s32 v16;
	v17 =	vtrunc.f32 v14  }
0x87: {  	v17 =	vcvt.f32.s32 v17;
	v18 =	vcvt.s32.f32 v15  }
0x88: {  	v19 =	vcvt.s32.f32 v16;
	v16 =	vmul.u32 v16, v6  }
0x89: {  	v12 =	vsub.f32 v12, v18;
	v18 =	vcvt.s32.f32 v17;
	v17 =	vmul.u32 v17, v5  }
0x8a: {  	v13 =	vsub.f32 v13, v19;
	v15 =	vadd.s32 v15, v16  }
0x8b: {  	v14 =	vsub.f32 v14, v18;
	v16 =	vsub.f32 $1.000000000e+00, v12;
	v15 =	vadd.s32 v17, v15  }
0x8c: {  	v17 =	vsub.f32 $1.000000000e+00, v13;
	v18 =	vmul.f32 v13, v12  }
0x8d: {  	s20 =	sshrl.u32 s18, $0x2;
	v13 =	vmul.f32 v13, v16  }
0x8e: {  	s22 =	sand.u32 $0x70, s19;
	s20 =	sand.u32 $0x180, s20;
	v19 =	vsub.f32 $1.000000000e+00, v14;
	v16 =	vmul.f32 v17, v16;
	v17 =	vmul.f32 v17, v12  }
0x8f: {  	s20 =	sor.u32 s22, s20;
	v12 =	vmul.f32 v14, v18;
	v20 =	vmul.f32 v14, v13  }
0x90: {  	s22 =	sshra.s32 s18, $0x2;
	v21 =	vmul.f32 v19, v16;
	v22 =	vmul.f32 v19, v17;
	[tilespmem:s20+$0xE00] =	vst v15  }
0x91: {  	v23 =	vadd.s32 $0x1, v15;
	v13 =	vmul.f32 v19, v13;
	v16 =	vmul.f32 v16, v14  }
0x92: {  	v14 =	vmul.f32 v17, v14;
	[tilespmem:s22+$0x12E00] =	vst v21  }
0x93: {  	v17 =	vadd.s32 v6, v15;
	[tilespmem:s20+$0x1000] =	vst v23  }
0x94: {  	[tilespmem:s22+$0x13000] =	vst v22  }
0x95: {  	v18 =	vmul.f32 v19, v18;
	[tilespmem:s20+$0x1200] =	vst v17;
	v17 =	vadd.s32 v8, v15  }
0x96: {  	[tilespmem:s22+$0x13200] =	vst v13  }
0x97: {  	v13 =	vadd.s32 v5, v15;
	[tilespmem:s20+$0x1400] =	vst v17  }
0x98: {  	[tilespmem:s22+$0x13400] =	vst v18  }
0x99: {  	s24 =	sadd.s32 $0xFFFFFFFE, s23;
	[tilespmem:s20+$0x1600] =	vst v13;
	v13 =	vadd.s32 v9, v15  }
.Ltmp0:
0x9a: {  	v17 =	vadd.s32 s24, v1;
	[tilespmem:s22+$0x13600] =	vst v16;
	(pc) =	sbr.rel @p0 .LBB2_3-.Ltmp0, $4  }
0x9b: {  	v16 =	vand.u32 $0xFF8, v17;
	v17 =	vadd.s32 v10, v15;
	[tilespmem:s20+$0x1800] =	vst v13  }
0x9c: {  	s24 =	sadd.s32 $0xFFFFFFFF, s23;
	v13 =	vor.u32 v2, v16;
	[tilespmem:s22+$0x13800] =	vst v14  }
0x9d: {  	v16 =	vadd.s32 v11, v15;
	v14 =	vadd.s32 s24, v1;
	[tilespmem:s20+$0x1A00] =	vst v17  }
0x9e: {  	v15 =	vadd.s32 s23, v1;
	s24 =	smov.u32 s21;
	[tilespmem:s22+$0x13A00] =	vst v20  }
0x9f: {  	_ =	sdelay $0x1  }
0xa0: {  	[tilespmem:s20+$0x1C00] =	vst v16  }
0xa1: {  	[tilespmem:s22+$0x13C00] =	vst v12  }
0xa2: {  	v12 =	vld.idx.msk [tilespmem:v13+s2+$0x0], $0xffff  }
0xa3: {  	v52 =	vld.idx.msk [tilespmem:v14+s2+$0x0], $0xffff  }
0xa4: {  	v53 =	vld.idx.msk [tilespmem:v15+s2+$0x0], $0xffff;
	_ =	sdelay $0x3  }
0xa5: {  	v12 =	vmul.f32 v12, v7  }
0xa6: {  	v13 =	vmul.f32 v52, v7;
	v7 =	vmul.f32 v53, v7  }
0xa7: {  	v54 =	vtrunc.f32 v12  }
0xa8: {  	v56 =	vtrunc.f32 v13;
	v57 =	vtrunc.f32 v7  }
0xa9: {  	v55 =	vcvt.f32.s32 v54;
	v15 =	vcvt.f32.s32 v56  }
0xaa: {  	v16 =	vcvt.f32.s32 v57  }
0xab: {  	v17 =	vcvt.s32.f32 v55;
	v18 =	vcvt.s32.f32 v15  }
0xac: {  	v19 =	vcvt.s32.f32 v16  }
0xad: {  	v12 =	vsub.f32 v12, v17;
	v13 =	vsub.f32 v13, v18  }
0xae: {  	v7 =	vsub.f32 v7, v19  }
0xaf: {  	v17 =	vsub.f32 $1.000000000e+00, v12;
	v18 =	vsub.f32 $1.000000000e+00, v13  }
0xb0: {  	s18 =	sadd.s32 $0x40, s18;
	v15 =	vmul.u32 v15, v6  }
0xb1: {  	s19 =	sadd.s32 $0x10, s19;
	s26 =	sshrl.u32 s18, $0x2;
	v16 =	vmul.u32 v16, v5;
	v19 =	vsub.f32 $1.000000000e+00, v7;
	v20 =	vmul.f32 v18, v17  }
0xb2: {  	s19 =	sand.u32 $0x70, s19;
	s20 =	sand.u32 $0x180, s26;
	v14 =	vadd.s32 v55, v15  }
0xb3: {  	s19 =	sor.u32 s19, s20;
	v14 =	vadd.s32 v16, v14;
	v58 =	vmul.f32 v18, v12;
	v59 =	vmul.f32 v19, v20  }
0xb4: {  	s18 =	sshra.s32 s18, $0x2;
	[tilespmem:s19+$0xE00] =	vst v14  }
0xb5: {  	v21 =	vadd.s32 $0x1, v14;
	v17 =	vmul.f32 v13, v17;
	v18 =	vmul.f32 v19, v58;
	[tilespmem:s18+$0x12E00] =	vst v59  }
0xb6: {  	[tilespmem:s19+$0x1000] =	vst v21  }
0xb7: {  	v6 =	vadd.s32 v6, v14;
	v12 =	vmul.f32 v13, v12;
	v60 =	vmul.f32 v19, v17;
	[tilespmem:s18+$0x13000] =	vst v18  }
0xb8: {  	[tilespmem:s19+$0x1200] =	vst v6  }
0xb9: {  	v61 =	vmul.f32 v19, v12;
	v6 =	vadd.s32 v8, v14;
	[tilespmem:s18+$0x13200] =	vst v60  }
0xba: {  	[tilespmem:s19+$0x1400] =	vst v6  }
0xbb: {  	v5 =	vadd.s32 v5, v14;
	v6 =	vmul.f32 v20, v7;
	[tilespmem:s18+$0x13400] =	vst v61  }
0xbc: {  	[tilespmem:s19+$0x1600] =	vst v5  }
0xbd: {  	v62 =	vadd.s32 v9, v14;
	v5 =	vmul.f32 v58, v7;
	[tilespmem:s18+$0x13600] =	vst v6  }
0xbe: {  	[tilespmem:s19+$0x1800] =	vst v62  }
0xbf: {  	v63 =	vadd.s32 v10, v14;
	v6 =	vmul.f32 v7, v17;
	[tilespmem:s18+$0x13800] =	vst v5  }
0xc0: {  	[tilespmem:s19+$0x1A00] =	vst v63  }
0xc1: {  	v5 =	vmul.f32 v7, v12;
	v7 =	vadd.s32 v11, v14;
	[tilespmem:s18+$0x13A00] =	vst v6  }
0xc2: {  	[tilespmem:s19+$0x1C00] =	vst v7  }
0xc3: {  	s28 =	simm.s32 $0xE00;
	[tilespmem:s18+$0x13C00] =	vst v5  }
0xc4: {  	[tilespmem:s16], [sflag:$0x1] =	stream.indirect.gather [hbm4b:s3+s14], $0x8, s28, s14, $0xb8;
	[tilespmem:$0x18E10] =	vst v63  }
0xc5: {  	s30 =	simm.s32 $0xE80;
	s31 =	simm.s32 $0x3200  }
0xc6: {  	[tilespmem:s31], [sflag:$0x1] =	stream.indirect.gather [hbm4b:s3+s14], $0x8, s30, s14, $0xb8;
	[tilespmem:$0x18E10] =	vst v63  }
0xc7: {  	s21 =	simm.s32 $0x3600;
	s20 =	simm.s32 $0xF00  }
0xc8: {  	[tilespmem:s21], [sflag:$0x1] =	stream.indirect.gather [hbm4b:s3+s14], $0x8, s20, s14, $0xb8;
	[tilespmem:$0x18E10] =	vst v63  }
0xc9: {  	s23 =	simm.s32 $0x3A00;
	s22 =	simm.s32 $0xF80  }
0xca: {  	[tilespmem:s23], [sflag:$0x1] =	stream.indirect.gather [hbm4b:s3+s14], $0x8, s22, s14, $0xb8;
	[tilespmem:$0x18E10] =	vst v63  }
0xcb: {  	s24 =	simm.s32 $0x1000;
	s25 =	simm.s32 $0x3E00  }
0xcc: {  	[tilespmem:s25], [sflag:$0x1] =	stream.indirect.gather [hbm4b:s3+s14], $0x8, s24, s14, $0xb8;
	[tilespmem:$0x18E10] =	vst v63  }
0xcd: {  	s26 =	simm.s32 $0x1080;
	s28 =	simm.s32 $0x4200  }
0xce: {  	[tilespmem:s28], [sflag:$0x1] =	stream.indirect.gather [hbm4b:s3+s14], $0x8, s26, s14, $0xb8;
	[tilespmem:$0x18E10] =	vst v63  }
0xcf: {  	s30 =	simm.s32 $0x1100;
	s31 =	simm.s32 $0x4600  }
0xd0: {  	[tilespmem:s31], [sflag:$0x1] =	stream.indirect.gather [hbm4b:s3+s14], $0x8, s30, s14, $0xb8;
	[tilespmem:$0x18E10] =	vst v63  }
0xd1: {  	s20 =	simm.s32 $0x1180;
	s21 =	simm.s32 $0x4A00  }
0xd2: {  	[tilespmem:s21], [sflag:$0x1] =	stream.indirect.gather [hbm4b:s3+s14], $0x8, s20, s14, $0xb8;
	[tilespmem:$0x18E10] =	vst v63  }
0xd3: {  	s22 =	simm.s32 $0x1200;
	s23 =	simm.s32 $0x4E00  }
0xd4: {  	[tilespmem:s23], [sflag:$0x1] =	stream.indirect.gather [hbm4b:s3+s14], $0x8, s22, s14, $0xb8;
	[tilespmem:$0x18E10] =	vst v63  }
0xd5: {  	s24 =	simm.s32 $0x1280;
	s25 =	simm.s32 $0x5200  }
0xd6: {  	[tilespmem:s25], [sflag:$0x1] =	stream.indirect.gather [hbm4b:s3+s14], $0x8, s24, s14, $0xb8;
	[tilespmem:$0x18E10] =	vst v63  }
0xd7: {  	s26 =	simm.s32 $0x1300;
	s28 =	simm.s32 $0x5600  }
0xd8: {  	[tilespmem:s28], [sflag:$0x1] =	stream.indirect.gather [hbm4b:s3+s14], $0x8, s26, s14, $0xb8;
	[tilespmem:$0x18E10] =	vst v63  }
0xd9: {  	s30 =	simm.s32 $0x1380;
	s31 =	simm.s32 $0x5A00  }
0xda: {  	[tilespmem:s31], [sflag:$0x1] =	stream.indirect.gather [hbm4b:s3+s14], $0x8, s30, s14, $0xb8;
	[tilespmem:$0x18E10] =	vst v63  }
0xdb: {  	s20 =	simm.s32 $0x1400;
	s21 =	simm.s32 $0x5E00  }
0xdc: {  	[tilespmem:s21], [sflag:$0x1] =	stream.indirect.gather [hbm4b:s3+s14], $0x8, s20, s14, $0xb8;
	[tilespmem:$0x18E10] =	vst v63  }
0xdd: {  	s22 =	simm.s32 $0x1480;
	s23 =	simm.s32 $0x6200  }
0xde: {  	[tilespmem:s23], [sflag:$0x1] =	stream.indirect.gather [hbm4b:s3+s14], $0x8, s22, s14, $0xb8;
	[tilespmem:$0x18E10] =	vst v63  }
0xdf: {  	s24 =	simm.s32 $0x1500;
	s25 =	simm.s32 $0x6600  }
0xe0: {  	[tilespmem:s25], [sflag:$0x1] =	stream.indirect.gather [hbm4b:s3+s14], $0x8, s24, s14, $0xb8;
	[tilespmem:$0x18E10] =	vst v63  }
0xe1: {  	s26 =	simm.s32 $0x1580;
	s28 =	simm.s32 $0x6A00  }
0xe2: {  	[tilespmem:s28], [sflag:$0x1] =	stream.indirect.gather [hbm4b:s3+s14], $0x8, s26, s14, $0xb8;
	[tilespmem:$0x18E10] =	vst v63  }
0xe3: {  	s30 =	simm.s32 $0x1600;
	s31 =	simm.s32 $0x6E00  }
0xe4: {  	[tilespmem:s31], [sflag:$0x1] =	stream.indirect.gather [hbm4b:s3+s14], $0x8, s30, s14, $0xb8;
	[tilespmem:$0x18E10] =	vst v63  }
0xe5: {  	s20 =	simm.s32 $0x1680;
	s21 =	simm.s32 $0x7200  }
0xe6: {  	[tilespmem:s21], [sflag:$0x1] =	stream.indirect.gather [hbm4b:s3+s14], $0x8, s20, s14, $0xb8;
	[tilespmem:$0x18E10] =	vst v63  }
0xe7: {  	s22 =	simm.s32 $0x1700;
	s23 =	simm.s32 $0x7600  }
0xe8: {  	[tilespmem:s23], [sflag:$0x1] =	stream.indirect.gather [hbm4b:s3+s14], $0x8, s22, s14, $0xb8;
	[tilespmem:$0x18E10] =	vst v63  }
0xe9: {  	s24 =	simm.s32 $0x1780;
	s25 =	simm.s32 $0x7A00  }
0xea: {  	[tilespmem:s25], [sflag:$0x1] =	stream.indirect.gather [hbm4b:s3+s14], $0x8, s24, s14, $0xb8;
	[tilespmem:$0x18E10] =	vst v63  }
0xeb: {  	s26 =	simm.s32 $0x1800;
	s28 =	simm.s32 $0x7E00  }
0xec: {  	[tilespmem:s28], [sflag:$0x1] =	stream.indirect.gather [hbm4b:s3+s14], $0x8, s26, s14, $0xb8;
	[tilespmem:$0x18E10] =	vst v63  }
0xed: {  	s30 =	simm.s32 $0x1880;
	s31 =	simm.s32 $0x8200  }
0xee: {  	[tilespmem:s31], [sflag:$0x1] =	stream.indirect.gather [hbm4b:s3+s14], $0x8, s30, s14, $0xb8;
	[tilespmem:$0x18E10] =	vst v63  }
0xef: {  	s20 =	simm.s32 $0x1900;
	s21 =	simm.s32 $0x8600  }
0xf0: {  	[tilespmem:s21], [sflag:$0x1] =	stream.indirect.gather [hbm4b:s3+s14], $0x8, s20, s14, $0xb8;
	[tilespmem:$0x18E10] =	vst v63  }
0xf1: {  	s22 =	simm.s32 $0x1980;
	s23 =	simm.s32 $0x8A00  }
0xf2: {  	[tilespmem:s23], [sflag:$0x1] =	stream.indirect.gather [hbm4b:s3+s14], $0x8, s22, s14, $0xb8;
	[tilespmem:$0x18E10] =	vst v63  }
0xf3: {  	s24 =	simm.s32 $0x1A00;
	s25 =	simm.s32 $0x8E00  }
0xf4: {  	[tilespmem:s25], [sflag:$0x1] =	stream.indirect.gather [hbm4b:s3+s14], $0x8, s24, s14, $0xb8;
	[tilespmem:$0x18E10] =	vst v63  }
0xf5: {  	s26 =	simm.s32 $0x1A80;
	s28 =	simm.s32 $0x9200  }
0xf6: {  	[tilespmem:s28], [sflag:$0x1] =	stream.indirect.gather [hbm4b:s3+s14], $0x8, s26, s14, $0xb8;
	[tilespmem:$0x18E10] =	vst v63  }
0xf7: {  	s30 =	simm.s32 $0x1B00;
	s31 =	simm.s32 $0x9600  }
0xf8: {  	[tilespmem:s31], [sflag:$0x1] =	stream.indirect.gather [hbm4b:s3+s14], $0x8, s30, s14, $0xb8;
	[tilespmem:$0x18E10] =	vst v63  }
0xf9: {  	s20 =	simm.s32 $0x1B80;
	s21 =	simm.s32 $0x9A00  }
0xfa: {  	[tilespmem:s21], [sflag:$0x1] =	stream.indirect.gather [hbm4b:s3+s14], $0x8, s20, s14, $0xb8;
	[tilespmem:$0x18E10] =	vst v63  }
0xfb: {  	s22 =	simm.s32 $0x1C00;
	s23 =	simm.s32 $0x9E00  }
0xfc: {  	[tilespmem:s23], [sflag:$0x1] =	stream.indirect.gather [hbm4b:s3+s14], $0x8, s22, s14, $0xb8;
	[tilespmem:$0x18E10] =	vst v63  }
0xfd: {  	s24 =	simm.s32 $0x1C80;
	s25 =	simm.s32 $0xA200  }
0xfe: {  	[tilespmem:s25], [sflag:$0x1] =	stream.indirect.gather [hbm4b:s3+s14], $0x8, s24, s14, $0xb8;
	[tilespmem:$0x18E10] =	vst v63  }
0xff: {  	s19 =	simm.s32 $0x0;
	s26 =	simm.s32 $0x1D00;
	s28 =	simm.s32 $0xA600  }
0x100: {  	[tilespmem:s28], [sflag:$0x1] =	stream.indirect.gather [hbm4b:s3+s14], $0x8, s26, s14, $0xb8;
	[tilespmem:$0x18E10] =	vst v63  }
0x101: {  	s18 =	simm.s32 $0x0;
	s30 =	simm.s32 $0x1D80;
	s31 =	simm.s32 $0xAA00  }
0x102: {  	[tilespmem:s31], [sflag:$0x1] =	stream.indirect.gather [hbm4b:s3+s14], $0x8, s30, s14, $0xb8;
	[tilespmem:$0x18E10] =	vst v63  }
.LBB2_5:
0x103: {  	s20 =	simm.s32 $0x0  }
0x104: {  	v5 =	vadd.s32 s20, v1  }
0x105: {  	v5 =	vand.u32 $0xFF8, v5  }
0x106: {  	s25 =	simm.s32 $0x1;
	v5 =	vor.u32 v2, v5  }
0x107: {  	s21 =	simm.s32 $0x2;
	v6 =	vadd.s32 s25, v1  }
0x108: {  	v7 =	vadd.s32 s21, v1  }
0x109: {  	s21 =	sshll.u32 s19, $0x1  }
0x10a: {  	s26 =	sld [smem:s21+$0x11]  }
0x10b: {  	v5 =	vld.idx.msk [tilespmem:v5+s2+$0x0], $0xffff  }
0x10c: {  	s22 =	sld [smem:s21+$0x1];
	v6 =	vld.idx.msk [tilespmem:v6+s2+$0x0], $0xffff  }
0x10d: {  	s23 =	scvt.f32.s32 s26;
	v7 =	vld.idx.msk [tilespmem:v7+s2+$0x0], $0xffff;
	_ =	sdelay $0x1  }
0x10e: {  	v12 =	vmov s22;
	s24 =	smul.u32 s23, s23  }
0x10f: {  	v11 =	vmov s23;
	s31 =	sadd.s32 $0x1, s23;
	v13 =	vmul.f32 v5, v12  }
0x110: {  	v10 =	vmov s31;
	v8 =	vmov s24;
	s25 =	sadd.s32 $0x1, s24;
	v14 =	vmul.f32 v6, v12  }
0x111: {  	s20 =	sshllo.u32 s19, $0x1;
	s23 =	sadd.s32 s23, s24;
	v9 =	vmov s25;
	v15 =	vmul.f32 v7, v12;
	v6 =	vtrunc.f32 v13  }
0x112: {  	s30 =	sshll.u32 s20, $0x13;
	v7 =	vmov s23;
	v16 =	vcvt.f32.s32 v6;
	v6 =	vtrunc.f32 v14  }
0x113: {  	s22 =	sadd.s32 s24, s31;
	v5 =	vmov s30;
	v18 =	vtrunc.f32 v15;
	v17 =	vcvt.f32.s32 v6  }
0x114: {  	v18 =	vcvt.f32.s32 v18;
	v6 =	vmov s22;
	v19 =	vcvt.s32.f32 v16  }
0x115: {  	v20 =	vadd.s32 v16, v5;
	v23 =	vadd.s32 $0x1, v16;
	v21 =	vcvt.s32.f32 v17  }
0x116: {  	v22 =	vmul.u32 $0x9E3779B1, v17;
	v17 =	vmul.u32 v17, v11;
	v19 =	vsub.f32 v13, v19  }
0x117: {  	v13 =	vmul.u32 v18, v8;
	v14 =	vsub.f32 v14, v21;
	v21 =	vmul.u32 $0x30025795, v18  }
0x118: {  	v17 =	vadd.s32 v17, v20;
	v20 =	vxor.u32 v16, v22;
	v24 =	vxor.u32 v23, v22  }
0x119: {  	v18 =	vcvt.s32.f32 v18;
	v22 =	vadd.s32 $0x9E3779B1, v22;
	v25 =	vsub.f32 $1.000000000e+00, v19  }
0x11a: {  	v13 =	vadd.s32 v13, v17;
	v16 =	vxor.u32 v16, v22;
	v22 =	vxor.u32 v23, v22  }
0x11b: {  	v26 =	vsub.f32 $1.000000000e+00, v14;
	v27 =	vxor.u32 v21, v24;
	v28 =	vxor.u32 v21, v20  }
0x11c: {  	v30 =	vadd.s32 $0x30025795, v21;
	v18 =	vsub.f32 v15, v18;
	v17 =	vadd.s32 v11, v13  }
0x11d: {  	v61 =	vadd.s32 $0x1, v13;
	v33 =	vxor.u32 v21, v16;
	v21 =	vxor.u32 v21, v22  }
0x11e: {  	v27 =	vand.u32 $0x7FFFF, v27;
	v28 =	vand.u32 $0x7FFFF, v28;
	v33 =	vand.u32 $0x7FFFF, v33  }
0x11f: {  	s26 =	simm.s32 $0x0;
	v20 =	vxor.u32 v20, v30;
	v29 =	vmul.f32 v26, v25;
	v31 =	vsub.f32 $1.000000000e+00, v18  }
0x120: {  	p0 =	slt.u32 s20, $0x5;
	s30 =	sand.u32 $0x70, s18;
	s22 =	sand.u32 $0x180, s26;
	v16 =	vxor.u32 v30, v16;
	v26 =	vmul.f32 v26, v19;
	v15 =	vor.u32 v5, v28  }
0x121: {  	s26 =	sor.u32 s30, s22;
	v25 =	vmul.f32 v14, v25;
	v15 =	vpsel p0, v13, v15;
	v23 =	vmul.f32 v31, v29  }
0x122: {  	s28 =	simm.s32 $0x0;
	v27 =	vor.u32 v5, v27;
	v14 =	vmul.f32 v14, v19;
	v19 =	vand.u32 $0x7FFFF, v20;
	[tilespmem:s26+$0x1E00] =	vst v15  }
0x123: {  	v16 =	vand.u32 $0x7FFFF, v16;
	v62 =	vmul.f32 v31, v26;
	[tilespmem:s28+$0x13E00] =	vst v23;
	v23 =	vpsel p0, v61, v27  }
0x124: {  	v20 =	vadd.s32 v10, v13;
	v32 =	vmul.f32 v29, v18;
	v15 =	vor.u32 v5, v33;
	[tilespmem:s26+$0x2000] =	vst v23  }
0x125: {  	v63 =	vmul.f32 v31, v25;
	v15 =	vpsel p0, v17, v15;
	v17 =	vand.u32 $0x7FFFF, v21;
	[tilespmem:s28+$0x14000] =	vst v62  }
0x126: {  	v21 =	vxor.u32 v24, v30;
	v17 =	vor.u32 v5, v17;
	[tilespmem:s26+$0x2200] =	vst v15;
	v15 =	vor.u32 v5, v16  }
0x127: {  	v16 =	vpsel p0, v20, v17;
	v17 =	vmul.f32 v31, v14;
	v20 =	vand.u32 $0x7FFFF, v21;
	[tilespmem:s28+$0x14200] =	vst v63  }
0x128: {  	v14 =	vmul.f32 v18, v14;
	[tilespmem:s26+$0x2400] =	vst v16;
	v16 =	vor.u32 v5, v19;
	v19 =	vadd.s32 v8, v13  }
0x129: {  	v21 =	vadd.s32 v9, v13;
	v20 =	vor.u32 v5, v20;
	[tilespmem:s28+$0x14400] =	vst v17;
	v16 =	vpsel p0, v19, v16  }
0x12a: {  	s24 =	simm.s32 $0x32;
	s31 =	simm.s32 $0x30;
	v17 =	vmul.f32 v26, v18;
	[tilespmem:s26+$0x2600] =	vst v16;
	v16 =	vmul.f32 v18, v25;
	v18 =	vxor.u32 v30, v22  }
0x12b: {  	s25 =	simm.s32 $0x62;
	s23 =	simm.s32 $0x0;
	s22 =	simm.s32 $0x0;
	v20 =	vpsel p0, v21, v20;
	v19 =	vadd.s32 s31, v1;
	[tilespmem:s28+$0x14600] =	vst v32;
	v18 =	vand.u32 $0x7FFFF, v18  }
.LBB2_6:
0x12c: {  	s23 =	sadd.s32 $0x40, s23  }
0x12d: {  	v19 =	vand.u32 $0xFF8, v19;
	[tilespmem:s26+$0x2800] =	vst v20;
	v20 =	vadd.s32 v7, v13;
	s22 =	sadd.s32 $0x10, s22;
	s31 =	smov.u32 s25;
	s30 =	sadd.s32 $0x30, s25  }
0x12e: {  	p1 =	sne.s32 s25, $0x5D2;
	s25 =	sadd.s32 $0xFFFFFFFF, s24;
	v19 =	vor.u32 v2, v19;
	[tilespmem:s28+$0x14800] =	vst v17;
	v15 =	vpsel p0, v20, v15  }
0x12f: {  	v13 =	vadd.s32 v6, v13;
	v17 =	vadd.s32 s25, v1;
	[tilespmem:s26+$0x2A00] =	vst v15;
	v15 =	vor.u32 v5, v18  }
0x130: {  	v18 =	vadd.s32 s24, v1;
	s24 =	smov.u32 s31;
	[tilespmem:s28+$0x14A00] =	vst v16;
	v13 =	vpsel p0, v13, v15  }
0x131: {  	[tilespmem:s26+$0x2C00] =	vst v13  }
0x132: {  	[tilespmem:s28+$0x14C00] =	vst v14  }
0x133: {  	v13 =	vld.idx.msk [tilespmem:v19+s2+$0x0], $0xffff  }
0x134: {  	v14 =	vld.idx.msk [tilespmem:v17+s2+$0x0], $0xffff  }
0x135: {  	v15 =	vld.idx.msk [tilespmem:v18+s2+$0x0], $0xffff;
	_ =	sdelay $0x3  }
0x136: {  	v13 =	vmul.f32 v13, v12  }
0x137: {  	v14 =	vmul.f32 v14, v12  }
0x138: {  	v16 =	vtrunc.f32 v13;
	v15 =	vmul.f32 v15, v12  }
0x139: {  	v16 =	vcvt.f32.s32 v16;
	v17 =	vtrunc.f32 v14  }
0x13a: {  	v17 =	vcvt.f32.s32 v17;
	v18 =	vtrunc.f32 v15  }
0x13b: {  	v18 =	vcvt.f32.s32 v18;
	v19 =	vcvt.s32.f32 v16;
	v20 =	vadd.s32 v16, v5  }
0x13c: {  	v21 =	vcvt.s32.f32 v17;
	v22 =	vmul.u32 $0x9E3779B1, v17;
	v17 =	vmul.u32 v17, v11  }
0x13d: {  	v23 =	vadd.s32 $0x1, v16;
	v19 =	vsub.f32 v13, v19;
	v13 =	vmul.u32 v18, v8  }
0x13e: {  	v14 =	vsub.f32 v14, v21;
	v21 =	vmul.u32 $0x30025795, v18;
	v17 =	vadd.s32 v17, v20  }
0x13f: {  	v20 =	vxor.u32 v16, v22;
	v24 =	vxor.u32 v23, v22  }
0x140: {  	v25 =	vsub.f32 $1.000000000e+00, v19;
	v26 =	vsub.f32 $1.000000000e+00, v14;
	v27 =	vxor.u32 v21, v24  }
0x141: {  	v18 =	vcvt.s32.f32 v18;
	v28 =	vxor.u32 v21, v20;
	v27 =	vand.u32 $0x7FFFF, v27  }
0x142: {  	v28 =	vand.u32 $0x7FFFF, v28;
	v29 =	vmul.f32 v26, v25;
	v26 =	vmul.f32 v26, v19  }
0x143: {  	v13 =	vadd.s32 v13, v17;
	v30 =	vadd.s32 $0x30025795, v21;
	v25 =	vmul.f32 v14, v25  }
0x144: {  	v18 =	vsub.f32 v15, v18;
	v17 =	vadd.s32 v11, v13;
	v15 =	vor.u32 v5, v28  }
0x145: {  	v22 =	vadd.s32 $0x9E3779B1, v22;
	v28 =	vadd.s32 $0x1, v13;
	v15 =	vpsel p0, v13, v15  }
0x146: {  	s25 =	sshrl.u32 s23, $0x2;
	v16 =	vxor.u32 v16, v22;
	v31 =	vsub.f32 $1.000000000e+00, v18;
	v32 =	vmul.f32 v29, v18  }
0x147: {  	s25 =	sand.u32 $0x180, s25;
	s26 =	sand.u32 $0x70, s22;
	v22 =	vxor.u32 v23, v22;
	v33 =	vxor.u32 v21, v16;
	v27 =	vor.u32 v5, v27  }
0x148: {  	s26 =	sor.u32 s26, s25;
	v33 =	vand.u32 $0x7FFFF, v33;
	v23 =	vmul.f32 v31, v29;
	v29 =	vmul.f32 v31, v26  }
0x149: {  	s28 =	sshra.s32 s23, $0x2;
	v21 =	vxor.u32 v21, v22;
	[tilespmem:s26+$0x1E00] =	vst v15;
	v15 =	vor.u32 v5, v33;
	v33 =	vmul.f32 v31, v25  }
0x14a: {  	[tilespmem:s28+$0x13E00] =	vst v23;
	v23 =	vpsel p0, v28, v27;
	v15 =	vpsel p0, v17, v15;
	v17 =	vand.u32 $0x7FFFF, v21  }
0x14b: {  	v20 =	vxor.u32 v20, v30;
	v16 =	vxor.u32 v30, v16;
	v21 =	vxor.u32 v24, v30;
	[tilespmem:s26+$0x2000] =	vst v23  }
0x14c: {  	v14 =	vmul.f32 v14, v19;
	v19 =	vand.u32 $0x7FFFF, v20;
	v16 =	vand.u32 $0x7FFFF, v16;
	[tilespmem:s28+$0x14000] =	vst v29  }
0x14d: {  	v20 =	vadd.s32 v10, v13;
	v17 =	vor.u32 v5, v17;
	[tilespmem:s26+$0x2200] =	vst v15;
	v15 =	vor.u32 v5, v16  }
.Ltmp1:
0x14e: {  	v16 =	vpsel p0, v20, v17;
	v17 =	vmul.f32 v31, v14;
	v20 =	vand.u32 $0x7FFFF, v21;
	[tilespmem:s28+$0x14200] =	vst v33;
	(pc) =	sbr.rel @p1 .LBB2_6-.Ltmp1, $4  }
0x14f: {  	v14 =	vmul.f32 v18, v14;
	[tilespmem:s26+$0x2400] =	vst v16;
	v16 =	vor.u32 v5, v19;
	v19 =	vadd.s32 v8, v13  }
0x150: {  	v20 =	vor.u32 v5, v20;
	[tilespmem:s28+$0x14400] =	vst v17;
	v16 =	vpsel p0, v19, v16;
	v17 =	vmul.f32 v26, v18  }
0x151: {  	s25 =	sadd.s32 $0xFFFFFFFE, s24;
	v21 =	vadd.s32 v9, v13;
	[tilespmem:s26+$0x2600] =	vst v16;
	v16 =	vmul.f32 v18, v25;
	v18 =	vxor.u32 v30, v22  }
0x152: {  	v20 =	vpsel p0, v21, v20;
	v19 =	vadd.s32 s25, v1;
	s25 =	smov.u32 s30;
	[tilespmem:s28+$0x14600] =	vst v32;
	v18 =	vand.u32 $0x7FFFF, v18  }
0x153: {  	v19 =	vand.u32 $0xFF8, v19;
	[tilespmem:s26+$0x2800] =	vst v20;
	v20 =	vadd.s32 v7, v13  }
0x154: {  	s25 =	sadd.s32 $0xFFFFFFFF, s24;
	v19 =	vor.u32 v2, v19;
	[tilespmem:s28+$0x14800] =	vst v17;
	v15 =	vpsel p0, v20, v15  }
0x155: {  	v13 =	vadd.s32 v6, v13;
	v17 =	vadd.s32 s25, v1;
	[tilespmem:s26+$0x2A00] =	vst v15;
	v15 =	vor.u32 v5, v18  }
0x156: {  	v18 =	vadd.s32 s24, v1;
	[tilespmem:s28+$0x14A00] =	vst v16;
	v13 =	vpsel p0, v13, v15  }
0x157: {  	[tilespmem:s26+$0x2C00] =	vst v13  }
0x158: {  	[tilespmem:s28+$0x14C00] =	vst v14  }
0x159: {  	v13 =	vld.idx.msk [tilespmem:v19+s2+$0x0], $0xffff  }
0x15a: {  	v14 =	vld.idx.msk [tilespmem:v17+s2+$0x0], $0xffff  }
0x15b: {  	v15 =	vld.idx.msk [tilespmem:v18+s2+$0x0], $0xffff;
	_ =	sdelay $0x2  }
0x15c: {  	v13 =	vmul.f32 v13, v12  }
0x15d: {  	v14 =	vmul.f32 v14, v12  }
0x15e: {  	v12 =	vmul.f32 v15, v12;
	v16 =	vtrunc.f32 v13  }
0x15f: {  	v15 =	vcvt.f32.s32 v16;
	v16 =	vtrunc.f32 v14  }
0x160: {  	v17 =	vtrunc.f32 v12;
	v16 =	vcvt.f32.s32 v16  }
0x161: {  	v17 =	vcvt.f32.s32 v17;
	v18 =	vcvt.s32.f32 v15  }
0x162: {  	v19 =	vadd.s32 v15, v5;
	v20 =	vcvt.s32.f32 v16;
	v21 =	vmul.u32 $0x9E3779B1, v16  }
0x163: {  	v16 =	vmul.u32 v16, v11;
	v22 =	vmul.u32 v17, v8;
	v13 =	vsub.f32 v13, v18  }
0x164: {  	v18 =	vadd.s32 $0x1, v15;
	v14 =	vsub.f32 v14, v20;
	v20 =	vmul.u32 $0x30025795, v17  }
0x165: {  	v23 =	vxor.u32 v15, v21;
	v24 =	vxor.u32 v18, v21;
	v17 =	vcvt.s32.f32 v17  }
0x166: {  	v16 =	vadd.s32 v16, v19;
	v21 =	vadd.s32 $0x9E3779B1, v21;
	v25 =	vsub.f32 $1.000000000e+00, v13  }
0x167: {  	v16 =	vadd.s32 v22, v16;
	v15 =	vxor.u32 v15, v21;
	v18 =	vxor.u32 v18, v21  }
0x168: {  	v26 =	vsub.f32 $1.000000000e+00, v14;
	v19 =	vxor.u32 v20, v23;
	v12 =	vsub.f32 v12, v17  }
0x169: {  	s23 =	sadd.s32 $0x40, s23;
	v27 =	vxor.u32 v20, v24;
	v11 =	vadd.s32 v11, v16;
	v19 =	vand.u32 $0x7FFFF, v19  }
0x16a: {  	s22 =	sadd.s32 $0x10, s22;
	s26 =	sshrl.u32 s23, $0x2;
	v22 =	vmul.f32 v14, v25;
	v28 =	vmul.f32 v26, v25;
	v25 =	vsub.f32 $1.000000000e+00, v12  }
0x16b: {  	s22 =	sand.u32 $0x70, s22;
	s24 =	sand.u32 $0x180, s26;
	v31 =	vxor.u32 v20, v15;
	v27 =	vand.u32 $0x7FFFF, v27;
	v19 =	vor.u32 v5, v19  }
0x16c: {  	s22 =	sor.u32 s22, s24;
	v17 =	vmul.f32 v26, v13;
	v19 =	vpsel p0, v16, v19;
	v30 =	vmul.f32 v25, v28  }
0x16d: {  	s23 =	sshra.s32 s23, $0x2;
	v29 =	vadd.s32 $0x1, v16;
	v21 =	vand.u32 $0x7FFFF, v31;
	v27 =	vor.u32 v5, v27;
	[tilespmem:s22+$0x1E00] =	vst v19  }
0x16e: {  	v26 =	vadd.s32 $0x30025795, v20;
	v27 =	vpsel p0, v29, v27;
	v19 =	vmul.f32 v25, v17;
	[tilespmem:s23+$0x13E00] =	vst v30  }
0x16f: {  	v21 =	vor.u32 v5, v21;
	v20 =	vxor.u32 v20, v18;
	v13 =	vmul.f32 v14, v13;
	[tilespmem:s22+$0x2000] =	vst v27  }
0x170: {  	v11 =	vpsel p0, v11, v21;
	v20 =	vand.u32 $0x7FFFF, v20;
	v29 =	vmul.f32 v25, v22;
	[tilespmem:s23+$0x14000] =	vst v19  }
0x171: {  	v10 =	vadd.s32 v10, v16;
	v14 =	vxor.u32 v23, v26;
	[tilespmem:s22+$0x2200] =	vst v11;
	v11 =	vor.u32 v5, v20  }
0x172: {  	v14 =	vand.u32 $0x7FFFF, v14;
	[tilespmem:s23+$0x14200] =	vst v29;
	v10 =	vpsel p0, v10, v11;
	v11 =	vmul.f32 v25, v13  }
0x173: {  	v8 =	vadd.s32 v8, v16;
	v19 =	vxor.u32 v24, v26;
	[tilespmem:s22+$0x2400] =	vst v10;
	v10 =	vor.u32 v5, v14  }
0x174: {  	v19 =	vand.u32 $0x7FFFF, v19;
	v14 =	vmul.f32 v28, v12;
	[tilespmem:s23+$0x14400] =	vst v11;
	v8 =	vpsel p0, v8, v10  }
0x175: {  	v10 =	vxor.u32 v26, v15;
	v11 =	vor.u32 v5, v19;
	[tilespmem:s22+$0x2600] =	vst v8;
	v8 =	vadd.s32 v9, v16  }
0x176: {  	v9 =	vand.u32 $0x7FFFF, v10;
	v10 =	vmul.f32 v17, v12;
	[tilespmem:s23+$0x14600] =	vst v14;
	v8 =	vpsel p0, v8, v11  }
0x177: {  	v7 =	vadd.s32 v7, v16;
	v9 =	vor.u32 v5, v9;
	v11 =	vxor.u32 v26, v18;
	[tilespmem:s22+$0x2800] =	vst v8  }
0x178: {  	v8 =	vmul.f32 v12, v22;
	v11 =	vand.u32 $0x7FFFF, v11;
	v7 =	vpsel p0, v7, v9;
	[tilespmem:s23+$0x14800] =	vst v10  }
0x179: {  	v6 =	vadd.s32 v6, v16;
	v5 =	vor.u32 v5, v11;
	[tilespmem:s22+$0x2A00] =	vst v7  }
0x17a: {  	v7 =	vmul.f32 v12, v13;
	v5 =	vpsel p0, v6, v5;
	[tilespmem:s23+$0x14A00] =	vst v8  }
0x17b: {  	[tilespmem:s22+$0x2C00] =	vst v5  }
0x17c: {  	s28 =	simm.s32 $0x1E00;
	[tilespmem:s23+$0x14C00] =	vst v7  }
0x17d: {  	[tilespmem:s29], [sflag:$0x2] =	stream.indirect.gather [hbm4b:s3+s14], $0x8, s28, s14, $0xb8;
	[tilespmem:$0x18E10] =	vst v63  }
0x17e: {  	s30 =	simm.s32 $0x1E80;
	s31 =	simm.s32 $0xB200  }
0x17f: {  	[tilespmem:s31], [sflag:$0x2] =	stream.indirect.gather [hbm4b:s3+s14], $0x8, s30, s14, $0xb8;
	[tilespmem:$0x18E10] =	vst v63  }
0x180: {  	s25 =	simm.s32 $0xB600;
	s24 =	simm.s32 $0x1F00  }
0x181: {  	[tilespmem:s25], [sflag:$0x2] =	stream.indirect.gather [hbm4b:s3+s14], $0x8, s24, s14, $0xb8;
	[tilespmem:$0x18E10] =	vst v63  }
0x182: {  	s26 =	simm.s32 $0x1F80;
	s28 =	simm.s32 $0xBA00  }
0x183: {  	[tilespmem:s28], [sflag:$0x2] =	stream.indirect.gather [hbm4b:s3+s14], $0x8, s26, s14, $0xb8;
	[tilespmem:$0x18E10] =	vst v63  }
0x184: {  	s30 =	simm.s32 $0x2000;
	s31 =	simm.s32 $0xBE00  }
0x185: {  	[tilespmem:s31], [sflag:$0x2] =	stream.indirect.gather [hbm4b:s3+s14], $0x8, s30, s14, $0xb8;
	[tilespmem:$0x18E10] =	vst v63  }
0x186: {  	s24 =	simm.s32 $0x2080;
	s25 =	simm.s32 $0xC200  }
0x187: {  	[tilespmem:s25], [sflag:$0x2] =	stream.indirect.gather [hbm4b:s3+s14], $0x8, s24, s14, $0xb8;
	[tilespmem:$0x18E10] =	vst v63  }
0x188: {  	s26 =	simm.s32 $0x2100;
	s28 =	simm.s32 $0xC600  }
0x189: {  	[tilespmem:s28], [sflag:$0x2] =	stream.indirect.gather [hbm4b:s3+s14], $0x8, s26, s14, $0xb8;
	[tilespmem:$0x18E10] =	vst v63  }
0x18a: {  	s30 =	simm.s32 $0x2180;
	s31 =	simm.s32 $0xCA00  }
0x18b: {  	[tilespmem:s31], [sflag:$0x2] =	stream.indirect.gather [hbm4b:s3+s14], $0x8, s30, s14, $0xb8;
	[tilespmem:$0x18E10] =	vst v63  }
0x18c: {  	s24 =	simm.s32 $0x2200;
	s25 =	simm.s32 $0xCE00  }
0x18d: {  	[tilespmem:s25], [sflag:$0x2] =	stream.indirect.gather [hbm4b:s3+s14], $0x8, s24, s14, $0xb8;
	[tilespmem:$0x18E10] =	vst v63  }
0x18e: {  	s26 =	simm.s32 $0x2280;
	s28 =	simm.s32 $0xD200  }
0x18f: {  	[tilespmem:s28], [sflag:$0x2] =	stream.indirect.gather [hbm4b:s3+s14], $0x8, s26, s14, $0xb8;
	[tilespmem:$0x18E10] =	vst v63  }
0x190: {  	s30 =	simm.s32 $0x2300;
	s31 =	simm.s32 $0xD600  }
0x191: {  	[tilespmem:s31], [sflag:$0x2] =	stream.indirect.gather [hbm4b:s3+s14], $0x8, s30, s14, $0xb8;
	[tilespmem:$0x18E10] =	vst v63  }
0x192: {  	s24 =	simm.s32 $0x2380;
	s25 =	simm.s32 $0xDA00  }
0x193: {  	[tilespmem:s25], [sflag:$0x2] =	stream.indirect.gather [hbm4b:s3+s14], $0x8, s24, s14, $0xb8;
	[tilespmem:$0x18E10] =	vst v63  }
0x194: {  	s26 =	simm.s32 $0x2400;
	s28 =	simm.s32 $0xDE00  }
0x195: {  	[tilespmem:s28], [sflag:$0x2] =	stream.indirect.gather [hbm4b:s3+s14], $0x8, s26, s14, $0xb8;
	[tilespmem:$0x18E10] =	vst v63  }
0x196: {  	s30 =	simm.s32 $0x2480;
	s31 =	simm.s32 $0xE200  }
0x197: {  	[tilespmem:s31], [sflag:$0x2] =	stream.indirect.gather [hbm4b:s3+s14], $0x8, s30, s14, $0xb8;
	[tilespmem:$0x18E10] =	vst v63  }
0x198: {  	s24 =	simm.s32 $0x2500;
	s25 =	simm.s32 $0xE600  }
0x199: {  	[tilespmem:s25], [sflag:$0x2] =	stream.indirect.gather [hbm4b:s3+s14], $0x8, s24, s14, $0xb8;
	[tilespmem:$0x18E10] =	vst v63  }
0x19a: {  	s26 =	simm.s32 $0x2580;
	s28 =	simm.s32 $0xEA00  }
0x19b: {  	[tilespmem:s28], [sflag:$0x2] =	stream.indirect.gather [hbm4b:s3+s14], $0x8, s26, s14, $0xb8;
	[tilespmem:$0x18E10] =	vst v63  }
0x19c: {  	s30 =	simm.s32 $0x2600;
	s31 =	simm.s32 $0xEE00  }
0x19d: {  	[tilespmem:s31], [sflag:$0x2] =	stream.indirect.gather [hbm4b:s3+s14], $0x8, s30, s14, $0xb8;
	[tilespmem:$0x18E10] =	vst v63  }
0x19e: {  	s24 =	simm.s32 $0x2680;
	s25 =	simm.s32 $0xF200  }
0x19f: {  	[tilespmem:s25], [sflag:$0x2] =	stream.indirect.gather [hbm4b:s3+s14], $0x8, s24, s14, $0xb8;
	[tilespmem:$0x18E10] =	vst v63  }
0x1a0: {  	s26 =	simm.s32 $0x2700;
	s28 =	simm.s32 $0xF600  }
0x1a1: {  	[tilespmem:s28], [sflag:$0x2] =	stream.indirect.gather [hbm4b:s3+s14], $0x8, s26, s14, $0xb8;
	[tilespmem:$0x18E10] =	vst v63  }
0x1a2: {  	s30 =	simm.s32 $0x2780;
	s31 =	simm.s32 $0xFA00  }
0x1a3: {  	[tilespmem:s31], [sflag:$0x2] =	stream.indirect.gather [hbm4b:s3+s14], $0x8, s30, s14, $0xb8;
	[tilespmem:$0x18E10] =	vst v63  }
0x1a4: {  	s24 =	simm.s32 $0x2800;
	s25 =	simm.s32 $0xFE00  }
0x1a5: {  	[tilespmem:s25], [sflag:$0x2] =	stream.indirect.gather [hbm4b:s3+s14], $0x8, s24, s14, $0xb8;
	[tilespmem:$0x18E10] =	vst v63  }
0x1a6: {  	s26 =	simm.s32 $0x2880;
	s28 =	simm.s32 $0x10200  }
0x1a7: {  	[tilespmem:s28], [sflag:$0x2] =	stream.indirect.gather [hbm4b:s3+s14], $0x8, s26, s14, $0xb8;
	[tilespmem:$0x18E10] =	vst v63  }
0x1a8: {  	s30 =	simm.s32 $0x2900;
	s31 =	simm.s32 $0x10600  }
0x1a9: {  	[tilespmem:s31], [sflag:$0x2] =	stream.indirect.gather [hbm4b:s3+s14], $0x8, s30, s14, $0xb8;
	[tilespmem:$0x18E10] =	vst v63  }
0x1aa: {  	s24 =	simm.s32 $0x2980;
	s25 =	simm.s32 $0x10A00  }
0x1ab: {  	[tilespmem:s25], [sflag:$0x2] =	stream.indirect.gather [hbm4b:s3+s14], $0x8, s24, s14, $0xb8;
	[tilespmem:$0x18E10] =	vst v63  }
0x1ac: {  	s26 =	simm.s32 $0x2A00;
	s28 =	simm.s32 $0x10E00  }
0x1ad: {  	[tilespmem:s28], [sflag:$0x2] =	stream.indirect.gather [hbm4b:s3+s14], $0x8, s26, s14, $0xb8;
	[tilespmem:$0x18E10] =	vst v63  }
0x1ae: {  	s30 =	simm.s32 $0x2A80;
	s31 =	simm.s32 $0x11200  }
0x1af: {  	[tilespmem:s31], [sflag:$0x2] =	stream.indirect.gather [hbm4b:s3+s14], $0x8, s30, s14, $0xb8;
	[tilespmem:$0x18E10] =	vst v63  }
0x1b0: {  	s24 =	simm.s32 $0x2B00;
	s25 =	simm.s32 $0x11600  }
0x1b1: {  	[tilespmem:s25], [sflag:$0x2] =	stream.indirect.gather [hbm4b:s3+s14], $0x8, s24, s14, $0xb8;
	[tilespmem:$0x18E10] =	vst v63  }
0x1b2: {  	_ = 	snop  }
0x1b3: {  	[tilespmem:s1], [sflag:$0x2] =	stream.indirect.gather [hbm4b:s3+s14], $0x8, s0, s14, $0xb8;
	[tilespmem:$0x18E10] =	vst v63  }
0x1b4: {  	_ = 	snop  }
0x1b5: {  	[tilespmem:s5], [sflag:$0x2] =	stream.indirect.gather [hbm4b:s3+s14], $0x8, s11, s14, $0xb8;
	[tilespmem:$0x18E10] =	vst v63  }
0x1b6: {  	_ = 	snop  }
0x1b7: {  	[tilespmem:s10], [sflag:$0x2] =	stream.indirect.gather [hbm4b:s3+s14], $0x8, s6, s14, $0xb8;
	[tilespmem:$0x18E10] =	vst v63  }
0x1b8: {  	_ = 	snop  }
0x1b9: {  	[tilespmem:s7], [sflag:$0x2] =	stream.indirect.gather [hbm4b:s3+s14], $0x8, s4, s14, $0xb8;
	[tilespmem:$0x18E10] =	vst v63  }
0x1ba: {  	_ = 	snop  }
0x1bb: {  	[tilespmem:s9], [sflag:$0x2] =	stream.indirect.gather [hbm4b:s3+s14], $0x8, s8, s14, $0xb8;
	[tilespmem:$0x18E10] =	vst v63  }
0x1bc: {  	_ =	swait.ge [sflag:s12], $0x400  }
0x1bd: {  	[sflag:s12] =	ssyncset.done $0x0  }
0x1be: {  	[sflag:s12] =	ssyncadd.s32 $0xFFFFFC00  }
0x1bf: {  	_ =	swait.ge [sflag:s12], $0x400  }
0x1c0: {  	[sflag:s12] =	ssyncset.done $0x0  }
0x1c1: {  	[sflag:s12] =	ssyncadd.s32 $0xFFFFFC00  }
0x1c2: {  	_ =	swait.ge [sflag:s12], $0x400  }
0x1c3: {  	[sflag:s12] =	ssyncset.done $0x0  }
0x1c4: {  	[sflag:s12] =	ssyncadd.s32 $0xFFFFFC00  }
0x1c5: {  	_ =	swait.ge [sflag:s12], $0x400  }
0x1c6: {  	[sflag:s12] =	ssyncset.done $0x0  }
0x1c7: {  	[sflag:s12] =	ssyncadd.s32 $0xFFFFFC00  }
0x1c8: {  	_ =	swait.ge [sflag:s12], $0x400  }
0x1c9: {  	[sflag:s12] =	ssyncset.done $0x0  }
0x1ca: {  	[sflag:s12] =	ssyncadd.s32 $0xFFFFFC00  }
0x1cb: {  	_ =	swait.ge [sflag:s12], $0x400  }
0x1cc: {  	[sflag:s12] =	ssyncset.done $0x0  }
0x1cd: {  	[sflag:s12] =	ssyncadd.s32 $0xFFFFFC00  }
0x1ce: {  	_ =	swait.ge [sflag:s12], $0x400  }
0x1cf: {  	[sflag:s12] =	ssyncset.done $0x0  }
0x1d0: {  	[sflag:s12] =	ssyncadd.s32 $0xFFFFFC00  }
0x1d1: {  	_ =	swait.ge [sflag:s12], $0x400  }
0x1d2: {  	[sflag:s12] =	ssyncset.done $0x0  }
0x1d3: {  	[sflag:s12] =	ssyncadd.s32 $0xFFFFFC00  }
0x1d4: {  	_ =	swait.ge [sflag:s12], $0x400  }
0x1d5: {  	[sflag:s12] =	ssyncset.done $0x0  }
0x1d6: {  	[sflag:s12] =	ssyncadd.s32 $0xFFFFFC00  }
0x1d7: {  	_ =	swait.ge [sflag:s12], $0x400  }
0x1d8: {  	[sflag:s12] =	ssyncset.done $0x0  }
0x1d9: {  	[sflag:s12] =	ssyncadd.s32 $0xFFFFFC00  }
0x1da: {  	_ =	swait.ge [sflag:s12], $0x400  }
0x1db: {  	[sflag:s12] =	ssyncset.done $0x0  }
0x1dc: {  	[sflag:s12] =	ssyncadd.s32 $0xFFFFFC00  }
0x1dd: {  	_ =	swait.ge [sflag:s12], $0x400  }
0x1de: {  	[sflag:s12] =	ssyncset.done $0x0  }
0x1df: {  	[sflag:s12] =	ssyncadd.s32 $0xFFFFFC00  }
0x1e0: {  	_ =	swait.ge [sflag:s12], $0x400  }
0x1e1: {  	[sflag:s12] =	ssyncset.done $0x0  }
0x1e2: {  	[sflag:s12] =	ssyncadd.s32 $0xFFFFFC00  }
0x1e3: {  	_ =	swait.ge [sflag:s12], $0x400  }
0x1e4: {  	[sflag:s12] =	ssyncset.done $0x0  }
0x1e5: {  	[sflag:s12] =	ssyncadd.s32 $0xFFFFFC00  }
0x1e6: {  	_ =	swait.ge [sflag:s12], $0x400  }
0x1e7: {  	[sflag:s12] =	ssyncset.done $0x0  }
0x1e8: {  	[sflag:s12] =	ssyncadd.s32 $0xFFFFFC00  }
0x1e9: {  	_ =	swait.ge [sflag:s12], $0x400  }
0x1ea: {  	[sflag:s12] =	ssyncset.done $0x0  }
0x1eb: {  	[sflag:s12] =	ssyncadd.s32 $0xFFFFFC00  }
0x1ec: {  	_ =	swait.ge [sflag:s12], $0x400  }
0x1ed: {  	[sflag:s12] =	ssyncset.done $0x0  }
0x1ee: {  	[sflag:s12] =	ssyncadd.s32 $0xFFFFFC00  }
0x1ef: {  	_ =	swait.ge [sflag:s12], $0x400  }
0x1f0: {  	[sflag:s12] =	ssyncset.done $0x0  }
0x1f1: {  	[sflag:s12] =	ssyncadd.s32 $0xFFFFFC00  }
0x1f2: {  	_ =	swait.ge [sflag:s12], $0x400  }
0x1f3: {  	[sflag:s12] =	ssyncset.done $0x0  }
0x1f4: {  	[sflag:s12] =	ssyncadd.s32 $0xFFFFFC00  }
0x1f5: {  	_ =	swait.ge [sflag:s12], $0x400  }
0x1f6: {  	[sflag:s12] =	ssyncset.done $0x0  }
0x1f7: {  	[sflag:s12] =	ssyncadd.s32 $0xFFFFFC00  }
0x1f8: {  	_ =	swait.ge [sflag:s12], $0x400  }
0x1f9: {  	[sflag:s12] =	ssyncset.done $0x0  }
0x1fa: {  	[sflag:s12] =	ssyncadd.s32 $0xFFFFFC00  }
0x1fb: {  	_ =	swait.ge [sflag:s12], $0x400  }
0x1fc: {  	[sflag:s12] =	ssyncset.done $0x0  }
0x1fd: {  	[sflag:s12] =	ssyncadd.s32 $0xFFFFFC00  }
0x1fe: {  	_ =	swait.ge [sflag:s12], $0x400  }
0x1ff: {  	[sflag:s12] =	ssyncset.done $0x0  }
0x200: {  	[sflag:s12] =	ssyncadd.s32 $0xFFFFFC00  }
0x201: {  	_ =	swait.ge [sflag:s12], $0x400  }
0x202: {  	[sflag:s12] =	ssyncset.done $0x0  }
0x203: {  	[sflag:s12] =	ssyncadd.s32 $0xFFFFFC00  }
0x204: {  	_ =	swait.ge [sflag:s12], $0x400  }
0x205: {  	[sflag:s12] =	ssyncset.done $0x0  }
0x206: {  	[sflag:s12] =	ssyncadd.s32 $0xFFFFFC00  }
0x207: {  	_ =	swait.ge [sflag:s12], $0x400  }
0x208: {  	[sflag:s12] =	ssyncset.done $0x0  }
0x209: {  	[sflag:s12] =	ssyncadd.s32 $0xFFFFFC00  }
0x20a: {  	_ =	swait.ge [sflag:s12], $0x400  }
0x20b: {  	[sflag:s12] =	ssyncset.done $0x0  }
0x20c: {  	[sflag:s12] =	ssyncadd.s32 $0xFFFFFC00  }
0x20d: {  	_ =	swait.ge [sflag:s12], $0x400  }
0x20e: {  	[sflag:s12] =	ssyncset.done $0x0  }
0x20f: {  	[sflag:s12] =	ssyncadd.s32 $0xFFFFFC00  }
0x210: {  	_ =	swait.ge [sflag:s12], $0x400  }
0x211: {  	[sflag:s12] =	ssyncset.done $0x0  }
0x212: {  	[sflag:s12] =	ssyncadd.s32 $0xFFFFFC00  }
0x213: {  	s26 =	simm.s32 $0xA00;
	s28 =	simm.s32 $0xC00;
	_ =	swait.ge [sflag:s12], $0x400  }
0x214: {  	v5 =	vmov s26;
	v6 =	vmov s28;
	s26 =	simm.s32 $0x400;
	[sflag:s12] =	ssyncset.done $0x0  }
0x215: {  	s31 =	simm.s32 $0x800;
	v6 =	vshll.u32 v6, $0x3;
	v13 =	vmov s26;
	[sflag:s12] =	ssyncadd.s32 $0xFFFFFC00  }
0x216: {  	v5 =	vshll.u32 v5, $0x3;
	v9 =	vmov s31;
	v8 =	vor.u32 v4, v6;
	_ =	swait.ge [sflag:s12], $0x400  }
0x217: {  	s30 =	simm.s32 $0x600;
	v10 =	vor.u32 v4, v5;
	v6 =	vshll.u32 v9, $0x3;
	v5 =	vor.u32 $0x7, v8;
	[sflag:s12] =	ssyncset.done $0x0  }
0x218: {  	v7 =	vmov s30;
	v12 =	vor.u32 v4, v6;
	v6 =	vor.u32 $0x7, v10;
	[sflag:s12] =	ssyncadd.s32 $0xFFFFFC00  }
0x219: {  	s25 =	simm.s32 $0x200;
	v7 =	vshll.u32 v7, $0x3;
	v9 =	vshll.u32 v13, $0x3;
	_ =	swait.ge [sflag:s12], $0x400  }
0x21a: {  	v11 =	vmov s25;
	v31 =	vor.u32 v4, v9;
	v13 =	vor.u32 $0x7, v12;
	[sflag:s12] =	ssyncset.done $0x0  }
0x21b: {  	s28 =	sshll.u32 s19, $0x2;
	s31 =	simm.s32 $0x0;
	v16 =	vor.u32 v4, v7;
	v7 =	vshll.u32 v11, $0x3;
	v15 =	vor.u32 $0x7, v31;
	[sflag:s12] =	ssyncadd.s32 $0xFFFFFC00  }
0x21c: {  	s30 =	sor.u32 $0x1, s28;
	v17 =	vor.u32 s31, v0;
	v14 =	vor.u32 $0x7, v16;
	v37 =	vor.u32 v4, v7;
	v7 =	vld.idx.msk [tilespmem:v5+s16+$0x0], $0xffff  }
0x21d: {  	v25 =	vshll.u32 v17, $0x3;
	v9 =	vld.idx.msk [tilespmem:v6+s16+$0x0], $0xffff;
	v5 =	vmov s28;
	v6 =	vmov s30  }
0x21e: {  	v20 =	vor.u32 $0x7, v37;
	v5 =	vand.u32 $0x1C, v5;
	v18 =	vand.u32 $0x1D, v6  }
0x21f: {  	v11 =	vld.idx.msk [tilespmem:v13+s16+$0x0], $0xffff;
	v6 =	vbroadcast v5, $0x0;
	v5 =	vbroadcast v18, $0x0;
	v18 =	vor.u32 $0x7, v25  }
0x220: {  	v19 =	vld.idx.msk [tilespmem:v15+s16+$0x0], $0xffff;
	v15 =	vor.u32 $0x4, v25  }
0x221: {  	v13 =	vld.idx.msk [tilespmem:v14+s16+$0x0], $0xffff;
	v14 =	vor.u32 $0x2, v25  }
0x222: {  	s22 =	simm.s32 $0x0  }
0x223: {  	s23 =	simm.s32 $0xE00;
	v23 =	vor.u32 s22, v3;
	s24 =	simm.s32 $0xE10;
	v33 =	vld.idx.msk [tilespmem:v20+s16+$0x0], $0xffff  }
.LBB2_8:
0x224: {  	p0 =	sne.s32 s24, $0xFF0;
	s25 =	sadd.s32 $0x1, s22;
	v40 =	vld.idx.msk [tilespmem:v18+s16+$0x0], $0xffff;
	v18 =	vmov s23;
	s23 =	smov.u32 s24  }
0x225: {  	s26 =	sadd.s32 $0xFFFFFC00, s24;
	s28 =	sadd.s32 $0xFFFFFE00, s24;
	v24 =	vor.u32 s25, v3;
	v41 =	vld.idx.msk [tilespmem:v15+s16+$0x0], $0xffff;
	v26 =	vshll.u32 v18, $0x3  }
0x226: {  	s30 =	sadd.s32 $0xFFFFFA00, s24;
	v27 =	vor.u32 $0x1, v25;
	s25 =	sadd.s32 $0xFFFFF800, s24;
	v21 =	vmov s26;
	v22 =	vmov s28;
	s26 =	sadd.s32 $0x2, s22;
	v42 =	vld.idx.msk [tilespmem:v14+s16+$0x0], $0xffff  }
0x227: {  	s31 =	sadd.s32 $0xFFFFF600, s24;
	s28 =	sadd.s32 $0xFFFFF400, s24;
	v20 =	vmov s30;
	v18 =	vmov s25;
	v34 =	vor.u32 s26, v3;
	v43 =	vld.idx.msk [tilespmem:v25+s16+$0x0], $0xffff  }
0x228: {  	v38 =	vor.u32 $0x3, v25;
	v15 =	vmov s31;
	v14 =	vmov s28;
	s26 =	sadd.s32 $0x3, s22;
	s25 =	sshra.s32 s22, $0x2;
	v23 =	vld.idx.msk [tilespmem:v23+s13+$0x0], $0xffff  }
0x229: {  	v17 =	vshll.u32 v17, $0x5;
	v29 =	vor.u32 v4, v26;
	v44 =	vor.u32 s26, v3;
	v45 =	vld [tilespmem:s25+$0x12E00]  }
0x22a: {  	v46 =	vor.u32 $0x5, v25;
	v28 =	vor.u32 $0x4, v29;
	v26 =	vor.u32 $0x6, v29;
	v24 =	vld.idx.msk [tilespmem:v24+s13+$0x0], $0xffff  }
0x22b: {  	v48 =	vor.u32 $0x6, v25;
	v32 =	vor.u32 $0x4, v8;
	v30 =	vor.u32 $0x2, v29;
	v47 =	vld.idx.msk [tilespmem:v27+s16+$0x0], $0xffff  }
0x22c: {  	v36 =	vor.u32 $0x2, v10;
	v35 =	vor.u32 $0x4, v10;
	v25 =	vld.idx.msk [tilespmem:v34+s13+$0x0], $0xffff;
	v34 =	vor.u32 $0x2, v8  }
0x22d: {  	v50 =	vor.u32 $0x4, v16;
	v39 =	vor.u32 $0x2, v12;
	v49 =	vld.idx.msk [tilespmem:v38+s16+$0x0], $0xffff;
	v38 =	vor.u32 $0x4, v12  }
0x22e: {  	v51 =	vor.u32 $0x1, v37;
	v52 =	vor.u32 $0x2, v16;
	v27 =	vld.idx.msk [tilespmem:v44+s13+$0x0], $0xffff;
	v44 =	vmul.f32 v45, v23  }
0x22f: {  	v53 =	vor.u32 $0x2, v37;
	v54 =	vor.u32 $0x2, v31;
	v55 =	vor.u32 $0x4, v31;
	v46 =	vld.idx.msk [tilespmem:v46+s16+$0x0], $0xffff  }
0x230: {  	v57 =	vor.u32 $0x3, v37;
	v56 =	vmul.f32 v45, v24;
	v43 =	vmul.f32 v43, v44;
	v48 =	vld.idx.msk [tilespmem:v48+s16+$0x0], $0xffff  }
0x231: {  	v58 =	vor.u32 $0x4, v37;
	v59 =	vor.u32 $0x5, v37;
	v44 =	vmul.f32 v47, v44;
	v47 =	vld [tilespmem:s25+$0x13000]  }
0x232: {  	v60 =	vmul.f32 v45, v25;
	v42 =	vmul.f32 v42, v56;
	v43 =	vadd.f32 $0.0e+00, v43;
	v61 =	vld.idx.msk [tilespmem:v37+s16+$0x0], $0xffff  }
0x233: {  	v44 =	vadd.f32 $0.0e+00, v44;
	v49 =	vmul.f32 v49, v56;
	v37 =	vor.u32 $0x6, v37;
	v51 =	vld.idx.msk [tilespmem:v51+s16+$0x0], $0xffff  }
0x234: {  	v45 =	vmul.f32 v45, v27;
	v41 =	vmul.f32 v41, v60;
	v42 =	vadd.f32 v42, v43;
	v43 =	vld.idx.msk [tilespmem:v53+s16+$0x0], $0xffff  }
0x235: {  	v44 =	vadd.f32 v49, v44;
	v46 =	vmul.f32 v46, v60;
	v53 =	vor.u32 $0x1, v31;
	v49 =	vld.idx.msk [tilespmem:v57+s16+$0x0], $0xffff  }
0x236: {  	v41 =	vadd.f32 v41, v42;
	v42 =	vmul.f32 v48, v45;
	v48 =	vmul.f32 v47, v23;
	v56 =	vld.idx.msk [tilespmem:v58+s16+$0x0], $0xffff  }
0x237: {  	v40 =	vmul.f32 v40, v45;
	v44 =	vadd.f32 v46, v44;
	v46 =	vor.u32 $0x3, v31;
	v45 =	vld.idx.msk [tilespmem:v59+s16+$0x0], $0xffff  }
0x238: {  	v41 =	vadd.f32 v42, v41;
	v42 =	vmul.f32 v47, v24;
	v57 =	vmul.f32 v61, v48;
	v37 =	vld.idx.msk [tilespmem:v37+s16+$0x0], $0xffff  }
0x239: {  	v40 =	vadd.f32 v40, v44;
	v44 =	vmul.f32 v51, v48;
	v51 =	vor.u32 $0x5, v31;
	v48 =	vld [tilespmem:s25+$0x13200]  }
0x23a: {  	v58 =	vmul.f32 v47, v25;
	v41 =	vadd.f32 v57, v41;
	v43 =	vmul.f32 v43, v42;
	v57 =	vld.idx.msk [tilespmem:v31+s16+$0x0], $0xffff  }
0x23b: {  	v40 =	vadd.f32 v44, v40;
	v42 =	vmul.f32 v49, v42;
	v31 =	vor.u32 $0x6, v31;
	v44 =	vld.idx.msk [tilespmem:v53+s16+$0x0], $0xffff  }
0x23c: {  	v47 =	vmul.f32 v47, v27;
	v41 =	vadd.f32 v43, v41;
	v43 =	vmul.f32 v56, v58;
	v49 =	vld.idx.msk [tilespmem:v54+s16+$0x0], $0xffff  }
0x23d: {  	v40 =	vadd.f32 v42, v40;
	v42 =	vmul.f32 v45, v58;
	v45 =	vld.idx.msk [tilespmem:v46+s16+$0x0], $0xffff;
	v46 =	vor.u32 $0x1, v16  }
0x23e: {  	v37 =	vmul.f32 v37, v47;
	v41 =	vadd.f32 v43, v41;
	v43 =	vmul.f32 v48, v23;
	v53 =	vld.idx.msk [tilespmem:v55+s16+$0x0], $0xffff  }
0x23f: {  	v33 =	vmul.f32 v33, v47;
	v47 =	vor.u32 $0x3, v16;
	v40 =	vadd.f32 v42, v40;
	v42 =	vld.idx.msk [tilespmem:v51+s16+$0x0], $0xffff  }
0x240: {  	v37 =	vadd.f32 v37, v41;
	v41 =	vmul.f32 v48, v24;
	v51 =	vmul.f32 v57, v43;
	v31 =	vld.idx.msk [tilespmem:v31+s16+$0x0], $0xffff  }
0x241: {  	v33 =	vadd.f32 v33, v40;
	v40 =	vmul.f32 v44, v43;
	v44 =	vor.u32 $0x5, v16;
	v43 =	vld [tilespmem:s25+$0x13400]  }
0x242: {  	v54 =	vmul.f32 v48, v25;
	v37 =	vadd.f32 v51, v37;
	v49 =	vmul.f32 v49, v41;
	v51 =	vld.idx.msk [tilespmem:v16+s16+$0x0], $0xffff  }
0x243: {  	v33 =	vadd.f32 v40, v33;
	v40 =	vmul.f32 v45, v41;
	v16 =	vor.u32 $0x6, v16;
	v41 =	vld.idx.msk [tilespmem:v46+s16+$0x0], $0xffff  }
0x244: {  	v45 =	vmul.f32 v48, v27;
	v46 =	vmul.f32 v53, v54;
	v37 =	vadd.f32 v49, v37;
	v48 =	vld.idx.msk [tilespmem:v52+s16+$0x0], $0xffff  }
0x245: {  	v33 =	vadd.f32 v40, v33;
	v40 =	vmul.f32 v42, v54;
	v42 =	vld.idx.msk [tilespmem:v47+s16+$0x0], $0xffff;
	v47 =	vor.u32 $0x1, v12  }
0x246: {  	v31 =	vmul.f32 v31, v45;
	v37 =	vadd.f32 v46, v37;
	v46 =	vmul.f32 v43, v23;
	v49 =	vld.idx.msk [tilespmem:v50+s16+$0x0], $0xffff  }
0x247: {  	v19 =	vmul.f32 v19, v45;
	v33 =	vadd.f32 v40, v33;
	v40 =	vld.idx.msk [tilespmem:v44+s16+$0x0], $0xffff;
	v44 =	vor.u32 $0x3, v12  }
0x248: {  	v31 =	vadd.f32 v31, v37;
	v37 =	vmul.f32 v43, v24;
	v45 =	vmul.f32 v51, v46;
	v16 =	vld.idx.msk [tilespmem:v16+s16+$0x0], $0xffff  }
0x249: {  	v19 =	vadd.f32 v19, v33;
	v33 =	vmul.f32 v41, v46;
	v46 =	vor.u32 $0x5, v12;
	v41 =	vld [tilespmem:s25+$0x13600]  }
0x24a: {  	v50 =	vmul.f32 v43, v25;
	v31 =	vadd.f32 v45, v31;
	v45 =	vmul.f32 v48, v37;
	v48 =	vld.idx.msk [tilespmem:v12+s16+$0x0], $0xffff  }
0x24b: {  	v19 =	vadd.f32 v33, v19;
	v33 =	vmul.f32 v42, v37;
	v12 =	vor.u32 $0x6, v12;
	v37 =	vld.idx.msk [tilespmem:v47+s16+$0x0], $0xffff  }
0x24c: {  	v42 =	vmul.f32 v43, v27;
	v43 =	vmul.f32 v49, v50;
	v31 =	vadd.f32 v45, v31;
	v39 =	vld.idx.msk [tilespmem:v39+s16+$0x0], $0xffff  }
0x24d: {  	v19 =	vadd.f32 v33, v19;
	v33 =	vmul.f32 v40, v50;
	v40 =	vld.idx.msk [tilespmem:v44+s16+$0x0], $0xffff;
	v44 =	vor.u32 $0x1, v10  }
0x24e: {  	v16 =	vmul.f32 v16, v42;
	v31 =	vadd.f32 v43, v31;
	v43 =	vmul.f32 v41, v23;
	v38 =	vld.idx.msk [tilespmem:v38+s16+$0x0], $0xffff  }
0x24f: {  	v13 =	vmul.f32 v13, v42;
	v42 =	vor.u32 $0x3, v10;
	v19 =	vadd.f32 v33, v19;
	v33 =	vld.idx.msk [tilespmem:v46+s16+$0x0], $0xffff  }
0x250: {  	v16 =	vadd.f32 v16, v31;
	v31 =	vmul.f32 v41, v24;
	v45 =	vmul.f32 v48, v43;
	v12 =	vld.idx.msk [tilespmem:v12+s16+$0x0], $0xffff  }
0x251: {  	v13 =	vadd.f32 v13, v19;
	v19 =	vmul.f32 v37, v43;
	v43 =	vor.u32 $0x5, v10;
	v37 =	vld [tilespmem:s25+$0x13800]  }
0x252: {  	v46 =	vmul.f32 v41, v25;
	v16 =	vadd.f32 v45, v16;
	v39 =	vmul.f32 v39, v31;
	v45 =	vld.idx.msk [tilespmem:v10+s16+$0x0], $0xffff  }
0x253: {  	v13 =	vadd.f32 v19, v13;
	v19 =	vmul.f32 v40, v31;
	v10 =	vor.u32 $0x6, v10;
	v31 =	vld.idx.msk [tilespmem:v44+s16+$0x0], $0xffff  }
0x254: {  	v40 =	vmul.f32 v41, v27;
	v38 =	vmul.f32 v38, v46;
	v16 =	vadd.f32 v39, v16;
	v36 =	vld.idx.msk [tilespmem:v36+s16+$0x0], $0xffff  }
0x255: {  	v13 =	vadd.f32 v19, v13;
	v19 =	vmul.f32 v33, v46;
	v39 =	vor.u32 $0x1, v8;
	v33 =	vld.idx.msk [tilespmem:v42+s16+$0x0], $0xffff  }
0x256: {  	v12 =	vmul.f32 v12, v40;
	v16 =	vadd.f32 v38, v16;
	v38 =	vmul.f32 v37, v23;
	v35 =	vld.idx.msk [tilespmem:v35+s16+$0x0], $0xffff  }
0x257: {  	v11 =	vmul.f32 v11, v40;
	v40 =	vor.u32 $0x3, v8;
	v13 =	vadd.f32 v19, v13;
	v19 =	vld.idx.msk [tilespmem:v43+s16+$0x0], $0xffff  }
0x258: {  	v12 =	vadd.f32 v12, v16;
	v16 =	vmul.f32 v37, v24;
	v41 =	vmul.f32 v45, v38;
	v10 =	vld.idx.msk [tilespmem:v10+s16+$0x0], $0xffff  }
0x259: {  	v11 =	vadd.f32 v11, v13;
	v13 =	vmul.f32 v31, v38;
	v38 =	vor.u32 $0x5, v8;
	v31 =	vld [tilespmem:s25+$0x13A00]  }
0x25a: {  	v42 =	vmul.f32 v37, v25;
	v12 =	vadd.f32 v41, v12;
	v36 =	vmul.f32 v36, v16;
	v41 =	vld.idx.msk [tilespmem:v8+s16+$0x0], $0xffff  }
0x25b: {  	v11 =	vadd.f32 v13, v11;
	v13 =	vmul.f32 v33, v16;
	v8 =	vor.u32 $0x6, v8;
	v16 =	vld.idx.msk [tilespmem:v39+s16+$0x0], $0xffff  }
0x25c: {  	v33 =	vmul.f32 v37, v27;
	v35 =	vmul.f32 v35, v42;
	v12 =	vadd.f32 v36, v12;
	v34 =	vld.idx.msk [tilespmem:v34+s16+$0x0], $0xffff  }
0x25d: {  	v11 =	vadd.f32 v13, v11;
	v13 =	vmul.f32 v19, v42;
	v36 =	vor.u32 $0x1, v29;
	v19 =	vld.idx.msk [tilespmem:v40+s16+$0x0], $0xffff  }
0x25e: {  	v10 =	vmul.f32 v10, v33;
	v12 =	vadd.f32 v35, v12;
	v35 =	vmul.f32 v31, v23;
	v32 =	vld.idx.msk [tilespmem:v32+s16+$0x0], $0xffff  }
0x25f: {  	v9 =	vmul.f32 v9, v33;
	v33 =	vor.u32 $0x3, v29;
	v11 =	vadd.f32 v13, v11;
	v13 =	vld.idx.msk [tilespmem:v38+s16+$0x0], $0xffff  }
0x260: {  	v10 =	vadd.f32 v10, v12;
	v12 =	vmul.f32 v31, v24;
	v37 =	vmul.f32 v41, v35;
	v8 =	vld.idx.msk [tilespmem:v8+s16+$0x0], $0xffff  }
0x261: {  	v9 =	vadd.f32 v9, v11;
	v11 =	vmul.f32 v16, v35;
	v35 =	vor.u32 $0x5, v29;
	v16 =	vld [tilespmem:s25+$0x13C00]  }
0x262: {  	v38 =	vmul.f32 v31, v25;
	v10 =	vadd.f32 v37, v10;
	v34 =	vmul.f32 v34, v12;
	v37 =	vld.idx.msk [tilespmem:v29+s16+$0x0], $0xffff  }
0x263: {  	v9 =	vadd.f32 v11, v9;
	v11 =	vmul.f32 v19, v12;
	v19 =	vor.u32 $0x7, v29;
	v12 =	vld.idx.msk [tilespmem:v36+s16+$0x0], $0xffff  }
0x264: {  	v29 =	vmul.f32 v31, v27;
	v31 =	vmul.f32 v32, v38;
	v10 =	vadd.f32 v34, v10;
	v30 =	vld.idx.msk [tilespmem:v30+s16+$0x0], $0xffff  }
0x265: {  	v22 =	vshll.u32 v22, $0x3;
	v9 =	vadd.f32 v11, v9;
	v11 =	vmul.f32 v13, v38;
	v13 =	vld.idx.msk [tilespmem:v33+s16+$0x0], $0xffff  }
0x266: {  	v8 =	vmul.f32 v8, v29;
	v10 =	vadd.f32 v31, v10;
	v23 =	vmul.f32 v16, v23;
	v28 =	vld.idx.msk [tilespmem:v28+s16+$0x0], $0xffff  }
0x267: {  	v21 =	vshll.u32 v21, $0x3;
	v7 =	vmul.f32 v7, v29;
	v9 =	vadd.f32 v11, v9;
	v11 =	vld.idx.msk [tilespmem:v35+s16+$0x0], $0xffff  }
0x268: {  	v8 =	vadd.f32 v8, v10;
	v10 =	vmul.f32 v16, v24;
	v24 =	vmul.f32 v37, v23;
	v26 =	vld.idx.msk [tilespmem:v26+s16+$0x0], $0xffff  }
0x269: {  	v20 =	vshll.u32 v20, $0x3;
	v7 =	vadd.f32 v7, v9;
	v9 =	vmul.f32 v12, v23;
	v12 =	vld.idx.msk [tilespmem:v19+s16+$0x0], $0xffff  }
0x26a: {  	v19 =	vmul.f32 v16, v25;
	v8 =	vadd.f32 v24, v8;
	v23 =	vmul.f32 v30, v10  }
0x26b: {  	v18 =	vshll.u32 v18, $0x3;
	v7 =	vadd.f32 v9, v7;
	v9 =	vmul.f32 v13, v10  }
0x26c: {  	v10 =	vmul.f32 v16, v27;
	v13 =	vmul.f32 v28, v19;
	v8 =	vadd.f32 v23, v8  }
0x26d: {  	v7 =	vadd.f32 v9, v7;
	v9 =	vmul.f32 v11, v19;
	v11 =	vor.u32 v6, v17  }
0x26e: {  	v17 =	vor.u32 v5, v17;
	v16 =	vmul.f32 v26, v10;
	v13 =	vadd.f32 v13, v8  }
0x26f: {  	v8 =	vor.u32 v4, v22;
	v7 =	vadd.f32 v9, v7;
	v9 =	vmul.f32 v12, v10  }
0x270: {  	v10 =	vor.u32 v4, v21;
	v19 =	vor.u32 $0x7, v8;
	v13 =	vadd.f32 v16, v13  }
0x271: {  	v12 =	vor.u32 v4, v20;
	v20 =	vor.u32 $0x7, v10;
	v7 =	vadd.f32 v9, v7  }
0x272: {  	v21 =	vor.u32 $0x7, v12;
	v9 =	vshll.u32 v15, $0x3;
	v16 =	vor.u32 v4, v18;
	[tilespmem:v11+s15+$0x0] =	vst.idx.msk $0xffff, v13  }
0x273: {  	s25 =	sadd.s32 $0xFFFFF200, s24;
	v31 =	vor.u32 v4, v9;
	v11 =	vshll.u32 v14, $0x3;
	v13 =	vor.u32 $0x7, v16;
	[tilespmem:v17+s15+$0x0] =	vst.idx.msk $0xffff, v7  }
0x274: {  	v22 =	vor.u32 $0x7, v31;
	v17 =	vor.u32 s25, v0;
	v37 =	vor.u32 v4, v11  }
0x275: {  	v25 =	vshll.u32 v17, $0x3;
	v24 =	vor.u32 $0x7, v37;
	v7 =	vld.idx.msk [tilespmem:v19+s16+$0x0], $0xffff  }
.Ltmp2:
0x276: {  	v18 =	vor.u32 $0x7, v25;
	v9 =	vld.idx.msk [tilespmem:v20+s16+$0x0], $0xffff;
	(pc) =	sbr.rel @p0 .LBB2_8-.Ltmp2, $4  }
0x277: {  	v15 =	vor.u32 $0x4, v25;
	v11 =	vld.idx.msk [tilespmem:v21+s16+$0x0], $0xffff  }
0x278: {  	v14 =	vor.u32 $0x2, v25;
	v13 =	vld.idx.msk [tilespmem:v13+s16+$0x0], $0xffff  }
0x279: {  	s22 =	sadd.s32 $0x40, s22;
	v19 =	vld.idx.msk [tilespmem:v22+s16+$0x0], $0xffff  }
0x27a: {  	s24 =	sadd.s32 $0x10, s24;
	v23 =	vor.u32 s22, v3;
	v33 =	vld.idx.msk [tilespmem:v24+s16+$0x0], $0xffff  }
0x27b: {  	_ =	sdelay $0x3  }
0x27c: {  	v29 =	vld.idx.msk [tilespmem:v18+s16+$0x0], $0xffff  }
0x27d: {  	s24 =	sadd.s32 $0x1, s22;
	v30 =	vld.idx.msk [tilespmem:v15+s16+$0x0], $0xffff;
	v20 =	vor.u32 $0x1, v25  }
0x27e: {  	v32 =	vld.idx.msk [tilespmem:v14+s16+$0x0], $0xffff;
	v59 =	vor.u32 s24, v3  }
0x27f: {  	s28 =	sadd.s32 $0x2, s22;
	v34 =	vld.idx.msk [tilespmem:v25+s16+$0x0], $0xffff;
	v28 =	vor.u32 $0x3, v25  }
0x280: {  	v14 =	vld.idx.msk [tilespmem:v23+s13+$0x0], $0xffff;
	s31 =	sshra.s32 s22, $0x2;
	v21 =	vor.u32 s28, v3  }
0x281: {  	v60 =	vmov s23;
	s30 =	sadd.s32 $0x3, s22;
	v38 =	vor.u32 $0x5, v25;
	v40 =	vor.u32 $0x6, v25;
	v36 =	vld [tilespmem:s31+$0x12E00]  }
0x282: {  	v24 =	vor.u32 $0x4, v8;
	v27 =	vor.u32 $0x2, v10;
	v35 =	vor.u32 s30, v3;
	v39 =	vld.idx.msk [tilespmem:v20+s16+$0x0], $0xffff  }
0x283: {  	v26 =	vor.u32 $0x4, v10;
	v25 =	vor.u32 $0x2, v8;
	v42 =	vor.u32 $0x4, v16;
	v15 =	vld.idx.msk [tilespmem:v59+s13+$0x0], $0xffff  }
0x284: {  	v43 =	vor.u32 $0x2, v12;
	v44 =	vor.u32 $0x1, v37;
	v45 =	vor.u32 $0x2, v16;
	v41 =	vld.idx.msk [tilespmem:v28+s16+$0x0], $0xffff  }
0x285: {  	v46 =	vor.u32 $0x2, v37;
	v47 =	vor.u32 $0x2, v31;
	v48 =	vor.u32 $0x4, v31;
	v20 =	vld.idx.msk [tilespmem:v21+s13+$0x0], $0xffff  }
0x286: {  	v50 =	vor.u32 $0x3, v37;
	v51 =	vor.u32 $0x4, v37;
	v38 =	vld.idx.msk [tilespmem:v38+s16+$0x0], $0xffff;
	v62 =	vmul.f32 v36, v14  }
0x287: {  	v52 =	vor.u32 $0x5, v37;
	v63 =	vor.u32 $0x6, v37;
	v61 =	vshll.u32 v60, $0x3;
	v21 =	vld.idx.msk [tilespmem:v35+s13+$0x0], $0xffff  }
0x288: {  	v23 =	vor.u32 v4, v61;
	v40 =	vld.idx.msk [tilespmem:v40+s16+$0x0], $0xffff;
	v34 =	vmul.f32 v34, v62;
	v49 =	vmul.f32 v36, v15  }
0x289: {  	v60 =	vor.u32 $0x3, v31;
	v22 =	vor.u32 $0x4, v23;
	v35 =	vmul.f32 v39, v62;
	v39 =	vld [tilespmem:s31+$0x13000]  }
0x28a: {  	v54 =	vld.idx.msk [tilespmem:v37+s16+$0x0], $0xffff;
	v34 =	vadd.f32 $0.0e+00, v34;
	v53 =	vmul.f32 v36, v20;
	v32 =	vmul.f32 v32, v49  }
0x28b: {  	v28 =	vor.u32 $0x4, v12;
	v44 =	vld.idx.msk [tilespmem:v44+s16+$0x0], $0xffff;
	v35 =	vadd.f32 $0.0e+00, v35;
	v41 =	vmul.f32 v41, v49  }
0x28c: {  	v55 =	vld.idx.msk [tilespmem:v46+s16+$0x0], $0xffff;
	v36 =	vmul.f32 v36, v21;
	v30 =	vmul.f32 v30, v53;
	v32 =	vadd.f32 v32, v34  }
0x28d: {  	v46 =	vor.u32 $0x1, v31;
	v58 =	vld.idx.msk [tilespmem:v51+s16+$0x0], $0xffff;
	v38 =	vmul.f32 v38, v53;
	v35 =	vadd.f32 v41, v35  }
0x28e: {  	v56 =	vmul.f32 v40, v36;
	v41 =	vld.idx.msk [tilespmem:v50+s16+$0x0], $0xffff;
	v57 =	vmul.f32 v39, v14;
	v30 =	vadd.f32 v30, v32  }
0x28f: {  	v37 =	vld.idx.msk [tilespmem:v63+s16+$0x0], $0xffff;
	v29 =	vmul.f32 v29, v36;
	v53 =	vor.u32 $0x3, v16;
	v35 =	vadd.f32 v38, v35  }
0x290: {  	v59 =	vld.idx.msk [tilespmem:v52+s16+$0x0], $0xffff;
	v61 =	vmul.f32 v39, v15;
	v62 =	vmul.f32 v54, v57;
	v30 =	vadd.f32 v56, v30  }
0x291: {  	v40 =	vld [tilespmem:s31+$0x13200];
	v63 =	vmul.f32 v44, v57;
	v44 =	vor.u32 $0x5, v31;
	v29 =	vadd.f32 v29, v35  }
0x292: {  	v60 =	vld.idx.msk [tilespmem:v60+s16+$0x0], $0xffff;
	v54 =	vmul.f32 v39, v20;
	v34 =	vmul.f32 v55, v61;
	v30 =	vadd.f32 v62, v30  }
0x293: {  	v55 =	vld.idx.msk [tilespmem:v31+s16+$0x0], $0xffff;
	v39 =	vmul.f32 v39, v21;
	v32 =	vmul.f32 v41, v61;
	v29 =	vadd.f32 v63, v29  }
0x294: {  	v57 =	vor.u32 $0x6, v31;
	v56 =	vld.idx.msk [tilespmem:v46+s16+$0x0], $0xffff;
	v58 =	vmul.f32 v58, v54;
	v30 =	vadd.f32 v34, v30  }
0x295: {  	v59 =	vmul.f32 v59, v54;
	v51 =	vmul.f32 v33, v39;
	v41 =	vld.idx.msk [tilespmem:v47+s16+$0x0], $0xffff;
	v29 =	vadd.f32 v32, v29  }
0x296: {  	v49 =	vld.idx.msk [tilespmem:v48+s16+$0x0], $0xffff;
	v62 =	vmul.f32 v37, v39;
	v63 =	vmul.f32 v40, v14;
	v30 =	vadd.f32 v58, v30  }
0x297: {  	v54 =	vmul.f32 v40, v15;
	v35 =	vld [tilespmem:s31+$0x13400];
	v61 =	vor.u32 $0x1, v16;
	v29 =	vadd.f32 v59, v29  }
0x298: {  	v46 =	vor.u32 $0x6, v12;
	v52 =	vld.idx.msk [tilespmem:v44+s16+$0x0], $0xffff;
	v55 =	vmul.f32 v55, v63;
	v30 =	vadd.f32 v62, v30  }
0x299: {  	v60 =	vmul.f32 v60, v54;
	v31 =	vld.idx.msk [tilespmem:v57+s16+$0x0], $0xffff;
	v56 =	vmul.f32 v56, v63;
	v29 =	vadd.f32 v51, v29  }
0x29a: {  	v34 =	vld [tilespmem:s31+$0x13600];
	v58 =	vmul.f32 v40, v20;
	v41 =	vmul.f32 v41, v54;
	v30 =	vadd.f32 v55, v30  }
0x29b: {  	v57 =	vor.u32 $0x5, v16;
	v63 =	vmul.f32 v40, v21;
	v59 =	vld.idx.msk [tilespmem:v16+s16+$0x0], $0xffff;
	v29 =	vadd.f32 v56, v29  }
0x29c: {  	v61 =	vld.idx.msk [tilespmem:v61+s16+$0x0], $0xffff;
	v62 =	vor.u32 $0x6, v16;
	v48 =	vmul.f32 v49, v58;
	v30 =	vadd.f32 v41, v30  }
0x29d: {  	v47 =	vmul.f32 v35, v21;
	v49 =	vld.idx.msk [tilespmem:v45+s16+$0x0], $0xffff;
	v50 =	vmul.f32 v52, v58;
	v29 =	vadd.f32 v60, v29  }
0x29e: {  	v51 =	vld.idx.msk [tilespmem:v53+s16+$0x0], $0xffff;
	v31 =	vmul.f32 v31, v63;
	v53 =	vmul.f32 v35, v14;
	v30 =	vadd.f32 v48, v30  }
0x29f: {  	v54 =	vld.idx.msk [tilespmem:v42+s16+$0x0], $0xffff;
	v19 =	vmul.f32 v19, v63;
	v52 =	vor.u32 $0x1, v12;
	v29 =	vadd.f32 v50, v29  }
0x2a0: {  	v55 =	vld.idx.msk [tilespmem:v57+s16+$0x0], $0xffff;
	v57 =	vmul.f32 v35, v15;
	v58 =	vmul.f32 v59, v53;
	v30 =	vadd.f32 v31, v30  }
0x2a1: {  	v56 =	vor.u32 $0x3, v12;
	v59 =	vmul.f32 v61, v53;
	v16 =	vld.idx.msk [tilespmem:v62+s16+$0x0], $0xffff;
	v19 =	vadd.f32 v19, v29  }
0x2a2: {  	v28 =	vld.idx.msk [tilespmem:v28+s16+$0x0], $0xffff;
	v61 =	vmul.f32 v35, v20;
	v62 =	vmul.f32 v49, v57;
	v30 =	vadd.f32 v58, v30  }
0x2a3: {  	v63 =	vld.idx.msk [tilespmem:v12+s16+$0x0], $0xffff;
	v60 =	vor.u32 $0x5, v12;
	v44 =	vmul.f32 v51, v57;
	v19 =	vadd.f32 v59, v19  }
0x2a4: {  	v18 =	vor.u32 $0x6, v23;
	v45 =	vld.idx.msk [tilespmem:v52+s16+$0x0], $0xffff;
	v48 =	vmul.f32 v54, v61;
	v30 =	vadd.f32 v62, v30  }
0x2a5: {  	v13 =	vmul.f32 v13, v47;
	v49 =	vld.idx.msk [tilespmem:v43+s16+$0x0], $0xffff;
	v50 =	vmul.f32 v55, v61;
	v19 =	vadd.f32 v44, v19  }
0x2a6: {  	v53 =	vmul.f32 v34, v14;
	v51 =	vld.idx.msk [tilespmem:v56+s16+$0x0], $0xffff;
	v16 =	vmul.f32 v16, v47;
	v30 =	vadd.f32 v48, v30  }
0x2a7: {  	v12 =	vld.idx.msk [tilespmem:v46+s16+$0x0], $0xffff;
	v41 =	vmul.f32 v34, v21;
	v52 =	vor.u32 $0x1, v10;
	v19 =	vadd.f32 v50, v19  }
0x2a8: {  	v57 =	vmul.f32 v63, v53;
	v56 =	vmul.f32 v34, v15;
	v54 =	vld.idx.msk [tilespmem:v60+s16+$0x0], $0xffff;
	v16 =	vadd.f32 v16, v30  }
0x2a9: {  	v55 =	vor.u32 $0x3, v10;
	v58 =	vmul.f32 v45, v53;
	v59 =	vld [tilespmem:s31+$0x13800];
	v13 =	vadd.f32 v13, v19  }
0x2aa: {  	v27 =	vld.idx.msk [tilespmem:v27+s16+$0x0], $0xffff;
	v61 =	vmul.f32 v34, v20;
	v37 =	vmul.f32 v49, v56;
	v16 =	vadd.f32 v57, v16  }
0x2ab: {  	v60 =	vor.u32 $0x5, v10;
	v62 =	vld.idx.msk [tilespmem:v10+s16+$0x0], $0xffff;
	v63 =	vmul.f32 v51, v56;
	v13 =	vadd.f32 v58, v13  }
0x2ac: {  	v40 =	vor.u32 $0x6, v10;
	v28 =	vmul.f32 v28, v61;
	v36 =	vld.idx.msk [tilespmem:v52+s16+$0x0], $0xffff;
	v16 =	vadd.f32 v37, v16  }
0x2ad: {  	v26 =	vld.idx.msk [tilespmem:v26+s16+$0x0], $0xffff;
	v11 =	vmul.f32 v11, v41;
	v42 =	vmul.f32 v54, v61;
	v13 =	vadd.f32 v63, v13  }
0x2ae: {  	v12 =	vmul.f32 v12, v41;
	v43 =	vld.idx.msk [tilespmem:v55+s16+$0x0], $0xffff;
	v45 =	vmul.f32 v59, v14;
	v16 =	vadd.f32 v28, v16  }
0x2af: {  	v47 =	vor.u32 $0x3, v8;
	v44 =	vor.u32 $0x1, v8;
	v51 =	vld [tilespmem:s31+$0x13A00];
	v13 =	vadd.f32 v42, v13  }
0x2b0: {  	v46 =	vld.idx.msk [tilespmem:v60+s16+$0x0], $0xffff;
	v48 =	vmul.f32 v59, v15;
	v49 =	vmul.f32 v62, v45;
	v12 =	vadd.f32 v12, v16  }
0x2b1: {  	v10 =	vld.idx.msk [tilespmem:v40+s16+$0x0], $0xffff;
	v53 =	vmul.f32 v59, v20;
	v50 =	vmul.f32 v36, v45;
	v11 =	vadd.f32 v11, v13  }
0x2b2: {  	v25 =	vld.idx.msk [tilespmem:v25+s16+$0x0], $0xffff;
	v52 =	vor.u32 $0x5, v8;
	v27 =	vmul.f32 v27, v48;
	v12 =	vadd.f32 v49, v12  }
0x2b3: {  	v54 =	vld.idx.msk [tilespmem:v8+s16+$0x0], $0xffff;
	v55 =	vmul.f32 v43, v48;
	v26 =	vmul.f32 v26, v53;
	v11 =	vadd.f32 v50, v11  }
0x2b4: {  	v56 =	vld.idx.msk [tilespmem:v44+s16+$0x0], $0xffff;
	v57 =	vor.u32 $0x6, v8;
	v58 =	vmul.f32 v59, v21;
	v12 =	vadd.f32 v27, v12  }
0x2b5: {  	v24 =	vld.idx.msk [tilespmem:v24+s16+$0x0], $0xffff;
	v62 =	vmul.f32 v51, v14;
	v60 =	vmul.f32 v46, v53;
	v11 =	vadd.f32 v55, v11  }
0x2b6: {  	v61 =	vld.idx.msk [tilespmem:v47+s16+$0x0], $0xffff;
	v59 =	vor.u32 $0x2, v23;
	v10 =	vmul.f32 v10, v58;
	v12 =	vadd.f32 v26, v12  }
0x2b7: {  	v41 =	vld [tilespmem:s31+$0x13C00];
	v63 =	vor.u32 $0x1, v23;
	v9 =	vmul.f32 v9, v58;
	v11 =	vadd.f32 v60, v11  }
0x2b8: {  	v36 =	vld.idx.msk [tilespmem:v52+s16+$0x0], $0xffff;
	v38 =	vmul.f32 v54, v62;
	v37 =	vmul.f32 v51, v15;
	v10 =	vadd.f32 v10, v12  }
0x2b9: {  	v39 =	vor.u32 $0x3, v23;
	v40 =	vmul.f32 v56, v62;
	v8 =	vld.idx.msk [tilespmem:v57+s16+$0x0], $0xffff;
	v9 =	vadd.f32 v9, v11  }
0x2ba: {  	v42 =	vmul.f32 v51, v20;
	v25 =	vmul.f32 v25, v37;
	v10 =	vadd.f32 v38, v10  }
0x2bb: {  	v43 =	vor.u32 $0x5, v23;
	v44 =	vld.idx.msk [tilespmem:v23+s16+$0x0], $0xffff;
	v45 =	vmul.f32 v61, v37;
	v9 =	vadd.f32 v40, v9  }
0x2bc: {  	v47 =	vmul.f32 v51, v21;
	v24 =	vmul.f32 v24, v42;
	v46 =	vld.idx.msk [tilespmem:v63+s16+$0x0], $0xffff;
	v10 =	vadd.f32 v25, v10  }
0x2bd: {  	v23 =	vor.u32 $0x7, v23;
	v48 =	vld.idx.msk [tilespmem:v59+s16+$0x0], $0xffff;
	v49 =	vmul.f32 v36, v42;
	v9 =	vadd.f32 v45, v9  }
0x2be: {  	v14 =	vmul.f32 v41, v14;
	v50 =	vld.idx.msk [tilespmem:v39+s16+$0x0], $0xffff;
	v8 =	vmul.f32 v8, v47;
	v10 =	vadd.f32 v24, v10  }
0x2bf: {  	v22 =	vld.idx.msk [tilespmem:v22+s16+$0x0], $0xffff;
	v7 =	vmul.f32 v7, v47;
	v9 =	vadd.f32 v49, v9  }
0x2c0: {  	v52 =	vmul.f32 v41, v15;
	v51 =	vld.idx.msk [tilespmem:v43+s16+$0x0], $0xffff;
	v53 =	vmul.f32 v44, v14;
	v8 =	vadd.f32 v8, v10  }
0x2c1: {  	v18 =	vld.idx.msk [tilespmem:v18+s16+$0x0], $0xffff;
	v54 =	vmul.f32 v46, v14;
	v7 =	vadd.f32 v7, v9  }
0x2c2: {  	v56 =	vmul.f32 v41, v20;
	v55 =	vld.idx.msk [tilespmem:v23+s16+$0x0], $0xffff;
	v57 =	vmul.f32 v48, v52;
	v8 =	vadd.f32 v53, v8  }
0x2c3: {  	v17 =	vshll.u32 v17, $0x5;
	v58 =	vmul.f32 v50, v52;
	v7 =	vadd.f32 v54, v7  }
0x2c4: {  	v59 =	vmul.f32 v41, v21;
	v60 =	vmul.f32 v22, v56;
	v8 =	vadd.f32 v57, v8  }
0x2c5: {  	v6 =	vor.u32 v6, v17;
	v61 =	vmul.f32 v51, v56;
	v7 =	vadd.f32 v58, v7  }
0x2c6: {  	p0 =	seq.s32 s19, $0x7;
	v5 =	vor.u32 v5, v17;
	v62 =	vmul.f32 v18, v59;
	v8 =	vadd.f32 v60, v8  }
.Ltmp3:
0x2c7: {  	v63 =	vmul.f32 v55, v59;
	v7 =	vadd.f32 v61, v7;
	(pc) =	sbr.rel @p0 .LBB2_13-.Ltmp3, $4  }
0x2c8: {  	v8 =	vadd.f32 v62, v8  }
0x2c9: {  	v7 =	vadd.f32 v63, v7  }
0x2ca: {  	[tilespmem:v6+s15+$0x0] =	vst.idx.msk $0xffff, v8  }
0x2cb: {  	[tilespmem:v5+s15+$0x0] =	vst.idx.msk $0xffff, v7  }
0x2cc: {  	s22 =	simm.s32 $0x0  }
0x2cd: {  	v5 =	vadd.s32 s22, v1  }
0x2ce: {  	v5 =	vand.u32 $0xFF8, v5  }
0x2cf: {  	s24 =	simm.s32 $0x1;
	v5 =	vor.u32 v2, v5  }
0x2d0: {  	s23 =	simm.s32 $0x2;
	v6 =	vadd.s32 s24, v1  }
0x2d1: {  	v7 =	vadd.s32 s23, v1;
	_ =	sdelay $0x1  }
0x2d2: {  	s25 =	sld [smem:s21+$0x12]  }
0x2d3: {  	v5 =	vld.idx.msk [tilespmem:v5+s2+$0x0], $0xffff  }
0x2d4: {  	s26 =	sld [smem:s21+$0x2];
	v6 =	vld.idx.msk [tilespmem:v6+s2+$0x0], $0xffff  }
0x2d5: {  	s22 =	scvt.f32.s32 s25;
	v7 =	vld.idx.msk [tilespmem:v7+s2+$0x0], $0xffff;
	_ =	sdelay $0x1  }
0x2d6: {  	v12 =	vmov s26;
	s24 =	smul.u32 s22, s22  }
0x2d7: {  	v11 =	vmov s22;
	s31 =	sadd.s32 $0x1, s22;
	v13 =	vmul.f32 v5, v12  }
0x2d8: {  	v10 =	vmov s31;
	v8 =	vmov s24;
	s25 =	sadd.s32 $0x1, s24;
	v14 =	vmul.f32 v6, v12  }
0x2d9: {  	s30 =	sadd.s32 $0x2, s21;
	s22 =	sadd.s32 s22, s24;
	v9 =	vmov s25;
	v15 =	vmul.f32 v7, v12;
	v6 =	vtrunc.f32 v13  }
0x2da: {  	s21 =	sshll.u32 s30, $0x13;
	v7 =	vmov s22;
	v16 =	vcvt.f32.s32 v6;
	v6 =	vtrunc.f32 v14  }
0x2db: {  	v5 =	vmov s21;
	s21 =	sadd.s32 s24, s31;
	v18 =	vtrunc.f32 v15;
	v17 =	vcvt.f32.s32 v6  }
0x2dc: {  	v18 =	vcvt.f32.s32 v18;
	v6 =	vmov s21;
	v19 =	vcvt.s32.f32 v16  }
0x2dd: {  	v20 =	vadd.s32 v16, v5;
	v23 =	vadd.s32 $0x1, v16;
	v21 =	vcvt.s32.f32 v17  }
0x2de: {  	v22 =	vmul.u32 $0x9E3779B1, v17;
	v17 =	vmul.u32 v17, v11;
	v19 =	vsub.f32 v13, v19  }
0x2df: {  	v13 =	vmul.u32 v18, v8;
	v14 =	vsub.f32 v14, v21;
	v21 =	vmul.u32 $0x30025795, v18  }
0x2e0: {  	v17 =	vadd.s32 v17, v20;
	v20 =	vxor.u32 v16, v22;
	v24 =	vxor.u32 v23, v22  }
0x2e1: {  	v18 =	vcvt.s32.f32 v18;
	v22 =	vadd.s32 $0x9E3779B1, v22;
	v25 =	vsub.f32 $1.000000000e+00, v19  }
0x2e2: {  	v13 =	vadd.s32 v13, v17;
	v16 =	vxor.u32 v16, v22;
	v22 =	vxor.u32 v23, v22  }
0x2e3: {  	v26 =	vsub.f32 $1.000000000e+00, v14;
	v27 =	vxor.u32 v21, v24;
	v28 =	vxor.u32 v21, v20  }
0x2e4: {  	v30 =	vadd.s32 $0x30025795, v21;
	v18 =	vsub.f32 v15, v18;
	v17 =	vadd.s32 v11, v13  }
0x2e5: {  	v61 =	vadd.s32 $0x1, v13;
	v33 =	vxor.u32 v21, v16;
	v21 =	vxor.u32 v21, v22  }
0x2e6: {  	v27 =	vand.u32 $0x7FFFF, v27;
	v28 =	vand.u32 $0x7FFFF, v28;
	v33 =	vand.u32 $0x7FFFF, v33  }
0x2e7: {  	s26 =	simm.s32 $0x0;
	s21 =	simm.s32 $0x0;
	v20 =	vxor.u32 v20, v30;
	v29 =	vmul.f32 v26, v25;
	v31 =	vsub.f32 $1.000000000e+00, v18  }
0x2e8: {  	p0 =	slt.u32 s19, $0x2;
	s22 =	sand.u32 $0x180, s26;
	s30 =	sand.u32 $0x70, s21;
	v16 =	vxor.u32 v30, v16;
	v26 =	vmul.f32 v26, v19;
	v15 =	vor.u32 v5, v28  }
0x2e9: {  	s25 =	sor.u32 s30, s22;
	v25 =	vmul.f32 v14, v25;
	v15 =	vpsel p0, v13, v15;
	v23 =	vmul.f32 v31, v29  }
0x2ea: {  	s26 =	simm.s32 $0x0;
	v27 =	vor.u32 v5, v27;
	v14 =	vmul.f32 v14, v19;
	v19 =	vand.u32 $0x7FFFF, v20;
	[tilespmem:s25+$0xE00] =	vst v15  }
0x2eb: {  	v16 =	vand.u32 $0x7FFFF, v16;
	v62 =	vmul.f32 v31, v26;
	[tilespmem:s26+$0x12E00] =	vst v23;
	v23 =	vpsel p0, v61, v27  }
0x2ec: {  	v20 =	vadd.s32 v10, v13;
	v32 =	vmul.f32 v29, v18;
	v15 =	vor.u32 v5, v33;
	[tilespmem:s25+$0x1000] =	vst v23  }
0x2ed: {  	v63 =	vmul.f32 v31, v25;
	v15 =	vpsel p0, v17, v15;
	v17 =	vand.u32 $0x7FFFF, v21;
	[tilespmem:s26+$0x13000] =	vst v62  }
0x2ee: {  	v21 =	vxor.u32 v24, v30;
	v17 =	vor.u32 v5, v17;
	[tilespmem:s25+$0x1200] =	vst v15;
	v15 =	vor.u32 v5, v16  }
0x2ef: {  	v16 =	vpsel p0, v20, v17;
	v17 =	vmul.f32 v31, v14;
	v20 =	vand.u32 $0x7FFFF, v21;
	[tilespmem:s26+$0x13200] =	vst v63  }
0x2f0: {  	v14 =	vmul.f32 v18, v14;
	[tilespmem:s25+$0x1400] =	vst v16;
	v16 =	vor.u32 v5, v19;
	v19 =	vadd.s32 v8, v13  }
0x2f1: {  	v21 =	vadd.s32 v9, v13;
	v20 =	vor.u32 v5, v20;
	[tilespmem:s26+$0x13400] =	vst v17;
	v16 =	vpsel p0, v19, v16  }
0x2f2: {  	s31 =	simm.s32 $0x30;
	v17 =	vmul.f32 v26, v18;
	[tilespmem:s25+$0x1600] =	vst v16;
	v16 =	vmul.f32 v18, v25;
	v18 =	vxor.u32 v30, v22  }
0x2f3: {  	s28 =	simm.s32 $0x62;
	s23 =	simm.s32 $0x32;
	s22 =	simm.s32 $0x0;
	v20 =	vpsel p0, v21, v20;
	v19 =	vadd.s32 s31, v1;
	[tilespmem:s26+$0x13600] =	vst v32;
	v18 =	vand.u32 $0x7FFFF, v18  }
.LBB2_11:
0x2f4: {  	s21 =	sadd.s32 $0x40, s21  }
0x2f5: {  	v19 =	vand.u32 $0xFF8, v19;
	[tilespmem:s25+$0x1800] =	vst v20;
	v20 =	vadd.s32 v7, v13;
	s22 =	sadd.s32 $0x10, s22;
	s30 =	smov.u32 s28;
	s24 =	sadd.s32 $0x30, s28  }
0x2f6: {  	p1 =	sne.s32 s28, $0x5D2;
	s28 =	sadd.s32 $0xFFFFFFFF, s23;
	v19 =	vor.u32 v2, v19;
	[tilespmem:s26+$0x13800] =	vst v17;
	v15 =	vpsel p0, v20, v15  }
0x2f7: {  	v13 =	vadd.s32 v6, v13;
	v17 =	vadd.s32 s28, v1;
	[tilespmem:s25+$0x1A00] =	vst v15;
	v15 =	vor.u32 v5, v18  }
0x2f8: {  	v18 =	vadd.s32 s23, v1;
	s23 =	smov.u32 s30;
	[tilespmem:s26+$0x13A00] =	vst v16;
	v13 =	vpsel p0, v13, v15  }
0x2f9: {  	[tilespmem:s25+$0x1C00] =	vst v13  }
0x2fa: {  	[tilespmem:s26+$0x13C00] =	vst v14  }
0x2fb: {  	v13 =	vld.idx.msk [tilespmem:v19+s2+$0x0], $0xffff  }
0x2fc: {  	v14 =	vld.idx.msk [tilespmem:v17+s2+$0x0], $0xffff  }
0x2fd: {  	v15 =	vld.idx.msk [tilespmem:v18+s2+$0x0], $0xffff;
	_ =	sdelay $0x3  }
0x2fe: {  	v13 =	vmul.f32 v13, v12  }
0x2ff: {  	v14 =	vmul.f32 v14, v12  }
0x300: {  	v16 =	vtrunc.f32 v13;
	v15 =	vmul.f32 v15, v12  }
0x301: {  	v16 =	vcvt.f32.s32 v16;
	v17 =	vtrunc.f32 v14  }
0x302: {  	v17 =	vcvt.f32.s32 v17;
	v18 =	vtrunc.f32 v15  }
0x303: {  	v18 =	vcvt.f32.s32 v18;
	v19 =	vcvt.s32.f32 v16;
	v20 =	vadd.s32 v16, v5  }
0x304: {  	v21 =	vcvt.s32.f32 v17;
	v22 =	vmul.u32 $0x9E3779B1, v17;
	v17 =	vmul.u32 v17, v11  }
0x305: {  	v23 =	vadd.s32 $0x1, v16;
	v19 =	vsub.f32 v13, v19;
	v13 =	vmul.u32 v18, v8  }
0x306: {  	v14 =	vsub.f32 v14, v21;
	v21 =	vmul.u32 $0x30025795, v18;
	v17 =	vadd.s32 v17, v20  }
0x307: {  	v20 =	vxor.u32 v16, v22;
	v24 =	vxor.u32 v23, v22  }
0x308: {  	v25 =	vsub.f32 $1.000000000e+00, v19;
	v26 =	vsub.f32 $1.000000000e+00, v14;
	v27 =	vxor.u32 v21, v24  }
0x309: {  	v18 =	vcvt.s32.f32 v18;
	v28 =	vxor.u32 v21, v20;
	v27 =	vand.u32 $0x7FFFF, v27  }
0x30a: {  	v28 =	vand.u32 $0x7FFFF, v28;
	v29 =	vmul.f32 v26, v25;
	v26 =	vmul.f32 v26, v19  }
0x30b: {  	v13 =	vadd.s32 v13, v17;
	v30 =	vadd.s32 $0x30025795, v21;
	v25 =	vmul.f32 v14, v25  }
0x30c: {  	v18 =	vsub.f32 v15, v18;
	v17 =	vadd.s32 v11, v13;
	v15 =	vor.u32 v5, v28  }
0x30d: {  	v22 =	vadd.s32 $0x9E3779B1, v22;
	v28 =	vadd.s32 $0x1, v13;
	v15 =	vpsel p0, v13, v15  }
0x30e: {  	s25 =	sshrl.u32 s21, $0x2;
	v16 =	vxor.u32 v16, v22;
	v31 =	vsub.f32 $1.000000000e+00, v18;
	v32 =	vmul.f32 v29, v18  }
0x30f: {  	s26 =	sand.u32 $0x70, s22;
	s25 =	sand.u32 $0x180, s25;
	v22 =	vxor.u32 v23, v22;
	v33 =	vxor.u32 v21, v16;
	v27 =	vor.u32 v5, v27  }
0x310: {  	s25 =	sor.u32 s26, s25;
	v33 =	vand.u32 $0x7FFFF, v33;
	v23 =	vmul.f32 v31, v29;
	v29 =	vmul.f32 v31, v26  }
0x311: {  	s26 =	sshra.s32 s21, $0x2;
	v21 =	vxor.u32 v21, v22;
	[tilespmem:s25+$0xE00] =	vst v15;
	v15 =	vor.u32 v5, v33;
	v33 =	vmul.f32 v31, v25  }
0x312: {  	[tilespmem:s26+$0x12E00] =	vst v23;
	v23 =	vpsel p0, v28, v27;
	v15 =	vpsel p0, v17, v15;
	v17 =	vand.u32 $0x7FFFF, v21  }
0x313: {  	v20 =	vxor.u32 v20, v30;
	v16 =	vxor.u32 v30, v16;
	v21 =	vxor.u32 v24, v30;
	[tilespmem:s25+$0x1000] =	vst v23  }
0x314: {  	v14 =	vmul.f32 v14, v19;
	v19 =	vand.u32 $0x7FFFF, v20;
	v16 =	vand.u32 $0x7FFFF, v16;
	[tilespmem:s26+$0x13000] =	vst v29  }
0x315: {  	v20 =	vadd.s32 v10, v13;
	v17 =	vor.u32 v5, v17;
	[tilespmem:s25+$0x1200] =	vst v15;
	v15 =	vor.u32 v5, v16  }
.Ltmp4:
0x316: {  	v16 =	vpsel p0, v20, v17;
	v17 =	vmul.f32 v31, v14;
	v20 =	vand.u32 $0x7FFFF, v21;
	[tilespmem:s26+$0x13200] =	vst v33;
	(pc) =	sbr.rel @p1 .LBB2_11-.Ltmp4, $4  }
0x317: {  	v14 =	vmul.f32 v18, v14;
	[tilespmem:s25+$0x1400] =	vst v16;
	v16 =	vor.u32 v5, v19;
	v19 =	vadd.s32 v8, v13  }
0x318: {  	v20 =	vor.u32 v5, v20;
	[tilespmem:s26+$0x13400] =	vst v17;
	v16 =	vpsel p0, v19, v16;
	v17 =	vmul.f32 v26, v18  }
0x319: {  	s28 =	sadd.s32 $0xFFFFFFFE, s23;
	v21 =	vadd.s32 v9, v13;
	[tilespmem:s25+$0x1600] =	vst v16;
	v16 =	vmul.f32 v18, v25;
	v18 =	vxor.u32 v30, v22  }
0x31a: {  	v20 =	vpsel p0, v21, v20;
	v19 =	vadd.s32 s28, v1;
	s28 =	smov.u32 s24;
	[tilespmem:s26+$0x13600] =	vst v32;
	v18 =	vand.u32 $0x7FFFF, v18  }
0x31b: {  	v19 =	vand.u32 $0xFF8, v19;
	[tilespmem:s25+$0x1800] =	vst v20;
	v25 =	vadd.s32 v7, v13  }
0x31c: {  	s24 =	sadd.s32 $0xFFFFFFFF, s23;
	v19 =	vor.u32 v2, v19;
	[tilespmem:s26+$0x13800] =	vst v17;
	v15 =	vpsel p0, v25, v15  }
0x31d: {  	v27 =	vor.u32 v5, v18;
	v28 =	vadd.s32 v6, v13;
	v26 =	vadd.s32 s24, v1;
	[tilespmem:s25+$0x1A00] =	vst v15  }
0x31e: {  	v29 =	vadd.s32 s23, v1;
	v13 =	vpsel p0, v28, v27;
	[tilespmem:s26+$0x13A00] =	vst v16  }
0x31f: {  	[tilespmem:s25+$0x1C00] =	vst v13  }
0x320: {  	[tilespmem:s26+$0x13C00] =	vst v14  }
0x321: {  	v13 =	vld.idx.msk [tilespmem:v19+s2+$0x0], $0xffff  }
0x322: {  	v14 =	vld.idx.msk [tilespmem:v26+s2+$0x0], $0xffff  }
0x323: {  	v30 =	vld.idx.msk [tilespmem:v29+s2+$0x0], $0xffff;
	_ =	sdelay $0x2  }
0x324: {  	v13 =	vmul.f32 v13, v12  }
0x325: {  	v14 =	vmul.f32 v14, v12  }
0x326: {  	v32 =	vmul.f32 v30, v12;
	v31 =	vtrunc.f32 v13  }
0x327: {  	v34 =	vtrunc.f32 v14;
	v33 =	vcvt.f32.s32 v31  }
0x328: {  	v35 =	vtrunc.f32 v32;
	v16 =	vcvt.f32.s32 v34  }
0x329: {  	v17 =	vcvt.f32.s32 v35;
	v36 =	vcvt.s32.f32 v33  }
0x32a: {  	v37 =	vadd.s32 v33, v5;
	v38 =	vcvt.s32.f32 v16;
	v21 =	vmul.u32 $0x9E3779B1, v16  }
0x32b: {  	v16 =	vmul.u32 v16, v11;
	v39 =	vadd.s32 $0x1, v33;
	v22 =	vmul.u32 v17, v8  }
0x32c: {  	v40 =	vmul.u32 $0x30025795, v17;
	v17 =	vcvt.s32.f32 v17;
	v13 =	vsub.f32 v13, v36  }
0x32d: {  	v14 =	vsub.f32 v14, v38;
	v23 =	vxor.u32 v33, v21;
	v24 =	vxor.u32 v39, v21  }
0x32e: {  	v16 =	vadd.s32 v16, v37;
	v12 =	vsub.f32 v32, v17;
	v43 =	vadd.s32 $0x30025795, v40  }
0x32f: {  	v21 =	vadd.s32 $0x9E3779B1, v21;
	v27 =	vxor.u32 v40, v24;
	v41 =	vxor.u32 v40, v23  }
0x330: {  	v16 =	vadd.s32 v22, v16;
	v25 =	vsub.f32 $1.000000000e+00, v13;
	v26 =	vsub.f32 $1.000000000e+00, v14  }
0x331: {  	s21 =	sadd.s32 $0x40, s21;
	v15 =	vxor.u32 v33, v21;
	v18 =	vxor.u32 v39, v21;
	v27 =	vand.u32 $0x7FFFF, v27  }
0x332: {  	s22 =	sadd.s32 $0x10, s22;
	s31 =	sshrl.u32 s21, $0x2;
	v19 =	vand.u32 $0x7FFFF, v41;
	v45 =	vsub.f32 $1.000000000e+00, v12;
	v28 =	vmul.f32 v26, v25  }
0x333: {  	s22 =	sand.u32 $0x70, s22;
	s23 =	sand.u32 $0x180, s31;
	v29 =	vadd.s32 $0x1, v16;
	v31 =	vxor.u32 v40, v15;
	v19 =	vor.u32 v5, v19  }
0x334: {  	s22 =	sor.u32 s22, s23;
	v42 =	vmul.f32 v26, v13;
	v19 =	vpsel p0, v16, v19;
	v30 =	vmul.f32 v45, v28  }
0x335: {  	s21 =	sshra.s32 s21, $0x2;
	v20 =	vxor.u32 v40, v18;
	v27 =	vor.u32 v5, v27;
	v48 =	vand.u32 $0x7FFFF, v31;
	[tilespmem:s22+$0xE00] =	vst v19  }
0x336: {  	v44 =	vmul.f32 v14, v25;
	v27 =	vpsel p0, v29, v27;
	v47 =	vmul.f32 v45, v42;
	[tilespmem:s21+$0x12E00] =	vst v30  }
0x337: {  	v46 =	vadd.s32 v11, v16;
	v20 =	vand.u32 $0x7FFFF, v20;
	v21 =	vor.u32 v5, v48;
	[tilespmem:s22+$0x1000] =	vst v27  }
0x338: {  	v13 =	vmul.f32 v14, v13;
	v11 =	vpsel p0, v46, v21;
	v49 =	vmul.f32 v45, v44;
	[tilespmem:s21+$0x13000] =	vst v47  }
0x339: {  	v50 =	vxor.u32 v23, v43;
	v10 =	vadd.s32 v10, v16;
	v51 =	vor.u32 v5, v20;
	[tilespmem:s22+$0x1200] =	vst v11  }
0x33a: {  	v14 =	vand.u32 $0x7FFFF, v50;
	v10 =	vpsel p0, v10, v51;
	v52 =	vmul.f32 v45, v13;
	[tilespmem:s21+$0x13200] =	vst v49  }
0x33b: {  	v53 =	vxor.u32 v24, v43;
	v55 =	vadd.s32 v8, v16;
	v54 =	vor.u32 v5, v14;
	[tilespmem:s22+$0x1400] =	vst v10  }
0x33c: {  	v19 =	vand.u32 $0x7FFFF, v53;
	v56 =	vmul.f32 v28, v12;
	v8 =	vpsel p0, v55, v54;
	[tilespmem:s21+$0x13400] =	vst v52  }
0x33d: {  	v57 =	vxor.u32 v43, v15;
	v59 =	vadd.s32 v9, v16;
	v58 =	vor.u32 v5, v19;
	[tilespmem:s22+$0x1600] =	vst v8  }
0x33e: {  	v60 =	vand.u32 $0x7FFFF, v57;
	v61 =	vmul.f32 v42, v12;
	v8 =	vpsel p0, v59, v58;
	[tilespmem:s21+$0x13600] =	vst v56  }
0x33f: {  	v62 =	vxor.u32 v43, v18;
	v7 =	vadd.s32 v7, v16;
	v9 =	vor.u32 v5, v60;
	[tilespmem:s22+$0x1800] =	vst v8  }
0x340: {  	v7 =	vpsel p0, v7, v9;
	v63 =	vmul.f32 v12, v44;
	v11 =	vand.u32 $0x7FFFF, v62;
	[tilespmem:s21+$0x13800] =	vst v61  }
0x341: {  	v6 =	vadd.s32 v6, v16;
	v5 =	vor.u32 v5, v11;
	[tilespmem:s22+$0x1A00] =	vst v7  }
0x342: {  	v5 =	vpsel p0, v6, v5;
	v7 =	vmul.f32 v12, v13;
	[tilespmem:s21+$0x13A00] =	vst v63  }
0x343: {  	[tilespmem:s22+$0x1C00] =	vst v5  }
0x344: {  	s23 =	simm.s32 $0xE00;
	[tilespmem:s21+$0x13C00] =	vst v7  }
0x345: {  	[tilespmem:s16], [sflag:$0x1] =	stream.indirect.gather [hbm4b:s3+s14], $0x8, s23, s14, $0xb8;
	[tilespmem:$0x18E10] =	vst v63  }
0x346: {  	s24 =	simm.s32 $0xE80;
	s25 =	simm.s32 $0x3200  }
0x347: {  	[tilespmem:s25], [sflag:$0x1] =	stream.indirect.gather [hbm4b:s3+s14], $0x8, s24, s14, $0xb8;
	[tilespmem:$0x18E10] =	vst v63  }
0x348: {  	s28 =	simm.s32 $0x3600;
	s26 =	simm.s32 $0xF00  }
0x349: {  	[tilespmem:s28], [sflag:$0x1] =	stream.indirect.gather [hbm4b:s3+s14], $0x8, s26, s14, $0xb8;
	[tilespmem:$0x18E10] =	vst v63  }
0x34a: {  	s30 =	simm.s32 $0xF80;
	s31 =	simm.s32 $0x3A00  }
0x34b: {  	[tilespmem:s31], [sflag:$0x1] =	stream.indirect.gather [hbm4b:s3+s14], $0x8, s30, s14, $0xb8;
	[tilespmem:$0x18E10] =	vst v63  }
0x34c: {  	s22 =	simm.s32 $0x1000;
	s23 =	simm.s32 $0x3E00  }
0x34d: {  	[tilespmem:s23], [sflag:$0x1] =	stream.indirect.gather [hbm4b:s3+s14], $0x8, s22, s14, $0xb8;
	[tilespmem:$0x18E10] =	vst v63  }
0x34e: {  	s24 =	simm.s32 $0x1080;
	s25 =	simm.s32 $0x4200  }
0x34f: {  	[tilespmem:s25], [sflag:$0x1] =	stream.indirect.gather [hbm4b:s3+s14], $0x8, s24, s14, $0xb8;
	[tilespmem:$0x18E10] =	vst v63  }
0x350: {  	s26 =	simm.s32 $0x1100;
	s28 =	simm.s32 $0x4600  }
0x351: {  	[tilespmem:s28], [sflag:$0x1] =	stream.indirect.gather [hbm4b:s3+s14], $0x8, s26, s14, $0xb8;
	[tilespmem:$0x18E10] =	vst v63  }
0x352: {  	s30 =	simm.s32 $0x1180;
	s31 =	simm.s32 $0x4A00  }
0x353: {  	[tilespmem:s31], [sflag:$0x1] =	stream.indirect.gather [hbm4b:s3+s14], $0x8, s30, s14, $0xb8;
	[tilespmem:$0x18E10] =	vst v63  }
0x354: {  	s22 =	simm.s32 $0x1200;
	s23 =	simm.s32 $0x4E00  }
0x355: {  	[tilespmem:s23], [sflag:$0x1] =	stream.indirect.gather [hbm4b:s3+s14], $0x8, s22, s14, $0xb8;
	[tilespmem:$0x18E10] =	vst v63  }
0x356: {  	s24 =	simm.s32 $0x1280;
	s25 =	simm.s32 $0x5200  }
0x357: {  	[tilespmem:s25], [sflag:$0x1] =	stream.indirect.gather [hbm4b:s3+s14], $0x8, s24, s14, $0xb8;
	[tilespmem:$0x18E10] =	vst v63  }
0x358: {  	s26 =	simm.s32 $0x1300;
	s28 =	simm.s32 $0x5600  }
0x359: {  	[tilespmem:s28], [sflag:$0x1] =	stream.indirect.gather [hbm4b:s3+s14], $0x8, s26, s14, $0xb8;
	[tilespmem:$0x18E10] =	vst v63  }
0x35a: {  	s30 =	simm.s32 $0x1380;
	s31 =	simm.s32 $0x5A00  }
0x35b: {  	[tilespmem:s31], [sflag:$0x1] =	stream.indirect.gather [hbm4b:s3+s14], $0x8, s30, s14, $0xb8;
	[tilespmem:$0x18E10] =	vst v63  }
0x35c: {  	s22 =	simm.s32 $0x1400;
	s23 =	simm.s32 $0x5E00  }
0x35d: {  	[tilespmem:s23], [sflag:$0x1] =	stream.indirect.gather [hbm4b:s3+s14], $0x8, s22, s14, $0xb8;
	[tilespmem:$0x18E10] =	vst v63  }
0x35e: {  	s24 =	simm.s32 $0x1480;
	s25 =	simm.s32 $0x6200  }
0x35f: {  	[tilespmem:s25], [sflag:$0x1] =	stream.indirect.gather [hbm4b:s3+s14], $0x8, s24, s14, $0xb8;
	[tilespmem:$0x18E10] =	vst v63  }
0x360: {  	s26 =	simm.s32 $0x1500;
	s28 =	simm.s32 $0x6600  }
0x361: {  	[tilespmem:s28], [sflag:$0x1] =	stream.indirect.gather [hbm4b:s3+s14], $0x8, s26, s14, $0xb8;
	[tilespmem:$0x18E10] =	vst v63  }
0x362: {  	s30 =	simm.s32 $0x1580;
	s31 =	simm.s32 $0x6A00  }
0x363: {  	[tilespmem:s31], [sflag:$0x1] =	stream.indirect.gather [hbm4b:s3+s14], $0x8, s30, s14, $0xb8;
	[tilespmem:$0x18E10] =	vst v63  }
0x364: {  	s22 =	simm.s32 $0x1600;
	s23 =	simm.s32 $0x6E00  }
0x365: {  	[tilespmem:s23], [sflag:$0x1] =	stream.indirect.gather [hbm4b:s3+s14], $0x8, s22, s14, $0xb8;
	[tilespmem:$0x18E10] =	vst v63  }
0x366: {  	s24 =	simm.s32 $0x1680;
	s25 =	simm.s32 $0x7200  }
0x367: {  	[tilespmem:s25], [sflag:$0x1] =	stream.indirect.gather [hbm4b:s3+s14], $0x8, s24, s14, $0xb8;
	[tilespmem:$0x18E10] =	vst v63  }
0x368: {  	s26 =	simm.s32 $0x1700;
	s28 =	simm.s32 $0x7600  }
0x369: {  	[tilespmem:s28], [sflag:$0x1] =	stream.indirect.gather [hbm4b:s3+s14], $0x8, s26, s14, $0xb8;
	[tilespmem:$0x18E10] =	vst v63  }
0x36a: {  	s30 =	simm.s32 $0x1780;
	s31 =	simm.s32 $0x7A00  }
0x36b: {  	[tilespmem:s31], [sflag:$0x1] =	stream.indirect.gather [hbm4b:s3+s14], $0x8, s30, s14, $0xb8;
	[tilespmem:$0x18E10] =	vst v63  }
0x36c: {  	s22 =	simm.s32 $0x1800;
	s23 =	simm.s32 $0x7E00  }
0x36d: {  	[tilespmem:s23], [sflag:$0x1] =	stream.indirect.gather [hbm4b:s3+s14], $0x8, s22, s14, $0xb8;
	[tilespmem:$0x18E10] =	vst v63  }
0x36e: {  	s24 =	simm.s32 $0x1880;
	s25 =	simm.s32 $0x8200  }
0x36f: {  	[tilespmem:s25], [sflag:$0x1] =	stream.indirect.gather [hbm4b:s3+s14], $0x8, s24, s14, $0xb8;
	[tilespmem:$0x18E10] =	vst v63  }
0x370: {  	s26 =	simm.s32 $0x1900;
	s28 =	simm.s32 $0x8600  }
0x371: {  	[tilespmem:s28], [sflag:$0x1] =	stream.indirect.gather [hbm4b:s3+s14], $0x8, s26, s14, $0xb8;
	[tilespmem:$0x18E10] =	vst v63  }
0x372: {  	s30 =	simm.s32 $0x1980;
	s31 =	simm.s32 $0x8A00  }
0x373: {  	[tilespmem:s31], [sflag:$0x1] =	stream.indirect.gather [hbm4b:s3+s14], $0x8, s30, s14, $0xb8;
	[tilespmem:$0x18E10] =	vst v63  }
0x374: {  	s22 =	simm.s32 $0x1A00;
	s23 =	simm.s32 $0x8E00  }
0x375: {  	[tilespmem:s23], [sflag:$0x1] =	stream.indirect.gather [hbm4b:s3+s14], $0x8, s22, s14, $0xb8;
	[tilespmem:$0x18E10] =	vst v63  }
0x376: {  	s24 =	simm.s32 $0x1A80;
	s25 =	simm.s32 $0x9200  }
0x377: {  	[tilespmem:s25], [sflag:$0x1] =	stream.indirect.gather [hbm4b:s3+s14], $0x8, s24, s14, $0xb8;
	[tilespmem:$0x18E10] =	vst v63  }
0x378: {  	s26 =	simm.s32 $0x1B00;
	s28 =	simm.s32 $0x9600  }
0x379: {  	[tilespmem:s28], [sflag:$0x1] =	stream.indirect.gather [hbm4b:s3+s14], $0x8, s26, s14, $0xb8;
	[tilespmem:$0x18E10] =	vst v63  }
0x37a: {  	s30 =	simm.s32 $0x1B80;
	s31 =	simm.s32 $0x9A00  }
0x37b: {  	[tilespmem:s31], [sflag:$0x1] =	stream.indirect.gather [hbm4b:s3+s14], $0x8, s30, s14, $0xb8;
	[tilespmem:$0x18E10] =	vst v63  }
0x37c: {  	s22 =	simm.s32 $0x1C00;
	s23 =	simm.s32 $0x9E00  }
0x37d: {  	[tilespmem:s23], [sflag:$0x1] =	stream.indirect.gather [hbm4b:s3+s14], $0x8, s22, s14, $0xb8;
	[tilespmem:$0x18E10] =	vst v63  }
0x37e: {  	s24 =	simm.s32 $0x1C80;
	s25 =	simm.s32 $0xA200  }
0x37f: {  	[tilespmem:s25], [sflag:$0x1] =	stream.indirect.gather [hbm4b:s3+s14], $0x8, s24, s14, $0xb8;
	[tilespmem:$0x18E10] =	vst v63  }
0x380: {  	s26 =	simm.s32 $0x1D00;
	s28 =	simm.s32 $0xA600  }
0x381: {  	[tilespmem:s28], [sflag:$0x1] =	stream.indirect.gather [hbm4b:s3+s14], $0x8, s26, s14, $0xb8;
	[tilespmem:$0x18E10] =	vst v63  }
0x382: {  	s30 =	simm.s32 $0x1D80;
	s31 =	simm.s32 $0xAA00  }
0x383: {  	[tilespmem:s31], [sflag:$0x1] =	stream.indirect.gather [hbm4b:s3+s14], $0x8, s30, s14, $0xb8;
	[tilespmem:$0x18E10] =	vst v63  }
.LBB2_13:
0x384: {  	_ =	swait.ge [sflag:s17], $0x400  }
0x385: {  	[sflag:s17] =	ssyncset.done $0x0  }
0x386: {  	[sflag:s17] =	ssyncadd.s32 $0xFFFFFC00  }
0x387: {  	_ =	swait.ge [sflag:s17], $0x400  }
0x388: {  	[sflag:s17] =	ssyncset.done $0x0  }
0x389: {  	[sflag:s17] =	ssyncadd.s32 $0xFFFFFC00  }
0x38a: {  	_ =	swait.ge [sflag:s17], $0x400  }
0x38b: {  	[sflag:s17] =	ssyncset.done $0x0  }
0x38c: {  	[sflag:s17] =	ssyncadd.s32 $0xFFFFFC00  }
0x38d: {  	_ =	swait.ge [sflag:s17], $0x400  }
0x38e: {  	[sflag:s17] =	ssyncset.done $0x0  }
0x38f: {  	[sflag:s17] =	ssyncadd.s32 $0xFFFFFC00  }
0x390: {  	_ =	swait.ge [sflag:s17], $0x400  }
0x391: {  	[sflag:s17] =	ssyncset.done $0x0  }
0x392: {  	[sflag:s17] =	ssyncadd.s32 $0xFFFFFC00  }
0x393: {  	_ =	swait.ge [sflag:s17], $0x400  }
0x394: {  	[sflag:s17] =	ssyncset.done $0x0  }
0x395: {  	[sflag:s17] =	ssyncadd.s32 $0xFFFFFC00  }
0x396: {  	_ =	swait.ge [sflag:s17], $0x400  }
0x397: {  	[sflag:s17] =	ssyncset.done $0x0  }
0x398: {  	[sflag:s17] =	ssyncadd.s32 $0xFFFFFC00  }
0x399: {  	_ =	swait.ge [sflag:s17], $0x400  }
0x39a: {  	[sflag:s17] =	ssyncset.done $0x0  }
0x39b: {  	[sflag:s17] =	ssyncadd.s32 $0xFFFFFC00  }
0x39c: {  	_ =	swait.ge [sflag:s17], $0x400  }
0x39d: {  	[sflag:s17] =	ssyncset.done $0x0  }
0x39e: {  	[sflag:s17] =	ssyncadd.s32 $0xFFFFFC00  }
0x39f: {  	_ =	swait.ge [sflag:s17], $0x400  }
0x3a0: {  	[sflag:s17] =	ssyncset.done $0x0  }
0x3a1: {  	[sflag:s17] =	ssyncadd.s32 $0xFFFFFC00  }
0x3a2: {  	_ =	swait.ge [sflag:s17], $0x400  }
0x3a3: {  	[sflag:s17] =	ssyncset.done $0x0  }
0x3a4: {  	[sflag:s17] =	ssyncadd.s32 $0xFFFFFC00  }
0x3a5: {  	_ =	swait.ge [sflag:s17], $0x400  }
0x3a6: {  	[sflag:s17] =	ssyncset.done $0x0  }
0x3a7: {  	[sflag:s17] =	ssyncadd.s32 $0xFFFFFC00  }
0x3a8: {  	_ =	swait.ge [sflag:s17], $0x400  }
0x3a9: {  	[sflag:s17] =	ssyncset.done $0x0  }
0x3aa: {  	[sflag:s17] =	ssyncadd.s32 $0xFFFFFC00  }
0x3ab: {  	_ =	swait.ge [sflag:s17], $0x400  }
0x3ac: {  	[sflag:s17] =	ssyncset.done $0x0  }
0x3ad: {  	[sflag:s17] =	ssyncadd.s32 $0xFFFFFC00  }
0x3ae: {  	_ =	swait.ge [sflag:s17], $0x400  }
0x3af: {  	[sflag:s17] =	ssyncset.done $0x0  }
0x3b0: {  	[sflag:s17] =	ssyncadd.s32 $0xFFFFFC00  }
0x3b1: {  	_ =	swait.ge [sflag:s17], $0x400  }
0x3b2: {  	[sflag:s17] =	ssyncset.done $0x0  }
0x3b3: {  	[sflag:s17] =	ssyncadd.s32 $0xFFFFFC00  }
0x3b4: {  	_ =	swait.ge [sflag:s17], $0x400  }
0x3b5: {  	[sflag:s17] =	ssyncset.done $0x0  }
0x3b6: {  	[sflag:s17] =	ssyncadd.s32 $0xFFFFFC00  }
0x3b7: {  	_ =	swait.ge [sflag:s17], $0x400  }
0x3b8: {  	[sflag:s17] =	ssyncset.done $0x0  }
0x3b9: {  	[sflag:s17] =	ssyncadd.s32 $0xFFFFFC00  }
0x3ba: {  	_ =	swait.ge [sflag:s17], $0x400  }
0x3bb: {  	[sflag:s17] =	ssyncset.done $0x0  }
0x3bc: {  	[sflag:s17] =	ssyncadd.s32 $0xFFFFFC00  }
0x3bd: {  	_ =	swait.ge [sflag:s17], $0x400  }
0x3be: {  	[sflag:s17] =	ssyncset.done $0x0  }
0x3bf: {  	[sflag:s17] =	ssyncadd.s32 $0xFFFFFC00  }
0x3c0: {  	_ =	swait.ge [sflag:s17], $0x400  }
0x3c1: {  	[sflag:s17] =	ssyncset.done $0x0  }
0x3c2: {  	[sflag:s17] =	ssyncadd.s32 $0xFFFFFC00  }
0x3c3: {  	_ =	swait.ge [sflag:s17], $0x400  }
0x3c4: {  	[sflag:s17] =	ssyncset.done $0x0  }
0x3c5: {  	[sflag:s17] =	ssyncadd.s32 $0xFFFFFC00  }
0x3c6: {  	_ =	swait.ge [sflag:s17], $0x400  }
0x3c7: {  	[sflag:s17] =	ssyncset.done $0x0  }
0x3c8: {  	[sflag:s17] =	ssyncadd.s32 $0xFFFFFC00  }
0x3c9: {  	_ =	swait.ge [sflag:s17], $0x400  }
0x3ca: {  	[sflag:s17] =	ssyncset.done $0x0  }
0x3cb: {  	[sflag:s17] =	ssyncadd.s32 $0xFFFFFC00  }
0x3cc: {  	_ =	swait.ge [sflag:s17], $0x400  }
0x3cd: {  	[sflag:s17] =	ssyncset.done $0x0  }
0x3ce: {  	[sflag:s17] =	ssyncadd.s32 $0xFFFFFC00  }
0x3cf: {  	_ =	swait.ge [sflag:s17], $0x400  }
0x3d0: {  	[sflag:s17] =	ssyncset.done $0x0  }
0x3d1: {  	[sflag:s17] =	ssyncadd.s32 $0xFFFFFC00  }
0x3d2: {  	_ =	swait.ge [sflag:s17], $0x400  }
0x3d3: {  	[sflag:s17] =	ssyncset.done $0x0  }
0x3d4: {  	[sflag:s17] =	ssyncadd.s32 $0xFFFFFC00  }
0x3d5: {  	_ =	swait.ge [sflag:s17], $0x400  }
0x3d6: {  	[sflag:s17] =	ssyncset.done $0x0  }
0x3d7: {  	[sflag:s17] =	ssyncadd.s32 $0xFFFFFC00  }
0x3d8: {  	_ =	swait.ge [sflag:s17], $0x400  }
0x3d9: {  	[sflag:s17] =	ssyncset.done $0x0  }
0x3da: {  	[sflag:s17] =	ssyncadd.s32 $0xFFFFFC00  }
0x3db: {  	s21 =	simm.s32 $0xA00;
	s22 =	simm.s32 $0xC00;
	_ =	swait.ge [sflag:s17], $0x400  }
0x3dc: {  	s23 =	simm.s32 $0x600;
	s24 =	simm.s32 $0x800;
	v5 =	vmov s21;
	v6 =	vmov s22;
	[sflag:s17] =	ssyncset.done $0x0  }
0x3dd: {  	s26 =	simm.s32 $0x400;
	v7 =	vmov s23;
	v9 =	vmov s24;
	v6 =	vshll.u32 v6, $0x3;
	[sflag:s17] =	ssyncadd.s32 $0xFFFFFC00  }
0x3de: {  	v13 =	vmov s26;
	v5 =	vshll.u32 v5, $0x3;
	v8 =	vor.u32 v4, v6;
	_ =	swait.ge [sflag:s17], $0x400  }
0x3df: {  	v6 =	vshll.u32 v9, $0x3;
	v10 =	vor.u32 v4, v5;
	v5 =	vor.u32 $0x7, v8;
	[sflag:s17] =	ssyncset.done $0x0  }
0x3e0: {  	v9 =	vshll.u32 v13, $0x3;
	v12 =	vor.u32 v4, v6;
	v6 =	vor.u32 $0x7, v10;
	[sflag:s17] =	ssyncadd.s32 $0xFFFFFC00  }
0x3e1: {  	s25 =	simm.s32 $0x200;
	v7 =	vshll.u32 v7, $0x3;
	v31 =	vor.u32 v4, v9;
	v13 =	vor.u32 $0x7, v12;
	_ =	swait.ge [sflag:s17], $0x400  }
0x3e2: {  	s30 =	simm.s32 $0x0;
	v11 =	vmov s25;
	v16 =	vor.u32 v4, v7;
	v15 =	vor.u32 $0x7, v31;
	[sflag:s17] =	ssyncset.done $0x0  }
0x3e3: {  	s28 =	sshll.u32 s20, $0x1;
	s31 =	sshllo.u32 s20, $0x1;
	v17 =	vor.u32 s30, v0;
	v7 =	vshll.u32 v11, $0x3;
	v14 =	vor.u32 $0x7, v16;
	[sflag:s17] =	ssyncadd.s32 $0xFFFFFC00  }
0x3e4: {  	v18 =	vmov s31;
	v37 =	vor.u32 v4, v7;
	v7 =	vld.idx.msk [tilespmem:v5+s29+$0x0], $0xffff;
	v5 =	vmov s28  }
0x3e5: {  	v25 =	vshll.u32 v17, $0x3;
	v20 =	vor.u32 $0x7, v37;
	v9 =	vld.idx.msk [tilespmem:v6+s29+$0x0], $0xffff;
	v5 =	vand.u32 $0x1E, v5  }
0x3e6: {  	v11 =	vld.idx.msk [tilespmem:v13+s29+$0x0], $0xffff;
	v6 =	vbroadcast v5, $0x0;
	v5 =	vbroadcast v18, $0x0;
	v18 =	vor.u32 $0x7, v25  }
0x3e7: {  	v19 =	vld.idx.msk [tilespmem:v15+s29+$0x0], $0xffff;
	v15 =	vor.u32 $0x4, v25  }
0x3e8: {  	v13 =	vld.idx.msk [tilespmem:v14+s29+$0x0], $0xffff;
	v14 =	vor.u32 $0x2, v25  }
0x3e9: {  	s20 =	simm.s32 $0x0  }
0x3ea: {  	s21 =	simm.s32 $0xE00;
	v23 =	vor.u32 s20, v3;
	s22 =	simm.s32 $0xE10;
	v33 =	vld.idx.msk [tilespmem:v20+s29+$0x0], $0xffff  }
.LBB2_14:
0x3eb: {  	p0 =	sne.s32 s22, $0xFF0;
	s23 =	sadd.s32 $0x1, s20;
	v40 =	vld.idx.msk [tilespmem:v18+s29+$0x0], $0xffff;
	v18 =	vmov s21;
	s21 =	smov.u32 s22  }
0x3ec: {  	s24 =	sadd.s32 $0xFFFFFC00, s22;
	s25 =	sadd.s32 $0xFFFFFE00, s22;
	v24 =	vor.u32 s23, v3;
	v41 =	vld.idx.msk [tilespmem:v15+s29+$0x0], $0xffff;
	v26 =	vshll.u32 v18, $0x3  }
0x3ed: {  	s26 =	sadd.s32 $0xFFFFFA00, s22;
	v27 =	vor.u32 $0x1, v25;
	s23 =	sadd.s32 $0xFFFFF800, s22;
	v21 =	vmov s24;
	v22 =	vmov s25;
	s24 =	sadd.s32 $0x2, s20;
	v42 =	vld.idx.msk [tilespmem:v14+s29+$0x0], $0xffff  }
0x3ee: {  	s28 =	sadd.s32 $0xFFFFF600, s22;
	s25 =	sadd.s32 $0xFFFFF400, s22;
	v20 =	vmov s26;
	v18 =	vmov s23;
	v34 =	vor.u32 s24, v3;
	v43 =	vld.idx.msk [tilespmem:v25+s29+$0x0], $0xffff  }
0x3ef: {  	v38 =	vor.u32 $0x3, v25;
	v15 =	vmov s28;
	v14 =	vmov s25;
	s24 =	sadd.s32 $0x3, s20;
	s23 =	sshra.s32 s20, $0x2;
	v23 =	vld.idx.msk [tilespmem:v23+s13+$0x0], $0xffff  }
0x3f0: {  	v17 =	vshll.u32 v17, $0x5;
	v29 =	vor.u32 v4, v26;
	v44 =	vor.u32 s24, v3;
	v45 =	vld [tilespmem:s23+$0x13E00]  }
0x3f1: {  	v46 =	vor.u32 $0x5, v25;
	v28 =	vor.u32 $0x4, v29;
	v26 =	vor.u32 $0x6, v29;
	v24 =	vld.idx.msk [tilespmem:v24+s13+$0x0], $0xffff  }
0x3f2: {  	v48 =	vor.u32 $0x6, v25;
	v32 =	vor.u32 $0x4, v8;
	v30 =	vor.u32 $0x2, v29;
	v47 =	vld.idx.msk [tilespmem:v27+s29+$0x0], $0xffff  }
0x3f3: {  	v36 =	vor.u32 $0x2, v10;
	v35 =	vor.u32 $0x4, v10;
	v25 =	vld.idx.msk [tilespmem:v34+s13+$0x0], $0xffff;
	v34 =	vor.u32 $0x2, v8  }
0x3f4: {  	v50 =	vor.u32 $0x4, v16;
	v39 =	vor.u32 $0x2, v12;
	v49 =	vld.idx.msk [tilespmem:v38+s29+$0x0], $0xffff;
	v38 =	vor.u32 $0x4, v12  }
0x3f5: {  	v51 =	vor.u32 $0x1, v37;
	v52 =	vor.u32 $0x2, v16;
	v27 =	vld.idx.msk [tilespmem:v44+s13+$0x0], $0xffff;
	v44 =	vmul.f32 v45, v23  }
0x3f6: {  	v53 =	vor.u32 $0x2, v37;
	v54 =	vor.u32 $0x2, v31;
	v55 =	vor.u32 $0x4, v31;
	v46 =	vld.idx.msk [tilespmem:v46+s29+$0x0], $0xffff  }
0x3f7: {  	v57 =	vor.u32 $0x3, v37;
	v56 =	vmul.f32 v45, v24;
	v43 =	vmul.f32 v43, v44;
	v48 =	vld.idx.msk [tilespmem:v48+s29+$0x0], $0xffff  }
0x3f8: {  	v58 =	vor.u32 $0x4, v37;
	v59 =	vor.u32 $0x5, v37;
	v44 =	vmul.f32 v47, v44;
	v47 =	vld [tilespmem:s23+$0x14000]  }
0x3f9: {  	v60 =	vmul.f32 v45, v25;
	v42 =	vmul.f32 v42, v56;
	v43 =	vadd.f32 $0.0e+00, v43;
	v61 =	vld.idx.msk [tilespmem:v37+s29+$0x0], $0xffff  }
0x3fa: {  	v44 =	vadd.f32 $0.0e+00, v44;
	v49 =	vmul.f32 v49, v56;
	v37 =	vor.u32 $0x6, v37;
	v51 =	vld.idx.msk [tilespmem:v51+s29+$0x0], $0xffff  }
0x3fb: {  	v45 =	vmul.f32 v45, v27;
	v41 =	vmul.f32 v41, v60;
	v42 =	vadd.f32 v42, v43;
	v43 =	vld.idx.msk [tilespmem:v53+s29+$0x0], $0xffff  }
0x3fc: {  	v44 =	vadd.f32 v49, v44;
	v46 =	vmul.f32 v46, v60;
	v53 =	vor.u32 $0x1, v31;
	v49 =	vld.idx.msk [tilespmem:v57+s29+$0x0], $0xffff  }
0x3fd: {  	v41 =	vadd.f32 v41, v42;
	v42 =	vmul.f32 v48, v45;
	v48 =	vmul.f32 v47, v23;
	v56 =	vld.idx.msk [tilespmem:v58+s29+$0x0], $0xffff  }
0x3fe: {  	v40 =	vmul.f32 v40, v45;
	v44 =	vadd.f32 v46, v44;
	v46 =	vor.u32 $0x3, v31;
	v45 =	vld.idx.msk [tilespmem:v59+s29+$0x0], $0xffff  }
0x3ff: {  	v41 =	vadd.f32 v42, v41;
	v42 =	vmul.f32 v47, v24;
	v57 =	vmul.f32 v61, v48;
	v37 =	vld.idx.msk [tilespmem:v37+s29+$0x0], $0xffff  }
0x400: {  	v40 =	vadd.f32 v40, v44;
	v44 =	vmul.f32 v51, v48;
	v51 =	vor.u32 $0x5, v31;
	v48 =	vld [tilespmem:s23+$0x14200]  }
0x401: {  	v58 =	vmul.f32 v47, v25;
	v41 =	vadd.f32 v57, v41;
	v43 =	vmul.f32 v43, v42;
	v57 =	vld.idx.msk [tilespmem:v31+s29+$0x0], $0xffff  }
0x402: {  	v40 =	vadd.f32 v44, v40;
	v42 =	vmul.f32 v49, v42;
	v31 =	vor.u32 $0x6, v31;
	v44 =	vld.idx.msk [tilespmem:v53+s29+$0x0], $0xffff  }
0x403: {  	v47 =	vmul.f32 v47, v27;
	v41 =	vadd.f32 v43, v41;
	v43 =	vmul.f32 v56, v58;
	v49 =	vld.idx.msk [tilespmem:v54+s29+$0x0], $0xffff  }
0x404: {  	v40 =	vadd.f32 v42, v40;
	v42 =	vmul.f32 v45, v58;
	v45 =	vld.idx.msk [tilespmem:v46+s29+$0x0], $0xffff;
	v46 =	vor.u32 $0x1, v16  }
0x405: {  	v37 =	vmul.f32 v37, v47;
	v41 =	vadd.f32 v43, v41;
	v43 =	vmul.f32 v48, v23;
	v53 =	vld.idx.msk [tilespmem:v55+s29+$0x0], $0xffff  }
0x406: {  	v33 =	vmul.f32 v33, v47;
	v47 =	vor.u32 $0x3, v16;
	v40 =	vadd.f32 v42, v40;
	v42 =	vld.idx.msk [tilespmem:v51+s29+$0x0], $0xffff  }
0x407: {  	v37 =	vadd.f32 v37, v41;
	v41 =	vmul.f32 v48, v24;
	v51 =	vmul.f32 v57, v43;
	v31 =	vld.idx.msk [tilespmem:v31+s29+$0x0], $0xffff  }
0x408: {  	v33 =	vadd.f32 v33, v40;
	v40 =	vmul.f32 v44, v43;
	v44 =	vor.u32 $0x5, v16;
	v43 =	vld [tilespmem:s23+$0x14400]  }
0x409: {  	v54 =	vmul.f32 v48, v25;
	v37 =	vadd.f32 v51, v37;
	v49 =	vmul.f32 v49, v41;
	v51 =	vld.idx.msk [tilespmem:v16+s29+$0x0], $0xffff  }
0x40a: {  	v33 =	vadd.f32 v40, v33;
	v40 =	vmul.f32 v45, v41;
	v16 =	vor.u32 $0x6, v16;
	v41 =	vld.idx.msk [tilespmem:v46+s29+$0x0], $0xffff  }
0x40b: {  	v45 =	vmul.f32 v48, v27;
	v46 =	vmul.f32 v53, v54;
	v37 =	vadd.f32 v49, v37;
	v48 =	vld.idx.msk [tilespmem:v52+s29+$0x0], $0xffff  }
0x40c: {  	v33 =	vadd.f32 v40, v33;
	v40 =	vmul.f32 v42, v54;
	v42 =	vld.idx.msk [tilespmem:v47+s29+$0x0], $0xffff;
	v47 =	vor.u32 $0x1, v12  }
0x40d: {  	v31 =	vmul.f32 v31, v45;
	v37 =	vadd.f32 v46, v37;
	v46 =	vmul.f32 v43, v23;
	v49 =	vld.idx.msk [tilespmem:v50+s29+$0x0], $0xffff  }
0x40e: {  	v19 =	vmul.f32 v19, v45;
	v33 =	vadd.f32 v40, v33;
	v40 =	vld.idx.msk [tilespmem:v44+s29+$0x0], $0xffff;
	v44 =	vor.u32 $0x3, v12  }
0x40f: {  	v31 =	vadd.f32 v31, v37;
	v37 =	vmul.f32 v43, v24;
	v45 =	vmul.f32 v51, v46;
	v16 =	vld.idx.msk [tilespmem:v16+s29+$0x0], $0xffff  }
0x410: {  	v19 =	vadd.f32 v19, v33;
	v33 =	vmul.f32 v41, v46;
	v46 =	vor.u32 $0x5, v12;
	v41 =	vld [tilespmem:s23+$0x14600]  }
0x411: {  	v50 =	vmul.f32 v43, v25;
	v31 =	vadd.f32 v45, v31;
	v45 =	vmul.f32 v48, v37;
	v48 =	vld.idx.msk [tilespmem:v12+s29+$0x0], $0xffff  }
0x412: {  	v19 =	vadd.f32 v33, v19;
	v33 =	vmul.f32 v42, v37;
	v12 =	vor.u32 $0x6, v12;
	v37 =	vld.idx.msk [tilespmem:v47+s29+$0x0], $0xffff  }
0x413: {  	v42 =	vmul.f32 v43, v27;
	v43 =	vmul.f32 v49, v50;
	v31 =	vadd.f32 v45, v31;
	v39 =	vld.idx.msk [tilespmem:v39+s29+$0x0], $0xffff  }
0x414: {  	v19 =	vadd.f32 v33, v19;
	v33 =	vmul.f32 v40, v50;
	v40 =	vld.idx.msk [tilespmem:v44+s29+$0x0], $0xffff;
	v44 =	vor.u32 $0x1, v10  }
0x415: {  	v16 =	vmul.f32 v16, v42;
	v31 =	vadd.f32 v43, v31;
	v43 =	vmul.f32 v41, v23;
	v38 =	vld.idx.msk [tilespmem:v38+s29+$0x0], $0xffff  }
0x416: {  	v13 =	vmul.f32 v13, v42;
	v42 =	vor.u32 $0x3, v10;
	v19 =	vadd.f32 v33, v19;
	v33 =	vld.idx.msk [tilespmem:v46+s29+$0x0], $0xffff  }
0x417: {  	v16 =	vadd.f32 v16, v31;
	v31 =	vmul.f32 v41, v24;
	v45 =	vmul.f32 v48, v43;
	v12 =	vld.idx.msk [tilespmem:v12+s29+$0x0], $0xffff  }
0x418: {  	v13 =	vadd.f32 v13, v19;
	v19 =	vmul.f32 v37, v43;
	v43 =	vor.u32 $0x5, v10;
	v37 =	vld [tilespmem:s23+$0x14800]  }
0x419: {  	v46 =	vmul.f32 v41, v25;
	v16 =	vadd.f32 v45, v16;
	v39 =	vmul.f32 v39, v31;
	v45 =	vld.idx.msk [tilespmem:v10+s29+$0x0], $0xffff  }
0x41a: {  	v13 =	vadd.f32 v19, v13;
	v19 =	vmul.f32 v40, v31;
	v10 =	vor.u32 $0x6, v10;
	v31 =	vld.idx.msk [tilespmem:v44+s29+$0x0], $0xffff  }
0x41b: {  	v40 =	vmul.f32 v41, v27;
	v38 =	vmul.f32 v38, v46;
	v16 =	vadd.f32 v39, v16;
	v36 =	vld.idx.msk [tilespmem:v36+s29+$0x0], $0xffff  }
0x41c: {  	v13 =	vadd.f32 v19, v13;
	v19 =	vmul.f32 v33, v46;
	v39 =	vor.u32 $0x1, v8;
	v33 =	vld.idx.msk [tilespmem:v42+s29+$0x0], $0xffff  }
0x41d: {  	v12 =	vmul.f32 v12, v40;
	v16 =	vadd.f32 v38, v16;
	v38 =	vmul.f32 v37, v23;
	v35 =	vld.idx.msk [tilespmem:v35+s29+$0x0], $0xffff  }
0x41e: {  	v11 =	vmul.f32 v11, v40;
	v40 =	vor.u32 $0x3, v8;
	v13 =	vadd.f32 v19, v13;
	v19 =	vld.idx.msk [tilespmem:v43+s29+$0x0], $0xffff  }
0x41f: {  	v12 =	vadd.f32 v12, v16;
	v16 =	vmul.f32 v37, v24;
	v41 =	vmul.f32 v45, v38;
	v10 =	vld.idx.msk [tilespmem:v10+s29+$0x0], $0xffff  }
0x420: {  	v11 =	vadd.f32 v11, v13;
	v13 =	vmul.f32 v31, v38;
	v38 =	vor.u32 $0x5, v8;
	v31 =	vld [tilespmem:s23+$0x14A00]  }
0x421: {  	v42 =	vmul.f32 v37, v25;
	v12 =	vadd.f32 v41, v12;
	v36 =	vmul.f32 v36, v16;
	v41 =	vld.idx.msk [tilespmem:v8+s29+$0x0], $0xffff  }
0x422: {  	v11 =	vadd.f32 v13, v11;
	v13 =	vmul.f32 v33, v16;
	v8 =	vor.u32 $0x6, v8;
	v16 =	vld.idx.msk [tilespmem:v39+s29+$0x0], $0xffff  }
0x423: {  	v33 =	vmul.f32 v37, v27;
	v35 =	vmul.f32 v35, v42;
	v12 =	vadd.f32 v36, v12;
	v34 =	vld.idx.msk [tilespmem:v34+s29+$0x0], $0xffff  }
0x424: {  	v11 =	vadd.f32 v13, v11;
	v13 =	vmul.f32 v19, v42;
	v36 =	vor.u32 $0x1, v29;
	v19 =	vld.idx.msk [tilespmem:v40+s29+$0x0], $0xffff  }
0x425: {  	v10 =	vmul.f32 v10, v33;
	v12 =	vadd.f32 v35, v12;
	v35 =	vmul.f32 v31, v23;
	v32 =	vld.idx.msk [tilespmem:v32+s29+$0x0], $0xffff  }
0x426: {  	v9 =	vmul.f32 v9, v33;
	v33 =	vor.u32 $0x3, v29;
	v11 =	vadd.f32 v13, v11;
	v13 =	vld.idx.msk [tilespmem:v38+s29+$0x0], $0xffff  }
0x427: {  	v10 =	vadd.f32 v10, v12;
	v12 =	vmul.f32 v31, v24;
	v37 =	vmul.f32 v41, v35;
	v8 =	vld.idx.msk [tilespmem:v8+s29+$0x0], $0xffff  }
0x428: {  	v9 =	vadd.f32 v9, v11;
	v11 =	vmul.f32 v16, v35;
	v35 =	vor.u32 $0x5, v29;
	v16 =	vld [tilespmem:s23+$0x14C00]  }
0x429: {  	v38 =	vmul.f32 v31, v25;
	v10 =	vadd.f32 v37, v10;
	v34 =	vmul.f32 v34, v12;
	v37 =	vld.idx.msk [tilespmem:v29+s29+$0x0], $0xffff  }
0x42a: {  	v9 =	vadd.f32 v11, v9;
	v11 =	vmul.f32 v19, v12;
	v19 =	vor.u32 $0x7, v29;
	v12 =	vld.idx.msk [tilespmem:v36+s29+$0x0], $0xffff  }
0x42b: {  	v29 =	vmul.f32 v31, v27;
	v31 =	vmul.f32 v32, v38;
	v10 =	vadd.f32 v34, v10;
	v30 =	vld.idx.msk [tilespmem:v30+s29+$0x0], $0xffff  }
0x42c: {  	v22 =	vshll.u32 v22, $0x3;
	v9 =	vadd.f32 v11, v9;
	v11 =	vmul.f32 v13, v38;
	v13 =	vld.idx.msk [tilespmem:v33+s29+$0x0], $0xffff  }
0x42d: {  	v8 =	vmul.f32 v8, v29;
	v10 =	vadd.f32 v31, v10;
	v23 =	vmul.f32 v16, v23;
	v28 =	vld.idx.msk [tilespmem:v28+s29+$0x0], $0xffff  }
0x42e: {  	v21 =	vshll.u32 v21, $0x3;
	v7 =	vmul.f32 v7, v29;
	v9 =	vadd.f32 v11, v9;
	v11 =	vld.idx.msk [tilespmem:v35+s29+$0x0], $0xffff  }
0x42f: {  	v8 =	vadd.f32 v8, v10;
	v10 =	vmul.f32 v16, v24;
	v24 =	vmul.f32 v37, v23;
	v26 =	vld.idx.msk [tilespmem:v26+s29+$0x0], $0xffff  }
0x430: {  	v20 =	vshll.u32 v20, $0x3;
	v7 =	vadd.f32 v7, v9;
	v9 =	vmul.f32 v12, v23;
	v12 =	vld.idx.msk [tilespmem:v19+s29+$0x0], $0xffff  }
0x431: {  	v19 =	vmul.f32 v16, v25;
	v8 =	vadd.f32 v24, v8;
	v23 =	vmul.f32 v30, v10  }
0x432: {  	v18 =	vshll.u32 v18, $0x3;
	v7 =	vadd.f32 v9, v7;
	v9 =	vmul.f32 v13, v10  }
0x433: {  	v10 =	vmul.f32 v16, v27;
	v13 =	vmul.f32 v28, v19;
	v8 =	vadd.f32 v23, v8  }
0x434: {  	v7 =	vadd.f32 v9, v7;
	v9 =	vmul.f32 v11, v19;
	v11 =	vor.u32 v6, v17  }
0x435: {  	v17 =	vadd.s32 v5, v17;
	v16 =	vmul.f32 v26, v10;
	v13 =	vadd.f32 v13, v8  }
0x436: {  	v8 =	vor.u32 v4, v22;
	v7 =	vadd.f32 v9, v7;
	v9 =	vmul.f32 v12, v10  }
0x437: {  	v10 =	vor.u32 v4, v21;
	v19 =	vor.u32 $0x7, v8;
	v13 =	vadd.f32 v16, v13  }
0x438: {  	v12 =	vor.u32 v4, v20;
	v20 =	vor.u32 $0x7, v10;
	v7 =	vadd.f32 v9, v7  }
0x439: {  	v21 =	vor.u32 $0x7, v12;
	v9 =	vshll.u32 v15, $0x3;
	v16 =	vor.u32 v4, v18;
	[tilespmem:v11+s15+$0x0] =	vst.idx.msk $0xffff, v13  }
0x43a: {  	s23 =	sadd.s32 $0xFFFFF200, s22;
	v31 =	vor.u32 v4, v9;
	v11 =	vshll.u32 v14, $0x3;
	v13 =	vor.u32 $0x7, v16;
	[tilespmem:v17+s15+$0x0] =	vst.idx.msk $0xffff, v7  }
0x43b: {  	v22 =	vor.u32 $0x7, v31;
	v17 =	vor.u32 s23, v0;
	v37 =	vor.u32 v4, v11  }
0x43c: {  	v25 =	vshll.u32 v17, $0x3;
	v24 =	vor.u32 $0x7, v37;
	v7 =	vld.idx.msk [tilespmem:v19+s29+$0x0], $0xffff  }
.Ltmp5:
0x43d: {  	v18 =	vor.u32 $0x7, v25;
	v9 =	vld.idx.msk [tilespmem:v20+s29+$0x0], $0xffff;
	(pc) =	sbr.rel @p0 .LBB2_14-.Ltmp5, $4  }
0x43e: {  	v15 =	vor.u32 $0x4, v25;
	v11 =	vld.idx.msk [tilespmem:v21+s29+$0x0], $0xffff  }
0x43f: {  	v14 =	vor.u32 $0x2, v25;
	v13 =	vld.idx.msk [tilespmem:v13+s29+$0x0], $0xffff  }
0x440: {  	s20 =	sadd.s32 $0x40, s20;
	v19 =	vld.idx.msk [tilespmem:v22+s29+$0x0], $0xffff  }
0x441: {  	s22 =	sadd.s32 $0x10, s22;
	v23 =	vor.u32 s20, v3;
	v33 =	vld.idx.msk [tilespmem:v24+s29+$0x0], $0xffff  }
0x442: {  	_ =	sdelay $0x3  }
0x443: {  	v29 =	vld.idx.msk [tilespmem:v18+s29+$0x0], $0xffff  }
0x444: {  	s22 =	sadd.s32 $0x1, s20;
	v30 =	vld.idx.msk [tilespmem:v15+s29+$0x0], $0xffff;
	v20 =	vor.u32 $0x1, v25  }
0x445: {  	v32 =	vld.idx.msk [tilespmem:v14+s29+$0x0], $0xffff;
	v59 =	vor.u32 s22, v3  }
0x446: {  	s28 =	sadd.s32 $0x2, s20;
	v34 =	vld.idx.msk [tilespmem:v25+s29+$0x0], $0xffff;
	v28 =	vor.u32 $0x3, v25  }
0x447: {  	v14 =	vld.idx.msk [tilespmem:v23+s13+$0x0], $0xffff;
	s31 =	sshra.s32 s20, $0x2;
	v21 =	vor.u32 s28, v3  }
0x448: {  	v60 =	vmov s21;
	s30 =	sadd.s32 $0x3, s20;
	v38 =	vor.u32 $0x5, v25;
	v40 =	vor.u32 $0x6, v25;
	v36 =	vld [tilespmem:s31+$0x13E00]  }
0x449: {  	v24 =	vor.u32 $0x4, v8;
	v27 =	vor.u32 $0x2, v10;
	v35 =	vor.u32 s30, v3;
	v39 =	vld.idx.msk [tilespmem:v20+s29+$0x0], $0xffff  }
0x44a: {  	v26 =	vor.u32 $0x4, v10;
	v25 =	vor.u32 $0x2, v8;
	v42 =	vor.u32 $0x4, v16;
	v15 =	vld.idx.msk [tilespmem:v59+s13+$0x0], $0xffff  }
0x44b: {  	v43 =	vor.u32 $0x2, v12;
	v44 =	vor.u32 $0x1, v37;
	v45 =	vor.u32 $0x2, v16;
	v41 =	vld.idx.msk [tilespmem:v28+s29+$0x0], $0xffff  }
0x44c: {  	v46 =	vor.u32 $0x2, v37;
	v47 =	vor.u32 $0x2, v31;
	v48 =	vor.u32 $0x4, v31;
	v20 =	vld.idx.msk [tilespmem:v21+s13+$0x0], $0xffff  }
0x44d: {  	v50 =	vor.u32 $0x3, v37;
	v51 =	vor.u32 $0x4, v37;
	v38 =	vld.idx.msk [tilespmem:v38+s29+$0x0], $0xffff;
	v62 =	vmul.f32 v36, v14  }
0x44e: {  	v52 =	vor.u32 $0x5, v37;
	v63 =	vor.u32 $0x6, v37;
	v61 =	vshll.u32 v60, $0x3;
	v21 =	vld.idx.msk [tilespmem:v35+s13+$0x0], $0xffff  }
0x44f: {  	v23 =	vor.u32 v4, v61;
	v40 =	vld.idx.msk [tilespmem:v40+s29+$0x0], $0xffff;
	v34 =	vmul.f32 v34, v62;
	v49 =	vmul.f32 v36, v15  }
0x450: {  	v60 =	vor.u32 $0x3, v31;
	v22 =	vor.u32 $0x4, v23;
	v35 =	vmul.f32 v39, v62;
	v39 =	vld [tilespmem:s31+$0x14000]  }
0x451: {  	v54 =	vld.idx.msk [tilespmem:v37+s29+$0x0], $0xffff;
	v34 =	vadd.f32 $0.0e+00, v34;
	v53 =	vmul.f32 v36, v20;
	v32 =	vmul.f32 v32, v49  }
0x452: {  	v28 =	vor.u32 $0x4, v12;
	v44 =	vld.idx.msk [tilespmem:v44+s29+$0x0], $0xffff;
	v35 =	vadd.f32 $0.0e+00, v35;
	v41 =	vmul.f32 v41, v49  }
0x453: {  	v55 =	vld.idx.msk [tilespmem:v46+s29+$0x0], $0xffff;
	v36 =	vmul.f32 v36, v21;
	v30 =	vmul.f32 v30, v53;
	v32 =	vadd.f32 v32, v34  }
0x454: {  	v46 =	vor.u32 $0x1, v31;
	v58 =	vld.idx.msk [tilespmem:v51+s29+$0x0], $0xffff;
	v38 =	vmul.f32 v38, v53;
	v35 =	vadd.f32 v41, v35  }
0x455: {  	v56 =	vmul.f32 v40, v36;
	v41 =	vld.idx.msk [tilespmem:v50+s29+$0x0], $0xffff;
	v57 =	vmul.f32 v39, v14;
	v30 =	vadd.f32 v30, v32  }
0x456: {  	v37 =	vld.idx.msk [tilespmem:v63+s29+$0x0], $0xffff;
	v29 =	vmul.f32 v29, v36;
	v53 =	vor.u32 $0x3, v16;
	v35 =	vadd.f32 v38, v35  }
0x457: {  	v59 =	vld.idx.msk [tilespmem:v52+s29+$0x0], $0xffff;
	v61 =	vmul.f32 v39, v15;
	v62 =	vmul.f32 v54, v57;
	v30 =	vadd.f32 v56, v30  }
0x458: {  	v40 =	vld [tilespmem:s31+$0x14200];
	v63 =	vmul.f32 v44, v57;
	v44 =	vor.u32 $0x5, v31;
	v29 =	vadd.f32 v29, v35  }
0x459: {  	v60 =	vld.idx.msk [tilespmem:v60+s29+$0x0], $0xffff;
	v54 =	vmul.f32 v39, v20;
	v34 =	vmul.f32 v55, v61;
	v30 =	vadd.f32 v62, v30  }
0x45a: {  	v55 =	vld.idx.msk [tilespmem:v31+s29+$0x0], $0xffff;
	v39 =	vmul.f32 v39, v21;
	v32 =	vmul.f32 v41, v61;
	v29 =	vadd.f32 v63, v29  }
0x45b: {  	v57 =	vor.u32 $0x6, v31;
	v56 =	vld.idx.msk [tilespmem:v46+s29+$0x0], $0xffff;
	v58 =	vmul.f32 v58, v54;
	v30 =	vadd.f32 v34, v30  }
0x45c: {  	v59 =	vmul.f32 v59, v54;
	v51 =	vmul.f32 v33, v39;
	v41 =	vld.idx.msk [tilespmem:v47+s29+$0x0], $0xffff;
	v29 =	vadd.f32 v32, v29  }
0x45d: {  	v49 =	vld.idx.msk [tilespmem:v48+s29+$0x0], $0xffff;
	v62 =	vmul.f32 v37, v39;
	v63 =	vmul.f32 v40, v14;
	v30 =	vadd.f32 v58, v30  }
0x45e: {  	v54 =	vmul.f32 v40, v15;
	v35 =	vld [tilespmem:s31+$0x14400];
	v61 =	vor.u32 $0x1, v16;
	v29 =	vadd.f32 v59, v29  }
0x45f: {  	v46 =	vor.u32 $0x6, v12;
	v52 =	vld.idx.msk [tilespmem:v44+s29+$0x0], $0xffff;
	v55 =	vmul.f32 v55, v63;
	v30 =	vadd.f32 v62, v30  }
0x460: {  	v60 =	vmul.f32 v60, v54;
	v31 =	vld.idx.msk [tilespmem:v57+s29+$0x0], $0xffff;
	v56 =	vmul.f32 v56, v63;
	v29 =	vadd.f32 v51, v29  }
0x461: {  	v34 =	vld [tilespmem:s31+$0x14600];
	v58 =	vmul.f32 v40, v20;
	v41 =	vmul.f32 v41, v54;
	v30 =	vadd.f32 v55, v30  }
0x462: {  	v57 =	vor.u32 $0x5, v16;
	v63 =	vmul.f32 v40, v21;
	v59 =	vld.idx.msk [tilespmem:v16+s29+$0x0], $0xffff;
	v29 =	vadd.f32 v56, v29  }
0x463: {  	v61 =	vld.idx.msk [tilespmem:v61+s29+$0x0], $0xffff;
	v62 =	vor.u32 $0x6, v16;
	v48 =	vmul.f32 v49, v58;
	v30 =	vadd.f32 v41, v30  }
0x464: {  	v47 =	vmul.f32 v35, v21;
	v49 =	vld.idx.msk [tilespmem:v45+s29+$0x0], $0xffff;
	v50 =	vmul.f32 v52, v58;
	v29 =	vadd.f32 v60, v29  }
0x465: {  	v51 =	vld.idx.msk [tilespmem:v53+s29+$0x0], $0xffff;
	v31 =	vmul.f32 v31, v63;
	v53 =	vmul.f32 v35, v14;
	v30 =	vadd.f32 v48, v30  }
0x466: {  	v54 =	vld.idx.msk [tilespmem:v42+s29+$0x0], $0xffff;
	v19 =	vmul.f32 v19, v63;
	v52 =	vor.u32 $0x1, v12;
	v29 =	vadd.f32 v50, v29  }
0x467: {  	v55 =	vld.idx.msk [tilespmem:v57+s29+$0x0], $0xffff;
	v57 =	vmul.f32 v35, v15;
	v58 =	vmul.f32 v59, v53;
	v30 =	vadd.f32 v31, v30  }
0x468: {  	v56 =	vor.u32 $0x3, v12;
	v59 =	vmul.f32 v61, v53;
	v16 =	vld.idx.msk [tilespmem:v62+s29+$0x0], $0xffff;
	v19 =	vadd.f32 v19, v29  }
0x469: {  	v28 =	vld.idx.msk [tilespmem:v28+s29+$0x0], $0xffff;
	v61 =	vmul.f32 v35, v20;
	v62 =	vmul.f32 v49, v57;
	v30 =	vadd.f32 v58, v30  }
0x46a: {  	v63 =	vld.idx.msk [tilespmem:v12+s29+$0x0], $0xffff;
	v60 =	vor.u32 $0x5, v12;
	v44 =	vmul.f32 v51, v57;
	v19 =	vadd.f32 v59, v19  }
0x46b: {  	v18 =	vor.u32 $0x6, v23;
	v45 =	vld.idx.msk [tilespmem:v52+s29+$0x0], $0xffff;
	v48 =	vmul.f32 v54, v61;
	v30 =	vadd.f32 v62, v30  }
0x46c: {  	v13 =	vmul.f32 v13, v47;
	v49 =	vld.idx.msk [tilespmem:v43+s29+$0x0], $0xffff;
	v50 =	vmul.f32 v55, v61;
	v19 =	vadd.f32 v44, v19  }
0x46d: {  	v53 =	vmul.f32 v34, v14;
	v51 =	vld.idx.msk [tilespmem:v56+s29+$0x0], $0xffff;
	v16 =	vmul.f32 v16, v47;
	v30 =	vadd.f32 v48, v30  }
0x46e: {  	v12 =	vld.idx.msk [tilespmem:v46+s29+$0x0], $0xffff;
	v41 =	vmul.f32 v34, v21;
	v52 =	vor.u32 $0x1, v10;
	v19 =	vadd.f32 v50, v19  }
0x46f: {  	v57 =	vmul.f32 v63, v53;
	v56 =	vmul.f32 v34, v15;
	v54 =	vld.idx.msk [tilespmem:v60+s29+$0x0], $0xffff;
	v16 =	vadd.f32 v16, v30  }
0x470: {  	v55 =	vor.u32 $0x3, v10;
	v58 =	vmul.f32 v45, v53;
	v59 =	vld [tilespmem:s31+$0x14800];
	v13 =	vadd.f32 v13, v19  }
0x471: {  	v27 =	vld.idx.msk [tilespmem:v27+s29+$0x0], $0xffff;
	v61 =	vmul.f32 v34, v20;
	v37 =	vmul.f32 v49, v56;
	v16 =	vadd.f32 v57, v16  }
0x472: {  	v60 =	vor.u32 $0x5, v10;
	v62 =	vld.idx.msk [tilespmem:v10+s29+$0x0], $0xffff;
	v63 =	vmul.f32 v51, v56;
	v13 =	vadd.f32 v58, v13  }
0x473: {  	v40 =	vor.u32 $0x6, v10;
	v28 =	vmul.f32 v28, v61;
	v36 =	vld.idx.msk [tilespmem:v52+s29+$0x0], $0xffff;
	v16 =	vadd.f32 v37, v16  }
0x474: {  	v26 =	vld.idx.msk [tilespmem:v26+s29+$0x0], $0xffff;
	v11 =	vmul.f32 v11, v41;
	v42 =	vmul.f32 v54, v61;
	v13 =	vadd.f32 v63, v13  }
0x475: {  	v12 =	vmul.f32 v12, v41;
	v43 =	vld.idx.msk [tilespmem:v55+s29+$0x0], $0xffff;
	v45 =	vmul.f32 v59, v14;
	v16 =	vadd.f32 v28, v16  }
0x476: {  	v47 =	vor.u32 $0x3, v8;
	v44 =	vor.u32 $0x1, v8;
	v51 =	vld [tilespmem:s31+$0x14A00];
	v13 =	vadd.f32 v42, v13  }
0x477: {  	v46 =	vld.idx.msk [tilespmem:v60+s29+$0x0], $0xffff;
	v48 =	vmul.f32 v59, v15;
	v49 =	vmul.f32 v62, v45;
	v12 =	vadd.f32 v12, v16  }
0x478: {  	v10 =	vld.idx.msk [tilespmem:v40+s29+$0x0], $0xffff;
	v53 =	vmul.f32 v59, v20;
	v50 =	vmul.f32 v36, v45;
	v11 =	vadd.f32 v11, v13  }
0x479: {  	v25 =	vld.idx.msk [tilespmem:v25+s29+$0x0], $0xffff;
	v52 =	vor.u32 $0x5, v8;
	v27 =	vmul.f32 v27, v48;
	v12 =	vadd.f32 v49, v12  }
0x47a: {  	v54 =	vld.idx.msk [tilespmem:v8+s29+$0x0], $0xffff;
	v55 =	vmul.f32 v43, v48;
	v26 =	vmul.f32 v26, v53;
	v11 =	vadd.f32 v50, v11  }
0x47b: {  	v56 =	vld.idx.msk [tilespmem:v44+s29+$0x0], $0xffff;
	v57 =	vor.u32 $0x6, v8;
	v58 =	vmul.f32 v59, v21;
	v12 =	vadd.f32 v27, v12  }
0x47c: {  	v24 =	vld.idx.msk [tilespmem:v24+s29+$0x0], $0xffff;
	v62 =	vmul.f32 v51, v14;
	v60 =	vmul.f32 v46, v53;
	v11 =	vadd.f32 v55, v11  }
0x47d: {  	v61 =	vld.idx.msk [tilespmem:v47+s29+$0x0], $0xffff;
	v59 =	vor.u32 $0x2, v23;
	v10 =	vmul.f32 v10, v58;
	v12 =	vadd.f32 v26, v12  }
0x47e: {  	v41 =	vld [tilespmem:s31+$0x14C00];
	v63 =	vor.u32 $0x1, v23;
	v9 =	vmul.f32 v9, v58;
	v11 =	vadd.f32 v60, v11  }
0x47f: {  	v36 =	vld.idx.msk [tilespmem:v52+s29+$0x0], $0xffff;
	v38 =	vmul.f32 v54, v62;
	v37 =	vmul.f32 v51, v15;
	v10 =	vadd.f32 v10, v12  }
0x480: {  	v39 =	vor.u32 $0x3, v23;
	v40 =	vmul.f32 v56, v62;
	v8 =	vld.idx.msk [tilespmem:v57+s29+$0x0], $0xffff;
	v9 =	vadd.f32 v9, v11  }
0x481: {  	v42 =	vmul.f32 v51, v20;
	v25 =	vmul.f32 v25, v37;
	v10 =	vadd.f32 v38, v10  }
0x482: {  	v43 =	vor.u32 $0x5, v23;
	v44 =	vld.idx.msk [tilespmem:v23+s29+$0x0], $0xffff;
	v45 =	vmul.f32 v61, v37;
	v9 =	vadd.f32 v40, v9  }
0x483: {  	v47 =	vmul.f32 v51, v21;
	v24 =	vmul.f32 v24, v42;
	v46 =	vld.idx.msk [tilespmem:v63+s29+$0x0], $0xffff;
	v10 =	vadd.f32 v25, v10  }
0x484: {  	v23 =	vor.u32 $0x7, v23;
	v48 =	vld.idx.msk [tilespmem:v59+s29+$0x0], $0xffff;
	v49 =	vmul.f32 v36, v42;
	v9 =	vadd.f32 v45, v9  }
0x485: {  	v14 =	vmul.f32 v41, v14;
	v50 =	vld.idx.msk [tilespmem:v39+s29+$0x0], $0xffff;
	v8 =	vmul.f32 v8, v47;
	v10 =	vadd.f32 v24, v10  }
0x486: {  	v22 =	vld.idx.msk [tilespmem:v22+s29+$0x0], $0xffff;
	v7 =	vmul.f32 v7, v47;
	v9 =	vadd.f32 v49, v9  }
0x487: {  	v52 =	vmul.f32 v41, v15;
	v51 =	vld.idx.msk [tilespmem:v43+s29+$0x0], $0xffff;
	v53 =	vmul.f32 v44, v14;
	v8 =	vadd.f32 v8, v10  }
0x488: {  	v18 =	vld.idx.msk [tilespmem:v18+s29+$0x0], $0xffff;
	v54 =	vmul.f32 v46, v14;
	v7 =	vadd.f32 v7, v9  }
0x489: {  	v56 =	vmul.f32 v41, v20;
	v55 =	vld.idx.msk [tilespmem:v23+s29+$0x0], $0xffff;
	v57 =	vmul.f32 v48, v52;
	v8 =	vadd.f32 v53, v8  }
0x48a: {  	v17 =	vshll.u32 v17, $0x5;
	v58 =	vmul.f32 v50, v52;
	v7 =	vadd.f32 v54, v7  }
0x48b: {  	v59 =	vmul.f32 v41, v21;
	v60 =	vmul.f32 v22, v56;
	v8 =	vadd.f32 v57, v8  }
0x48c: {  	s19 =	sadd.s32 $0x1, s19;
	v6 =	vor.u32 v6, v17;
	v61 =	vmul.f32 v51, v56;
	v7 =	vadd.f32 v58, v7  }
0x48d: {  	v5 =	vadd.s32 v5, v17;
	p0 =	sne.s32 s19, $0x8;
	v62 =	vmul.f32 v18, v59;
	v8 =	vadd.f32 v60, v8  }
.Ltmp6:
0x48e: {  	v63 =	vmul.f32 v55, v59;
	v7 =	vadd.f32 v61, v7;
	(pc) =	sbr.rel @p0 .LBB2_5-.Ltmp6, $4  }
0x48f: {  	v8 =	vadd.f32 v62, v8  }
0x490: {  	v7 =	vadd.f32 v63, v7  }
0x491: {  	[tilespmem:v6+s15+$0x0] =	vst.idx.msk $0xffff, v8  }
0x492: {  	[tilespmem:v5+s15+$0x0] =	vst.idx.msk $0xffff, v7  }
0x493: {  	s20 =	rddreg [dreg:$0xb]  }
0x494: {  	s18 =	sshll.u32 s20, $0xB;
	s20 =	sadd.s32 $0x1, s20  }
0x495: {  	s19 =	rddreg [dreg:$0x8];
	p0 =	sne.s32 s20, $0x8  }
.Ltmp7:
0x496: {  	s22 =	simm.s32 $0x3;
	s18 =	sadd.s32 s18, s19;
	(pc) =	sbr.rel @p0 .LBB2_2-.Ltmp7, $4  }
0x497: {  	[hbm4b:s18+s2] =	stream.linear.scatter [tilespmem:s15], [sflag:$0x3], $0x4000, $0x38;
	[tilespmem:$0x18E10] =	vst v63  }
0x498: {  	_ =	swait.ge [sflag:s22], $0x4000  }
0x499: {  	[sflag:s22] =	ssyncset.done $0x0  }
0x49a: {  	[sflag:s22] =	ssyncadd.s32 $0xFFFFC000  }
0x49b: {  	s19 =	rddreg [dreg:$0xa]  }
0x49c: {  	s18 =	rddreg [dreg:$0x9];
	s19 =	sadd.s32 $0x1, s19  }
0x49d: {  	p0 =	sne.s32 s19, s18  }
.Ltmp8:
0x49e: {  	_ = 	snop;
	(pc) =	sbr.rel @p0 .LBB2_1-.Ltmp8, $1  }
0x49f: {  	_ =	sdelay $0x3  }
0x4a0: {  	_ =	sfence.sel $0x180000  }
0x4a1: {  	[bflag:$0x0] =	sbarrier.arrive $0xFFFF  }
0x4a2: {  	_ =	strace $0x9000004D  }
0x4a3: {  	s0 =	stileid.u32;
	[bflag:$0x2] =	sbarrier.arrive $0xFFFF  }
0x4a4: {  	p0 =	sne.s32 s0, $0x0;
	s0 =	rddreg [dreg:$0x2]  }
0x4a5: {  	s0 =	sadd.s32 @!p0 $0x100000, s0  }
0x4a6: {  	[sflag:s0] =	ssyncadd.tile.s32 @!p0 $0x1;
	_ =	shalt  }
.Lfunc_end2:
_tile_overlayer_lowered:
.L_overlay_start_2:
0x4a7: {  	(tag) =	ssettag $0x2  }
0x4a8: {  	s0 =	rddreg [dreg:$0x0];
	s2 =	stileid.u32  }
0x4a9: {  	s1 =	rddreg [dreg:$0x1];
	p0 =	sne.s32 s2, $0x0  }
0x4aa: {  	s3 =	rddreg [dreg:$0x2];
	[bflag:$0x3] =	sbarrier.arrive $0xFFFF;
	s2 =	simm.s32 @!p0 $0x1C03  }
0x4ab: {  	[timem:s3], [sflag:s2] =	dma.local @!p0 [hbm:s0], s1  }
0x4ac: {  	s0 =	simm.s32 @!p0 $0x3  }
0x4ad: {  	_ =	swait.ge @!p0 [sflag:s0], s1  }
0x4ae: {  	s1 =	ssub.s32 @!p0 $0x0, s1;
	[sflag:s0] =	ssyncset.done @!p0 $0x0  }
0x4af: {  	[sflag:s0] =	ssyncadd.s32 @!p0 s1  }
0x4b0: {  	[bflag:$0x3] =	sbarrier.arrive $0xFFFF  }
0x4b1: {  	_ =	shalt  }

// kernel: sparse-core-data-format-call.cloned.1.call-start
scs
called_computation_lowered:
.L_overlay_start_0:
0x0: {  	s1 =	sld [smem:$0x3FD9]  }
0x1: {  	s2 =	sld [smem:$0x3FFE];
	_ =	sdelay $0x1  }
0x2: {  	s3 =	srdreg.scid  }
0x3: {  	s0 =	sand.u32 $0x1, s3  }
0x4: {  	s17 =	sshll.u32 s0, $0xA;
	s1 =	sadd.s32 s2, s1  }
0x5: {  	s1 =	sadd.s32 s1, s17  }
0x6: {  	[smem:$0x3FC5] =	sst s1  }
0x7: {  	_ = 	snop  }
0x8: {  	(tm) =	ssettm $0x1  }
0x9: {  	s18 =	sld [smem:$0x3FFB];
	_ =	sdelay $0x3  }
0xa: {  	_ =	strace s18  }
0xb: {  	s1 =	sld [smem:$0x3FFC];
	_ =	sdelay $0x3  }
0xc: {  	_ =	strace s1  }
0xd: {  	s1 =	sld [smem:$0x3FFD];
	_ =	sdelay $0x3  }
0xe: {  	_ =	strace s1  }
0xf: {  	_ =	strace $0x8FFFFFFF  }
0x10: {  	s19 =	sld [smem:$0x3FDB];
	_ =	sdelay $0x1  }
0x11: {  	s20 =	simm.s32 $_scs_section_size  }
0x12: {  	s4 =	simm.s32 $_size__tile_overlayer_lowered;
	s5 =	simm.s32 $_tile_overlayer_lowered  }
0x13: {  	s23 =	simm.s32 $0x1BFF;
	s22 =	sshll.u32 s5, $0x1;
	s1 =	sadd.s32 s20, s19  }
0x14: {  	s6 =	simm.s32 $0x0;
	s21 =	sshll.u32 s4, $0x1;
	s4 =	sadd.s32 s22, s1  }
0x15: {  	[timem:s6], [sflag:s23] =	dma.local [hbm:s4], s21  }
0x16: {  	_ =	swait.ge [sflag:s23], s21  }
0x17: {  	s2 =	ssub.s32 $0x0, s21;
	[sflag:s23] =	ssyncset.done $0x0  }
0x18: {  	[sflag:s23] =	ssyncadd.s32 s2;
	_ =	sdelay $0x1  }
0x19: {  	s24 =	simm.s32 $0x1B8B  }
0x1a: {  	_ =	swait.ge [sflag:s24], $0x1  }
0x1b: {  	[sflag:s24] =	ssyncset.done $0x0  }
0x1c: {  	s26 =	simm.s32 $0x1B8E;
	s25 =	sld [smem:$0x3FFE];
	[sflag:s24] =	ssyncadd.s32 $0xFFFFFFFF  }
0x1d: {  	s27 =	simm.s32 $execute0_lowered;
	[smem:$0x3FD2] =	sst s26  }
0x1e: {  	s4 =	sshll.u32 s27, $0x1;
	_ =	strace $0x80000046;
	[dreg:$0x1] =	wrdreg $0xFFFFFFFF  }
0x1f: {  	s28 =	simm.s32 $_size_execute0_lowered;
	s1 =	sadd.s32 s1, s4;
	[dreg:$0x0] =	wrdreg $0x0  }
0x20: {  	s4 =	sshll.u32 s28, $0x1;
	[dreg:$0x2] =	wrdreg s1  }
0x21: {  	[dreg:$0x3] =	wrdreg s4  }
0x22: {  	[dreg:$0x4] =	wrdreg $0xC0  }
0x23: {  	_ =	task [dreg:s6], $0x5FFFF  }
0x24: {  	[dreg:$0x1] =	wrdreg $0xFFFFFFFF  }
0x25: {  	[dreg:$0x0] =	wrdreg $0x60  }
0x26: {  	[dreg:$0x2] =	wrdreg s25  }
0x27: {  	[dreg:$0x3] =	wrdreg $0x9  }
0x28: {  	_ =	task.clear_ibuf [dreg:s6], $0x4FFFF;
	_ =	strace $0x90000046  }
0x29: {  	s29 =	simm.s32 $0x9;
	_ =	strace $0x80000048  }
0x2a: {  	_ =	swait.ge [sflag:s29], $0x1  }
0x2b: {  	[sflag:s29] =	ssyncadd.s32 $0xFFFFFFFF  }
0x2c: {  	_ =	strace $0x90000048  }
0x2d: {  	_ =	sfence  }
0x2e: {  	s30 =	sld [smem:$0x0];
	_ =	sdelay $0x2  }
0x2f: {  	s31 =	sshll.u32 s3, $0xD;
	s3 =	sshrl.u32 s3, $0x2  }
0x30: {  	s2 =	sand.u32 $0x4000, s31;
	s1 =	sadd.s32 s3, s30  }
0x31: {  	s0 =	sor.u32 s2, s0;
	s1 =	sshll.u32 s1, $0x11  }
0x32: {  	s0 =	sor.u32 s1, s0  }
0x33: {  	s0 =	sadd.s32 $0x8F2B, s0  }
0x34: {  	[sflag:s0] =	ssyncadd.remote.s32 $0x1  }
0x35: {  	_ =	sfence.sel $0xFFFF  }
0x36: {  	[dreg:$0x0] =	wrdreg $0xFFFFFFFF;
	(pc) =	sbr.abs _section_cstart, $3  }
0x37: {  	[dreg:$0x1] =	wrdreg $0xFFFFFFFF  }
0x38: {  	_ =	task.clear_ibuf [dreg:s6], $0x2FFFF;
	_ =	strace $0x9FFFFFFF  }
0x39: {  	(tm) =	ssettm $0x7FFFFFFF  }
tec
execute0_lowered:
.L_overlay_start_1:
0x0: {  	(tag) =	ssettag $0x1  }
0x1: {  	s0 =	stileid.u32  }
0x2: {  	s1 =	srdreg.scid;
	s4 =	rddreg [dreg:$0x0]  }
0x3: {  	s7 =	simm.s32 $0x1;
	s8 =	simm.s32 $0x2;
	s14 =	simm.s32 $0x0  }
0x4: {  	s9 =	simm.s32 $0x400;
	s2 =	sshll.u32 s0, $0x1;
	s1 =	sshll.u32 s1, $0x5  }
0x5: {  	s10 =	simm.s32 $0x100000;
	s15 =	simm.s32 $0x0;
	s1 =	sor.u32 s2, s1  }
0x6: {  	s13 =	simm.s32 $0x0;
	s3 =	sadd.s32 $0x1400, s4;
	s2 =	sand.u32 $0x38, s1  }
0x7: {  	s4 =	sadd.s32 $0x4001400, s4;
	s1 =	rddreg [dreg:$0x1];
	s6 =	ssub.s32 $0x2000, s2  }
.Ltmp0:
0x8: {  	_ =	strace $0x80000047;
	s5 =	sand.u32 $0x38, s6;
	(pc) =	sbr.rel .LBB1_1-.Ltmp0, $4  }
0x9: {  	s11 =	smov.u32 s2;
	p0 =	sne.s32 s5, $0x0;
	s5 =	simm.s32 $0x1  }
0xa: {  	s6 =	sshrl.u32 s6, $0x6;
	s7 =	simm.s32 @!p0 $0x0;
	[sflag:s5] =	ssyncpa.u1 $0x0  }
0xb: {  	p0 =	por $0x0, $0x0;
	s6 =	sadd.s32 s7, s6;
	s7 =	sand.u32 $0x3, s0  }
0xc: {  	[sflag:s8] =	ssyncpa.u1 $0x0;
	s8 =	sadd.s32 $0x1, s6;
	s12 =	smov.u32 s7  }
.LBB1_7:
0xd: {  	s16 =	sadd.s32 $0x40, s11  }
0xe: {  	s14 =	sadd.s32 $0x4, s12;
	s18 =	smov.u32 s12;
	p2 =	sgt.s32 s16, $0x1FFF  }
0xf: {  	s18 =	smov.u32 @p2 s14  }
0x10: {  	s16 =	smov.u32 @p2 s2;
	p2 =	sgt.s32 s18, $0x3  }
0x11: {  	s18 =	smov.u32 @p2 s7;
	p2 =	sne.s32 s13, s8  }
.Ltmp1:
0x12: {  	p1 =	slt.u32 s13, $0x2;
	(pc) =	sbr.rel @!p2 .LBB1_8-.Ltmp1, $4  }
0x13: {  	s17 =	simm.s32 @!p1 $0x2  }
0x14: {  	s15 =	smov.u32 s12;
	p0 =	por !p0, !p0;
	_ =	swait.ge @!p1 [sflag:s17], $0x4000  }
0x15: {  	s14 =	smov.u32 s11;
	[sflag:s17] =	ssyncset.done @!p1 $0x0;
	s11 =	smov.u32 s16  }
0x16: {  	s13 =	sadd.s32 $0x1, s13;
	[sflag:s17] =	ssyncadd.s32 @!p1 $0xFFFFC000;
	s12 =	smov.u32 s18  }
.LBB1_1:
0x17: {  	p1 =	sge.u32 s13, s6;
	s31 =	sadd.s32 $0xFFFFFFFF, s13  }
0x18: {  	s16 =	sxor.u32 @!p1 $0xFFFFFFFF, s13;
	s17 =	sshll.u32 @!p1 s12, $0x18;
	s18 =	sshll.u32 @!p1 s11, $0xB  }
0x19: {  	s19 =	simm.s32 @!p1 $0x80;
	s16 =	sshll.u32 @!p1 s16, $0xE;
	s17 =	sadd.s32 @!p1 s3, s17  }
0x1a: {  	s16 =	sand.u32 @!p1 $0x4000, s16;
	s17 =	sadd.s32 @!p1 s18, s17;
	s18 =	simm.s32 @!p1 $0x10  }
0x1b: {  	[tilespmem:s16], [sflag:$0x1] =	stream.strided.gather @!p1 [hbm4b:s17+s18], $0x4000, s19, s18, $0x38;
	[tilespmem:$0x10100] =	vst v63  }
0x1c: {  	p1 =	sge.u32 s31, s6  }
.Ltmp2:
0x1d: {  	_ = 	snop;
	(pc) =	sbr.rel @p1 .LBB1_7-.Ltmp2, $1  }
0x1e: {  	_ =	sdelay $0x3  }
0x1f: {  	s17 =	simm.s32 $0x1;
	s18 =	sand.u32 $0x1, s13  }
0x20: {  	_ =	swait.ge [sflag:s5], $0x4000;
	s17 =	simm.s32 @!p0 $0x0;
	s19 =	smul.u32 $0x10200, s18  }
0x21: {  	[sflag:s5] =	ssyncset.done $0x0;
	s16 =	smul.u32 $0x10200, s17  }
0x22: {  	s17 =	sshll.u32 s17, $0xE;
	[sflag:s5] =	ssyncadd.s32 $0xFFFFC000  }
0x23: {  	s18 =	sor.u32 $0x40, s17;
	s31 =	sshrl.u32 s19, $0x2;
	s16 =	sshrl.u32 s16, $0x2  }
0x24: {  	s19 =	simm.s32 $0x0;
	s17 =	sor.u32 $0x8000, s31;
	s16 =	sor.u32 $0x8007, s16  }
.LBB1_3:
0x25: {  	v3 =	vld [tilespmem:s18+$0x30]  }
0x26: {  	v4 =	vld [tilespmem:s18+$0xFFFFFFD0]  }
0x27: {  	v5 =	vld [tilespmem:s18+$0xFFFFFFE0]  }
0x28: {  	v1 =	vld [tilespmem:s18+$0xFFFFFFF0]  }
0x29: {  	v0 =	vld [tilespmem:s18+$0x0]  }
0x2a: {  	v2 =	vld [tilespmem:s18+$0x10];
	[tilespmem:s16+$0x0 ss:$0x408] =	vst.msk $0xffff, v3  }
0x2b: {  	[tilespmem:s16+$0xFFFFFFFA ss:$0x408] =	vst.msk $0xffff, v4;
	v4 =	vld [tilespmem:s18+$0x20]  }
0x2c: {  	s21 =	simm.s32 $0x0;
	s22 =	sadd.s32 $0x80, s18;
	s20 =	smov.u32 s16;
	v3 =	vld [tilespmem:s18+$0xFFFFFFC0];
	[tilespmem:s16+$0xFFFFFFFB ss:$0x408] =	vst.msk $0xffff, v5  }
.LBB1_4:
0x2d: {  	v5 =	vld [tilespmem:s22+$0x30];
	s21 =	sadd.s32 $0x8, s21;
	[tilespmem:s20+$0xFFFFFFFC ss:$0x408] =	vst.msk $0xffff, v1  }
0x2e: {  	v6 =	vld [tilespmem:s22+$0xFFFFFFD0];
	p1 =	slt.u32 s21, $0x78;
	[tilespmem:s20+$0xFFFFFFFD ss:$0x408] =	vst.msk $0xffff, v0  }
0x2f: {  	v7 =	vld [tilespmem:s22+$0xFFFFFFE0];
	[tilespmem:s20+$0xFFFFFFFE ss:$0x408] =	vst.msk $0xffff, v2  }
.Ltmp3:
0x30: {  	v1 =	vld [tilespmem:s22+$0xFFFFFFF0];
	[tilespmem:s20+$0xFFFFFFFF ss:$0x408] =	vst.msk $0xffff, v4;
	(pc) =	sbr.rel @p1 .LBB1_4-.Ltmp3, $4  }
0x31: {  	v0 =	vld [tilespmem:s22+$0x0];
	[tilespmem:s20+$0xFFFFFFF9 ss:$0x408] =	vst.msk $0xffff, v3;
	s20 =	sadd.s32 $0x8, s20  }
0x32: {  	v2 =	vld [tilespmem:s22+$0x10];
	[tilespmem:s20+$0x0 ss:$0x408] =	vst.msk $0xffff, v5  }
0x33: {  	[tilespmem:s20+$0xFFFFFFFA ss:$0x408] =	vst.msk $0xffff, v6;
	v4 =	vld [tilespmem:s22+$0x20]  }
0x34: {  	v3 =	vld [tilespmem:s22+$0xFFFFFFC0];
	[tilespmem:s20+$0xFFFFFFFB ss:$0x408] =	vst.msk $0xffff, v7;
	s22 =	sadd.s32 $0x80, s22  }
0x35: {  	s19 =	sadd.s32 $0x1, s19  }
0x36: {  	p1 =	sne.s32 s19, $0x8  }
.Ltmp4:
0x37: {  	[tilespmem:s20+$0xFFFFFFFC ss:$0x408] =	vst.msk $0xffff, v1;
	(pc) =	sbr.rel @p1 .LBB1_3-.Ltmp4, $4  }
0x38: {  	[tilespmem:s20+$0xFFFFFFFD ss:$0x408] =	vst.msk $0xffff, v0  }
0x39: {  	[tilespmem:s20+$0xFFFFFFFE ss:$0x408] =	vst.msk $0xffff, v2  }
0x3a: {  	[tilespmem:s20+$0xFFFFFFFF ss:$0x408] =	vst.msk $0xffff, v4  }
0x3b: {  	s16 =	sadd.s32 $0x81, s16;
	s18 =	sadd.s32 $0x800, s18;
	[tilespmem:s20+$0xFFFFFFF9 ss:$0x408] =	vst.msk $0xffff, v3  }
.Ltmp5:
0x3c: {  	(pc) =	sbr.rel .LBB1_7-.Ltmp5, $4  }
0x3d: {  	s15 =	sshll.u32 s15, $0x15;
	s14 =	sshll.u32 s14, $0x4  }
0x3e: {  	s14 =	sand.u32 $0x1FFF0, s14;
	s15 =	sadd.s32 s4, s15  }
0x3f: {  	s14 =	sadd.s32 s14, s15  }
0x40: {  	[hbm4b:s14+s9] =	stream.strided.scatter [tilespmem:s17], [sflag:$0x2], $0x4000, s10, s9, $0x20;
	[tilespmem:$0x10100] =	vst v63  }
.LBB1_8:
0x41: {  	_ =	sfence.sel $0x180000  }
0x42: {  	s2 =	simm.s32 $0x1;
	[bflag:$0x0] =	sbarrier.arrive $0xFFFF  }
0x43: {  	s31 =	simm.s32 $0x2;
	[sflag:s2] =	ssyncpa.u1 $0x1  }
0x44: {  	[sflag:s31] =	ssyncpa.u1 $0x1  }
0x45: {  	p0 =	sne.s32 s0, $0x0;
	_ =	strace $0x90000047  }
0x46: {  	s0 =	sadd.s32 @!p0 $0x100000, s1;
	[bflag:$0x2] =	sbarrier.arrive $0xFFFF  }
0x47: {  	[sflag:s0] =	ssyncadd.tile.s32 @!p0 $0x1;
	_ =	shalt  }
.Lfunc_end1:
_tile_overlayer_lowered:
.L_overlay_start_2:
0x48: {  	(tag) =	ssettag $0x2  }
0x49: {  	s0 =	rddreg [dreg:$0x0];
	s2 =	stileid.u32  }
0x4a: {  	s1 =	rddreg [dreg:$0x1];
	p0 =	sne.s32 s2, $0x0  }
0x4b: {  	s3 =	rddreg [dreg:$0x2];
	[bflag:$0x3] =	sbarrier.arrive $0xFFFF;
	s2 =	simm.s32 @!p0 $0x1C01  }
0x4c: {  	[timem:s3], [sflag:s2] =	dma.local @!p0 [hbm:s0], s1  }
0x4d: {  	s0 =	simm.s32 @!p0 $0x1  }
0x4e: {  	_ =	swait.ge @!p0 [sflag:s0], s1  }
0x4f: {  	s1 =	ssub.s32 @!p0 $0x0, s1;
	[sflag:s0] =	ssyncset.done @!p0 $0x0  }
0x50: {  	[sflag:s0] =	ssyncadd.s32 @!p0 s1  }
0x51: {  	[bflag:$0x3] =	sbarrier.arrive $0xFFFF  }
0x52: {  	_ =	shalt  }

</sc_bundles>
